<compile_context>
chip_gen: v7x
topology: tpu7x:2x2x1
jax: 0.10.2.dev20260603
libtpu: 0.0.44.dev20260713+nightly
codegen_flags: <defaults>
</compile_context>

<pallas_src>
import functools

import jax
import jax.numpy as jnp
from jax.experimental import pallas as pl

_IN_C = 16
_OUT_C = 16
_NK = 27
_GS = 5
_SO = 3
_GEPS = 0.02
_N = 100000
_P = 50000
_SPL = _GS + _SO
_NG = _GS + 2 * _SO + 1
_CS = _IN_C * _SPL
_PC = 5000


def _bsplines_t(x_t, g):
    col = lambda j: g[:, j:j + 1]
    bases = [((x_t >= col(j)) & (x_t < col(j + 1))).astype(jnp.float32)
             for j in range(_NG - 1)]
    for k in range(1, _SO + 1):
        nxt = []
        for j in range(_NG - 1 - k):
            left = (x_t - col(j)) / (col(j + k) - col(j))
            right = (col(j + k + 1) - x_t) / (col(j + k + 1) - col(j + 1))
            nxt.append(left * bases[j] + right * bases[j + 1])
        bases = nxt
    return jnp.stack(bases, axis=1).reshape(_CS, x_t.shape[1])


def _gram_kernel(x_ref, go_ref, gn_ref, gram_ref, cross_ref):
    pc = pl.program_id(1)
    x_t = x_ref[0].T
    a_old = _bsplines_t(x_t, go_ref[0])
    a_new = _bsplines_t(x_t, gn_ref[0])
    dn = (((1,), (1,)), ((), ()))
    gram = jax.lax.dot_general(a_new, a_new, dn,
                               preferred_element_type=jnp.float32)
    cross = jax.lax.dot_general(a_new, a_old, dn,
                                preferred_element_type=jnp.float32)

    @pl.when(pc == 0)
    def _init():
        gram_ref[0] = gram
        cross_ref[0] = cross

    @pl.when(pc != 0)
    def _acc():
        gram_ref[0] += gram
        cross_ref[0] += cross


def _out_kernel(x_ref, gn_ref, w_ref, bw_ref, y_ref):
    x = x_ref[0]
    a_new = _bsplines_t(x.T, gn_ref[0])
    spline = jax.lax.dot_general(a_new, w_ref[0], (((0,), (0,)), ((), ())),
                                 preferred_element_type=jnp.float32)
    sx = x * jax.nn.sigmoid(x)
    base = jax.lax.dot_general(sx, bw_ref[0], (((1,), (1,)), ((), ())),
                               preferred_element_type=jnp.float32)
    y_ref[0] = spline + base


@jax.jit
def kernel(features, indice_pairs, grid, base_weights, spline_weights):
    inp = indice_pairs[0]
    dst = indice_pairs[1]
    x_all = features[inp]

    x_sorted = jnp.sort(x_all, axis=1)
    qidx = jnp.linspace(0.0, _P - 1, _GS + 1).astype(jnp.int32)
    grid_adaptive = x_sorted[:, qidx, :]
    x_min = x_sorted[:, 0, :]
    x_max = x_sorted[:, -1, :]
    margin = 0.01
    step = (x_max - x_min + 2 * margin) / _GS
    grid_uniform = (jnp.arange(_GS + 1, dtype=jnp.float32)[None, :, None]
                    * step[:, None, :] + (x_min - margin)[:, None, :])
    new_grid = _GEPS * grid_uniform + (1.0 - _GEPS) * grid_adaptive
    front = new_grid[:, :1, :] - step[:, None, :] * jnp.arange(
        _SO, 0, -1, dtype=jnp.float32)[None, :, None]
    back = new_grid[:, -1:, :] + step[:, None, :] * jnp.arange(
        1, _SO + 1, dtype=jnp.float32)[None, :, None]
    new_grid_full = jnp.concatenate([front, new_grid, back],
                                    axis=1).transpose(0, 2, 1)

    nchunks = _P // _PC
    gram, cross = pl.pallas_call(
        _gram_kernel,
        grid=(_NK, nchunks),
        in_specs=[
            pl.BlockSpec((1, _PC, _IN_C), lambda k, p: (k, p, 0)),
            pl.BlockSpec((1, _IN_C, _NG), lambda k, p: (k, 0, 0)),
            pl.BlockSpec((1, _IN_C, _NG), lambda k, p: (k, 0, 0)),
        ],
        out_specs=[
            pl.BlockSpec((1, _CS, _CS), lambda k, p: (k, 0, 0)),
            pl.BlockSpec((1, _CS, _CS), lambda k, p: (k, 0, 0)),
        ],
        out_shape=[
            jax.ShapeDtypeStruct((_NK, _CS, _CS), jnp.float32),
            jax.ShapeDtypeStruct((_NK, _CS, _CS), jnp.float32),
        ],
    )(x_all, grid, new_grid_full)

    cidx = jnp.arange(_IN_C)
    ata = gram.reshape(_NK, _IN_C, _SPL, _IN_C, _SPL)[
        :, cidx, :, cidx, :].transpose(1, 0, 2, 3)
    m = cross.reshape(_NK, _IN_C, _SPL, _IN_C, _SPL)[
        :, cidx, :, cidx, :].transpose(1, 0, 2, 3)
    orig = spline_weights.reshape(_NK, _OUT_C, _IN_C, _SPL).transpose(
        0, 2, 3, 1)
    atb = jnp.einsum('kcst,kcto->kcso', m, orig)
    ridge = 1e-6 * jnp.eye(_SPL, dtype=jnp.float32)
    sol = jnp.linalg.solve(ata + ridge[None, None], atb)
    w_spline = sol.reshape(_NK, _CS, _OUT_C)

    y = pl.pallas_call(
        _out_kernel,
        grid=(_NK, nchunks),
        in_specs=[
            pl.BlockSpec((1, _PC, _IN_C), lambda k, p: (k, p, 0)),
            pl.BlockSpec((1, _IN_C, _NG), lambda k, p: (k, 0, 0)),
            pl.BlockSpec((1, _CS, _OUT_C), lambda k, p: (k, 0, 0)),
            pl.BlockSpec((1, _OUT_C, _IN_C), lambda k, p: (k, 0, 0)),
        ],
        out_specs=pl.BlockSpec((1, _PC, _OUT_C), lambda k, p: (k, p, 0)),
        out_shape=jax.ShapeDtypeStruct((_NK, _P, _OUT_C), jnp.float32),
    )(x_all, new_grid_full, w_spline, base_weights)

    out = jnp.zeros((_N, _OUT_C), dtype=jnp.float32)
    return out.at[dst.reshape(-1)].add(y.reshape(-1, _OUT_C))

# --- scband reference (transcript-rebuilt; emitter-appended) ---
"""Pipeline reference for scband-sparse-kanconv3-d-19885698581240 (READ-ONLY COPY).

The authoritative reference and input builder live on the scoring server;
editing this copy changes nothing except your own understanding.
"""

import jax, jax.numpy as jnp
import numpy as np

IN_C = 16
OUT_C = 16
NK = 27
GRID_SIZE = 5
SPLINE_ORDER = 3
GRID_EPS = 0.02
N_NODES = 100000
P = 50000
SPL = GRID_SIZE + SPLINE_ORDER


def b_splines(x, grid_k):
    # x: [P, C], grid_k: [C, G]
    xe = x[:, :, None]
    bases = ((xe >= grid_k[None, :, :-1]) & (xe < grid_k[None, :, 1:])).astype(jnp.float32)
    for k in range(1, SPLINE_ORDER + 1):
        left = (xe - grid_k[None, :, :-(k + 1)]) / (grid_k[None, :, k:-1] - grid_k[None, :, :-(k + 1)])
        right = (grid_k[None, :, k + 1:] - xe) / (grid_k[None, :, k + 1:] - grid_k[None, :, 1:-k])
        bases = left * bases[:, :, :-1] + right * bases[:, :, 1:]
    return bases


def update_grid(x, grid_k, sw_k, margin=0.01):
    # functional version of SparseKANConv3D.update_grid (@torch.no_grad in original)
    batch = x.shape[0]
    splines = jnp.transpose(b_splines(x, grid_k), (1, 0, 2))            # [C, P, S]
    orig = jnp.transpose(sw_k.reshape(OUT_C, IN_C, SPL), (1, 2, 0))      # [C, S, O]
    B = jnp.einsum('cps,cso->cpo', splines, orig)                        # unreduced spline output, [C, P, O]
    x_sorted = jnp.sort(x, axis=0)
    idx = jnp.linspace(0.0, batch - 1, GRID_SIZE + 1).astype(jnp.int32)
    grid_adaptive = x_sorted[idx]                                        # [gs+1, C]
    uniform_step = (x_sorted[-1] - x_sorted[0] + 2 * margin) / GRID_SIZE  # [C]
    grid_uniform = jnp.arange(GRID_SIZE + 1, dtype=jnp.float32)[:, None] * uniform_step + x_sorted[0] - margin
    new_grid = GRID_EPS * grid_uniform + (1.0 - GRID_EPS) * grid_adaptive
    front = new_grid[:1] - uniform_step * jnp.arange(SPLINE_ORDER, 0, -1, dtype=jnp.float32)[:, None]
    back = new_grid[-1:] + uniform_step * jnp.arange(1, SPLINE_ORDER + 1, dtype=jnp.float32)[:, None]
    new_grid_full = jnp.concatenate([front, new_grid, back], axis=0).T   # [C, G]
    # curve2coeff via regularized normal equations (lstsq equivalent)
    A = jnp.transpose(b_splines(x, new_grid_full), (1, 0, 2))            # [C, P, S]
    AtA = jnp.einsum('cps,cpt->cst', A, A)
    AtB = jnp.einsum('cps,cpo->cso', A, B)
    sol = jnp.linalg.solve(AtA + 1e-6 * jnp.eye(SPL, dtype=jnp.float32)[None], AtB)  # [C, S, O]
    new_sw = jnp.transpose(sol, (2, 0, 1)).reshape(OUT_C, IN_C * SPL)
    return new_grid_full, new_sw


def setup_inputs(seed: int = 0):
    key = jax.random.key(seed)
    k1, k2, k3, k4 = jax.random.split(key, 4)
    features = jax.random.normal(k1, (N_NODES, IN_C), dtype=jnp.float32)
    indice_pairs = jax.random.randint(k2, (2, NK, P), 0, N_NODES, dtype=jnp.int32)
    h = 2.0 / GRID_SIZE
    base_grid = jnp.arange(-SPLINE_ORDER, GRID_SIZE + SPLINE_ORDER + 1, dtype=jnp.float32) * h - 1.0
    grid = jnp.tile(base_grid[None, None, :], (NK, IN_C, 1))
    base_weights = 0.1 * jax.random.normal(k3, (NK, OUT_C, IN_C), dtype=jnp.float32)
    spline_weights = 0.1 * jax.random.normal(k4, (NK, OUT_C, IN_C * SPL), dtype=jnp.float32)
    return {"features": features, "indice_pairs": indice_pairs, "grid": grid,
            "base_weights": base_weights, "spline_weights": spline_weights}


def reference(features, indice_pairs, grid, base_weights, spline_weights):
    out = jnp.zeros((N_NODES, OUT_C), dtype=jnp.float32)
    for k in range(NK):
        inp = indice_pairs[0, k]
        dst = indice_pairs[1, k]
        x = features[inp]                                                # gather
        swk = spline_weights[k]
        new_grid_k, new_sw = update_grid(jax.lax.stop_gradient(x), grid[k], jax.lax.stop_gradient(swk))
        new_sw_k = swk + jax.lax.stop_gradient(new_sw) - jax.lax.stop_gradient(swk)
        bases = b_splines(x, new_grid_k)                                 # [P, C, SPL]
        spline_out = bases.reshape(bases.shape[0], IN_C * SPL) @ new_sw_k.T
        base_out = jax.nn.silu(x) @ base_weights[k].T
        out = out.at[dst].add(spline_out + base_out)                     # scatter-add
    return out

if __name__ == "__main__":
    import jax
    _d = setup_inputs()
    print(jax.jit(kernel)(*tuple(_d.values())))

</pallas_src>

<mosaic_0001>
module attributes {stable_mosaic.version = 14 : i64} {
  func.func @_gram_kernel(%arg0: i32, %arg1: i32, %arg2: memref<1x5000x16xf32, #tpu.memory_space<vmem>>, %arg3: memref<1x16x12xf32, #tpu.memory_space<vmem>>, %arg4: memref<1x16x12xf32, #tpu.memory_space<vmem>>, %arg5: memref<1x128x128xf32, #tpu.memory_space<vmem>>, %arg6: memref<1x128x128xf32, #tpu.memory_space<vmem>>) attributes {dimension_semantics = [#tpu.dimension_semantics<arbitrary>, #tpu.dimension_semantics<arbitrary>], iteration_bounds = array<i64: 27, 10>, scalar_prefetch = 0 : i64, scratch_operands = 0 : i64, tpu.core_type = #tpu.core_type<tc>, window_params = [{transform_indices = @transform_0, window_bounds = array<i64: 1, 5000, 16>}, {transform_indices = @transform_1, window_bounds = array<i64: 1, 16, 12>}, {transform_indices = @transform_2, window_bounds = array<i64: 1, 16, 12>}, {transform_indices = @transform_3, window_bounds = array<i64: 1, 128, 128>}, {transform_indices = @transform_4, window_bounds = array<i64: 1, 128, 128>}]} {
    %get3A = arith.constant 0 : index
    %get3A_0 = arith.constant 0 : index
    %get3A_1 = arith.constant 0 : index
    %get3A_2 = vector.load %arg2[%get3A, %get3A_0, %get3A_1] : memref<1x5000x16xf32, #tpu.memory_space<vmem>>, vector<1x5000x16xf32>
    %get3A_3 = vector.shape_cast %get3A_2 : vector<1x5000x16xf32> to vector<5000x16xf32>
    %transpose3A = tpu.transpose %get3A_3, [1, 0] : vector<5000x16xf32> -> vector<16x5000xf32>
    %get3A_4 = arith.constant 0 : index
    %get3A_5 = arith.constant 0 : index
    %get3A_6 = arith.constant 0 : index
    %get3A_7 = vector.load %arg3[%get3A_4, %get3A_5, %get3A_6] : memref<1x16x12xf32, #tpu.memory_space<vmem>>, vector<1x16x12xf32>
    %get3A_8 = vector.shape_cast %get3A_7 : vector<1x16x12xf32> to vector<16x12xf32>
    %slice3A = vector.extract_strided_slice %get3A_8 {offsets = [0, 0], sizes = [16, 1], strides = [1, 1]} : vector<16x12xf32> to vector<16x1xf32>
    %ge3A = vector.broadcast %slice3A : vector<16x1xf32> to vector<16x5000xf32>
    %ge3A_9 = arith.cmpf oge, %transpose3A, %ge3A : vector<16x5000xf32>
    %slice3A_10 = vector.extract_strided_slice %get3A_8 {offsets = [0, 1], sizes = [16, 1], strides = [1, 1]} : vector<16x12xf32> to vector<16x1xf32>
    %lt3A = vector.broadcast %slice3A_10 : vector<16x1xf32> to vector<16x5000xf32>
    %lt3A_11 = arith.cmpf olt, %transpose3A, %lt3A : vector<16x5000xf32>
    %and3A = arith.andi %ge3A_9, %lt3A_11 : vector<16x5000xi1>
    %convert_element_type3A = arith.extui %and3A : vector<16x5000xi1> to vector<16x5000xi32>
    %convert_element_type3A_12 = arith.sitofp %convert_element_type3A : vector<16x5000xi32> to vector<16x5000xf32>
    %slice3A_13 = vector.extract_strided_slice %get3A_8 {offsets = [0, 1], sizes = [16, 1], strides = [1, 1]} : vector<16x12xf32> to vector<16x1xf32>
    %ge3A_14 = vector.broadcast %slice3A_13 : vector<16x1xf32> to vector<16x5000xf32>
    %ge3A_15 = arith.cmpf oge, %transpose3A, %ge3A_14 : vector<16x5000xf32>
    %slice3A_16 = vector.extract_strided_slice %get3A_8 {offsets = [0, 2], sizes = [16, 1], strides = [1, 1]} : vector<16x12xf32> to vector<16x1xf32>
    %lt3A_17 = vector.broadcast %slice3A_16 : vector<16x1xf32> to vector<16x5000xf32>
    %lt3A_18 = arith.cmpf olt, %transpose3A, %lt3A_17 : vector<16x5000xf32>
    %and3A_19 = arith.andi %ge3A_15, %lt3A_18 : vector<16x5000xi1>
    %convert_element_type3A_20 = arith.extui %and3A_19 : vector<16x5000xi1> to vector<16x5000xi32>
    %convert_element_type3A_21 = arith.sitofp %convert_element_type3A_20 : vector<16x5000xi32> to vector<16x5000xf32>
    %slice3A_22 = vector.extract_strided_slice %get3A_8 {offsets = [0, 2], sizes = [16, 1], strides = [1, 1]} : vector<16x12xf32> to vector<16x1xf32>
    %ge3A_23 = vector.broadcast %slice3A_22 : vector<16x1xf32> to vector<16x5000xf32>
    %ge3A_24 = arith.cmpf oge, %transpose3A, %ge3A_23 : vector<16x5000xf32>
    %slice3A_25 = vector.extract_strided_slice %get3A_8 {offsets = [0, 3], sizes = [16, 1], strides = [1, 1]} : vector<16x12xf32> to vector<16x1xf32>
    %lt3A_26 = vector.broadcast %slice3A_25 : vector<16x1xf32> to vector<16x5000xf32>
    %lt3A_27 = arith.cmpf olt, %transpose3A, %lt3A_26 : vector<16x5000xf32>
    %and3A_28 = arith.andi %ge3A_24, %lt3A_27 : vector<16x5000xi1>
    %convert_element_type3A_29 = arith.extui %and3A_28 : vector<16x5000xi1> to vector<16x5000xi32>
    %convert_element_type3A_30 = arith.sitofp %convert_element_type3A_29 : vector<16x5000xi32> to vector<16x5000xf32>
    %slice3A_31 = vector.extract_strided_slice %get3A_8 {offsets = [0, 3], sizes = [16, 1], strides = [1, 1]} : vector<16x12xf32> to vector<16x1xf32>
    %ge3A_32 = vector.broadcast %slice3A_31 : vector<16x1xf32> to vector<16x5000xf32>
    %ge3A_33 = arith.cmpf oge, %transpose3A, %ge3A_32 : vector<16x5000xf32>
    %slice3A_34 = vector.extract_strided_slice %get3A_8 {offsets = [0, 4], sizes = [16, 1], strides = [1, 1]} : vector<16x12xf32> to vector<16x1xf32>
    %lt3A_35 = vector.broadcast %slice3A_34 : vector<16x1xf32> to vector<16x5000xf32>
    %lt3A_36 = arith.cmpf olt, %transpose3A, %lt3A_35 : vector<16x5000xf32>
    %and3A_37 = arith.andi %ge3A_33, %lt3A_36 : vector<16x5000xi1>
    %convert_element_type3A_38 = arith.extui %and3A_37 : vector<16x5000xi1> to vector<16x5000xi32>
    %convert_element_type3A_39 = arith.sitofp %convert_element_type3A_38 : vector<16x5000xi32> to vector<16x5000xf32>
    %slice3A_40 = vector.extract_strided_slice %get3A_8 {offsets = [0, 4], sizes = [16, 1], strides = [1, 1]} : vector<16x12xf32> to vector<16x1xf32>
    %ge3A_41 = vector.broadcast %slice3A_40 : vector<16x1xf32> to vector<16x5000xf32>
    %ge3A_42 = arith.cmpf oge, %transpose3A, %ge3A_41 : vector<16x5000xf32>
    %slice3A_43 = vector.extract_strided_slice %get3A_8 {offsets = [0, 5], sizes = [16, 1], strides = [1, 1]} : vector<16x12xf32> to vector<16x1xf32>
    %lt3A_44 = vector.broadcast %slice3A_43 : vector<16x1xf32> to vector<16x5000xf32>
    %lt3A_45 = arith.cmpf olt, %transpose3A, %lt3A_44 : vector<16x5000xf32>
    %and3A_46 = arith.andi %ge3A_42, %lt3A_45 : vector<16x5000xi1>
    %convert_element_type3A_47 = arith.extui %and3A_46 : vector<16x5000xi1> to vector<16x5000xi32>
    %convert_element_type3A_48 = arith.sitofp %convert_element_type3A_47 : vector<16x5000xi32> to vector<16x5000xf32>
    %slice3A_49 = vector.extract_strided_slice %get3A_8 {offsets = [0, 5], sizes = [16, 1], strides = [1, 1]} : vector<16x12xf32> to vector<16x1xf32>
    %ge3A_50 = vector.broadcast %slice3A_49 : vector<16x1xf32> to vector<16x5000xf32>
    %ge3A_51 = arith.cmpf oge, %transpose3A, %ge3A_50 : vector<16x5000xf32>
    %slice3A_52 = vector.extract_strided_slice %get3A_8 {offsets = [0, 6], sizes = [16, 1], strides = [1, 1]} : vector<16x12xf32> to vector<16x1xf32>
    %lt3A_53 = vector.broadcast %slice3A_52 : vector<16x1xf32> to vector<16x5000xf32>
    %lt3A_54 = arith.cmpf olt, %transpose3A, %lt3A_53 : vector<16x5000xf32>
    %and3A_55 = arith.andi %ge3A_51, %lt3A_54 : vector<16x5000xi1>
    %convert_element_type3A_56 = arith.extui %and3A_55 : vector<16x5000xi1> to vector<16x5000xi32>
    %convert_element_type3A_57 = arith.sitofp %convert_element_type3A_56 : vector<16x5000xi32> to vector<16x5000xf32>
    %slice3A_58 = vector.extract_strided_slice %get3A_8 {offsets = [0, 6], sizes = [16, 1], strides = [1, 1]} : vector<16x12xf32> to vector<16x1xf32>
    %ge3A_59 = vector.broadcast %slice3A_58 : vector<16x1xf32> to vector<16x5000xf32>
    %ge3A_60 = arith.cmpf oge, %transpose3A, %ge3A_59 : vector<16x5000xf32>
    %slice3A_61 = vector.extract_strided_slice %get3A_8 {offsets = [0, 7], sizes = [16, 1], strides = [1, 1]} : vector<16x12xf32> to vector<16x1xf32>
    %lt3A_62 = vector.broadcast %slice3A_61 : vector<16x1xf32> to vector<16x5000xf32>
    %lt3A_63 = arith.cmpf olt, %transpose3A, %lt3A_62 : vector<16x5000xf32>
    %and3A_64 = arith.andi %ge3A_60, %lt3A_63 : vector<16x5000xi1>
    %convert_element_type3A_65 = arith.extui %and3A_64 : vector<16x5000xi1> to vector<16x5000xi32>
    %convert_element_type3A_66 = arith.sitofp %convert_element_type3A_65 : vector<16x5000xi32> to vector<16x5000xf32>
    %slice3A_67 = vector.extract_strided_slice %get3A_8 {offsets = [0, 7], sizes = [16, 1], strides = [1, 1]} : vector<16x12xf32> to vector<16x1xf32>
    %ge3A_68 = vector.broadcast %slice3A_67 : vector<16x1xf32> to vector<16x5000xf32>
    %ge3A_69 = arith.cmpf oge, %transpose3A, %ge3A_68 : vector<16x5000xf32>
    %slice3A_70 = vector.extract_strided_slice %get3A_8 {offsets = [0, 8], sizes = [16, 1], strides = [1, 1]} : vector<16x12xf32> to vector<16x1xf32>
    %lt3A_71 = vector.broadcast %slice3A_70 : vector<16x1xf32> to vector<16x5000xf32>
    %lt3A_72 = arith.cmpf olt, %transpose3A, %lt3A_71 : vector<16x5000xf32>
    %and3A_73 = arith.andi %ge3A_69, %lt3A_72 : vector<16x5000xi1>
    %convert_element_type3A_74 = arith.extui %and3A_73 : vector<16x5000xi1> to vector<16x5000xi32>
    %convert_element_type3A_75 = arith.sitofp %convert_element_type3A_74 : vector<16x5000xi32> to vector<16x5000xf32>
    %slice3A_76 = vector.extract_strided_slice %get3A_8 {offsets = [0, 8], sizes = [16, 1], strides = [1, 1]} : vector<16x12xf32> to vector<16x1xf32>
    %ge3A_77 = vector.broadcast %slice3A_76 : vector<16x1xf32> to vector<16x5000xf32>
    %ge3A_78 = arith.cmpf oge, %transpose3A, %ge3A_77 : vector<16x5000xf32>
    %slice3A_79 = vector.extract_strided_slice %get3A_8 {offsets = [0, 9], sizes = [16, 1], strides = [1, 1]} : vector<16x12xf32> to vector<16x1xf32>
    %lt3A_80 = vector.broadcast %slice3A_79 : vector<16x1xf32> to vector<16x5000xf32>
    %lt3A_81 = arith.cmpf olt, %transpose3A, %lt3A_80 : vector<16x5000xf32>
    %and3A_82 = arith.andi %ge3A_78, %lt3A_81 : vector<16x5000xi1>
    %convert_element_type3A_83 = arith.extui %and3A_82 : vector<16x5000xi1> to vector<16x5000xi32>
    %convert_element_type3A_84 = arith.sitofp %convert_element_type3A_83 : vector<16x5000xi32> to vector<16x5000xf32>
    %slice3A_85 = vector.extract_strided_slice %get3A_8 {offsets = [0, 9], sizes = [16, 1], strides = [1, 1]} : vector<16x12xf32> to vector<16x1xf32>
    %ge3A_86 = vector.broadcast %slice3A_85 : vector<16x1xf32> to vector<16x5000xf32>
    %ge3A_87 = arith.cmpf oge, %transpose3A, %ge3A_86 : vector<16x5000xf32>
    %slice3A_88 = vector.extract_strided_slice %get3A_8 {offsets = [0, 10], sizes = [16, 1], strides = [1, 1]} : vector<16x12xf32> to vector<16x1xf32>
    %lt3A_89 = vector.broadcast %slice3A_88 : vector<16x1xf32> to vector<16x5000xf32>
    %lt3A_90 = arith.cmpf olt, %transpose3A, %lt3A_89 : vector<16x5000xf32>
    %and3A_91 = arith.andi %ge3A_87, %lt3A_90 : vector<16x5000xi1>
    %convert_element_type3A_92 = arith.extui %and3A_91 : vector<16x5000xi1> to vector<16x5000xi32>
    %convert_element_type3A_93 = arith.sitofp %convert_element_type3A_92 : vector<16x5000xi32> to vector<16x5000xf32>
    %slice3A_94 = vector.extract_strided_slice %get3A_8 {offsets = [0, 10], sizes = [16, 1], strides = [1, 1]} : vector<16x12xf32> to vector<16x1xf32>
    %ge3A_95 = vector.broadcast %slice3A_94 : vector<16x1xf32> to vector<16x5000xf32>
    %ge3A_96 = arith.cmpf oge, %transpose3A, %ge3A_95 : vector<16x5000xf32>
    %slice3A_97 = vector.extract_strided_slice %get3A_8 {offsets = [0, 11], sizes = [16, 1], strides = [1, 1]} : vector<16x12xf32> to vector<16x1xf32>
    %lt3A_98 = vector.broadcast %slice3A_97 : vector<16x1xf32> to vector<16x5000xf32>
    %lt3A_99 = arith.cmpf olt, %transpose3A, %lt3A_98 : vector<16x5000xf32>
    %and3A_100 = arith.andi %ge3A_96, %lt3A_99 : vector<16x5000xi1>
    %convert_element_type3A_101 = arith.extui %and3A_100 : vector<16x5000xi1> to vector<16x5000xi32>
    %convert_element_type3A_102 = arith.sitofp %convert_element_type3A_101 : vector<16x5000xi32> to vector<16x5000xf32>
    %slice3A_103 = vector.extract_strided_slice %get3A_8 {offsets = [0, 0], sizes = [16, 1], strides = [1, 1]} : vector<16x12xf32> to vector<16x1xf32>
    %sub3A = vector.broadcast %slice3A_103 : vector<16x1xf32> to vector<16x5000xf32>
    %sub3A_104 = arith.subf %transpose3A, %sub3A : vector<16x5000xf32>
    %slice3A_105 = vector.extract_strided_slice %get3A_8 {offsets = [0, 1], sizes = [16, 1], strides = [1, 1]} : vector<16x12xf32> to vector<16x1xf32>
    %slice3A_106 = vector.extract_strided_slice %get3A_8 {offsets = [0, 0], sizes = [16, 1], strides = [1, 1]} : vector<16x12xf32> to vector<16x1xf32>
    %sub3A_107 = arith.subf %slice3A_105, %slice3A_106 : vector<16x1xf32>
    %div3A = vector.broadcast %sub3A_107 : vector<16x1xf32> to vector<16x5000xf32>
    %div3A_108 = arith.divf %sub3A_104, %div3A : vector<16x5000xf32>
    %slice3A_109 = vector.extract_strided_slice %get3A_8 {offsets = [0, 2], sizes = [16, 1], strides = [1, 1]} : vector<16x12xf32> to vector<16x1xf32>
    %sub3A_110 = vector.broadcast %slice3A_109 : vector<16x1xf32> to vector<16x5000xf32>
    %sub3A_111 = arith.subf %sub3A_110, %transpose3A : vector<16x5000xf32>
    %slice3A_112 = vector.extract_strided_slice %get3A_8 {offsets = [0, 2], sizes = [16, 1], strides = [1, 1]} : vector<16x12xf32> to vector<16x1xf32>
    %slice3A_113 = vector.extract_strided_slice %get3A_8 {offsets = [0, 1], sizes = [16, 1], strides = [1, 1]} : vector<16x12xf32> to vector<16x1xf32>
    %sub3A_114 = arith.subf %slice3A_112, %slice3A_113 : vector<16x1xf32>
    %div3A_115 = vector.broadcast %sub3A_114 : vector<16x1xf32> to vector<16x5000xf32>
    %div3A_116 = arith.divf %sub3A_111, %div3A_115 : vector<16x5000xf32>
    %mul3A = arith.mulf %div3A_108, %convert_element_type3A_12 : vector<16x5000xf32>
    %mul3A_117 = arith.mulf %div3A_116, %convert_element_type3A_21 : vector<16x5000xf32>
    %add3A = arith.addf %mul3A, %mul3A_117 : vector<16x5000xf32>
    %slice3A_118 = vector.extract_strided_slice %get3A_8 {offsets = [0, 1], sizes = [16, 1], strides = [1, 1]} : vector<16x12xf32> to vector<16x1xf32>
    %sub3A_119 = vector.broadcast %slice3A_118 : vector<16x1xf32> to vector<16x5000xf32>
    %sub3A_120 = arith.subf %transpose3A, %sub3A_119 : vector<16x5000xf32>
    %slice3A_121 = vector.extract_strided_slice %get3A_8 {offsets = [0, 2], sizes = [16, 1], strides = [1, 1]} : vector<16x12xf32> to vector<16x1xf32>
    %slice3A_122 = vector.extract_strided_slice %get3A_8 {offsets = [0, 1], sizes = [16, 1], strides = [1, 1]} : vector<16x12xf32> to vector<16x1xf32>
    %sub3A_123 = arith.subf %slice3A_121, %slice3A_122 : vector<16x1xf32>
    %div3A_124 = vector.broadcast %sub3A_123 : vector<16x1xf32> to vector<16x5000xf32>
    %div3A_125 = arith.divf %sub3A_120, %div3A_124 : vector<16x5000xf32>
    %slice3A_126 = vector.extract_strided_slice %get3A_8 {offsets = [0, 3], sizes = [16, 1], strides = [1, 1]} : vector<16x12xf32> to vector<16x1xf32>
    %sub3A_127 = vector.broadcast %slice3A_126 : vector<16x1xf32> to vector<16x5000xf32>
    %sub3A_128 = arith.subf %sub3A_127, %transpose3A : vector<16x5000xf32>
    %slice3A_129 = vector.extract_strided_slice %get3A_8 {offsets = [0, 3], sizes = [16, 1], strides = [1, 1]} : vector<16x12xf32> to vector<16x1xf32>
    %slice3A_130 = vector.extract_strided_slice %get3A_8 {offsets = [0, 2], sizes = [16, 1], strides = [1, 1]} : vector<16x12xf32> to vector<16x1xf32>
    %sub3A_131 = arith.subf %slice3A_129, %slice3A_130 : vector<16x1xf32>
    %div3A_132 = vector.broadcast %sub3A_131 : vector<16x1xf32> to vector<16x5000xf32>
    %div3A_133 = arith.divf %sub3A_128, %div3A_132 : vector<16x5000xf32>
    %mul3A_134 = arith.mulf %div3A_125, %convert_element_type3A_21 : vector<16x5000xf32>
    %mul3A_135 = arith.mulf %div3A_133, %convert_element_type3A_30 : vector<16x5000xf32>
    %add3A_136 = arith.addf %mul3A_134, %mul3A_135 : vector<16x5000xf32>
    %slice3A_137 = vector.extract_strided_slice %get3A_8 {offsets = [0, 2], sizes = [16, 1], strides = [1, 1]} : vector<16x12xf32> to vector<16x1xf32>
    %sub3A_138 = vector.broadcast %slice3A_137 : vector<16x1xf32> to vector<16x5000xf32>
    %sub3A_139 = arith.subf %transpose3A, %sub3A_138 : vector<16x5000xf32>
    %slice3A_140 = vector.extract_strided_slice %get3A_8 {offsets = [0, 3], sizes = [16, 1], strides = [1, 1]} : vector<16x12xf32> to vector<16x1xf32>
    %slice3A_141 = vector.extract_strided_slice %get3A_8 {offsets = [0, 2], sizes = [16, 1], strides = [1, 1]} : vector<16x12xf32> to vector<16x1xf32>
    %sub3A_142 = arith.subf %slice3A_140, %slice3A_141 : vector<16x1xf32>
    %div3A_143 = vector.broadcast %sub3A_142 : vector<16x1xf32> to vector<16x5000xf32>
    %div3A_144 = arith.divf %sub3A_139, %div3A_143 : vector<16x5000xf32>
    %slice3A_145 = vector.extract_strided_slice %get3A_8 {offsets = [0, 4], sizes = [16, 1], strides = [1, 1]} : vector<16x12xf32> to vector<16x1xf32>
    %sub3A_146 = vector.broadcast %slice3A_145 : vector<16x1xf32> to vector<16x5000xf32>
    %sub3A_147 = arith.subf %sub3A_146, %transpose3A : vector<16x5000xf32>
    %slice3A_148 = vector.extract_strided_slice %get3A_8 {offsets = [0, 4], sizes = [16, 1], strides = [1, 1]} : vector<16x12xf32> to vector<16x1xf32>
    %slice3A_149 = vector.extract_strided_slice %get3A_8 {offsets = [0, 3], sizes = [16, 1], strides = [1, 1]} : vector<16x12xf32> to vector<16x1xf32>
    %sub3A_150 = arith.subf %slice3A_148, %slice3A_149 : vector<16x1xf32>
    %div3A_151 = vector.broadcast %sub3A_150 : vector<16x1xf32> to vector<16x5000xf32>
    %div3A_152 = arith.divf %sub3A_147, %div3A_151 : vector<16x5000xf32>
    %mul3A_153 = arith.mulf %div3A_144, %convert_element_type3A_30 : vector<16x5000xf32>
    %mul3A_154 = arith.mulf %div3A_152, %convert_element_type3A_39 : vector<16x5000xf32>
    %add3A_155 = arith.addf %mul3A_153, %mul3A_154 : vector<16x5000xf32>
    %slice3A_156 = vector.extract_strided_slice %get3A_8 {offsets = [0, 3], sizes = [16, 1], strides = [1, 1]} : vector<16x12xf32> to vector<16x1xf32>
    %sub3A_157 = vector.broadcast %slice3A_156 : vector<16x1xf32> to vector<16x5000xf32>
    %sub3A_158 = arith.subf %transpose3A, %sub3A_157 : vector<16x5000xf32>
    %slice3A_159 = vector.extract_strided_slice %get3A_8 {offsets = [0, 4], sizes = [16, 1], strides = [1, 1]} : vector<16x12xf32> to vector<16x1xf32>
    %slice3A_160 = vector.extract_strided_slice %get3A_8 {offsets = [0, 3], sizes = [16, 1], strides = [1, 1]} : vector<16x12xf32> to vector<16x1xf32>
    %sub3A_161 = arith.subf %slice3A_159, %slice3A_160 : vector<16x1xf32>
    %div3A_162 = vector.broadcast %sub3A_161 : vector<16x1xf32> to vector<16x5000xf32>
    %div3A_163 = arith.divf %sub3A_158, %div3A_162 : vector<16x5000xf32>
    %slice3A_164 = vector.extract_strided_slice %get3A_8 {offsets = [0, 5], sizes = [16, 1], strides = [1, 1]} : vector<16x12xf32> to vector<16x1xf32>
    %sub3A_165 = vector.broadcast %slice3A_164 : vector<16x1xf32> to vector<16x5000xf32>
    %sub3A_166 = arith.subf %sub3A_165, %transpose3A : vector<16x5000xf32>
    %slice3A_167 = vector.extract_strided_slice %get3A_8 {offsets = [0, 5], sizes = [16, 1], strides = [1, 1]} : vector<16x12xf32> to vector<16x1xf32>
    %slice3A_168 = vector.extract_strided_slice %get3A_8 {offsets = [0, 4], sizes = [16, 1], strides = [1, 1]} : vector<16x12xf32> to vector<16x1xf32>
    %sub3A_169 = arith.subf %slice3A_167, %slice3A_168 : vector<16x1xf32>
    %div3A_170 = vector.broadcast %sub3A_169 : vector<16x1xf32> to vector<16x5000xf32>
    %div3A_171 = arith.divf %sub3A_166, %div3A_170 : vector<16x5000xf32>
    %mul3A_172 = arith.mulf %div3A_163, %convert_element_type3A_39 : vector<16x5000xf32>
    %mul3A_173 = arith.mulf %div3A_171, %convert_element_type3A_48 : vector<16x5000xf32>
    %add3A_174 = arith.addf %mul3A_172, %mul3A_173 : vector<16x5000xf32>
    %slice3A_175 = vector.extract_strided_slice %get3A_8 {offsets = [0, 4], sizes = [16, 1], strides = [1, 1]} : vector<16x12xf32> to vector<16x1xf32>
    %sub3A_176 = vector.broadcast %slice3A_175 : vector<16x1xf32> to vector<16x5000xf32>
    %sub3A_177 = arith.subf %transpose3A, %sub3A_176 : vector<16x5000xf32>
    %slice3A_178 = vector.extract_strided_slice %get3A_8 {offsets = [0, 5], sizes = [16, 1], strides = [1, 1]} : vector<16x12xf32> to vector<16x1xf32>
    %slice3A_179 = vector.extract_strided_slice %get3A_8 {offsets = [0, 4], sizes = [16, 1], strides = [1, 1]} : vector<16x12xf32> to vector<16x1xf32>
    %sub3A_180 = arith.subf %slice3A_178, %slice3A_179 : vector<16x1xf32>
    %div3A_181 = vector.broadcast %sub3A_180 : vector<16x1xf32> to vector<16x5000xf32>
    %div3A_182 = arith.divf %sub3A_177, %div3A_181 : vector<16x5000xf32>
    %slice3A_183 = vector.extract_strided_slice %get3A_8 {offsets = [0, 6], sizes = [16, 1], strides = [1, 1]} : vector<16x12xf32> to vector<16x1xf32>
    %sub3A_184 = vector.broadcast %slice3A_183 : vector<16x1xf32> to vector<16x5000xf32>
    %sub3A_185 = arith.subf %sub3A_184, %transpose3A : vector<16x5000xf32>
    %slice3A_186 = vector.extract_strided_slice %get3A_8 {offsets = [0, 6], sizes = [16, 1], strides = [1, 1]} : vector<16x12xf32> to vector<16x1xf32>
    %slice3A_187 = vector.extract_strided_slice %get3A_8 {offsets = [0, 5], sizes = [16, 1], strides = [1, 1]} : vector<16x12xf32> to vector<16x1xf32>
    %sub3A_188 = arith.subf %slice3A_186, %slice3A_187 : vector<16x1xf32>
    %div3A_189 = vector.broadcast %sub3A_188 : vector<16x1xf32> to vector<16x5000xf32>
    %div3A_190 = arith.divf %sub3A_185, %div3A_189 : vector<16x5000xf32>
    %mul3A_191 = arith.mulf %div3A_182, %convert_element_type3A_48 : vector<16x5000xf32>
    %mul3A_192 = arith.mulf %div3A_190, %convert_element_type3A_57 : vector<16x5000xf32>
    %add3A_193 = arith.addf %mul3A_191, %mul3A_192 : vector<16x5000xf32>
    %slice3A_194 = vector.extract_strided_slice %get3A_8 {offsets = [0, 5], sizes = [16, 1], strides = [1, 1]} : vector<16x12xf32> to vector<16x1xf32>
    %sub3A_195 = vector.broadcast %slice3A_194 : vector<16x1xf32> to vector<16x5000xf32>
    %sub3A_196 = arith.subf %transpose3A, %sub3A_195 : vector<16x5000xf32>
    %slice3A_197 = vector.extract_strided_slice %get3A_8 {offsets = [0, 6], sizes = [16, 1], strides = [1, 1]} : vector<16x12xf32> to vector<16x1xf32>
    %slice3A_198 = vector.extract_strided_slice %get3A_8 {offsets = [0, 5], sizes = [16, 1], strides = [1, 1]} : vector<16x12xf32> to vector<16x1xf32>
    %sub3A_199 = arith.subf %slice3A_197, %slice3A_198 : vector<16x1xf32>
    %div3A_200 = vector.broadcast %sub3A_199 : vector<16x1xf32> to vector<16x5000xf32>
    %div3A_201 = arith.divf %sub3A_196, %div3A_200 : vector<16x5000xf32>
    %slice3A_202 = vector.extract_strided_slice %get3A_8 {offsets = [0, 7], sizes = [16, 1], strides = [1, 1]} : vector<16x12xf32> to vector<16x1xf32>
    %sub3A_203 = vector.broadcast %slice3A_202 : vector<16x1xf32> to vector<16x5000xf32>
    %sub3A_204 = arith.subf %sub3A_203, %transpose3A : vector<16x5000xf32>
    %slice3A_205 = vector.extract_strided_slice %get3A_8 {offsets = [0, 7], sizes = [16, 1], strides = [1, 1]} : vector<16x12xf32> to vector<16x1xf32>
    %slice3A_206 = vector.extract_strided_slice %get3A_8 {offsets = [0, 6], sizes = [16, 1], strides = [1, 1]} : vector<16x12xf32> to vector<16x1xf32>
    %sub3A_207 = arith.subf %slice3A_205, %slice3A_206 : vector<16x1xf32>
    %div3A_208 = vector.broadcast %sub3A_207 : vector<16x1xf32> to vector<16x5000xf32>
    %div3A_209 = arith.divf %sub3A_204, %div3A_208 : vector<16x5000xf32>
    %mul3A_210 = arith.mulf %div3A_201, %convert_element_type3A_57 : vector<16x5000xf32>
    %mul3A_211 = arith.mulf %div3A_209, %convert_element_type3A_66 : vector<16x5000xf32>
    %add3A_212 = arith.addf %mul3A_210, %mul3A_211 : vector<16x5000xf32>
    %slice3A_213 = vector.extract_strided_slice %get3A_8 {offsets = [0, 6], sizes = [16, 1], strides = [1, 1]} : vector<16x12xf32> to vector<16x1xf32>
    %sub3A_214 = vector.broadcast %slice3A_213 : vector<16x1xf32> to vector<16x5000xf32>
    %sub3A_215 = arith.subf %transpose3A, %sub3A_214 : vector<16x5000xf32>
    %slice3A_216 = vector.extract_strided_slice %get3A_8 {offsets = [0, 7], sizes = [16, 1], strides = [1, 1]} : vector<16x12xf32> to vector<16x1xf32>
    %slice3A_217 = vector.extract_strided_slice %get3A_8 {offsets = [0, 6], sizes = [16, 1], strides = [1, 1]} : vector<16x12xf32> to vector<16x1xf32>
    %sub3A_218 = arith.subf %slice3A_216, %slice3A_217 : vector<16x1xf32>
    %div3A_219 = vector.broadcast %sub3A_218 : vector<16x1xf32> to vector<16x5000xf32>
    %div3A_220 = arith.divf %sub3A_215, %div3A_219 : vector<16x5000xf32>
    %slice3A_221 = vector.extract_strided_slice %get3A_8 {offsets = [0, 8], sizes = [16, 1], strides = [1, 1]} : vector<16x12xf32> to vector<16x1xf32>
    %sub3A_222 = vector.broadcast %slice3A_221 : vector<16x1xf32> to vector<16x5000xf32>
    %sub3A_223 = arith.subf %sub3A_222, %transpose3A : vector<16x5000xf32>
    %slice3A_224 = vector.extract_strided_slice %get3A_8 {offsets = [0, 8], sizes = [16, 1], strides = [1, 1]} : vector<16x12xf32> to vector<16x1xf32>
    %slice3A_225 = vector.extract_strided_slice %get3A_8 {offsets = [0, 7], sizes = [16, 1], strides = [1, 1]} : vector<16x12xf32> to vector<16x1xf32>
    %sub3A_226 = arith.subf %slice3A_224, %slice3A_225 : vector<16x1xf32>
    %div3A_227 = vector.broadcast %sub3A_226 : vector<16x1xf32> to vector<16x5000xf32>
    %div3A_228 = arith.divf %sub3A_223, %div3A_227 : vector<16x5000xf32>
    %mul3A_229 = arith.mulf %div3A_220, %convert_element_type3A_66 : vector<16x5000xf32>
    %mul3A_230 = arith.mulf %div3A_228, %convert_element_type3A_75 : vector<16x5000xf32>
    %add3A_231 = arith.addf %mul3A_229, %mul3A_230 : vector<16x5000xf32>
    %slice3A_232 = vector.extract_strided_slice %get3A_8 {offsets = [0, 7], sizes = [16, 1], strides = [1, 1]} : vector<16x12xf32> to vector<16x1xf32>
    %sub3A_233 = vector.broadcast %slice3A_232 : vector<16x1xf32> to vector<16x5000xf32>
    %sub3A_234 = arith.subf %transpose3A, %sub3A_233 : vector<16x5000xf32>
    %slice3A_235 = vector.extract_strided_slice %get3A_8 {offsets = [0, 8], sizes = [16, 1], strides = [1, 1]} : vector<16x12xf32> to vector<16x1xf32>
    %slice3A_236 = vector.extract_strided_slice %get3A_8 {offsets = [0, 7], sizes = [16, 1], strides = [1, 1]} : vector<16x12xf32> to vector<16x1xf32>
    %sub3A_237 = arith.subf %slice3A_235, %slice3A_236 : vector<16x1xf32>
    %div3A_238 = vector.broadcast %sub3A_237 : vector<16x1xf32> to vector<16x5000xf32>
    %div3A_239 = arith.divf %sub3A_234, %div3A_238 : vector<16x5000xf32>
    %slice3A_240 = vector.extract_strided_slice %get3A_8 {offsets = [0, 9], sizes = [16, 1], strides = [1, 1]} : vector<16x12xf32> to vector<16x1xf32>
    %sub3A_241 = vector.broadcast %slice3A_240 : vector<16x1xf32> to vector<16x5000xf32>
    %sub3A_242 = arith.subf %sub3A_241, %transpose3A : vector<16x5000xf32>
    %slice3A_243 = vector.extract_strided_slice %get3A_8 {offsets = [0, 9], sizes = [16, 1], strides = [1, 1]} : vector<16x12xf32> to vector<16x1xf32>
    %slice3A_244 = vector.extract_strided_slice %get3A_8 {offsets = [0, 8], sizes = [16, 1], strides = [1, 1]} : vector<16x12xf32> to vector<16x1xf32>
    %sub3A_245 = arith.subf %slice3A_243, %slice3A_244 : vector<16x1xf32>
    %div3A_246 = vector.broadcast %sub3A_245 : vector<16x1xf32> to vector<16x5000xf32>
    %div3A_247 = arith.divf %sub3A_242, %div3A_246 : vector<16x5000xf32>
    %mul3A_248 = arith.mulf %div3A_239, %convert_element_type3A_75 : vector<16x5000xf32>
    %mul3A_249 = arith.mulf %div3A_247, %convert_element_type3A_84 : vector<16x5000xf32>
    %add3A_250 = arith.addf %mul3A_248, %mul3A_249 : vector<16x5000xf32>
    %slice3A_251 = vector.extract_strided_slice %get3A_8 {offsets = [0, 8], sizes = [16, 1], strides = [1, 1]} : vector<16x12xf32> to vector<16x1xf32>
    %sub3A_252 = vector.broadcast %slice3A_251 : vector<16x1xf32> to vector<16x5000xf32>
    %sub3A_253 = arith.subf %transpose3A, %sub3A_252 : vector<16x5000xf32>
    %slice3A_254 = vector.extract_strided_slice %get3A_8 {offsets = [0, 9], sizes = [16, 1], strides = [1, 1]} : vector<16x12xf32> to vector<16x1xf32>
    %slice3A_255 = vector.extract_strided_slice %get3A_8 {offsets = [0, 8], sizes = [16, 1], strides = [1, 1]} : vector<16x12xf32> to vector<16x1xf32>
    %sub3A_256 = arith.subf %slice3A_254, %slice3A_255 : vector<16x1xf32>
    %div3A_257 = vector.broadcast %sub3A_256 : vector<16x1xf32> to vector<16x5000xf32>
    %div3A_258 = arith.divf %sub3A_253, %div3A_257 : vector<16x5000xf32>
    %slice3A_259 = vector.extract_strided_slice %get3A_8 {offsets = [0, 10], sizes = [16, 1], strides = [1, 1]} : vector<16x12xf32> to vector<16x1xf32>
    %sub3A_260 = vector.broadcast %slice3A_259 : vector<16x1xf32> to vector<16x5000xf32>
    %sub3A_261 = arith.subf %sub3A_260, %transpose3A : vector<16x5000xf32>
    %slice3A_262 = vector.extract_strided_slice %get3A_8 {offsets = [0, 10], sizes = [16, 1], strides = [1, 1]} : vector<16x12xf32> to vector<16x1xf32>
    %slice3A_263 = vector.extract_strided_slice %get3A_8 {offsets = [0, 9], sizes = [16, 1], strides = [1, 1]} : vector<16x12xf32> to vector<16x1xf32>
    %sub3A_264 = arith.subf %slice3A_262, %slice3A_263 : vector<16x1xf32>
    %div3A_265 = vector.broadcast %sub3A_264 : vector<16x1xf32> to vector<16x5000xf32>
    %div3A_266 = arith.divf %sub3A_261, %div3A_265 : vector<16x5000xf32>
    %mul3A_267 = arith.mulf %div3A_258, %convert_element_type3A_84 : vector<16x5000xf32>
    %mul3A_268 = arith.mulf %div3A_266, %convert_element_type3A_93 : vector<16x5000xf32>
    %add3A_269 = arith.addf %mul3A_267, %mul3A_268 : vector<16x5000xf32>
    %slice3A_270 = vector.extract_strided_slice %get3A_8 {offsets = [0, 9], sizes = [16, 1], strides = [1, 1]} : vector<16x12xf32> to vector<16x1xf32>
    %sub3A_271 = vector.broadcast %slice3A_270 : vector<16x1xf32> to vector<16x5000xf32>
    %sub3A_272 = arith.subf %transpose3A, %sub3A_271 : vector<16x5000xf32>
    %slice3A_273 = vector.extract_strided_slice %get3A_8 {offsets = [0, 10], sizes = [16, 1], strides = [1, 1]} : vector<16x12xf32> to vector<16x1xf32>
    %slice3A_274 = vector.extract_strided_slice %get3A_8 {offsets = [0, 9], sizes = [16, 1], strides = [1, 1]} : vector<16x12xf32> to vector<16x1xf32>
    %sub3A_275 = arith.subf %slice3A_273, %slice3A_274 : vector<16x1xf32>
    %div3A_276 = vector.broadcast %sub3A_275 : vector<16x1xf32> to vector<16x5000xf32>
    %div3A_277 = arith.divf %sub3A_272, %div3A_276 : vector<16x5000xf32>
    %slice3A_278 = vector.extract_strided_slice %get3A_8 {offsets = [0, 11], sizes = [16, 1], strides = [1, 1]} : vector<16x12xf32> to vector<16x1xf32>
    %sub3A_279 = vector.broadcast %slice3A_278 : vector<16x1xf32> to vector<16x5000xf32>
    %sub3A_280 = arith.subf %sub3A_279, %transpose3A : vector<16x5000xf32>
    %slice3A_281 = vector.extract_strided_slice %get3A_8 {offsets = [0, 11], sizes = [16, 1], strides = [1, 1]} : vector<16x12xf32> to vector<16x1xf32>
    %slice3A_282 = vector.extract_strided_slice %get3A_8 {offsets = [0, 10], sizes = [16, 1], strides = [1, 1]} : vector<16x12xf32> to vector<16x1xf32>
    %sub3A_283 = arith.subf %slice3A_281, %slice3A_282 : vector<16x1xf32>
    %div3A_284 = vector.broadcast %sub3A_283 : vector<16x1xf32> to vector<16x5000xf32>
    %div3A_285 = arith.divf %sub3A_280, %div3A_284 : vector<16x5000xf32>
    %mul3A_286 = arith.mulf %div3A_277, %convert_element_type3A_93 : vector<16x5000xf32>
    %mul3A_287 = arith.mulf %div3A_285, %convert_element_type3A_102 : vector<16x5000xf32>
    %add3A_288 = arith.addf %mul3A_286, %mul3A_287 : vector<16x5000xf32>
    %slice3A_289 = vector.extract_strided_slice %get3A_8 {offsets = [0, 0], sizes = [16, 1], strides = [1, 1]} : vector<16x12xf32> to vector<16x1xf32>
    %sub3A_290 = vector.broadcast %slice3A_289 : vector<16x1xf32> to vector<16x5000xf32>
    %sub3A_291 = arith.subf %transpose3A, %sub3A_290 : vector<16x5000xf32>
    %slice3A_292 = vector.extract_strided_slice %get3A_8 {offsets = [0, 2], sizes = [16, 1], strides = [1, 1]} : vector<16x12xf32> to vector<16x1xf32>
    %slice3A_293 = vector.extract_strided_slice %get3A_8 {offsets = [0, 0], sizes = [16, 1], strides = [1, 1]} : vector<16x12xf32> to vector<16x1xf32>
    %sub3A_294 = arith.subf %slice3A_292, %slice3A_293 : vector<16x1xf32>
    %div3A_295 = vector.broadcast %sub3A_294 : vector<16x1xf32> to vector<16x5000xf32>
    %div3A_296 = arith.divf %sub3A_291, %div3A_295 : vector<16x5000xf32>
    %slice3A_297 = vector.extract_strided_slice %get3A_8 {offsets = [0, 3], sizes = [16, 1], strides = [1, 1]} : vector<16x12xf32> to vector<16x1xf32>
    %sub3A_298 = vector.broadcast %slice3A_297 : vector<16x1xf32> to vector<16x5000xf32>
    %sub3A_299 = arith.subf %sub3A_298, %transpose3A : vector<16x5000xf32>
    %slice3A_300 = vector.extract_strided_slice %get3A_8 {offsets = [0, 3], sizes = [16, 1], strides = [1, 1]} : vector<16x12xf32> to vector<16x1xf32>
    %slice3A_301 = vector.extract_strided_slice %get3A_8 {offsets = [0, 1], sizes = [16, 1], strides = [1, 1]} : vector<16x12xf32> to vector<16x1xf32>
    %sub3A_302 = arith.subf %slice3A_300, %slice3A_301 : vector<16x1xf32>
    %div3A_303 = vector.broadcast %sub3A_302 : vector<16x1xf32> to vector<16x5000xf32>
    %div3A_304 = arith.divf %sub3A_299, %div3A_303 : vector<16x5000xf32>
    %mul3A_305 = arith.mulf %div3A_296, %add3A : vector<16x5000xf32>
    %mul3A_306 = arith.mulf %div3A_304, %add3A_136 : vector<16x5000xf32>
    %add3A_307 = arith.addf %mul3A_305, %mul3A_306 : vector<16x5000xf32>
    %slice3A_308 = vector.extract_strided_slice %get3A_8 {offsets = [0, 1], sizes = [16, 1], strides = [1, 1]} : vector<16x12xf32> to vector<16x1xf32>
    %sub3A_309 = vector.broadcast %slice3A_308 : vector<16x1xf32> to vector<16x5000xf32>
    %sub3A_310 = arith.subf %transpose3A, %sub3A_309 : vector<16x5000xf32>
    %slice3A_311 = vector.extract_strided_slice %get3A_8 {offsets = [0, 3], sizes = [16, 1], strides = [1, 1]} : vector<16x12xf32> to vector<16x1xf32>
    %slice3A_312 = vector.extract_strided_slice %get3A_8 {offsets = [0, 1], sizes = [16, 1], strides = [1, 1]} : vector<16x12xf32> to vector<16x1xf32>
    %sub3A_313 = arith.subf %slice3A_311, %slice3A_312 : vector<16x1xf32>
    %div3A_314 = vector.broadcast %sub3A_313 : vector<16x1xf32> to vector<16x5000xf32>
    %div3A_315 = arith.divf %sub3A_310, %div3A_314 : vector<16x5000xf32>
    %slice3A_316 = vector.extract_strided_slice %get3A_8 {offsets = [0, 4], sizes = [16, 1], strides = [1, 1]} : vector<16x12xf32> to vector<16x1xf32>
    %sub3A_317 = vector.broadcast %slice3A_316 : vector<16x1xf32> to vector<16x5000xf32>
    %sub3A_318 = arith.subf %sub3A_317, %transpose3A : vector<16x5000xf32>
    %slice3A_319 = vector.extract_strided_slice %get3A_8 {offsets = [0, 4], sizes = [16, 1], strides = [1, 1]} : vector<16x12xf32> to vector<16x1xf32>
    %slice3A_320 = vector.extract_strided_slice %get3A_8 {offsets = [0, 2], sizes = [16, 1], strides = [1, 1]} : vector<16x12xf32> to vector<16x1xf32>
    %sub3A_321 = arith.subf %slice3A_319, %slice3A_320 : vector<16x1xf32>
    %div3A_322 = vector.broadcast %sub3A_321 : vector<16x1xf32> to vector<16x5000xf32>
    %div3A_323 = arith.divf %sub3A_318, %div3A_322 : vector<16x5000xf32>
    %mul3A_324 = arith.mulf %div3A_315, %add3A_136 : vector<16x5000xf32>
    %mul3A_325 = arith.mulf %div3A_323, %add3A_155 : vector<16x5000xf32>
    %add3A_326 = arith.addf %mul3A_324, %mul3A_325 : vector<16x5000xf32>
    %slice3A_327 = vector.extract_strided_slice %get3A_8 {offsets = [0, 2], sizes = [16, 1], strides = [1, 1]} : vector<16x12xf32> to vector<16x1xf32>
    %sub3A_328 = vector.broadcast %slice3A_327 : vector<16x1xf32> to vector<16x5000xf32>
    %sub3A_329 = arith.subf %transpose3A, %sub3A_328 : vector<16x5000xf32>
    %slice3A_330 = vector.extract_strided_slice %get3A_8 {offsets = [0, 4], sizes = [16, 1], strides = [1, 1]} : vector<16x12xf32> to vector<16x1xf32>
    %slice3A_331 = vector.extract_strided_slice %get3A_8 {offsets = [0, 2], sizes = [16, 1], strides = [1, 1]} : vector<16x12xf32> to vector<16x1xf32>
    %sub3A_332 = arith.subf %slice3A_330, %slice3A_331 : vector<16x1xf32>
    %div3A_333 = vector.broadcast %sub3A_332 : vector<16x1xf32> to vector<16x5000xf32>
    %div3A_334 = arith.divf %sub3A_329, %div3A_333 : vector<16x5000xf32>
    %slice3A_335 = vector.extract_strided_slice %get3A_8 {offsets = [0, 5], sizes = [16, 1], strides = [1, 1]} : vector<16x12xf32> to vector<16x1xf32>
    %sub3A_336 = vector.broadcast %slice3A_335 : vector<16x1xf32> to vector<16x5000xf32>
    %sub3A_337 = arith.subf %sub3A_336, %transpose3A : vector<16x5000xf32>
    %slice3A_338 = vector.extract_strided_slice %get3A_8 {offsets = [0, 5], sizes = [16, 1], strides = [1, 1]} : vector<16x12xf32> to vector<16x1xf32>
    %slice3A_339 = vector.extract_strided_slice %get3A_8 {offsets = [0, 3], sizes = [16, 1], strides = [1, 1]} : vector<16x12xf32> to vector<16x1xf32>
    %sub3A_340 = arith.subf %slice3A_338, %slice3A_339 : vector<16x1xf32>
    %div3A_341 = vector.broadcast %sub3A_340 : vector<16x1xf32> to vector<16x5000xf32>
    %div3A_342 = arith.divf %sub3A_337, %div3A_341 : vector<16x5000xf32>
    %mul3A_343 = arith.mulf %div3A_334, %add3A_155 : vector<16x5000xf32>
    %mul3A_344 = arith.mulf %div3A_342, %add3A_174 : vector<16x5000xf32>
    %add3A_345 = arith.addf %mul3A_343, %mul3A_344 : vector<16x5000xf32>
    %slice3A_346 = vector.extract_strided_slice %get3A_8 {offsets = [0, 3], sizes = [16, 1], strides = [1, 1]} : vector<16x12xf32> to vector<16x1xf32>
    %sub3A_347 = vector.broadcast %slice3A_346 : vector<16x1xf32> to vector<16x5000xf32>
    %sub3A_348 = arith.subf %transpose3A, %sub3A_347 : vector<16x5000xf32>
    %slice3A_349 = vector.extract_strided_slice %get3A_8 {offsets = [0, 5], sizes = [16, 1], strides = [1, 1]} : vector<16x12xf32> to vector<16x1xf32>
    %slice3A_350 = vector.extract_strided_slice %get3A_8 {offsets = [0, 3], sizes = [16, 1], strides = [1, 1]} : vector<16x12xf32> to vector<16x1xf32>
    %sub3A_351 = arith.subf %slice3A_349, %slice3A_350 : vector<16x1xf32>
    %div3A_352 = vector.broadcast %sub3A_351 : vector<16x1xf32> to vector<16x5000xf32>
    %div3A_353 = arith.divf %sub3A_348, %div3A_352 : vector<16x5000xf32>
    %slice3A_354 = vector.extract_strided_slice %get3A_8 {offsets = [0, 6], sizes = [16, 1], strides = [1, 1]} : vector<16x12xf32> to vector<16x1xf32>
    %sub3A_355 = vector.broadcast %slice3A_354 : vector<16x1xf32> to vector<16x5000xf32>
    %sub3A_356 = arith.subf %sub3A_355, %transpose3A : vector<16x5000xf32>
    %slice3A_357 = vector.extract_strided_slice %get3A_8 {offsets = [0, 6], sizes = [16, 1], strides = [1, 1]} : vector<16x12xf32> to vector<16x1xf32>
    %slice3A_358 = vector.extract_strided_slice %get3A_8 {offsets = [0, 4], sizes = [16, 1], strides = [1, 1]} : vector<16x12xf32> to vector<16x1xf32>
    %sub3A_359 = arith.subf %slice3A_357, %slice3A_358 : vector<16x1xf32>
    %div3A_360 = vector.broadcast %sub3A_359 : vector<16x1xf32> to vector<16x5000xf32>
    %div3A_361 = arith.divf %sub3A_356, %div3A_360 : vector<16x5000xf32>
    %mul3A_362 = arith.mulf %div3A_353, %add3A_174 : vector<16x5000xf32>
    %mul3A_363 = arith.mulf %div3A_361, %add3A_193 : vector<16x5000xf32>
    %add3A_364 = arith.addf %mul3A_362, %mul3A_363 : vector<16x5000xf32>
    %slice3A_365 = vector.extract_strided_slice %get3A_8 {offsets = [0, 4], sizes = [16, 1], strides = [1, 1]} : vector<16x12xf32> to vector<16x1xf32>
    %sub3A_366 = vector.broadcast %slice3A_365 : vector<16x1xf32> to vector<16x5000xf32>
    %sub3A_367 = arith.subf %transpose3A, %sub3A_366 : vector<16x5000xf32>
    %slice3A_368 = vector.extract_strided_slice %get3A_8 {offsets = [0, 6], sizes = [16, 1], strides = [1, 1]} : vector<16x12xf32> to vector<16x1xf32>
    %slice3A_369 = vector.extract_strided_slice %get3A_8 {offsets = [0, 4], sizes = [16, 1], strides = [1, 1]} : vector<16x12xf32> to vector<16x1xf32>
    %sub3A_370 = arith.subf %slice3A_368, %slice3A_369 : vector<16x1xf32>
    %div3A_371 = vector.broadcast %sub3A_370 : vector<16x1xf32> to vector<16x5000xf32>
    %div3A_372 = arith.divf %sub3A_367, %div3A_371 : vector<16x5000xf32>
    %slice3A_373 = vector.extract_strided_slice %get3A_8 {offsets = [0, 7], sizes = [16, 1], strides = [1, 1]} : vector<16x12xf32> to vector<16x1xf32>
    %sub3A_374 = vector.broadcast %slice3A_373 : vector<16x1xf32> to vector<16x5000xf32>
    %sub3A_375 = arith.subf %sub3A_374, %transpose3A : vector<16x5000xf32>
    %slice3A_376 = vector.extract_strided_slice %get3A_8 {offsets = [0, 7], sizes = [16, 1], strides = [1, 1]} : vector<16x12xf32> to vector<16x1xf32>
    %slice3A_377 = vector.extract_strided_slice %get3A_8 {offsets = [0, 5], sizes = [16, 1], strides = [1, 1]} : vector<16x12xf32> to vector<16x1xf32>
    %sub3A_378 = arith.subf %slice3A_376, %slice3A_377 : vector<16x1xf32>
    %div3A_379 = vector.broadcast %sub3A_378 : vector<16x1xf32> to vector<16x5000xf32>
    %div3A_380 = arith.divf %sub3A_375, %div3A_379 : vector<16x5000xf32>
    %mul3A_381 = arith.mulf %div3A_372, %add3A_193 : vector<16x5000xf32>
    %mul3A_382 = arith.mulf %div3A_380, %add3A_212 : vector<16x5000xf32>
    %add3A_383 = arith.addf %mul3A_381, %mul3A_382 : vector<16x5000xf32>
    %slice3A_384 = vector.extract_strided_slice %get3A_8 {offsets = [0, 5], sizes = [16, 1], strides = [1, 1]} : vector<16x12xf32> to vector<16x1xf32>
    %sub3A_385 = vector.broadcast %slice3A_384 : vector<16x1xf32> to vector<16x5000xf32>
    %sub3A_386 = arith.subf %transpose3A, %sub3A_385 : vector<16x5000xf32>
    %slice3A_387 = vector.extract_strided_slice %get3A_8 {offsets = [0, 7], sizes = [16, 1], strides = [1, 1]} : vector<16x12xf32> to vector<16x1xf32>
    %slice3A_388 = vector.extract_strided_slice %get3A_8 {offsets = [0, 5], sizes = [16, 1], strides = [1, 1]} : vector<16x12xf32> to vector<16x1xf32>
    %sub3A_389 = arith.subf %slice3A_387, %slice3A_388 : vector<16x1xf32>
    %div3A_390 = vector.broadcast %sub3A_389 : vector<16x1xf32> to vector<16x5000xf32>
    %div3A_391 = arith.divf %sub3A_386, %div3A_390 : vector<16x5000xf32>
    %slice3A_392 = vector.extract_strided_slice %get3A_8 {offsets = [0, 8], sizes = [16, 1], strides = [1, 1]} : vector<16x12xf32> to vector<16x1xf32>
    %sub3A_393 = vector.broadcast %slice3A_392 : vector<16x1xf32> to vector<16x5000xf32>
    %sub3A_394 = arith.subf %sub3A_393, %transpose3A : vector<16x5000xf32>
    %slice3A_395 = vector.extract_strided_slice %get3A_8 {offsets = [0, 8], sizes = [16, 1], strides = [1, 1]} : vector<16x12xf32> to vector<16x1xf32>
    %slice3A_396 = vector.extract_strided_slice %get3A_8 {offsets = [0, 6], sizes = [16, 1], strides = [1, 1]} : vector<16x12xf32> to vector<16x1xf32>
    %sub3A_397 = arith.subf %slice3A_395, %slice3A_396 : vector<16x1xf32>
    %div3A_398 = vector.broadcast %sub3A_397 : vector<16x1xf32> to vector<16x5000xf32>
    %div3A_399 = arith.divf %sub3A_394, %div3A_398 : vector<16x5000xf32>
    %mul3A_400 = arith.mulf %div3A_391, %add3A_212 : vector<16x5000xf32>
    %mul3A_401 = arith.mulf %div3A_399, %add3A_231 : vector<16x5000xf32>
    %add3A_402 = arith.addf %mul3A_400, %mul3A_401 : vector<16x5000xf32>
    %slice3A_403 = vector.extract_strided_slice %get3A_8 {offsets = [0, 6], sizes = [16, 1], strides = [1, 1]} : vector<16x12xf32> to vector<16x1xf32>
    %sub3A_404 = vector.broadcast %slice3A_403 : vector<16x1xf32> to vector<16x5000xf32>
    %sub3A_405 = arith.subf %transpose3A, %sub3A_404 : vector<16x5000xf32>
    %slice3A_406 = vector.extract_strided_slice %get3A_8 {offsets = [0, 8], sizes = [16, 1], strides = [1, 1]} : vector<16x12xf32> to vector<16x1xf32>
    %slice3A_407 = vector.extract_strided_slice %get3A_8 {offsets = [0, 6], sizes = [16, 1], strides = [1, 1]} : vector<16x12xf32> to vector<16x1xf32>
    %sub3A_408 = arith.subf %slice3A_406, %slice3A_407 : vector<16x1xf32>
    %div3A_409 = vector.broadcast %sub3A_408 : vector<16x1xf32> to vector<16x5000xf32>
    %div3A_410 = arith.divf %sub3A_405, %div3A_409 : vector<16x5000xf32>
    %slice3A_411 = vector.extract_strided_slice %get3A_8 {offsets = [0, 9], sizes = [16, 1], strides = [1, 1]} : vector<16x12xf32> to vector<16x1xf32>
    %sub3A_412 = vector.broadcast %slice3A_411 : vector<16x1xf32> to vector<16x5000xf32>
    %sub3A_413 = arith.subf %sub3A_412, %transpose3A : vector<16x5000xf32>
    %slice3A_414 = vector.extract_strided_slice %get3A_8 {offsets = [0, 9], sizes = [16, 1], strides = [1, 1]} : vector<16x12xf32> to vector<16x1xf32>
    %slice3A_415 = vector.extract_strided_slice %get3A_8 {offsets = [0, 7], sizes = [16, 1], strides = [1, 1]} : vector<16x12xf32> to vector<16x1xf32>
    %sub3A_416 = arith.subf %slice3A_414, %slice3A_415 : vector<16x1xf32>
    %div3A_417 = vector.broadcast %sub3A_416 : vector<16x1xf32> to vector<16x5000xf32>
    %div3A_418 = arith.divf %sub3A_413, %div3A_417 : vector<16x5000xf32>
    %mul3A_419 = arith.mulf %div3A_410, %add3A_231 : vector<16x5000xf32>
    %mul3A_420 = arith.mulf %div3A_418, %add3A_250 : vector<16x5000xf32>
    %add3A_421 = arith.addf %mul3A_419, %mul3A_420 : vector<16x5000xf32>
    %slice3A_422 = vector.extract_strided_slice %get3A_8 {offsets = [0, 7], sizes = [16, 1], strides = [1, 1]} : vector<16x12xf32> to vector<16x1xf32>
    %sub3A_423 = vector.broadcast %slice3A_422 : vector<16x1xf32> to vector<16x5000xf32>
    %sub3A_424 = arith.subf %transpose3A, %sub3A_423 : vector<16x5000xf32>
    %slice3A_425 = vector.extract_strided_slice %get3A_8 {offsets = [0, 9], sizes = [16, 1], strides = [1, 1]} : vector<16x12xf32> to vector<16x1xf32>
    %slice3A_426 = vector.extract_strided_slice %get3A_8 {offsets = [0, 7], sizes = [16, 1], strides = [1, 1]} : vector<16x12xf32> to vector<16x1xf32>
    %sub3A_427 = arith.subf %slice3A_425, %slice3A_426 : vector<16x1xf32>
    %div3A_428 = vector.broadcast %sub3A_427 : vector<16x1xf32> to vector<16x5000xf32>
    %div3A_429 = arith.divf %sub3A_424, %div3A_428 : vector<16x5000xf32>
    %slice3A_430 = vector.extract_strided_slice %get3A_8 {offsets = [0, 10], sizes = [16, 1], strides = [1, 1]} : vector<16x12xf32> to vector<16x1xf32>
    %sub3A_431 = vector.broadcast %slice3A_430 : vector<16x1xf32> to vector<16x5000xf32>
    %sub3A_432 = arith.subf %sub3A_431, %transpose3A : vector<16x5000xf32>
    %slice3A_433 = vector.extract_strided_slice %get3A_8 {offsets = [0, 10], sizes = [16, 1], strides = [1, 1]} : vector<16x12xf32> to vector<16x1xf32>
    %slice3A_434 = vector.extract_strided_slice %get3A_8 {offsets = [0, 8], sizes = [16, 1], strides = [1, 1]} : vector<16x12xf32> to vector<16x1xf32>
    %sub3A_435 = arith.subf %slice3A_433, %slice3A_434 : vector<16x1xf32>
    %div3A_436 = vector.broadcast %sub3A_435 : vector<16x1xf32> to vector<16x5000xf32>
    %div3A_437 = arith.divf %sub3A_432, %div3A_436 : vector<16x5000xf32>
    %mul3A_438 = arith.mulf %div3A_429, %add3A_250 : vector<16x5000xf32>
    %mul3A_439 = arith.mulf %div3A_437, %add3A_269 : vector<16x5000xf32>
    %add3A_440 = arith.addf %mul3A_438, %mul3A_439 : vector<16x5000xf32>
    %slice3A_441 = vector.extract_strided_slice %get3A_8 {offsets = [0, 8], sizes = [16, 1], strides = [1, 1]} : vector<16x12xf32> to vector<16x1xf32>
    %sub3A_442 = vector.broadcast %slice3A_441 : vector<16x1xf32> to vector<16x5000xf32>
    %sub3A_443 = arith.subf %transpose3A, %sub3A_442 : vector<16x5000xf32>
    %slice3A_444 = vector.extract_strided_slice %get3A_8 {offsets = [0, 10], sizes = [16, 1], strides = [1, 1]} : vector<16x12xf32> to vector<16x1xf32>
    %slice3A_445 = vector.extract_strided_slice %get3A_8 {offsets = [0, 8], sizes = [16, 1], strides = [1, 1]} : vector<16x12xf32> to vector<16x1xf32>
    %sub3A_446 = arith.subf %slice3A_444, %slice3A_445 : vector<16x1xf32>
    %div3A_447 = vector.broadcast %sub3A_446 : vector<16x1xf32> to vector<16x5000xf32>
    %div3A_448 = arith.divf %sub3A_443, %div3A_447 : vector<16x5000xf32>
    %slice3A_449 = vector.extract_strided_slice %get3A_8 {offsets = [0, 11], sizes = [16, 1], strides = [1, 1]} : vector<16x12xf32> to vector<16x1xf32>
    %sub3A_450 = vector.broadcast %slice3A_449 : vector<16x1xf32> to vector<16x5000xf32>
    %sub3A_451 = arith.subf %sub3A_450, %transpose3A : vector<16x5000xf32>
    %slice3A_452 = vector.extract_strided_slice %get3A_8 {offsets = [0, 11], sizes = [16, 1], strides = [1, 1]} : vector<16x12xf32> to vector<16x1xf32>
    %slice3A_453 = vector.extract_strided_slice %get3A_8 {offsets = [0, 9], sizes = [16, 1], strides = [1, 1]} : vector<16x12xf32> to vector<16x1xf32>
    %sub3A_454 = arith.subf %slice3A_452, %slice3A_453 : vector<16x1xf32>
    %div3A_455 = vector.broadcast %sub3A_454 : vector<16x1xf32> to vector<16x5000xf32>
    %div3A_456 = arith.divf %sub3A_451, %div3A_455 : vector<16x5000xf32>
    %mul3A_457 = arith.mulf %div3A_448, %add3A_269 : vector<16x5000xf32>
    %mul3A_458 = arith.mulf %div3A_456, %add3A_288 : vector<16x5000xf32>
    %add3A_459 = arith.addf %mul3A_457, %mul3A_458 : vector<16x5000xf32>
    %slice3A_460 = vector.extract_strided_slice %get3A_8 {offsets = [0, 0], sizes = [16, 1], strides = [1, 1]} : vector<16x12xf32> to vector<16x1xf32>
    %sub3A_461 = vector.broadcast %slice3A_460 : vector<16x1xf32> to vector<16x5000xf32>
    %sub3A_462 = arith.subf %transpose3A, %sub3A_461 : vector<16x5000xf32>
    %slice3A_463 = vector.extract_strided_slice %get3A_8 {offsets = [0, 3], sizes = [16, 1], strides = [1, 1]} : vector<16x12xf32> to vector<16x1xf32>
    %slice3A_464 = vector.extract_strided_slice %get3A_8 {offsets = [0, 0], sizes = [16, 1], strides = [1, 1]} : vector<16x12xf32> to vector<16x1xf32>
    %sub3A_465 = arith.subf %slice3A_463, %slice3A_464 : vector<16x1xf32>
    %div3A_466 = vector.broadcast %sub3A_465 : vector<16x1xf32> to vector<16x5000xf32>
    %div3A_467 = arith.divf %sub3A_462, %div3A_466 : vector<16x5000xf32>
    %slice3A_468 = vector.extract_strided_slice %get3A_8 {offsets = [0, 4], sizes = [16, 1], strides = [1, 1]} : vector<16x12xf32> to vector<16x1xf32>
    %sub3A_469 = vector.broadcast %slice3A_468 : vector<16x1xf32> to vector<16x5000xf32>
    %sub3A_470 = arith.subf %sub3A_469, %transpose3A : vector<16x5000xf32>
    %slice3A_471 = vector.extract_strided_slice %get3A_8 {offsets = [0, 4], sizes = [16, 1], strides = [1, 1]} : vector<16x12xf32> to vector<16x1xf32>
    %slice3A_472 = vector.extract_strided_slice %get3A_8 {offsets = [0, 1], sizes = [16, 1], strides = [1, 1]} : vector<16x12xf32> to vector<16x1xf32>
    %sub3A_473 = arith.subf %slice3A_471, %slice3A_472 : vector<16x1xf32>
    %div3A_474 = vector.broadcast %sub3A_473 : vector<16x1xf32> to vector<16x5000xf32>
    %div3A_475 = arith.divf %sub3A_470, %div3A_474 : vector<16x5000xf32>
    %mul3A_476 = arith.mulf %div3A_467, %add3A_307 : vector<16x5000xf32>
    %mul3A_477 = arith.mulf %div3A_475, %add3A_326 : vector<16x5000xf32>
    %add3A_478 = arith.addf %mul3A_476, %mul3A_477 : vector<16x5000xf32>
    %slice3A_479 = vector.extract_strided_slice %get3A_8 {offsets = [0, 1], sizes = [16, 1], strides = [1, 1]} : vector<16x12xf32> to vector<16x1xf32>
    %sub3A_480 = vector.broadcast %slice3A_479 : vector<16x1xf32> to vector<16x5000xf32>
    %sub3A_481 = arith.subf %transpose3A, %sub3A_480 : vector<16x5000xf32>
    %slice3A_482 = vector.extract_strided_slice %get3A_8 {offsets = [0, 4], sizes = [16, 1], strides = [1, 1]} : vector<16x12xf32> to vector<16x1xf32>
    %slice3A_483 = vector.extract_strided_slice %get3A_8 {offsets = [0, 1], sizes = [16, 1], strides = [1, 1]} : vector<16x12xf32> to vector<16x1xf32>
    %sub3A_484 = arith.subf %slice3A_482, %slice3A_483 : vector<16x1xf32>
    %div3A_485 = vector.broadcast %sub3A_484 : vector<16x1xf32> to vector<16x5000xf32>
    %div3A_486 = arith.divf %sub3A_481, %div3A_485 : vector<16x5000xf32>
    %slice3A_487 = vector.extract_strided_slice %get3A_8 {offsets = [0, 5], sizes = [16, 1], strides = [1, 1]} : vector<16x12xf32> to vector<16x1xf32>
    %sub3A_488 = vector.broadcast %slice3A_487 : vector<16x1xf32> to vector<16x5000xf32>
    %sub3A_489 = arith.subf %sub3A_488, %transpose3A : vector<16x5000xf32>
    %slice3A_490 = vector.extract_strided_slice %get3A_8 {offsets = [0, 5], sizes = [16, 1], strides = [1, 1]} : vector<16x12xf32> to vector<16x1xf32>
    %slice3A_491 = vector.extract_strided_slice %get3A_8 {offsets = [0, 2], sizes = [16, 1], strides = [1, 1]} : vector<16x12xf32> to vector<16x1xf32>
    %sub3A_492 = arith.subf %slice3A_490, %slice3A_491 : vector<16x1xf32>
    %div3A_493 = vector.broadcast %sub3A_492 : vector<16x1xf32> to vector<16x5000xf32>
    %div3A_494 = arith.divf %sub3A_489, %div3A_493 : vector<16x5000xf32>
    %mul3A_495 = arith.mulf %div3A_486, %add3A_326 : vector<16x5000xf32>
    %mul3A_496 = arith.mulf %div3A_494, %add3A_345 : vector<16x5000xf32>
    %add3A_497 = arith.addf %mul3A_495, %mul3A_496 : vector<16x5000xf32>
    %slice3A_498 = vector.extract_strided_slice %get3A_8 {offsets = [0, 2], sizes = [16, 1], strides = [1, 1]} : vector<16x12xf32> to vector<16x1xf32>
    %sub3A_499 = vector.broadcast %slice3A_498 : vector<16x1xf32> to vector<16x5000xf32>
    %sub3A_500 = arith.subf %transpose3A, %sub3A_499 : vector<16x5000xf32>
    %slice3A_501 = vector.extract_strided_slice %get3A_8 {offsets = [0, 5], sizes = [16, 1], strides = [1, 1]} : vector<16x12xf32> to vector<16x1xf32>
    %slice3A_502 = vector.extract_strided_slice %get3A_8 {offsets = [0, 2], sizes = [16, 1], strides = [1, 1]} : vector<16x12xf32> to vector<16x1xf32>
    %sub3A_503 = arith.subf %slice3A_501, %slice3A_502 : vector<16x1xf32>
    %div3A_504 = vector.broadcast %sub3A_503 : vector<16x1xf32> to vector<16x5000xf32>
    %div3A_505 = arith.divf %sub3A_500, %div3A_504 : vector<16x5000xf32>
    %slice3A_506 = vector.extract_strided_slice %get3A_8 {offsets = [0, 6], sizes = [16, 1], strides = [1, 1]} : vector<16x12xf32> to vector<16x1xf32>
    %sub3A_507 = vector.broadcast %slice3A_506 : vector<16x1xf32> to vector<16x5000xf32>
    %sub3A_508 = arith.subf %sub3A_507, %transpose3A : vector<16x5000xf32>
    %slice3A_509 = vector.extract_strided_slice %get3A_8 {offsets = [0, 6], sizes = [16, 1], strides = [1, 1]} : vector<16x12xf32> to vector<16x1xf32>
    %slice3A_510 = vector.extract_strided_slice %get3A_8 {offsets = [0, 3], sizes = [16, 1], strides = [1, 1]} : vector<16x12xf32> to vector<16x1xf32>
    %sub3A_511 = arith.subf %slice3A_509, %slice3A_510 : vector<16x1xf32>
    %div3A_512 = vector.broadcast %sub3A_511 : vector<16x1xf32> to vector<16x5000xf32>
    %div3A_513 = arith.divf %sub3A_508, %div3A_512 : vector<16x5000xf32>
    %mul3A_514 = arith.mulf %div3A_505, %add3A_345 : vector<16x5000xf32>
    %mul3A_515 = arith.mulf %div3A_513, %add3A_364 : vector<16x5000xf32>
    %add3A_516 = arith.addf %mul3A_514, %mul3A_515 : vector<16x5000xf32>
    %slice3A_517 = vector.extract_strided_slice %get3A_8 {offsets = [0, 3], sizes = [16, 1], strides = [1, 1]} : vector<16x12xf32> to vector<16x1xf32>
    %sub3A_518 = vector.broadcast %slice3A_517 : vector<16x1xf32> to vector<16x5000xf32>
    %sub3A_519 = arith.subf %transpose3A, %sub3A_518 : vector<16x5000xf32>
    %slice3A_520 = vector.extract_strided_slice %get3A_8 {offsets = [0, 6], sizes = [16, 1], strides = [1, 1]} : vector<16x12xf32> to vector<16x1xf32>
    %slice3A_521 = vector.extract_strided_slice %get3A_8 {offsets = [0, 3], sizes = [16, 1], strides = [1, 1]} : vector<16x12xf32> to vector<16x1xf32>
    %sub3A_522 = arith.subf %slice3A_520, %slice3A_521 : vector<16x1xf32>
    %div3A_523 = vector.broadcast %sub3A_522 : vector<16x1xf32> to vector<16x5000xf32>
    %div3A_524 = arith.divf %sub3A_519, %div3A_523 : vector<16x5000xf32>
    %slice3A_525 = vector.extract_strided_slice %get3A_8 {offsets = [0, 7], sizes = [16, 1], strides = [1, 1]} : vector<16x12xf32> to vector<16x1xf32>
    %sub3A_526 = vector.broadcast %slice3A_525 : vector<16x1xf32> to vector<16x5000xf32>
    %sub3A_527 = arith.subf %sub3A_526, %transpose3A : vector<16x5000xf32>
    %slice3A_528 = vector.extract_strided_slice %get3A_8 {offsets = [0, 7], sizes = [16, 1], strides = [1, 1]} : vector<16x12xf32> to vector<16x1xf32>
    %slice3A_529 = vector.extract_strided_slice %get3A_8 {offsets = [0, 4], sizes = [16, 1], strides = [1, 1]} : vector<16x12xf32> to vector<16x1xf32>
    %sub3A_530 = arith.subf %slice3A_528, %slice3A_529 : vector<16x1xf32>
    %div3A_531 = vector.broadcast %sub3A_530 : vector<16x1xf32> to vector<16x5000xf32>
    %div3A_532 = arith.divf %sub3A_527, %div3A_531 : vector<16x5000xf32>
    %mul3A_533 = arith.mulf %div3A_524, %add3A_364 : vector<16x5000xf32>
    %mul3A_534 = arith.mulf %div3A_532, %add3A_383 : vector<16x5000xf32>
    %add3A_535 = arith.addf %mul3A_533, %mul3A_534 : vector<16x5000xf32>
    %slice3A_536 = vector.extract_strided_slice %get3A_8 {offsets = [0, 4], sizes = [16, 1], strides = [1, 1]} : vector<16x12xf32> to vector<16x1xf32>
    %sub3A_537 = vector.broadcast %slice3A_536 : vector<16x1xf32> to vector<16x5000xf32>
    %sub3A_538 = arith.subf %transpose3A, %sub3A_537 : vector<16x5000xf32>
    %slice3A_539 = vector.extract_strided_slice %get3A_8 {offsets = [0, 7], sizes = [16, 1], strides = [1, 1]} : vector<16x12xf32> to vector<16x1xf32>
    %slice3A_540 = vector.extract_strided_slice %get3A_8 {offsets = [0, 4], sizes = [16, 1], strides = [1, 1]} : vector<16x12xf32> to vector<16x1xf32>
    %sub3A_541 = arith.subf %slice3A_539, %slice3A_540 : vector<16x1xf32>
    %div3A_542 = vector.broadcast %sub3A_541 : vector<16x1xf32> to vector<16x5000xf32>
    %div3A_543 = arith.divf %sub3A_538, %div3A_542 : vector<16x5000xf32>
    %slice3A_544 = vector.extract_strided_slice %get3A_8 {offsets = [0, 8], sizes = [16, 1], strides = [1, 1]} : vector<16x12xf32> to vector<16x1xf32>
    %sub3A_545 = vector.broadcast %slice3A_544 : vector<16x1xf32> to vector<16x5000xf32>
    %sub3A_546 = arith.subf %sub3A_545, %transpose3A : vector<16x5000xf32>
    %slice3A_547 = vector.extract_strided_slice %get3A_8 {offsets = [0, 8], sizes = [16, 1], strides = [1, 1]} : vector<16x12xf32> to vector<16x1xf32>
    %slice3A_548 = vector.extract_strided_slice %get3A_8 {offsets = [0, 5], sizes = [16, 1], strides = [1, 1]} : vector<16x12xf32> to vector<16x1xf32>
    %sub3A_549 = arith.subf %slice3A_547, %slice3A_548 : vector<16x1xf32>
    %div3A_550 = vector.broadcast %sub3A_549 : vector<16x1xf32> to vector<16x5000xf32>
    %div3A_551 = arith.divf %sub3A_546, %div3A_550 : vector<16x5000xf32>
    %mul3A_552 = arith.mulf %div3A_543, %add3A_383 : vector<16x5000xf32>
    %mul3A_553 = arith.mulf %div3A_551, %add3A_402 : vector<16x5000xf32>
    %add3A_554 = arith.addf %mul3A_552, %mul3A_553 : vector<16x5000xf32>
    %slice3A_555 = vector.extract_strided_slice %get3A_8 {offsets = [0, 5], sizes = [16, 1], strides = [1, 1]} : vector<16x12xf32> to vector<16x1xf32>
    %sub3A_556 = vector.broadcast %slice3A_555 : vector<16x1xf32> to vector<16x5000xf32>
    %sub3A_557 = arith.subf %transpose3A, %sub3A_556 : vector<16x5000xf32>
    %slice3A_558 = vector.extract_strided_slice %get3A_8 {offsets = [0, 8], sizes = [16, 1], strides = [1, 1]} : vector<16x12xf32> to vector<16x1xf32>
    %slice3A_559 = vector.extract_strided_slice %get3A_8 {offsets = [0, 5], sizes = [16, 1], strides = [1, 1]} : vector<16x12xf32> to vector<16x1xf32>
    %sub3A_560 = arith.subf %slice3A_558, %slice3A_559 : vector<16x1xf32>
    %div3A_561 = vector.broadcast %sub3A_560 : vector<16x1xf32> to vector<16x5000xf32>
    %div3A_562 = arith.divf %sub3A_557, %div3A_561 : vector<16x5000xf32>
    %slice3A_563 = vector.extract_strided_slice %get3A_8 {offsets = [0, 9], sizes = [16, 1], strides = [1, 1]} : vector<16x12xf32> to vector<16x1xf32>
    %sub3A_564 = vector.broadcast %slice3A_563 : vector<16x1xf32> to vector<16x5000xf32>
    %sub3A_565 = arith.subf %sub3A_564, %transpose3A : vector<16x5000xf32>
    %slice3A_566 = vector.extract_strided_slice %get3A_8 {offsets = [0, 9], sizes = [16, 1], strides = [1, 1]} : vector<16x12xf32> to vector<16x1xf32>
    %slice3A_567 = vector.extract_strided_slice %get3A_8 {offsets = [0, 6], sizes = [16, 1], strides = [1, 1]} : vector<16x12xf32> to vector<16x1xf32>
    %sub3A_568 = arith.subf %slice3A_566, %slice3A_567 : vector<16x1xf32>
    %div3A_569 = vector.broadcast %sub3A_568 : vector<16x1xf32> to vector<16x5000xf32>
    %div3A_570 = arith.divf %sub3A_565, %div3A_569 : vector<16x5000xf32>
    %mul3A_571 = arith.mulf %div3A_562, %add3A_402 : vector<16x5000xf32>
    %mul3A_572 = arith.mulf %div3A_570, %add3A_421 : vector<16x5000xf32>
    %add3A_573 = arith.addf %mul3A_571, %mul3A_572 : vector<16x5000xf32>
    %slice3A_574 = vector.extract_strided_slice %get3A_8 {offsets = [0, 6], sizes = [16, 1], strides = [1, 1]} : vector<16x12xf32> to vector<16x1xf32>
    %sub3A_575 = vector.broadcast %slice3A_574 : vector<16x1xf32> to vector<16x5000xf32>
    %sub3A_576 = arith.subf %transpose3A, %sub3A_575 : vector<16x5000xf32>
    %slice3A_577 = vector.extract_strided_slice %get3A_8 {offsets = [0, 9], sizes = [16, 1], strides = [1, 1]} : vector<16x12xf32> to vector<16x1xf32>
    %slice3A_578 = vector.extract_strided_slice %get3A_8 {offsets = [0, 6], sizes = [16, 1], strides = [1, 1]} : vector<16x12xf32> to vector<16x1xf32>
    %sub3A_579 = arith.subf %slice3A_577, %slice3A_578 : vector<16x1xf32>
    %div3A_580 = vector.broadcast %sub3A_579 : vector<16x1xf32> to vector<16x5000xf32>
    %div3A_581 = arith.divf %sub3A_576, %div3A_580 : vector<16x5000xf32>
    %slice3A_582 = vector.extract_strided_slice %get3A_8 {offsets = [0, 10], sizes = [16, 1], strides = [1, 1]} : vector<16x12xf32> to vector<16x1xf32>
    %sub3A_583 = vector.broadcast %slice3A_582 : vector<16x1xf32> to vector<16x5000xf32>
    %sub3A_584 = arith.subf %sub3A_583, %transpose3A : vector<16x5000xf32>
    %slice3A_585 = vector.extract_strided_slice %get3A_8 {offsets = [0, 10], sizes = [16, 1], strides = [1, 1]} : vector<16x12xf32> to vector<16x1xf32>
    %slice3A_586 = vector.extract_strided_slice %get3A_8 {offsets = [0, 7], sizes = [16, 1], strides = [1, 1]} : vector<16x12xf32> to vector<16x1xf32>
    %sub3A_587 = arith.subf %slice3A_585, %slice3A_586 : vector<16x1xf32>
    %div3A_588 = vector.broadcast %sub3A_587 : vector<16x1xf32> to vector<16x5000xf32>
    %div3A_589 = arith.divf %sub3A_584, %div3A_588 : vector<16x5000xf32>
    %mul3A_590 = arith.mulf %div3A_581, %add3A_421 : vector<16x5000xf32>
    %mul3A_591 = arith.mulf %div3A_589, %add3A_440 : vector<16x5000xf32>
    %add3A_592 = arith.addf %mul3A_590, %mul3A_591 : vector<16x5000xf32>
    %slice3A_593 = vector.extract_strided_slice %get3A_8 {offsets = [0, 7], sizes = [16, 1], strides = [1, 1]} : vector<16x12xf32> to vector<16x1xf32>
    %sub3A_594 = vector.broadcast %slice3A_593 : vector<16x1xf32> to vector<16x5000xf32>
    %sub3A_595 = arith.subf %transpose3A, %sub3A_594 : vector<16x5000xf32>
    %slice3A_596 = vector.extract_strided_slice %get3A_8 {offsets = [0, 10], sizes = [16, 1], strides = [1, 1]} : vector<16x12xf32> to vector<16x1xf32>
    %slice3A_597 = vector.extract_strided_slice %get3A_8 {offsets = [0, 7], sizes = [16, 1], strides = [1, 1]} : vector<16x12xf32> to vector<16x1xf32>
    %sub3A_598 = arith.subf %slice3A_596, %slice3A_597 : vector<16x1xf32>
    %div3A_599 = vector.broadcast %sub3A_598 : vector<16x1xf32> to vector<16x5000xf32>
    %div3A_600 = arith.divf %sub3A_595, %div3A_599 : vector<16x5000xf32>
    %slice3A_601 = vector.extract_strided_slice %get3A_8 {offsets = [0, 11], sizes = [16, 1], strides = [1, 1]} : vector<16x12xf32> to vector<16x1xf32>
    %sub3A_602 = vector.broadcast %slice3A_601 : vector<16x1xf32> to vector<16x5000xf32>
    %sub3A_603 = arith.subf %sub3A_602, %transpose3A : vector<16x5000xf32>
    %slice3A_604 = vector.extract_strided_slice %get3A_8 {offsets = [0, 11], sizes = [16, 1], strides = [1, 1]} : vector<16x12xf32> to vector<16x1xf32>
    %slice3A_605 = vector.extract_strided_slice %get3A_8 {offsets = [0, 8], sizes = [16, 1], strides = [1, 1]} : vector<16x12xf32> to vector<16x1xf32>
    %sub3A_606 = arith.subf %slice3A_604, %slice3A_605 : vector<16x1xf32>
    %div3A_607 = vector.broadcast %sub3A_606 : vector<16x1xf32> to vector<16x5000xf32>
    %div3A_608 = arith.divf %sub3A_603, %div3A_607 : vector<16x5000xf32>
    %mul3A_609 = arith.mulf %div3A_600, %add3A_440 : vector<16x5000xf32>
    %mul3A_610 = arith.mulf %div3A_608, %add3A_459 : vector<16x5000xf32>
    %add3A_611 = arith.addf %mul3A_609, %mul3A_610 : vector<16x5000xf32>
    %stack3A = vector.shape_cast %add3A_478 : vector<16x5000xf32> to vector<16x1x5000xf32>
    %stack3A_612 = vector.shape_cast %add3A_497 : vector<16x5000xf32> to vector<16x1x5000xf32>
    %stack3A_613 = vector.shape_cast %add3A_516 : vector<16x5000xf32> to vector<16x1x5000xf32>
    %stack3A_614 = vector.shape_cast %add3A_535 : vector<16x5000xf32> to vector<16x1x5000xf32>
    %stack3A_615 = vector.shape_cast %add3A_554 : vector<16x5000xf32> to vector<16x1x5000xf32>
    %stack3A_616 = vector.shape_cast %add3A_573 : vector<16x5000xf32> to vector<16x1x5000xf32>
    %stack3A_617 = vector.shape_cast %add3A_592 : vector<16x5000xf32> to vector<16x1x5000xf32>
    %stack3A_618 = vector.shape_cast %add3A_611 : vector<16x5000xf32> to vector<16x1x5000xf32>
    %stack3A_619 = tpu.concatenate %stack3A, %stack3A_612, %stack3A_613, %stack3A_614, %stack3A_615, %stack3A_616, %stack3A_617, %stack3A_618 in 1 : vector<16x1x5000xf32>, vector<16x1x5000xf32>, vector<16x1x5000xf32>, vector<16x1x5000xf32>, vector<16x1x5000xf32>, vector<16x1x5000xf32>, vector<16x1x5000xf32>, vector<16x1x5000xf32> -> vector<16x8x5000xf32>
    %reshape3A = vector.shape_cast %stack3A_619 : vector<16x8x5000xf32> to vector<128x5000xf32>
    %get3A_620 = arith.constant 0 : index
    %get3A_621 = arith.constant 0 : index
    %get3A_622 = arith.constant 0 : index
    %get3A_623 = vector.load %arg4[%get3A_620, %get3A_621, %get3A_622] : memref<1x16x12xf32, #tpu.memory_space<vmem>>, vector<1x16x12xf32>
    %get3A_624 = vector.shape_cast %get3A_623 : vector<1x16x12xf32> to vector<16x12xf32>
    %slice3A_625 = vector.extract_strided_slice %get3A_624 {offsets = [0, 0], sizes = [16, 1], strides = [1, 1]} : vector<16x12xf32> to vector<16x1xf32>
    %ge3A_626 = vector.broadcast %slice3A_625 : vector<16x1xf32> to vector<16x5000xf32>
    %ge3A_627 = arith.cmpf oge, %transpose3A, %ge3A_626 : vector<16x5000xf32>
    %slice3A_628 = vector.extract_strided_slice %get3A_624 {offsets = [0, 1], sizes = [16, 1], strides = [1, 1]} : vector<16x12xf32> to vector<16x1xf32>
    %lt3A_629 = vector.broadcast %slice3A_628 : vector<16x1xf32> to vector<16x5000xf32>
    %lt3A_630 = arith.cmpf olt, %transpose3A, %lt3A_629 : vector<16x5000xf32>
    %and3A_631 = arith.andi %ge3A_627, %lt3A_630 : vector<16x5000xi1>
    %convert_element_type3A_632 = arith.extui %and3A_631 : vector<16x5000xi1> to vector<16x5000xi32>
    %convert_element_type3A_633 = arith.sitofp %convert_element_type3A_632 : vector<16x5000xi32> to vector<16x5000xf32>
    %slice3A_634 = vector.extract_strided_slice %get3A_624 {offsets = [0, 1], sizes = [16, 1], strides = [1, 1]} : vector<16x12xf32> to vector<16x1xf32>
    %ge3A_635 = vector.broadcast %slice3A_634 : vector<16x1xf32> to vector<16x5000xf32>
    %ge3A_636 = arith.cmpf oge, %transpose3A, %ge3A_635 : vector<16x5000xf32>
    %slice3A_637 = vector.extract_strided_slice %get3A_624 {offsets = [0, 2], sizes = [16, 1], strides = [1, 1]} : vector<16x12xf32> to vector<16x1xf32>
    %lt3A_638 = vector.broadcast %slice3A_637 : vector<16x1xf32> to vector<16x5000xf32>
    %lt3A_639 = arith.cmpf olt, %transpose3A, %lt3A_638 : vector<16x5000xf32>
    %and3A_640 = arith.andi %ge3A_636, %lt3A_639 : vector<16x5000xi1>
    %convert_element_type3A_641 = arith.extui %and3A_640 : vector<16x5000xi1> to vector<16x5000xi32>
    %convert_element_type3A_642 = arith.sitofp %convert_element_type3A_641 : vector<16x5000xi32> to vector<16x5000xf32>
    %slice3A_643 = vector.extract_strided_slice %get3A_624 {offsets = [0, 2], sizes = [16, 1], strides = [1, 1]} : vector<16x12xf32> to vector<16x1xf32>
    %ge3A_644 = vector.broadcast %slice3A_643 : vector<16x1xf32> to vector<16x5000xf32>
    %ge3A_645 = arith.cmpf oge, %transpose3A, %ge3A_644 : vector<16x5000xf32>
    %slice3A_646 = vector.extract_strided_slice %get3A_624 {offsets = [0, 3], sizes = [16, 1], strides = [1, 1]} : vector<16x12xf32> to vector<16x1xf32>
    %lt3A_647 = vector.broadcast %slice3A_646 : vector<16x1xf32> to vector<16x5000xf32>
    %lt3A_648 = arith.cmpf olt, %transpose3A, %lt3A_647 : vector<16x5000xf32>
    %and3A_649 = arith.andi %ge3A_645, %lt3A_648 : vector<16x5000xi1>
    %convert_element_type3A_650 = arith.extui %and3A_649 : vector<16x5000xi1> to vector<16x5000xi32>
    %convert_element_type3A_651 = arith.sitofp %convert_element_type3A_650 : vector<16x5000xi32> to vector<16x5000xf32>
    %slice3A_652 = vector.extract_strided_slice %get3A_624 {offsets = [0, 3], sizes = [16, 1], strides = [1, 1]} : vector<16x12xf32> to vector<16x1xf32>
    %ge3A_653 = vector.broadcast %slice3A_652 : vector<16x1xf32> to vector<16x5000xf32>
    %ge3A_654 = arith.cmpf oge, %transpose3A, %ge3A_653 : vector<16x5000xf32>
    %slice3A_655 = vector.extract_strided_slice %get3A_624 {offsets = [0, 4], sizes = [16, 1], strides = [1, 1]} : vector<16x12xf32> to vector<16x1xf32>
    %lt3A_656 = vector.broadcast %slice3A_655 : vector<16x1xf32> to vector<16x5000xf32>
    %lt3A_657 = arith.cmpf olt, %transpose3A, %lt3A_656 : vector<16x5000xf32>
    %and3A_658 = arith.andi %ge3A_654, %lt3A_657 : vector<16x5000xi1>
    %convert_element_type3A_659 = arith.extui %and3A_658 : vector<16x5000xi1> to vector<16x5000xi32>
    %convert_element_type3A_660 = arith.sitofp %convert_element_type3A_659 : vector<16x5000xi32> to vector<16x5000xf32>
    %slice3A_661 = vector.extract_strided_slice %get3A_624 {offsets = [0, 4], sizes = [16, 1], strides = [1, 1]} : vector<16x12xf32> to vector<16x1xf32>
    %ge3A_662 = vector.broadcast %slice3A_661 : vector<16x1xf32> to vector<16x5000xf32>
    %ge3A_663 = arith.cmpf oge, %transpose3A, %ge3A_662 : vector<16x5000xf32>
    %slice3A_664 = vector.extract_strided_slice %get3A_624 {offsets = [0, 5], sizes = [16, 1], strides = [1, 1]} : vector<16x12xf32> to vector<16x1xf32>
    %lt3A_665 = vector.broadcast %slice3A_664 : vector<16x1xf32> to vector<16x5000xf32>
    %lt3A_666 = arith.cmpf olt, %transpose3A, %lt3A_665 : vector<16x5000xf32>
    %and3A_667 = arith.andi %ge3A_663, %lt3A_666 : vector<16x5000xi1>
    %convert_element_type3A_668 = arith.extui %and3A_667 : vector<16x5000xi1> to vector<16x5000xi32>
    %convert_element_type3A_669 = arith.sitofp %convert_element_type3A_668 : vector<16x5000xi32> to vector<16x5000xf32>
    %slice3A_670 = vector.extract_strided_slice %get3A_624 {offsets = [0, 5], sizes = [16, 1], strides = [1, 1]} : vector<16x12xf32> to vector<16x1xf32>
    %ge3A_671 = vector.broadcast %slice3A_670 : vector<16x1xf32> to vector<16x5000xf32>
    %ge3A_672 = arith.cmpf oge, %transpose3A, %ge3A_671 : vector<16x5000xf32>
    %slice3A_673 = vector.extract_strided_slice %get3A_624 {offsets = [0, 6], sizes = [16, 1], strides = [1, 1]} : vector<16x12xf32> to vector<16x1xf32>
    %lt3A_674 = vector.broadcast %slice3A_673 : vector<16x1xf32> to vector<16x5000xf32>
    %lt3A_675 = arith.cmpf olt, %transpose3A, %lt3A_674 : vector<16x5000xf32>
    %and3A_676 = arith.andi %ge3A_672, %lt3A_675 : vector<16x5000xi1>
    %convert_element_type3A_677 = arith.extui %and3A_676 : vector<16x5000xi1> to vector<16x5000xi32>
    %convert_element_type3A_678 = arith.sitofp %convert_element_type3A_677 : vector<16x5000xi32> to vector<16x5000xf32>
    %slice3A_679 = vector.extract_strided_slice %get3A_624 {offsets = [0, 6], sizes = [16, 1], strides = [1, 1]} : vector<16x12xf32> to vector<16x1xf32>
    %ge3A_680 = vector.broadcast %slice3A_679 : vector<16x1xf32> to vector<16x5000xf32>
    %ge3A_681 = arith.cmpf oge, %transpose3A, %ge3A_680 : vector<16x5000xf32>
    %slice3A_682 = vector.extract_strided_slice %get3A_624 {offsets = [0, 7], sizes = [16, 1], strides = [1, 1]} : vector<16x12xf32> to vector<16x1xf32>
    %lt3A_683 = vector.broadcast %slice3A_682 : vector<16x1xf32> to vector<16x5000xf32>
    %lt3A_684 = arith.cmpf olt, %transpose3A, %lt3A_683 : vector<16x5000xf32>
    %and3A_685 = arith.andi %ge3A_681, %lt3A_684 : vector<16x5000xi1>
    %convert_element_type3A_686 = arith.extui %and3A_685 : vector<16x5000xi1> to vector<16x5000xi32>
    %convert_element_type3A_687 = arith.sitofp %convert_element_type3A_686 : vector<16x5000xi32> to vector<16x5000xf32>
    %slice3A_688 = vector.extract_strided_slice %get3A_624 {offsets = [0, 7], sizes = [16, 1], strides = [1, 1]} : vector<16x12xf32> to vector<16x1xf32>
    %ge3A_689 = vector.broadcast %slice3A_688 : vector<16x1xf32> to vector<16x5000xf32>
    %ge3A_690 = arith.cmpf oge, %transpose3A, %ge3A_689 : vector<16x5000xf32>
    %slice3A_691 = vector.extract_strided_slice %get3A_624 {offsets = [0, 8], sizes = [16, 1], strides = [1, 1]} : vector<16x12xf32> to vector<16x1xf32>
    %lt3A_692 = vector.broadcast %slice3A_691 : vector<16x1xf32> to vector<16x5000xf32>
    %lt3A_693 = arith.cmpf olt, %transpose3A, %lt3A_692 : vector<16x5000xf32>
    %and3A_694 = arith.andi %ge3A_690, %lt3A_693 : vector<16x5000xi1>
    %convert_element_type3A_695 = arith.extui %and3A_694 : vector<16x5000xi1> to vector<16x5000xi32>
    %convert_element_type3A_696 = arith.sitofp %convert_element_type3A_695 : vector<16x5000xi32> to vector<16x5000xf32>
    %slice3A_697 = vector.extract_strided_slice %get3A_624 {offsets = [0, 8], sizes = [16, 1], strides = [1, 1]} : vector<16x12xf32> to vector<16x1xf32>
    %ge3A_698 = vector.broadcast %slice3A_697 : vector<16x1xf32> to vector<16x5000xf32>
    %ge3A_699 = arith.cmpf oge, %transpose3A, %ge3A_698 : vector<16x5000xf32>
    %slice3A_700 = vector.extract_strided_slice %get3A_624 {offsets = [0, 9], sizes = [16, 1], strides = [1, 1]} : vector<16x12xf32> to vector<16x1xf32>
    %lt3A_701 = vector.broadcast %slice3A_700 : vector<16x1xf32> to vector<16x5000xf32>
    %lt3A_702 = arith.cmpf olt, %transpose3A, %lt3A_701 : vector<16x5000xf32>
    %and3A_703 = arith.andi %ge3A_699, %lt3A_702 : vector<16x5000xi1>
    %convert_element_type3A_704 = arith.extui %and3A_703 : vector<16x5000xi1> to vector<16x5000xi32>
    %convert_element_type3A_705 = arith.sitofp %convert_element_type3A_704 : vector<16x5000xi32> to vector<16x5000xf32>
    %slice3A_706 = vector.extract_strided_slice %get3A_624 {offsets = [0, 9], sizes = [16, 1], strides = [1, 1]} : vector<16x12xf32> to vector<16x1xf32>
    %ge3A_707 = vector.broadcast %slice3A_706 : vector<16x1xf32> to vector<16x5000xf32>
    %ge3A_708 = arith.cmpf oge, %transpose3A, %ge3A_707 : vector<16x5000xf32>
    %slice3A_709 = vector.extract_strided_slice %get3A_624 {offsets = [0, 10], sizes = [16, 1], strides = [1, 1]} : vector<16x12xf32> to vector<16x1xf32>
    %lt3A_710 = vector.broadcast %slice3A_709 : vector<16x1xf32> to vector<16x5000xf32>
    %lt3A_711 = arith.cmpf olt, %transpose3A, %lt3A_710 : vector<16x5000xf32>
    %and3A_712 = arith.andi %ge3A_708, %lt3A_711 : vector<16x5000xi1>
    %convert_element_type3A_713 = arith.extui %and3A_712 : vector<16x5000xi1> to vector<16x5000xi32>
    %convert_element_type3A_714 = arith.sitofp %convert_element_type3A_713 : vector<16x5000xi32> to vector<16x5000xf32>
    %slice3A_715 = vector.extract_strided_slice %get3A_624 {offsets = [0, 10], sizes = [16, 1], strides = [1, 1]} : vector<16x12xf32> to vector<16x1xf32>
    %ge3A_716 = vector.broadcast %slice3A_715 : vector<16x1xf32> to vector<16x5000xf32>
    %ge3A_717 = arith.cmpf oge, %transpose3A, %ge3A_716 : vector<16x5000xf32>
    %slice3A_718 = vector.extract_strided_slice %get3A_624 {offsets = [0, 11], sizes = [16, 1], strides = [1, 1]} : vector<16x12xf32> to vector<16x1xf32>
    %lt3A_719 = vector.broadcast %slice3A_718 : vector<16x1xf32> to vector<16x5000xf32>
    %lt3A_720 = arith.cmpf olt, %transpose3A, %lt3A_719 : vector<16x5000xf32>
    %and3A_721 = arith.andi %ge3A_717, %lt3A_720 : vector<16x5000xi1>
    %convert_element_type3A_722 = arith.extui %and3A_721 : vector<16x5000xi1> to vector<16x5000xi32>
    %convert_element_type3A_723 = arith.sitofp %convert_element_type3A_722 : vector<16x5000xi32> to vector<16x5000xf32>
    %slice3A_724 = vector.extract_strided_slice %get3A_624 {offsets = [0, 0], sizes = [16, 1], strides = [1, 1]} : vector<16x12xf32> to vector<16x1xf32>
    %sub3A_725 = vector.broadcast %slice3A_724 : vector<16x1xf32> to vector<16x5000xf32>
    %sub3A_726 = arith.subf %transpose3A, %sub3A_725 : vector<16x5000xf32>
    %slice3A_727 = vector.extract_strided_slice %get3A_624 {offsets = [0, 1], sizes = [16, 1], strides = [1, 1]} : vector<16x12xf32> to vector<16x1xf32>
    %slice3A_728 = vector.extract_strided_slice %get3A_624 {offsets = [0, 0], sizes = [16, 1], strides = [1, 1]} : vector<16x12xf32> to vector<16x1xf32>
    %sub3A_729 = arith.subf %slice3A_727, %slice3A_728 : vector<16x1xf32>
    %div3A_730 = vector.broadcast %sub3A_729 : vector<16x1xf32> to vector<16x5000xf32>
    %div3A_731 = arith.divf %sub3A_726, %div3A_730 : vector<16x5000xf32>
    %slice3A_732 = vector.extract_strided_slice %get3A_624 {offsets = [0, 2], sizes = [16, 1], strides = [1, 1]} : vector<16x12xf32> to vector<16x1xf32>
    %sub3A_733 = vector.broadcast %slice3A_732 : vector<16x1xf32> to vector<16x5000xf32>
    %sub3A_734 = arith.subf %sub3A_733, %transpose3A : vector<16x5000xf32>
    %slice3A_735 = vector.extract_strided_slice %get3A_624 {offsets = [0, 2], sizes = [16, 1], strides = [1, 1]} : vector<16x12xf32> to vector<16x1xf32>
    %slice3A_736 = vector.extract_strided_slice %get3A_624 {offsets = [0, 1], sizes = [16, 1], strides = [1, 1]} : vector<16x12xf32> to vector<16x1xf32>
    %sub3A_737 = arith.subf %slice3A_735, %slice3A_736 : vector<16x1xf32>
    %div3A_738 = vector.broadcast %sub3A_737 : vector<16x1xf32> to vector<16x5000xf32>
    %div3A_739 = arith.divf %sub3A_734, %div3A_738 : vector<16x5000xf32>
    %mul3A_740 = arith.mulf %div3A_731, %convert_element_type3A_633 : vector<16x5000xf32>
    %mul3A_741 = arith.mulf %div3A_739, %convert_element_type3A_642 : vector<16x5000xf32>
    %add3A_742 = arith.addf %mul3A_740, %mul3A_741 : vector<16x5000xf32>
    %slice3A_743 = vector.extract_strided_slice %get3A_624 {offsets = [0, 1], sizes = [16, 1], strides = [1, 1]} : vector<16x12xf32> to vector<16x1xf32>
    %sub3A_744 = vector.broadcast %slice3A_743 : vector<16x1xf32> to vector<16x5000xf32>
    %sub3A_745 = arith.subf %transpose3A, %sub3A_744 : vector<16x5000xf32>
    %slice3A_746 = vector.extract_strided_slice %get3A_624 {offsets = [0, 2], sizes = [16, 1], strides = [1, 1]} : vector<16x12xf32> to vector<16x1xf32>
    %slice3A_747 = vector.extract_strided_slice %get3A_624 {offsets = [0, 1], sizes = [16, 1], strides = [1, 1]} : vector<16x12xf32> to vector<16x1xf32>
    %sub3A_748 = arith.subf %slice3A_746, %slice3A_747 : vector<16x1xf32>
    %div3A_749 = vector.broadcast %sub3A_748 : vector<16x1xf32> to vector<16x5000xf32>
    %div3A_750 = arith.divf %sub3A_745, %div3A_749 : vector<16x5000xf32>
    %slice3A_751 = vector.extract_strided_slice %get3A_624 {offsets = [0, 3], sizes = [16, 1], strides = [1, 1]} : vector<16x12xf32> to vector<16x1xf32>
    %sub3A_752 = vector.broadcast %slice3A_751 : vector<16x1xf32> to vector<16x5000xf32>
    %sub3A_753 = arith.subf %sub3A_752, %transpose3A : vector<16x5000xf32>
    %slice3A_754 = vector.extract_strided_slice %get3A_624 {offsets = [0, 3], sizes = [16, 1], strides = [1, 1]} : vector<16x12xf32> to vector<16x1xf32>
    %slice3A_755 = vector.extract_strided_slice %get3A_624 {offsets = [0, 2], sizes = [16, 1], strides = [1, 1]} : vector<16x12xf32> to vector<16x1xf32>
    %sub3A_756 = arith.subf %slice3A_754, %slice3A_755 : vector<16x1xf32>
    %div3A_757 = vector.broadcast %sub3A_756 : vector<16x1xf32> to vector<16x5000xf32>
    %div3A_758 = arith.divf %sub3A_753, %div3A_757 : vector<16x5000xf32>
    %mul3A_759 = arith.mulf %div3A_750, %convert_element_type3A_642 : vector<16x5000xf32>
    %mul3A_760 = arith.mulf %div3A_758, %convert_element_type3A_651 : vector<16x5000xf32>
    %add3A_761 = arith.addf %mul3A_759, %mul3A_760 : vector<16x5000xf32>
    %slice3A_762 = vector.extract_strided_slice %get3A_624 {offsets = [0, 2], sizes = [16, 1], strides = [1, 1]} : vector<16x12xf32> to vector<16x1xf32>
    %sub3A_763 = vector.broadcast %slice3A_762 : vector<16x1xf32> to vector<16x5000xf32>
    %sub3A_764 = arith.subf %transpose3A, %sub3A_763 : vector<16x5000xf32>
    %slice3A_765 = vector.extract_strided_slice %get3A_624 {offsets = [0, 3], sizes = [16, 1], strides = [1, 1]} : vector<16x12xf32> to vector<16x1xf32>
    %slice3A_766 = vector.extract_strided_slice %get3A_624 {offsets = [0, 2], sizes = [16, 1], strides = [1, 1]} : vector<16x12xf32> to vector<16x1xf32>
    %sub3A_767 = arith.subf %slice3A_765, %slice3A_766 : vector<16x1xf32>
    %div3A_768 = vector.broadcast %sub3A_767 : vector<16x1xf32> to vector<16x5000xf32>
    %div3A_769 = arith.divf %sub3A_764, %div3A_768 : vector<16x5000xf32>
    %slice3A_770 = vector.extract_strided_slice %get3A_624 {offsets = [0, 4], sizes = [16, 1], strides = [1, 1]} : vector<16x12xf32> to vector<16x1xf32>
    %sub3A_771 = vector.broadcast %slice3A_770 : vector<16x1xf32> to vector<16x5000xf32>
    %sub3A_772 = arith.subf %sub3A_771, %transpose3A : vector<16x5000xf32>
    %slice3A_773 = vector.extract_strided_slice %get3A_624 {offsets = [0, 4], sizes = [16, 1], strides = [1, 1]} : vector<16x12xf32> to vector<16x1xf32>
    %slice3A_774 = vector.extract_strided_slice %get3A_624 {offsets = [0, 3], sizes = [16, 1], strides = [1, 1]} : vector<16x12xf32> to vector<16x1xf32>
    %sub3A_775 = arith.subf %slice3A_773, %slice3A_774 : vector<16x1xf32>
    %div3A_776 = vector.broadcast %sub3A_775 : vector<16x1xf32> to vector<16x5000xf32>
    %div3A_777 = arith.divf %sub3A_772, %div3A_776 : vector<16x5000xf32>
    %mul3A_778 = arith.mulf %div3A_769, %convert_element_type3A_651 : vector<16x5000xf32>
    %mul3A_779 = arith.mulf %div3A_777, %convert_element_type3A_660 : vector<16x5000xf32>
    %add3A_780 = arith.addf %mul3A_778, %mul3A_779 : vector<16x5000xf32>
    %slice3A_781 = vector.extract_strided_slice %get3A_624 {offsets = [0, 3], sizes = [16, 1], strides = [1, 1]} : vector<16x12xf32> to vector<16x1xf32>
    %sub3A_782 = vector.broadcast %slice3A_781 : vector<16x1xf32> to vector<16x5000xf32>
    %sub3A_783 = arith.subf %transpose3A, %sub3A_782 : vector<16x5000xf32>
    %slice3A_784 = vector.extract_strided_slice %get3A_624 {offsets = [0, 4], sizes = [16, 1], strides = [1, 1]} : vector<16x12xf32> to vector<16x1xf32>
    %slice3A_785 = vector.extract_strided_slice %get3A_624 {offsets = [0, 3], sizes = [16, 1], strides = [1, 1]} : vector<16x12xf32> to vector<16x1xf32>
    %sub3A_786 = arith.subf %slice3A_784, %slice3A_785 : vector<16x1xf32>
    %div3A_787 = vector.broadcast %sub3A_786 : vector<16x1xf32> to vector<16x5000xf32>
    %div3A_788 = arith.divf %sub3A_783, %div3A_787 : vector<16x5000xf32>
    %slice3A_789 = vector.extract_strided_slice %get3A_624 {offsets = [0, 5], sizes = [16, 1], strides = [1, 1]} : vector<16x12xf32> to vector<16x1xf32>
    %sub3A_790 = vector.broadcast %slice3A_789 : vector<16x1xf32> to vector<16x5000xf32>
    %sub3A_791 = arith.subf %sub3A_790, %transpose3A : vector<16x5000xf32>
    %slice3A_792 = vector.extract_strided_slice %get3A_624 {offsets = [0, 5], sizes = [16, 1], strides = [1, 1]} : vector<16x12xf32> to vector<16x1xf32>
    %slice3A_793 = vector.extract_strided_slice %get3A_624 {offsets = [0, 4], sizes = [16, 1], strides = [1, 1]} : vector<16x12xf32> to vector<16x1xf32>
    %sub3A_794 = arith.subf %slice3A_792, %slice3A_793 : vector<16x1xf32>
    %div3A_795 = vector.broadcast %sub3A_794 : vector<16x1xf32> to vector<16x5000xf32>
    %div3A_796 = arith.divf %sub3A_791, %div3A_795 : vector<16x5000xf32>
    %mul3A_797 = arith.mulf %div3A_788, %convert_element_type3A_660 : vector<16x5000xf32>
    %mul3A_798 = arith.mulf %div3A_796, %convert_element_type3A_669 : vector<16x5000xf32>
    %add3A_799 = arith.addf %mul3A_797, %mul3A_798 : vector<16x5000xf32>
    %slice3A_800 = vector.extract_strided_slice %get3A_624 {offsets = [0, 4], sizes = [16, 1], strides = [1, 1]} : vector<16x12xf32> to vector<16x1xf32>
    %sub3A_801 = vector.broadcast %slice3A_800 : vector<16x1xf32> to vector<16x5000xf32>
    %sub3A_802 = arith.subf %transpose3A, %sub3A_801 : vector<16x5000xf32>
    %slice3A_803 = vector.extract_strided_slice %get3A_624 {offsets = [0, 5], sizes = [16, 1], strides = [1, 1]} : vector<16x12xf32> to vector<16x1xf32>
    %slice3A_804 = vector.extract_strided_slice %get3A_624 {offsets = [0, 4], sizes = [16, 1], strides = [1, 1]} : vector<16x12xf32> to vector<16x1xf32>
    %sub3A_805 = arith.subf %slice3A_803, %slice3A_804 : vector<16x1xf32>
    %div3A_806 = vector.broadcast %sub3A_805 : vector<16x1xf32> to vector<16x5000xf32>
    %div3A_807 = arith.divf %sub3A_802, %div3A_806 : vector<16x5000xf32>
    %slice3A_808 = vector.extract_strided_slice %get3A_624 {offsets = [0, 6], sizes = [16, 1], strides = [1, 1]} : vector<16x12xf32> to vector<16x1xf32>
    %sub3A_809 = vector.broadcast %slice3A_808 : vector<16x1xf32> to vector<16x5000xf32>
    %sub3A_810 = arith.subf %sub3A_809, %transpose3A : vector<16x5000xf32>
    %slice3A_811 = vector.extract_strided_slice %get3A_624 {offsets = [0, 6], sizes = [16, 1], strides = [1, 1]} : vector<16x12xf32> to vector<16x1xf32>
    %slice3A_812 = vector.extract_strided_slice %get3A_624 {offsets = [0, 5], sizes = [16, 1], strides = [1, 1]} : vector<16x12xf32> to vector<16x1xf32>
    %sub3A_813 = arith.subf %slice3A_811, %slice3A_812 : vector<16x1xf32>
    %div3A_814 = vector.broadcast %sub3A_813 : vector<16x1xf32> to vector<16x5000xf32>
    %div3A_815 = arith.divf %sub3A_810, %div3A_814 : vector<16x5000xf32>
    %mul3A_816 = arith.mulf %div3A_807, %convert_element_type3A_669 : vector<16x5000xf32>
    %mul3A_817 = arith.mulf %div3A_815, %convert_element_type3A_678 : vector<16x5000xf32>
    %add3A_818 = arith.addf %mul3A_816, %mul3A_817 : vector<16x5000xf32>
    %slice3A_819 = vector.extract_strided_slice %get3A_624 {offsets = [0, 5], sizes = [16, 1], strides = [1, 1]} : vector<16x12xf32> to vector<16x1xf32>
    %sub3A_820 = vector.broadcast %slice3A_819 : vector<16x1xf32> to vector<16x5000xf32>
    %sub3A_821 = arith.subf %transpose3A, %sub3A_820 : vector<16x5000xf32>
    %slice3A_822 = vector.extract_strided_slice %get3A_624 {offsets = [0, 6], sizes = [16, 1], strides = [1, 1]} : vector<16x12xf32> to vector<16x1xf32>
    %slice3A_823 = vector.extract_strided_slice %get3A_624 {offsets = [0, 5], sizes = [16, 1], strides = [1, 1]} : vector<16x12xf32> to vector<16x1xf32>
    %sub3A_824 = arith.subf %slice3A_822, %slice3A_823 : vector<16x1xf32>
    %div3A_825 = vector.broadcast %sub3A_824 : vector<16x1xf32> to vector<16x5000xf32>
    %div3A_826 = arith.divf %sub3A_821, %div3A_825 : vector<16x5000xf32>
    %slice3A_827 = vector.extract_strided_slice %get3A_624 {offsets = [0, 7], sizes = [16, 1], strides = [1, 1]} : vector<16x12xf32> to vector<16x1xf32>
    %sub3A_828 = vector.broadcast %slice3A_827 : vector<16x1xf32> to vector<16x5000xf32>
    %sub3A_829 = arith.subf %sub3A_828, %transpose3A : vector<16x5000xf32>
    %slice3A_830 = vector.extract_strided_slice %get3A_624 {offsets = [0, 7], sizes = [16, 1], strides = [1, 1]} : vector<16x12xf32> to vector<16x1xf32>
    %slice3A_831 = vector.extract_strided_slice %get3A_624 {offsets = [0, 6], sizes = [16, 1], strides = [1, 1]} : vector<16x12xf32> to vector<16x1xf32>
    %sub3A_832 = arith.subf %slice3A_830, %slice3A_831 : vector<16x1xf32>
    %div3A_833 = vector.broadcast %sub3A_832 : vector<16x1xf32> to vector<16x5000xf32>
    %div3A_834 = arith.divf %sub3A_829, %div3A_833 : vector<16x5000xf32>
    %mul3A_835 = arith.mulf %div3A_826, %convert_element_type3A_678 : vector<16x5000xf32>
    %mul3A_836 = arith.mulf %div3A_834, %convert_element_type3A_687 : vector<16x5000xf32>
    %add3A_837 = arith.addf %mul3A_835, %mul3A_836 : vector<16x5000xf32>
    %slice3A_838 = vector.extract_strided_slice %get3A_624 {offsets = [0, 6], sizes = [16, 1], strides = [1, 1]} : vector<16x12xf32> to vector<16x1xf32>
    %sub3A_839 = vector.broadcast %slice3A_838 : vector<16x1xf32> to vector<16x5000xf32>
    %sub3A_840 = arith.subf %transpose3A, %sub3A_839 : vector<16x5000xf32>
    %slice3A_841 = vector.extract_strided_slice %get3A_624 {offsets = [0, 7], sizes = [16, 1], strides = [1, 1]} : vector<16x12xf32> to vector<16x1xf32>
    %slice3A_842 = vector.extract_strided_slice %get3A_624 {offsets = [0, 6], sizes = [16, 1], strides = [1, 1]} : vector<16x12xf32> to vector<16x1xf32>
    %sub3A_843 = arith.subf %slice3A_841, %slice3A_842 : vector<16x1xf32>
    %div3A_844 = vector.broadcast %sub3A_843 : vector<16x1xf32> to vector<16x5000xf32>
    %div3A_845 = arith.divf %sub3A_840, %div3A_844 : vector<16x5000xf32>
    %slice3A_846 = vector.extract_strided_slice %get3A_624 {offsets = [0, 8], sizes = [16, 1], strides = [1, 1]} : vector<16x12xf32> to vector<16x1xf32>
    %sub3A_847 = vector.broadcast %slice3A_846 : vector<16x1xf32> to vector<16x5000xf32>
    %sub3A_848 = arith.subf %sub3A_847, %transpose3A : vector<16x5000xf32>
    %slice3A_849 = vector.extract_strided_slice %get3A_624 {offsets = [0, 8], sizes = [16, 1], strides = [1, 1]} : vector<16x12xf32> to vector<16x1xf32>
    %slice3A_850 = vector.extract_strided_slice %get3A_624 {offsets = [0, 7], sizes = [16, 1], strides = [1, 1]} : vector<16x12xf32> to vector<16x1xf32>
    %sub3A_851 = arith.subf %slice3A_849, %slice3A_850 : vector<16x1xf32>
    %div3A_852 = vector.broadcast %sub3A_851 : vector<16x1xf32> to vector<16x5000xf32>
    %div3A_853 = arith.divf %sub3A_848, %div3A_852 : vector<16x5000xf32>
    %mul3A_854 = arith.mulf %div3A_845, %convert_element_type3A_687 : vector<16x5000xf32>
    %mul3A_855 = arith.mulf %div3A_853, %convert_element_type3A_696 : vector<16x5000xf32>
    %add3A_856 = arith.addf %mul3A_854, %mul3A_855 : vector<16x5000xf32>
    %slice3A_857 = vector.extract_strided_slice %get3A_624 {offsets = [0, 7], sizes = [16, 1], strides = [1, 1]} : vector<16x12xf32> to vector<16x1xf32>
    %sub3A_858 = vector.broadcast %slice3A_857 : vector<16x1xf32> to vector<16x5000xf32>
    %sub3A_859 = arith.subf %transpose3A, %sub3A_858 : vector<16x5000xf32>
    %slice3A_860 = vector.extract_strided_slice %get3A_624 {offsets = [0, 8], sizes = [16, 1], strides = [1, 1]} : vector<16x12xf32> to vector<16x1xf32>
    %slice3A_861 = vector.extract_strided_slice %get3A_624 {offsets = [0, 7], sizes = [16, 1], strides = [1, 1]} : vector<16x12xf32> to vector<16x1xf32>
    %sub3A_862 = arith.subf %slice3A_860, %slice3A_861 : vector<16x1xf32>
    %div3A_863 = vector.broadcast %sub3A_862 : vector<16x1xf32> to vector<16x5000xf32>
    %div3A_864 = arith.divf %sub3A_859, %div3A_863 : vector<16x5000xf32>
    %slice3A_865 = vector.extract_strided_slice %get3A_624 {offsets = [0, 9], sizes = [16, 1], strides = [1, 1]} : vector<16x12xf32> to vector<16x1xf32>
    %sub3A_866 = vector.broadcast %slice3A_865 : vector<16x1xf32> to vector<16x5000xf32>
    %sub3A_867 = arith.subf %sub3A_866, %transpose3A : vector<16x5000xf32>
    %slice3A_868 = vector.extract_strided_slice %get3A_624 {offsets = [0, 9], sizes = [16, 1], strides = [1, 1]} : vector<16x12xf32> to vector<16x1xf32>
    %slice3A_869 = vector.extract_strided_slice %get3A_624 {offsets = [0, 8], sizes = [16, 1], strides = [1, 1]} : vector<16x12xf32> to vector<16x1xf32>
    %sub3A_870 = arith.subf %slice3A_868, %slice3A_869 : vector<16x1xf32>
    %div3A_871 = vector.broadcast %sub3A_870 : vector<16x1xf32> to vector<16x5000xf32>
    %div3A_872 = arith.divf %sub3A_867, %div3A_871 : vector<16x5000xf32>
    %mul3A_873 = arith.mulf %div3A_864, %convert_element_type3A_696 : vector<16x5000xf32>
    %mul3A_874 = arith.mulf %div3A_872, %convert_element_type3A_705 : vector<16x5000xf32>
    %add3A_875 = arith.addf %mul3A_873, %mul3A_874 : vector<16x5000xf32>
    %slice3A_876 = vector.extract_strided_slice %get3A_624 {offsets = [0, 8], sizes = [16, 1], strides = [1, 1]} : vector<16x12xf32> to vector<16x1xf32>
    %sub3A_877 = vector.broadcast %slice3A_876 : vector<16x1xf32> to vector<16x5000xf32>
    %sub3A_878 = arith.subf %transpose3A, %sub3A_877 : vector<16x5000xf32>
    %slice3A_879 = vector.extract_strided_slice %get3A_624 {offsets = [0, 9], sizes = [16, 1], strides = [1, 1]} : vector<16x12xf32> to vector<16x1xf32>
    %slice3A_880 = vector.extract_strided_slice %get3A_624 {offsets = [0, 8], sizes = [16, 1], strides = [1, 1]} : vector<16x12xf32> to vector<16x1xf32>
    %sub3A_881 = arith.subf %slice3A_879, %slice3A_880 : vector<16x1xf32>
    %div3A_882 = vector.broadcast %sub3A_881 : vector<16x1xf32> to vector<16x5000xf32>
    %div3A_883 = arith.divf %sub3A_878, %div3A_882 : vector<16x5000xf32>
    %slice3A_884 = vector.extract_strided_slice %get3A_624 {offsets = [0, 10], sizes = [16, 1], strides = [1, 1]} : vector<16x12xf32> to vector<16x1xf32>
    %sub3A_885 = vector.broadcast %slice3A_884 : vector<16x1xf32> to vector<16x5000xf32>
    %sub3A_886 = arith.subf %sub3A_885, %transpose3A : vector<16x5000xf32>
    %slice3A_887 = vector.extract_strided_slice %get3A_624 {offsets = [0, 10], sizes = [16, 1], strides = [1, 1]} : vector<16x12xf32> to vector<16x1xf32>
    %slice3A_888 = vector.extract_strided_slice %get3A_624 {offsets = [0, 9], sizes = [16, 1], strides = [1, 1]} : vector<16x12xf32> to vector<16x1xf32>
    %sub3A_889 = arith.subf %slice3A_887, %slice3A_888 : vector<16x1xf32>
    %div3A_890 = vector.broadcast %sub3A_889 : vector<16x1xf32> to vector<16x5000xf32>
    %div3A_891 = arith.divf %sub3A_886, %div3A_890 : vector<16x5000xf32>
    %mul3A_892 = arith.mulf %div3A_883, %convert_element_type3A_705 : vector<16x5000xf32>
    %mul3A_893 = arith.mulf %div3A_891, %convert_element_type3A_714 : vector<16x5000xf32>
    %add3A_894 = arith.addf %mul3A_892, %mul3A_893 : vector<16x5000xf32>
    %slice3A_895 = vector.extract_strided_slice %get3A_624 {offsets = [0, 9], sizes = [16, 1], strides = [1, 1]} : vector<16x12xf32> to vector<16x1xf32>
    %sub3A_896 = vector.broadcast %slice3A_895 : vector<16x1xf32> to vector<16x5000xf32>
    %sub3A_897 = arith.subf %transpose3A, %sub3A_896 : vector<16x5000xf32>
    %slice3A_898 = vector.extract_strided_slice %get3A_624 {offsets = [0, 10], sizes = [16, 1], strides = [1, 1]} : vector<16x12xf32> to vector<16x1xf32>
    %slice3A_899 = vector.extract_strided_slice %get3A_624 {offsets = [0, 9], sizes = [16, 1], strides = [1, 1]} : vector<16x12xf32> to vector<16x1xf32>
    %sub3A_900 = arith.subf %slice3A_898, %slice3A_899 : vector<16x1xf32>
    %div3A_901 = vector.broadcast %sub3A_900 : vector<16x1xf32> to vector<16x5000xf32>
    %div3A_902 = arith.divf %sub3A_897, %div3A_901 : vector<16x5000xf32>
    %slice3A_903 = vector.extract_strided_slice %get3A_624 {offsets = [0, 11], sizes = [16, 1], strides = [1, 1]} : vector<16x12xf32> to vector<16x1xf32>
    %sub3A_904 = vector.broadcast %slice3A_903 : vector<16x1xf32> to vector<16x5000xf32>
    %sub3A_905 = arith.subf %sub3A_904, %transpose3A : vector<16x5000xf32>
    %slice3A_906 = vector.extract_strided_slice %get3A_624 {offsets = [0, 11], sizes = [16, 1], strides = [1, 1]} : vector<16x12xf32> to vector<16x1xf32>
    %slice3A_907 = vector.extract_strided_slice %get3A_624 {offsets = [0, 10], sizes = [16, 1], strides = [1, 1]} : vector<16x12xf32> to vector<16x1xf32>
    %sub3A_908 = arith.subf %slice3A_906, %slice3A_907 : vector<16x1xf32>
    %div3A_909 = vector.broadcast %sub3A_908 : vector<16x1xf32> to vector<16x5000xf32>
    %div3A_910 = arith.divf %sub3A_905, %div3A_909 : vector<16x5000xf32>
    %mul3A_911 = arith.mulf %div3A_902, %convert_element_type3A_714 : vector<16x5000xf32>
    %mul3A_912 = arith.mulf %div3A_910, %convert_element_type3A_723 : vector<16x5000xf32>
    %add3A_913 = arith.addf %mul3A_911, %mul3A_912 : vector<16x5000xf32>
    %slice3A_914 = vector.extract_strided_slice %get3A_624 {offsets = [0, 0], sizes = [16, 1], strides = [1, 1]} : vector<16x12xf32> to vector<16x1xf32>
    %sub3A_915 = vector.broadcast %slice3A_914 : vector<16x1xf32> to vector<16x5000xf32>
    %sub3A_916 = arith.subf %transpose3A, %sub3A_915 : vector<16x5000xf32>
    %slice3A_917 = vector.extract_strided_slice %get3A_624 {offsets = [0, 2], sizes = [16, 1], strides = [1, 1]} : vector<16x12xf32> to vector<16x1xf32>
    %slice3A_918 = vector.extract_strided_slice %get3A_624 {offsets = [0, 0], sizes = [16, 1], strides = [1, 1]} : vector<16x12xf32> to vector<16x1xf32>
    %sub3A_919 = arith.subf %slice3A_917, %slice3A_918 : vector<16x1xf32>
    %div3A_920 = vector.broadcast %sub3A_919 : vector<16x1xf32> to vector<16x5000xf32>
    %div3A_921 = arith.divf %sub3A_916, %div3A_920 : vector<16x5000xf32>
    %slice3A_922 = vector.extract_strided_slice %get3A_624 {offsets = [0, 3], sizes = [16, 1], strides = [1, 1]} : vector<16x12xf32> to vector<16x1xf32>
    %sub3A_923 = vector.broadcast %slice3A_922 : vector<16x1xf32> to vector<16x5000xf32>
    %sub3A_924 = arith.subf %sub3A_923, %transpose3A : vector<16x5000xf32>
    %slice3A_925 = vector.extract_strided_slice %get3A_624 {offsets = [0, 3], sizes = [16, 1], strides = [1, 1]} : vector<16x12xf32> to vector<16x1xf32>
    %slice3A_926 = vector.extract_strided_slice %get3A_624 {offsets = [0, 1], sizes = [16, 1], strides = [1, 1]} : vector<16x12xf32> to vector<16x1xf32>
    %sub3A_927 = arith.subf %slice3A_925, %slice3A_926 : vector<16x1xf32>
    %div3A_928 = vector.broadcast %sub3A_927 : vector<16x1xf32> to vector<16x5000xf32>
    %div3A_929 = arith.divf %sub3A_924, %div3A_928 : vector<16x5000xf32>
    %mul3A_930 = arith.mulf %div3A_921, %add3A_742 : vector<16x5000xf32>
    %mul3A_931 = arith.mulf %div3A_929, %add3A_761 : vector<16x5000xf32>
    %add3A_932 = arith.addf %mul3A_930, %mul3A_931 : vector<16x5000xf32>
    %slice3A_933 = vector.extract_strided_slice %get3A_624 {offsets = [0, 1], sizes = [16, 1], strides = [1, 1]} : vector<16x12xf32> to vector<16x1xf32>
    %sub3A_934 = vector.broadcast %slice3A_933 : vector<16x1xf32> to vector<16x5000xf32>
    %sub3A_935 = arith.subf %transpose3A, %sub3A_934 : vector<16x5000xf32>
    %slice3A_936 = vector.extract_strided_slice %get3A_624 {offsets = [0, 3], sizes = [16, 1], strides = [1, 1]} : vector<16x12xf32> to vector<16x1xf32>
    %slice3A_937 = vector.extract_strided_slice %get3A_624 {offsets = [0, 1], sizes = [16, 1], strides = [1, 1]} : vector<16x12xf32> to vector<16x1xf32>
    %sub3A_938 = arith.subf %slice3A_936, %slice3A_937 : vector<16x1xf32>
    %div3A_939 = vector.broadcast %sub3A_938 : vector<16x1xf32> to vector<16x5000xf32>
    %div3A_940 = arith.divf %sub3A_935, %div3A_939 : vector<16x5000xf32>
    %slice3A_941 = vector.extract_strided_slice %get3A_624 {offsets = [0, 4], sizes = [16, 1], strides = [1, 1]} : vector<16x12xf32> to vector<16x1xf32>
    %sub3A_942 = vector.broadcast %slice3A_941 : vector<16x1xf32> to vector<16x5000xf32>
    %sub3A_943 = arith.subf %sub3A_942, %transpose3A : vector<16x5000xf32>
    %slice3A_944 = vector.extract_strided_slice %get3A_624 {offsets = [0, 4], sizes = [16, 1], strides = [1, 1]} : vector<16x12xf32> to vector<16x1xf32>
    %slice3A_945 = vector.extract_strided_slice %get3A_624 {offsets = [0, 2], sizes = [16, 1], strides = [1, 1]} : vector<16x12xf32> to vector<16x1xf32>
    %sub3A_946 = arith.subf %slice3A_944, %slice3A_945 : vector<16x1xf32>
    %div3A_947 = vector.broadcast %sub3A_946 : vector<16x1xf32> to vector<16x5000xf32>
    %div3A_948 = arith.divf %sub3A_943, %div3A_947 : vector<16x5000xf32>
    %mul3A_949 = arith.mulf %div3A_940, %add3A_761 : vector<16x5000xf32>
    %mul3A_950 = arith.mulf %div3A_948, %add3A_780 : vector<16x5000xf32>
    %add3A_951 = arith.addf %mul3A_949, %mul3A_950 : vector<16x5000xf32>
    %slice3A_952 = vector.extract_strided_slice %get3A_624 {offsets = [0, 2], sizes = [16, 1], strides = [1, 1]} : vector<16x12xf32> to vector<16x1xf32>
    %sub3A_953 = vector.broadcast %slice3A_952 : vector<16x1xf32> to vector<16x5000xf32>
    %sub3A_954 = arith.subf %transpose3A, %sub3A_953 : vector<16x5000xf32>
    %slice3A_955 = vector.extract_strided_slice %get3A_624 {offsets = [0, 4], sizes = [16, 1], strides = [1, 1]} : vector<16x12xf32> to vector<16x1xf32>
    %slice3A_956 = vector.extract_strided_slice %get3A_624 {offsets = [0, 2], sizes = [16, 1], strides = [1, 1]} : vector<16x12xf32> to vector<16x1xf32>
    %sub3A_957 = arith.subf %slice3A_955, %slice3A_956 : vector<16x1xf32>
    %div3A_958 = vector.broadcast %sub3A_957 : vector<16x1xf32> to vector<16x5000xf32>
    %div3A_959 = arith.divf %sub3A_954, %div3A_958 : vector<16x5000xf32>
    %slice3A_960 = vector.extract_strided_slice %get3A_624 {offsets = [0, 5], sizes = [16, 1], strides = [1, 1]} : vector<16x12xf32> to vector<16x1xf32>
    %sub3A_961 = vector.broadcast %slice3A_960 : vector<16x1xf32> to vector<16x5000xf32>
    %sub3A_962 = arith.subf %sub3A_961, %transpose3A : vector<16x5000xf32>
    %slice3A_963 = vector.extract_strided_slice %get3A_624 {offsets = [0, 5], sizes = [16, 1], strides = [1, 1]} : vector<16x12xf32> to vector<16x1xf32>
    %slice3A_964 = vector.extract_strided_slice %get3A_624 {offsets = [0, 3], sizes = [16, 1], strides = [1, 1]} : vector<16x12xf32> to vector<16x1xf32>
    %sub3A_965 = arith.subf %slice3A_963, %slice3A_964 : vector<16x1xf32>
    %div3A_966 = vector.broadcast %sub3A_965 : vector<16x1xf32> to vector<16x5000xf32>
    %div3A_967 = arith.divf %sub3A_962, %div3A_966 : vector<16x5000xf32>
    %mul3A_968 = arith.mulf %div3A_959, %add3A_780 : vector<16x5000xf32>
    %mul3A_969 = arith.mulf %div3A_967, %add3A_799 : vector<16x5000xf32>
    %add3A_970 = arith.addf %mul3A_968, %mul3A_969 : vector<16x5000xf32>
    %slice3A_971 = vector.extract_strided_slice %get3A_624 {offsets = [0, 3], sizes = [16, 1], strides = [1, 1]} : vector<16x12xf32> to vector<16x1xf32>
    %sub3A_972 = vector.broadcast %slice3A_971 : vector<16x1xf32> to vector<16x5000xf32>
    %sub3A_973 = arith.subf %transpose3A, %sub3A_972 : vector<16x5000xf32>
    %slice3A_974 = vector.extract_strided_slice %get3A_624 {offsets = [0, 5], sizes = [16, 1], strides = [1, 1]} : vector<16x12xf32> to vector<16x1xf32>
    %slice3A_975 = vector.extract_strided_slice %get3A_624 {offsets = [0, 3], sizes = [16, 1], strides = [1, 1]} : vector<16x12xf32> to vector<16x1xf32>
    %sub3A_976 = arith.subf %slice3A_974, %slice3A_975 : vector<16x1xf32>
    %div3A_977 = vector.broadcast %sub3A_976 : vector<16x1xf32> to vector<16x5000xf32>
    %div3A_978 = arith.divf %sub3A_973, %div3A_977 : vector<16x5000xf32>
    %slice3A_979 = vector.extract_strided_slice %get3A_624 {offsets = [0, 6], sizes = [16, 1], strides = [1, 1]} : vector<16x12xf32> to vector<16x1xf32>
    %sub3A_980 = vector.broadcast %slice3A_979 : vector<16x1xf32> to vector<16x5000xf32>
    %sub3A_981 = arith.subf %sub3A_980, %transpose3A : vector<16x5000xf32>
    %slice3A_982 = vector.extract_strided_slice %get3A_624 {offsets = [0, 6], sizes = [16, 1], strides = [1, 1]} : vector<16x12xf32> to vector<16x1xf32>
    %slice3A_983 = vector.extract_strided_slice %get3A_624 {offsets = [0, 4], sizes = [16, 1], strides = [1, 1]} : vector<16x12xf32> to vector<16x1xf32>
    %sub3A_984 = arith.subf %slice3A_982, %slice3A_983 : vector<16x1xf32>
    %div3A_985 = vector.broadcast %sub3A_984 : vector<16x1xf32> to vector<16x5000xf32>
    %div3A_986 = arith.divf %sub3A_981, %div3A_985 : vector<16x5000xf32>
    %mul3A_987 = arith.mulf %div3A_978, %add3A_799 : vector<16x5000xf32>
    %mul3A_988 = arith.mulf %div3A_986, %add3A_818 : vector<16x5000xf32>
    %add3A_989 = arith.addf %mul3A_987, %mul3A_988 : vector<16x5000xf32>
    %slice3A_990 = vector.extract_strided_slice %get3A_624 {offsets = [0, 4], sizes = [16, 1], strides = [1, 1]} : vector<16x12xf32> to vector<16x1xf32>
    %sub3A_991 = vector.broadcast %slice3A_990 : vector<16x1xf32> to vector<16x5000xf32>
    %sub3A_992 = arith.subf %transpose3A, %sub3A_991 : vector<16x5000xf32>
    %slice3A_993 = vector.extract_strided_slice %get3A_624 {offsets = [0, 6], sizes = [16, 1], strides = [1, 1]} : vector<16x12xf32> to vector<16x1xf32>
    %slice3A_994 = vector.extract_strided_slice %get3A_624 {offsets = [0, 4], sizes = [16, 1], strides = [1, 1]} : vector<16x12xf32> to vector<16x1xf32>
    %sub3A_995 = arith.subf %slice3A_993, %slice3A_994 : vector<16x1xf32>
    %div3A_996 = vector.broadcast %sub3A_995 : vector<16x1xf32> to vector<16x5000xf32>
    %div3A_997 = arith.divf %sub3A_992, %div3A_996 : vector<16x5000xf32>
    %slice3A_998 = vector.extract_strided_slice %get3A_624 {offsets = [0, 7], sizes = [16, 1], strides = [1, 1]} : vector<16x12xf32> to vector<16x1xf32>
    %sub3A_999 = vector.broadcast %slice3A_998 : vector<16x1xf32> to vector<16x5000xf32>
    %sub3A_1000 = arith.subf %sub3A_999, %transpose3A : vector<16x5000xf32>
    %slice3A_1001 = vector.extract_strided_slice %get3A_624 {offsets = [0, 7], sizes = [16, 1], strides = [1, 1]} : vector<16x12xf32> to vector<16x1xf32>
    %slice3A_1002 = vector.extract_strided_slice %get3A_624 {offsets = [0, 5], sizes = [16, 1], strides = [1, 1]} : vector<16x12xf32> to vector<16x1xf32>
    %sub3A_1003 = arith.subf %slice3A_1001, %slice3A_1002 : vector<16x1xf32>
    %div3A_1004 = vector.broadcast %sub3A_1003 : vector<16x1xf32> to vector<16x5000xf32>
    %div3A_1005 = arith.divf %sub3A_1000, %div3A_1004 : vector<16x5000xf32>
    %mul3A_1006 = arith.mulf %div3A_997, %add3A_818 : vector<16x5000xf32>
    %mul3A_1007 = arith.mulf %div3A_1005, %add3A_837 : vector<16x5000xf32>
    %add3A_1008 = arith.addf %mul3A_1006, %mul3A_1007 : vector<16x5000xf32>
    %slice3A_1009 = vector.extract_strided_slice %get3A_624 {offsets = [0, 5], sizes = [16, 1], strides = [1, 1]} : vector<16x12xf32> to vector<16x1xf32>
    %sub3A_1010 = vector.broadcast %slice3A_1009 : vector<16x1xf32> to vector<16x5000xf32>
    %sub3A_1011 = arith.subf %transpose3A, %sub3A_1010 : vector<16x5000xf32>
    %slice3A_1012 = vector.extract_strided_slice %get3A_624 {offsets = [0, 7], sizes = [16, 1], strides = [1, 1]} : vector<16x12xf32> to vector<16x1xf32>
    %slice3A_1013 = vector.extract_strided_slice %get3A_624 {offsets = [0, 5], sizes = [16, 1], strides = [1, 1]} : vector<16x12xf32> to vector<16x1xf32>
    %sub3A_1014 = arith.subf %slice3A_1012, %slice3A_1013 : vector<16x1xf32>
    %div3A_1015 = vector.broadcast %sub3A_1014 : vector<16x1xf32> to vector<16x5000xf32>
    %div3A_1016 = arith.divf %sub3A_1011, %div3A_1015 : vector<16x5000xf32>
    %slice3A_1017 = vector.extract_strided_slice %get3A_624 {offsets = [0, 8], sizes = [16, 1], strides = [1, 1]} : vector<16x12xf32> to vector<16x1xf32>
    %sub3A_1018 = vector.broadcast %slice3A_1017 : vector<16x1xf32> to vector<16x5000xf32>
    %sub3A_1019 = arith.subf %sub3A_1018, %transpose3A : vector<16x5000xf32>
    %slice3A_1020 = vector.extract_strided_slice %get3A_624 {offsets = [0, 8], sizes = [16, 1], strides = [1, 1]} : vector<16x12xf32> to vector<16x1xf32>
    %slice3A_1021 = vector.extract_strided_slice %get3A_624 {offsets = [0, 6], sizes = [16, 1], strides = [1, 1]} : vector<16x12xf32> to vector<16x1xf32>
    %sub3A_1022 = arith.subf %slice3A_1020, %slice3A_1021 : vector<16x1xf32>
    %div3A_1023 = vector.broadcast %sub3A_1022 : vector<16x1xf32> to vector<16x5000xf32>
    %div3A_1024 = arith.divf %sub3A_1019, %div3A_1023 : vector<16x5000xf32>
    %mul3A_1025 = arith.mulf %div3A_1016, %add3A_837 : vector<16x5000xf32>
    %mul3A_1026 = arith.mulf %div3A_1024, %add3A_856 : vector<16x5000xf32>
    %add3A_1027 = arith.addf %mul3A_1025, %mul3A_1026 : vector<16x5000xf32>
    %slice3A_1028 = vector.extract_strided_slice %get3A_624 {offsets = [0, 6], sizes = [16, 1], strides = [1, 1]} : vector<16x12xf32> to vector<16x1xf32>
    %sub3A_1029 = vector.broadcast %slice3A_1028 : vector<16x1xf32> to vector<16x5000xf32>
    %sub3A_1030 = arith.subf %transpose3A, %sub3A_1029 : vector<16x5000xf32>
    %slice3A_1031 = vector.extract_strided_slice %get3A_624 {offsets = [0, 8], sizes = [16, 1], strides = [1, 1]} : vector<16x12xf32> to vector<16x1xf32>
    %slice3A_1032 = vector.extract_strided_slice %get3A_624 {offsets = [0, 6], sizes = [16, 1], strides = [1, 1]} : vector<16x12xf32> to vector<16x1xf32>
    %sub3A_1033 = arith.subf %slice3A_1031, %slice3A_1032 : vector<16x1xf32>
    %div3A_1034 = vector.broadcast %sub3A_1033 : vector<16x1xf32> to vector<16x5000xf32>
    %div3A_1035 = arith.divf %sub3A_1030, %div3A_1034 : vector<16x5000xf32>
    %slice3A_1036 = vector.extract_strided_slice %get3A_624 {offsets = [0, 9], sizes = [16, 1], strides = [1, 1]} : vector<16x12xf32> to vector<16x1xf32>
    %sub3A_1037 = vector.broadcast %slice3A_1036 : vector<16x1xf32> to vector<16x5000xf32>
    %sub3A_1038 = arith.subf %sub3A_1037, %transpose3A : vector<16x5000xf32>
    %slice3A_1039 = vector.extract_strided_slice %get3A_624 {offsets = [0, 9], sizes = [16, 1], strides = [1, 1]} : vector<16x12xf32> to vector<16x1xf32>
    %slice3A_1040 = vector.extract_strided_slice %get3A_624 {offsets = [0, 7], sizes = [16, 1], strides = [1, 1]} : vector<16x12xf32> to vector<16x1xf32>
    %sub3A_1041 = arith.subf %slice3A_1039, %slice3A_1040 : vector<16x1xf32>
    %div3A_1042 = vector.broadcast %sub3A_1041 : vector<16x1xf32> to vector<16x5000xf32>
    %div3A_1043 = arith.divf %sub3A_1038, %div3A_1042 : vector<16x5000xf32>
    %mul3A_1044 = arith.mulf %div3A_1035, %add3A_856 : vector<16x5000xf32>
    %mul3A_1045 = arith.mulf %div3A_1043, %add3A_875 : vector<16x5000xf32>
    %add3A_1046 = arith.addf %mul3A_1044, %mul3A_1045 : vector<16x5000xf32>
    %slice3A_1047 = vector.extract_strided_slice %get3A_624 {offsets = [0, 7], sizes = [16, 1], strides = [1, 1]} : vector<16x12xf32> to vector<16x1xf32>
    %sub3A_1048 = vector.broadcast %slice3A_1047 : vector<16x1xf32> to vector<16x5000xf32>
    %sub3A_1049 = arith.subf %transpose3A, %sub3A_1048 : vector<16x5000xf32>
    %slice3A_1050 = vector.extract_strided_slice %get3A_624 {offsets = [0, 9], sizes = [16, 1], strides = [1, 1]} : vector<16x12xf32> to vector<16x1xf32>
    %slice3A_1051 = vector.extract_strided_slice %get3A_624 {offsets = [0, 7], sizes = [16, 1], strides = [1, 1]} : vector<16x12xf32> to vector<16x1xf32>
    %sub3A_1052 = arith.subf %slice3A_1050, %slice3A_1051 : vector<16x1xf32>
    %div3A_1053 = vector.broadcast %sub3A_1052 : vector<16x1xf32> to vector<16x5000xf32>
    %div3A_1054 = arith.divf %sub3A_1049, %div3A_1053 : vector<16x5000xf32>
    %slice3A_1055 = vector.extract_strided_slice %get3A_624 {offsets = [0, 10], sizes = [16, 1], strides = [1, 1]} : vector<16x12xf32> to vector<16x1xf32>
    %sub3A_1056 = vector.broadcast %slice3A_1055 : vector<16x1xf32> to vector<16x5000xf32>
    %sub3A_1057 = arith.subf %sub3A_1056, %transpose3A : vector<16x5000xf32>
    %slice3A_1058 = vector.extract_strided_slice %get3A_624 {offsets = [0, 10], sizes = [16, 1], strides = [1, 1]} : vector<16x12xf32> to vector<16x1xf32>
    %slice3A_1059 = vector.extract_strided_slice %get3A_624 {offsets = [0, 8], sizes = [16, 1], strides = [1, 1]} : vector<16x12xf32> to vector<16x1xf32>
    %sub3A_1060 = arith.subf %slice3A_1058, %slice3A_1059 : vector<16x1xf32>
    %div3A_1061 = vector.broadcast %sub3A_1060 : vector<16x1xf32> to vector<16x5000xf32>
    %div3A_1062 = arith.divf %sub3A_1057, %div3A_1061 : vector<16x5000xf32>
    %mul3A_1063 = arith.mulf %div3A_1054, %add3A_875 : vector<16x5000xf32>
    %mul3A_1064 = arith.mulf %div3A_1062, %add3A_894 : vector<16x5000xf32>
    %add3A_1065 = arith.addf %mul3A_1063, %mul3A_1064 : vector<16x5000xf32>
    %slice3A_1066 = vector.extract_strided_slice %get3A_624 {offsets = [0, 8], sizes = [16, 1], strides = [1, 1]} : vector<16x12xf32> to vector<16x1xf32>
    %sub3A_1067 = vector.broadcast %slice3A_1066 : vector<16x1xf32> to vector<16x5000xf32>
    %sub3A_1068 = arith.subf %transpose3A, %sub3A_1067 : vector<16x5000xf32>
    %slice3A_1069 = vector.extract_strided_slice %get3A_624 {offsets = [0, 10], sizes = [16, 1], strides = [1, 1]} : vector<16x12xf32> to vector<16x1xf32>
    %slice3A_1070 = vector.extract_strided_slice %get3A_624 {offsets = [0, 8], sizes = [16, 1], strides = [1, 1]} : vector<16x12xf32> to vector<16x1xf32>
    %sub3A_1071 = arith.subf %slice3A_1069, %slice3A_1070 : vector<16x1xf32>
    %div3A_1072 = vector.broadcast %sub3A_1071 : vector<16x1xf32> to vector<16x5000xf32>
    %div3A_1073 = arith.divf %sub3A_1068, %div3A_1072 : vector<16x5000xf32>
    %slice3A_1074 = vector.extract_strided_slice %get3A_624 {offsets = [0, 11], sizes = [16, 1], strides = [1, 1]} : vector<16x12xf32> to vector<16x1xf32>
    %sub3A_1075 = vector.broadcast %slice3A_1074 : vector<16x1xf32> to vector<16x5000xf32>
    %sub3A_1076 = arith.subf %sub3A_1075, %transpose3A : vector<16x5000xf32>
    %slice3A_1077 = vector.extract_strided_slice %get3A_624 {offsets = [0, 11], sizes = [16, 1], strides = [1, 1]} : vector<16x12xf32> to vector<16x1xf32>
    %slice3A_1078 = vector.extract_strided_slice %get3A_624 {offsets = [0, 9], sizes = [16, 1], strides = [1, 1]} : vector<16x12xf32> to vector<16x1xf32>
    %sub3A_1079 = arith.subf %slice3A_1077, %slice3A_1078 : vector<16x1xf32>
    %div3A_1080 = vector.broadcast %sub3A_1079 : vector<16x1xf32> to vector<16x5000xf32>
    %div3A_1081 = arith.divf %sub3A_1076, %div3A_1080 : vector<16x5000xf32>
    %mul3A_1082 = arith.mulf %div3A_1073, %add3A_894 : vector<16x5000xf32>
    %mul3A_1083 = arith.mulf %div3A_1081, %add3A_913 : vector<16x5000xf32>
    %add3A_1084 = arith.addf %mul3A_1082, %mul3A_1083 : vector<16x5000xf32>
    %slice3A_1085 = vector.extract_strided_slice %get3A_624 {offsets = [0, 0], sizes = [16, 1], strides = [1, 1]} : vector<16x12xf32> to vector<16x1xf32>
    %sub3A_1086 = vector.broadcast %slice3A_1085 : vector<16x1xf32> to vector<16x5000xf32>
    %sub3A_1087 = arith.subf %transpose3A, %sub3A_1086 : vector<16x5000xf32>
    %slice3A_1088 = vector.extract_strided_slice %get3A_624 {offsets = [0, 3], sizes = [16, 1], strides = [1, 1]} : vector<16x12xf32> to vector<16x1xf32>
    %slice3A_1089 = vector.extract_strided_slice %get3A_624 {offsets = [0, 0], sizes = [16, 1], strides = [1, 1]} : vector<16x12xf32> to vector<16x1xf32>
    %sub3A_1090 = arith.subf %slice3A_1088, %slice3A_1089 : vector<16x1xf32>
    %div3A_1091 = vector.broadcast %sub3A_1090 : vector<16x1xf32> to vector<16x5000xf32>
    %div3A_1092 = arith.divf %sub3A_1087, %div3A_1091 : vector<16x5000xf32>
    %slice3A_1093 = vector.extract_strided_slice %get3A_624 {offsets = [0, 4], sizes = [16, 1], strides = [1, 1]} : vector<16x12xf32> to vector<16x1xf32>
    %sub3A_1094 = vector.broadcast %slice3A_1093 : vector<16x1xf32> to vector<16x5000xf32>
    %sub3A_1095 = arith.subf %sub3A_1094, %transpose3A : vector<16x5000xf32>
    %slice3A_1096 = vector.extract_strided_slice %get3A_624 {offsets = [0, 4], sizes = [16, 1], strides = [1, 1]} : vector<16x12xf32> to vector<16x1xf32>
    %slice3A_1097 = vector.extract_strided_slice %get3A_624 {offsets = [0, 1], sizes = [16, 1], strides = [1, 1]} : vector<16x12xf32> to vector<16x1xf32>
    %sub3A_1098 = arith.subf %slice3A_1096, %slice3A_1097 : vector<16x1xf32>
    %div3A_1099 = vector.broadcast %sub3A_1098 : vector<16x1xf32> to vector<16x5000xf32>
    %div3A_1100 = arith.divf %sub3A_1095, %div3A_1099 : vector<16x5000xf32>
    %mul3A_1101 = arith.mulf %div3A_1092, %add3A_932 : vector<16x5000xf32>
    %mul3A_1102 = arith.mulf %div3A_1100, %add3A_951 : vector<16x5000xf32>
    %add3A_1103 = arith.addf %mul3A_1101, %mul3A_1102 : vector<16x5000xf32>
    %slice3A_1104 = vector.extract_strided_slice %get3A_624 {offsets = [0, 1], sizes = [16, 1], strides = [1, 1]} : vector<16x12xf32> to vector<16x1xf32>
    %sub3A_1105 = vector.broadcast %slice3A_1104 : vector<16x1xf32> to vector<16x5000xf32>
    %sub3A_1106 = arith.subf %transpose3A, %sub3A_1105 : vector<16x5000xf32>
    %slice3A_1107 = vector.extract_strided_slice %get3A_624 {offsets = [0, 4], sizes = [16, 1], strides = [1, 1]} : vector<16x12xf32> to vector<16x1xf32>
    %slice3A_1108 = vector.extract_strided_slice %get3A_624 {offsets = [0, 1], sizes = [16, 1], strides = [1, 1]} : vector<16x12xf32> to vector<16x1xf32>
    %sub3A_1109 = arith.subf %slice3A_1107, %slice3A_1108 : vector<16x1xf32>
    %div3A_1110 = vector.broadcast %sub3A_1109 : vector<16x1xf32> to vector<16x5000xf32>
    %div3A_1111 = arith.divf %sub3A_1106, %div3A_1110 : vector<16x5000xf32>
    %slice3A_1112 = vector.extract_strided_slice %get3A_624 {offsets = [0, 5], sizes = [16, 1], strides = [1, 1]} : vector<16x12xf32> to vector<16x1xf32>
    %sub3A_1113 = vector.broadcast %slice3A_1112 : vector<16x1xf32> to vector<16x5000xf32>
    %sub3A_1114 = arith.subf %sub3A_1113, %transpose3A : vector<16x5000xf32>
    %slice3A_1115 = vector.extract_strided_slice %get3A_624 {offsets = [0, 5], sizes = [16, 1], strides = [1, 1]} : vector<16x12xf32> to vector<16x1xf32>
    %slice3A_1116 = vector.extract_strided_slice %get3A_624 {offsets = [0, 2], sizes = [16, 1], strides = [1, 1]} : vector<16x12xf32> to vector<16x1xf32>
    %sub3A_1117 = arith.subf %slice3A_1115, %slice3A_1116 : vector<16x1xf32>
    %div3A_1118 = vector.broadcast %sub3A_1117 : vector<16x1xf32> to vector<16x5000xf32>
    %div3A_1119 = arith.divf %sub3A_1114, %div3A_1118 : vector<16x5000xf32>
    %mul3A_1120 = arith.mulf %div3A_1111, %add3A_951 : vector<16x5000xf32>
    %mul3A_1121 = arith.mulf %div3A_1119, %add3A_970 : vector<16x5000xf32>
    %add3A_1122 = arith.addf %mul3A_1120, %mul3A_1121 : vector<16x5000xf32>
    %slice3A_1123 = vector.extract_strided_slice %get3A_624 {offsets = [0, 2], sizes = [16, 1], strides = [1, 1]} : vector<16x12xf32> to vector<16x1xf32>
    %sub3A_1124 = vector.broadcast %slice3A_1123 : vector<16x1xf32> to vector<16x5000xf32>
    %sub3A_1125 = arith.subf %transpose3A, %sub3A_1124 : vector<16x5000xf32>
    %slice3A_1126 = vector.extract_strided_slice %get3A_624 {offsets = [0, 5], sizes = [16, 1], strides = [1, 1]} : vector<16x12xf32> to vector<16x1xf32>
    %slice3A_1127 = vector.extract_strided_slice %get3A_624 {offsets = [0, 2], sizes = [16, 1], strides = [1, 1]} : vector<16x12xf32> to vector<16x1xf32>
    %sub3A_1128 = arith.subf %slice3A_1126, %slice3A_1127 : vector<16x1xf32>
    %div3A_1129 = vector.broadcast %sub3A_1128 : vector<16x1xf32> to vector<16x5000xf32>
    %div3A_1130 = arith.divf %sub3A_1125, %div3A_1129 : vector<16x5000xf32>
    %slice3A_1131 = vector.extract_strided_slice %get3A_624 {offsets = [0, 6], sizes = [16, 1], strides = [1, 1]} : vector<16x12xf32> to vector<16x1xf32>
    %sub3A_1132 = vector.broadcast %slice3A_1131 : vector<16x1xf32> to vector<16x5000xf32>
    %sub3A_1133 = arith.subf %sub3A_1132, %transpose3A : vector<16x5000xf32>
    %slice3A_1134 = vector.extract_strided_slice %get3A_624 {offsets = [0, 6], sizes = [16, 1], strides = [1, 1]} : vector<16x12xf32> to vector<16x1xf32>
    %slice3A_1135 = vector.extract_strided_slice %get3A_624 {offsets = [0, 3], sizes = [16, 1], strides = [1, 1]} : vector<16x12xf32> to vector<16x1xf32>
    %sub3A_1136 = arith.subf %slice3A_1134, %slice3A_1135 : vector<16x1xf32>
    %div3A_1137 = vector.broadcast %sub3A_1136 : vector<16x1xf32> to vector<16x5000xf32>
    %div3A_1138 = arith.divf %sub3A_1133, %div3A_1137 : vector<16x5000xf32>
    %mul3A_1139 = arith.mulf %div3A_1130, %add3A_970 : vector<16x5000xf32>
    %mul3A_1140 = arith.mulf %div3A_1138, %add3A_989 : vector<16x5000xf32>
    %add3A_1141 = arith.addf %mul3A_1139, %mul3A_1140 : vector<16x5000xf32>
    %slice3A_1142 = vector.extract_strided_slice %get3A_624 {offsets = [0, 3], sizes = [16, 1], strides = [1, 1]} : vector<16x12xf32> to vector<16x1xf32>
    %sub3A_1143 = vector.broadcast %slice3A_1142 : vector<16x1xf32> to vector<16x5000xf32>
    %sub3A_1144 = arith.subf %transpose3A, %sub3A_1143 : vector<16x5000xf32>
    %slice3A_1145 = vector.extract_strided_slice %get3A_624 {offsets = [0, 6], sizes = [16, 1], strides = [1, 1]} : vector<16x12xf32> to vector<16x1xf32>
    %slice3A_1146 = vector.extract_strided_slice %get3A_624 {offsets = [0, 3], sizes = [16, 1], strides = [1, 1]} : vector<16x12xf32> to vector<16x1xf32>
    %sub3A_1147 = arith.subf %slice3A_1145, %slice3A_1146 : vector<16x1xf32>
    %div3A_1148 = vector.broadcast %sub3A_1147 : vector<16x1xf32> to vector<16x5000xf32>
    %div3A_1149 = arith.divf %sub3A_1144, %div3A_1148 : vector<16x5000xf32>
    %slice3A_1150 = vector.extract_strided_slice %get3A_624 {offsets = [0, 7], sizes = [16, 1], strides = [1, 1]} : vector<16x12xf32> to vector<16x1xf32>
    %sub3A_1151 = vector.broadcast %slice3A_1150 : vector<16x1xf32> to vector<16x5000xf32>
    %sub3A_1152 = arith.subf %sub3A_1151, %transpose3A : vector<16x5000xf32>
    %slice3A_1153 = vector.extract_strided_slice %get3A_624 {offsets = [0, 7], sizes = [16, 1], strides = [1, 1]} : vector<16x12xf32> to vector<16x1xf32>
    %slice3A_1154 = vector.extract_strided_slice %get3A_624 {offsets = [0, 4], sizes = [16, 1], strides = [1, 1]} : vector<16x12xf32> to vector<16x1xf32>
    %sub3A_1155 = arith.subf %slice3A_1153, %slice3A_1154 : vector<16x1xf32>
    %div3A_1156 = vector.broadcast %sub3A_1155 : vector<16x1xf32> to vector<16x5000xf32>
    %div3A_1157 = arith.divf %sub3A_1152, %div3A_1156 : vector<16x5000xf32>
    %mul3A_1158 = arith.mulf %div3A_1149, %add3A_989 : vector<16x5000xf32>
    %mul3A_1159 = arith.mulf %div3A_1157, %add3A_1008 : vector<16x5000xf32>
    %add3A_1160 = arith.addf %mul3A_1158, %mul3A_1159 : vector<16x5000xf32>
    %slice3A_1161 = vector.extract_strided_slice %get3A_624 {offsets = [0, 4], sizes = [16, 1], strides = [1, 1]} : vector<16x12xf32> to vector<16x1xf32>
    %sub3A_1162 = vector.broadcast %slice3A_1161 : vector<16x1xf32> to vector<16x5000xf32>
    %sub3A_1163 = arith.subf %transpose3A, %sub3A_1162 : vector<16x5000xf32>
    %slice3A_1164 = vector.extract_strided_slice %get3A_624 {offsets = [0, 7], sizes = [16, 1], strides = [1, 1]} : vector<16x12xf32> to vector<16x1xf32>
    %slice3A_1165 = vector.extract_strided_slice %get3A_624 {offsets = [0, 4], sizes = [16, 1], strides = [1, 1]} : vector<16x12xf32> to vector<16x1xf32>
    %sub3A_1166 = arith.subf %slice3A_1164, %slice3A_1165 : vector<16x1xf32>
    %div3A_1167 = vector.broadcast %sub3A_1166 : vector<16x1xf32> to vector<16x5000xf32>
    %div3A_1168 = arith.divf %sub3A_1163, %div3A_1167 : vector<16x5000xf32>
    %slice3A_1169 = vector.extract_strided_slice %get3A_624 {offsets = [0, 8], sizes = [16, 1], strides = [1, 1]} : vector<16x12xf32> to vector<16x1xf32>
    %sub3A_1170 = vector.broadcast %slice3A_1169 : vector<16x1xf32> to vector<16x5000xf32>
    %sub3A_1171 = arith.subf %sub3A_1170, %transpose3A : vector<16x5000xf32>
    %slice3A_1172 = vector.extract_strided_slice %get3A_624 {offsets = [0, 8], sizes = [16, 1], strides = [1, 1]} : vector<16x12xf32> to vector<16x1xf32>
    %slice3A_1173 = vector.extract_strided_slice %get3A_624 {offsets = [0, 5], sizes = [16, 1], strides = [1, 1]} : vector<16x12xf32> to vector<16x1xf32>
    %sub3A_1174 = arith.subf %slice3A_1172, %slice3A_1173 : vector<16x1xf32>
    %div3A_1175 = vector.broadcast %sub3A_1174 : vector<16x1xf32> to vector<16x5000xf32>
    %div3A_1176 = arith.divf %sub3A_1171, %div3A_1175 : vector<16x5000xf32>
    %mul3A_1177 = arith.mulf %div3A_1168, %add3A_1008 : vector<16x5000xf32>
    %mul3A_1178 = arith.mulf %div3A_1176, %add3A_1027 : vector<16x5000xf32>
    %add3A_1179 = arith.addf %mul3A_1177, %mul3A_1178 : vector<16x5000xf32>
    %slice3A_1180 = vector.extract_strided_slice %get3A_624 {offsets = [0, 5], sizes = [16, 1], strides = [1, 1]} : vector<16x12xf32> to vector<16x1xf32>
    %sub3A_1181 = vector.broadcast %slice3A_1180 : vector<16x1xf32> to vector<16x5000xf32>
    %sub3A_1182 = arith.subf %transpose3A, %sub3A_1181 : vector<16x5000xf32>
    %slice3A_1183 = vector.extract_strided_slice %get3A_624 {offsets = [0, 8], sizes = [16, 1], strides = [1, 1]} : vector<16x12xf32> to vector<16x1xf32>
    %slice3A_1184 = vector.extract_strided_slice %get3A_624 {offsets = [0, 5], sizes = [16, 1], strides = [1, 1]} : vector<16x12xf32> to vector<16x1xf32>
    %sub3A_1185 = arith.subf %slice3A_1183, %slice3A_1184 : vector<16x1xf32>
    %div3A_1186 = vector.broadcast %sub3A_1185 : vector<16x1xf32> to vector<16x5000xf32>
    %div3A_1187 = arith.divf %sub3A_1182, %div3A_1186 : vector<16x5000xf32>
    %slice3A_1188 = vector.extract_strided_slice %get3A_624 {offsets = [0, 9], sizes = [16, 1], strides = [1, 1]} : vector<16x12xf32> to vector<16x1xf32>
    %sub3A_1189 = vector.broadcast %slice3A_1188 : vector<16x1xf32> to vector<16x5000xf32>
    %sub3A_1190 = arith.subf %sub3A_1189, %transpose3A : vector<16x5000xf32>
    %slice3A_1191 = vector.extract_strided_slice %get3A_624 {offsets = [0, 9], sizes = [16, 1], strides = [1, 1]} : vector<16x12xf32> to vector<16x1xf32>
    %slice3A_1192 = vector.extract_strided_slice %get3A_624 {offsets = [0, 6], sizes = [16, 1], strides = [1, 1]} : vector<16x12xf32> to vector<16x1xf32>
    %sub3A_1193 = arith.subf %slice3A_1191, %slice3A_1192 : vector<16x1xf32>
    %div3A_1194 = vector.broadcast %sub3A_1193 : vector<16x1xf32> to vector<16x5000xf32>
    %div3A_1195 = arith.divf %sub3A_1190, %div3A_1194 : vector<16x5000xf32>
    %mul3A_1196 = arith.mulf %div3A_1187, %add3A_1027 : vector<16x5000xf32>
    %mul3A_1197 = arith.mulf %div3A_1195, %add3A_1046 : vector<16x5000xf32>
    %add3A_1198 = arith.addf %mul3A_1196, %mul3A_1197 : vector<16x5000xf32>
    %slice3A_1199 = vector.extract_strided_slice %get3A_624 {offsets = [0, 6], sizes = [16, 1], strides = [1, 1]} : vector<16x12xf32> to vector<16x1xf32>
    %sub3A_1200 = vector.broadcast %slice3A_1199 : vector<16x1xf32> to vector<16x5000xf32>
    %sub3A_1201 = arith.subf %transpose3A, %sub3A_1200 : vector<16x5000xf32>
    %slice3A_1202 = vector.extract_strided_slice %get3A_624 {offsets = [0, 9], sizes = [16, 1], strides = [1, 1]} : vector<16x12xf32> to vector<16x1xf32>
    %slice3A_1203 = vector.extract_strided_slice %get3A_624 {offsets = [0, 6], sizes = [16, 1], strides = [1, 1]} : vector<16x12xf32> to vector<16x1xf32>
    %sub3A_1204 = arith.subf %slice3A_1202, %slice3A_1203 : vector<16x1xf32>
    %div3A_1205 = vector.broadcast %sub3A_1204 : vector<16x1xf32> to vector<16x5000xf32>
    %div3A_1206 = arith.divf %sub3A_1201, %div3A_1205 : vector<16x5000xf32>
    %slice3A_1207 = vector.extract_strided_slice %get3A_624 {offsets = [0, 10], sizes = [16, 1], strides = [1, 1]} : vector<16x12xf32> to vector<16x1xf32>
    %sub3A_1208 = vector.broadcast %slice3A_1207 : vector<16x1xf32> to vector<16x5000xf32>
    %sub3A_1209 = arith.subf %sub3A_1208, %transpose3A : vector<16x5000xf32>
    %slice3A_1210 = vector.extract_strided_slice %get3A_624 {offsets = [0, 10], sizes = [16, 1], strides = [1, 1]} : vector<16x12xf32> to vector<16x1xf32>
    %slice3A_1211 = vector.extract_strided_slice %get3A_624 {offsets = [0, 7], sizes = [16, 1], strides = [1, 1]} : vector<16x12xf32> to vector<16x1xf32>
    %sub3A_1212 = arith.subf %slice3A_1210, %slice3A_1211 : vector<16x1xf32>
    %div3A_1213 = vector.broadcast %sub3A_1212 : vector<16x1xf32> to vector<16x5000xf32>
    %div3A_1214 = arith.divf %sub3A_1209, %div3A_1213 : vector<16x5000xf32>
    %mul3A_1215 = arith.mulf %div3A_1206, %add3A_1046 : vector<16x5000xf32>
    %mul3A_1216 = arith.mulf %div3A_1214, %add3A_1065 : vector<16x5000xf32>
    %add3A_1217 = arith.addf %mul3A_1215, %mul3A_1216 : vector<16x5000xf32>
    %slice3A_1218 = vector.extract_strided_slice %get3A_624 {offsets = [0, 7], sizes = [16, 1], strides = [1, 1]} : vector<16x12xf32> to vector<16x1xf32>
    %sub3A_1219 = vector.broadcast %slice3A_1218 : vector<16x1xf32> to vector<16x5000xf32>
    %sub3A_1220 = arith.subf %transpose3A, %sub3A_1219 : vector<16x5000xf32>
    %slice3A_1221 = vector.extract_strided_slice %get3A_624 {offsets = [0, 10], sizes = [16, 1], strides = [1, 1]} : vector<16x12xf32> to vector<16x1xf32>
    %slice3A_1222 = vector.extract_strided_slice %get3A_624 {offsets = [0, 7], sizes = [16, 1], strides = [1, 1]} : vector<16x12xf32> to vector<16x1xf32>
    %sub3A_1223 = arith.subf %slice3A_1221, %slice3A_1222 : vector<16x1xf32>
    %div3A_1224 = vector.broadcast %sub3A_1223 : vector<16x1xf32> to vector<16x5000xf32>
    %div3A_1225 = arith.divf %sub3A_1220, %div3A_1224 : vector<16x5000xf32>
    %slice3A_1226 = vector.extract_strided_slice %get3A_624 {offsets = [0, 11], sizes = [16, 1], strides = [1, 1]} : vector<16x12xf32> to vector<16x1xf32>
    %sub3A_1227 = vector.broadcast %slice3A_1226 : vector<16x1xf32> to vector<16x5000xf32>
    %sub3A_1228 = arith.subf %sub3A_1227, %transpose3A : vector<16x5000xf32>
    %slice3A_1229 = vector.extract_strided_slice %get3A_624 {offsets = [0, 11], sizes = [16, 1], strides = [1, 1]} : vector<16x12xf32> to vector<16x1xf32>
    %slice3A_1230 = vector.extract_strided_slice %get3A_624 {offsets = [0, 8], sizes = [16, 1], strides = [1, 1]} : vector<16x12xf32> to vector<16x1xf32>
    %sub3A_1231 = arith.subf %slice3A_1229, %slice3A_1230 : vector<16x1xf32>
    %div3A_1232 = vector.broadcast %sub3A_1231 : vector<16x1xf32> to vector<16x5000xf32>
    %div3A_1233 = arith.divf %sub3A_1228, %div3A_1232 : vector<16x5000xf32>
    %mul3A_1234 = arith.mulf %div3A_1225, %add3A_1065 : vector<16x5000xf32>
    %mul3A_1235 = arith.mulf %div3A_1233, %add3A_1084 : vector<16x5000xf32>
    %add3A_1236 = arith.addf %mul3A_1234, %mul3A_1235 : vector<16x5000xf32>
    %stack3A_1237 = vector.shape_cast %add3A_1103 : vector<16x5000xf32> to vector<16x1x5000xf32>
    %stack3A_1238 = vector.shape_cast %add3A_1122 : vector<16x5000xf32> to vector<16x1x5000xf32>
    %stack3A_1239 = vector.shape_cast %add3A_1141 : vector<16x5000xf32> to vector<16x1x5000xf32>
    %stack3A_1240 = vector.shape_cast %add3A_1160 : vector<16x5000xf32> to vector<16x1x5000xf32>
    %stack3A_1241 = vector.shape_cast %add3A_1179 : vector<16x5000xf32> to vector<16x1x5000xf32>
    %stack3A_1242 = vector.shape_cast %add3A_1198 : vector<16x5000xf32> to vector<16x1x5000xf32>
    %stack3A_1243 = vector.shape_cast %add3A_1217 : vector<16x5000xf32> to vector<16x1x5000xf32>
    %stack3A_1244 = vector.shape_cast %add3A_1236 : vector<16x5000xf32> to vector<16x1x5000xf32>
    %stack3A_1245 = tpu.concatenate %stack3A_1237, %stack3A_1238, %stack3A_1239, %stack3A_1240, %stack3A_1241, %stack3A_1242, %stack3A_1243, %stack3A_1244 in 1 : vector<16x1x5000xf32>, vector<16x1x5000xf32>, vector<16x1x5000xf32>, vector<16x1x5000xf32>, vector<16x1x5000xf32>, vector<16x1x5000xf32>, vector<16x1x5000xf32>, vector<16x1x5000xf32> -> vector<16x8x5000xf32>
    %reshape3A_1246 = vector.shape_cast %stack3A_1245 : vector<16x8x5000xf32> to vector<128x5000xf32>
    %dot_general3A = arith.constant dense<0.000000e+00> : vector<128x128xf32>
    %dot_general3A_1247 = tpu.matmul %reshape3A_1246, %reshape3A_1246, %dot_general3A {dimension_numbers = #tpu.dot_dimension_numbers<[1], [1], [0], [0], [0, 0, 1, 0], [], []>, transpose_lhs_hint = false} : vector<128x5000xf32>, vector<128x5000xf32>, vector<128x128xf32> -> vector<128x128xf32>
    %dot_general3A_1248 = arith.constant dense<0.000000e+00> : vector<128x128xf32>
    %dot_general3A_1249 = tpu.matmul %reshape3A_1246, %reshape3A, %dot_general3A_1248 {dimension_numbers = #tpu.dot_dimension_numbers<[1], [1], [0], [0], [0, 0, 1, 0], [], []>, transpose_lhs_hint = false} : vector<128x5000xf32>, vector<128x5000xf32>, vector<128x128xf32> -> vector<128x128xf32>
    %eq3A = arith.constant 0 : i32
    %eq3A_1250 = arith.cmpi eq, %arg1, %eq3A : i32
    %convert_element_type3A_1251 = arith.extui %eq3A_1250 : i1 to i32
    %cond3A = arith.constant 0 : i32
    %cond3A_1252 = arith.cmpi ne, %convert_element_type3A_1251, %cond3A : i32
    scf.if %cond3A_1252 {
      %swap3A = arith.constant 0 : index
      %swap3A_1257 = arith.constant 0 : index
      %swap3A_1258 = arith.constant 0 : index
      %swap3A_1259 = vector.load %arg5[%swap3A, %swap3A_1257, %swap3A_1258] : memref<1x128x128xf32, #tpu.memory_space<vmem>>, vector<1x128x128xf32>
      %swap3A_1260 = vector.shape_cast %swap3A_1259 : vector<1x128x128xf32> to vector<128x128xf32>
      %swap3A_1261 = vector.shape_cast %dot_general3A_1247 : vector<128x128xf32> to vector<1x128x128xf32>
      tpu.vector_store %arg5[%swap3A, %swap3A_1257, %swap3A_1258], %swap3A_1261 {strides = array<i32>} : memref<1x128x128xf32, #tpu.memory_space<vmem>>, vector<1x128x128xf32>,
      %swap3A_1262 = arith.constant 0 : index
      %swap3A_1263 = arith.constant 0 : index
      %swap3A_1264 = arith.constant 0 : index
      %swap3A_1265 = vector.load %arg6[%swap3A_1262, %swap3A_1263, %swap3A_1264] : memref<1x128x128xf32, #tpu.memory_space<vmem>>, vector<1x128x128xf32>
      %swap3A_1266 = vector.shape_cast %swap3A_1265 : vector<1x128x128xf32> to vector<128x128xf32>
      %swap3A_1267 = vector.shape_cast %dot_general3A_1249 : vector<128x128xf32> to vector<1x128x128xf32>
      tpu.vector_store %arg6[%swap3A_1262, %swap3A_1263, %swap3A_1264], %swap3A_1267 {strides = array<i32>} : memref<1x128x128xf32, #tpu.memory_space<vmem>>, vector<1x128x128xf32>,
    } else {
    }
    %ne3A = arith.constant 0 : i32
    %ne3A_1253 = arith.cmpi ne, %arg1, %ne3A : i32
    %convert_element_type3A_1254 = arith.extui %ne3A_1253 : i1 to i32
    %cond3A_1255 = arith.constant 0 : i32
    %cond3A_1256 = arith.cmpi ne, %convert_element_type3A_1254, %cond3A_1255 : i32
    scf.if %cond3A_1256 {
      %get3A_1257 = arith.constant 0 : index
      %get3A_1258 = arith.constant 0 : index
      %get3A_1259 = arith.constant 0 : index
      %get3A_1260 = vector.load %arg5[%get3A_1257, %get3A_1258, %get3A_1259] : memref<1x128x128xf32, #tpu.memory_space<vmem>>, vector<1x128x128xf32>
      %get3A_1261 = vector.shape_cast %get3A_1260 : vector<1x128x128xf32> to vector<128x128xf32>
      %add3A_1262 = arith.addf %get3A_1261, %dot_general3A_1247 : vector<128x128xf32>
      %swap3A = arith.constant 0 : index
      %swap3A_1263 = arith.constant 0 : index
      %swap3A_1264 = arith.constant 0 : index
      %swap3A_1265 = vector.load %arg5[%swap3A, %swap3A_1263, %swap3A_1264] : memref<1x128x128xf32, #tpu.memory_space<vmem>>, vector<1x128x128xf32>
      %swap3A_1266 = vector.shape_cast %swap3A_1265 : vector<1x128x128xf32> to vector<128x128xf32>
      %swap3A_1267 = vector.shape_cast %add3A_1262 : vector<128x128xf32> to vector<1x128x128xf32>
      tpu.vector_store %arg5[%swap3A, %swap3A_1263, %swap3A_1264], %swap3A_1267 {strides = array<i32>} : memref<1x128x128xf32, #tpu.memory_space<vmem>>, vector<1x128x128xf32>,
      %get3A_1268 = arith.constant 0 : index
      %get3A_1269 = arith.constant 0 : index
      %get3A_1270 = arith.constant 0 : index
      %get3A_1271 = vector.load %arg6[%get3A_1268, %get3A_1269, %get3A_1270] : memref<1x128x128xf32, #tpu.memory_space<vmem>>, vector<1x128x128xf32>
      %get3A_1272 = vector.shape_cast %get3A_1271 : vector<1x128x128xf32> to vector<128x128xf32>
      %add3A_1273 = arith.addf %get3A_1272, %dot_general3A_1249 : vector<128x128xf32>
      %swap3A_1274 = arith.constant 0 : index
      %swap3A_1275 = arith.constant 0 : index
      %swap3A_1276 = arith.constant 0 : index
      %swap3A_1277 = vector.load %arg6[%swap3A_1274, %swap3A_1275, %swap3A_1276] : memref<1x128x128xf32, #tpu.memory_space<vmem>>, vector<1x128x128xf32>
      %swap3A_1278 = vector.shape_cast %swap3A_1277 : vector<1x128x128xf32> to vector<128x128xf32>
      %swap3A_1279 = vector.shape_cast %add3A_1273 : vector<128x128xf32> to vector<1x128x128xf32>
      tpu.vector_store %arg6[%swap3A_1274, %swap3A_1275, %swap3A_1276], %swap3A_1279 {strides = array<i32>} : memref<1x128x128xf32, #tpu.memory_space<vmem>>, vector<1x128x128xf32>,
    } else {
    }
    return
  }
  func.func @transform_0(%arg0: i32, %arg1: i32) -> (i32, i32, i32) {
    %c0_i32 = arith.constant 0 : i32
    %c0_i32_0 = arith.constant 0 : i32
    return %arg0, %arg1, %c0_i32 : i32, i32, i32
  }
  func.func @transform_1(%arg0: i32, %arg1: i32) -> (i32, i32, i32) {
    %c0_i32 = arith.constant 0 : i32
    %c0_i32_0 = arith.constant 0 : i32
    %c0_i32_1 = arith.constant 0 : i32
    return %arg0, %c0_i32, %c0_i32_0 : i32, i32, i32
  }
  func.func @transform_2(%arg0: i32, %arg1: i32) -> (i32, i32, i32) {
    %c0_i32 = arith.constant 0 : i32
    %c0_i32_0 = arith.constant 0 : i32
    %c0_i32_1 = arith.constant 0 : i32
    return %arg0, %c0_i32, %c0_i32_0 : i32, i32, i32
  }
  func.func @transform_3(%arg0: i32, %arg1: i32) -> (i32, i32, i32) {
    %c0_i32 = arith.constant 0 : i32
    %c0_i32_0 = arith.constant 0 : i32
    %c0_i32_1 = arith.constant 0 : i32
    return %arg0, %c0_i32, %c0_i32_0 : i32, i32, i32
  }
  func.func @transform_4(%arg0: i32, %arg1: i32) -> (i32, i32, i32) {
    %c0_i32 = arith.constant 0 : i32
    %c0_i32_0 = arith.constant 0 : i32
    %c0_i32_1 = arith.constant 0 : i32
    return %arg0, %c0_i32, %c0_i32_0 : i32, i32, i32
  }
}

module attributes {stable_mosaic.version = 14 : i64} {
  func.func @_out_kernel(%arg0: i32, %arg1: i32, %arg2: memref<1x5000x16xf32, #tpu.memory_space<vmem>>, %arg3: memref<1x16x12xf32, #tpu.memory_space<vmem>>, %arg4: memref<1x128x16xf32, #tpu.memory_space<vmem>>, %arg5: memref<1x16x16xf32, #tpu.memory_space<vmem>>, %arg6: memref<1x5000x16xf32, #tpu.memory_space<vmem>>) attributes {dimension_semantics = [#tpu.dimension_semantics<arbitrary>, #tpu.dimension_semantics<arbitrary>], iteration_bounds = array<i64: 27, 10>, scalar_prefetch = 0 : i64, scratch_operands = 0 : i64, tpu.core_type = #tpu.core_type<tc>, window_params = [{transform_indices = @transform_0, window_bounds = array<i64: 1, 5000, 16>}, {transform_indices = @transform_1, window_bounds = array<i64: 1, 16, 12>}, {transform_indices = @transform_2, window_bounds = array<i64: 1, 128, 16>}, {transform_indices = @transform_3, window_bounds = array<i64: 1, 16, 16>}, {transform_indices = @transform_4, window_bounds = array<i64: 1, 5000, 16>}]} {
    %get3A = arith.constant 0 : index
    %get3A_0 = arith.constant 0 : index
    %get3A_1 = arith.constant 0 : index
    %get3A_2 = vector.load %arg2[%get3A, %get3A_0, %get3A_1] : memref<1x5000x16xf32, #tpu.memory_space<vmem>>, vector<1x5000x16xf32>
    %get3A_3 = vector.shape_cast %get3A_2 : vector<1x5000x16xf32> to vector<5000x16xf32>
    %transpose3A = tpu.transpose %get3A_3, [1, 0] : vector<5000x16xf32> -> vector<16x5000xf32>
    %get3A_4 = arith.constant 0 : index
    %get3A_5 = arith.constant 0 : index
    %get3A_6 = arith.constant 0 : index
    %get3A_7 = vector.load %arg3[%get3A_4, %get3A_5, %get3A_6] : memref<1x16x12xf32, #tpu.memory_space<vmem>>, vector<1x16x12xf32>
    %get3A_8 = vector.shape_cast %get3A_7 : vector<1x16x12xf32> to vector<16x12xf32>
    %slice3A = vector.extract_strided_slice %get3A_8 {offsets = [0, 0], sizes = [16, 1], strides = [1, 1]} : vector<16x12xf32> to vector<16x1xf32>
    %ge3A = vector.broadcast %slice3A : vector<16x1xf32> to vector<16x5000xf32>
    %ge3A_9 = arith.cmpf oge, %transpose3A, %ge3A : vector<16x5000xf32>
    %slice3A_10 = vector.extract_strided_slice %get3A_8 {offsets = [0, 1], sizes = [16, 1], strides = [1, 1]} : vector<16x12xf32> to vector<16x1xf32>
    %lt3A = vector.broadcast %slice3A_10 : vector<16x1xf32> to vector<16x5000xf32>
    %lt3A_11 = arith.cmpf olt, %transpose3A, %lt3A : vector<16x5000xf32>
    %and3A = arith.andi %ge3A_9, %lt3A_11 : vector<16x5000xi1>
    %convert_element_type3A = arith.extui %and3A : vector<16x5000xi1> to vector<16x5000xi32>
    %convert_element_type3A_12 = arith.sitofp %convert_element_type3A : vector<16x5000xi32> to vector<16x5000xf32>
    %slice3A_13 = vector.extract_strided_slice %get3A_8 {offsets = [0, 1], sizes = [16, 1], strides = [1, 1]} : vector<16x12xf32> to vector<16x1xf32>
    %ge3A_14 = vector.broadcast %slice3A_13 : vector<16x1xf32> to vector<16x5000xf32>
    %ge3A_15 = arith.cmpf oge, %transpose3A, %ge3A_14 : vector<16x5000xf32>
    %slice3A_16 = vector.extract_strided_slice %get3A_8 {offsets = [0, 2], sizes = [16, 1], strides = [1, 1]} : vector<16x12xf32> to vector<16x1xf32>
    %lt3A_17 = vector.broadcast %slice3A_16 : vector<16x1xf32> to vector<16x5000xf32>
    %lt3A_18 = arith.cmpf olt, %transpose3A, %lt3A_17 : vector<16x5000xf32>
    %and3A_19 = arith.andi %ge3A_15, %lt3A_18 : vector<16x5000xi1>
    %convert_element_type3A_20 = arith.extui %and3A_19 : vector<16x5000xi1> to vector<16x5000xi32>
    %convert_element_type3A_21 = arith.sitofp %convert_element_type3A_20 : vector<16x5000xi32> to vector<16x5000xf32>
    %slice3A_22 = vector.extract_strided_slice %get3A_8 {offsets = [0, 2], sizes = [16, 1], strides = [1, 1]} : vector<16x12xf32> to vector<16x1xf32>
    %ge3A_23 = vector.broadcast %slice3A_22 : vector<16x1xf32> to vector<16x5000xf32>
    %ge3A_24 = arith.cmpf oge, %transpose3A, %ge3A_23 : vector<16x5000xf32>
    %slice3A_25 = vector.extract_strided_slice %get3A_8 {offsets = [0, 3], sizes = [16, 1], strides = [1, 1]} : vector<16x12xf32> to vector<16x1xf32>
    %lt3A_26 = vector.broadcast %slice3A_25 : vector<16x1xf32> to vector<16x5000xf32>
    %lt3A_27 = arith.cmpf olt, %transpose3A, %lt3A_26 : vector<16x5000xf32>
    %and3A_28 = arith.andi %ge3A_24, %lt3A_27 : vector<16x5000xi1>
    %convert_element_type3A_29 = arith.extui %and3A_28 : vector<16x5000xi1> to vector<16x5000xi32>
    %convert_element_type3A_30 = arith.sitofp %convert_element_type3A_29 : vector<16x5000xi32> to vector<16x5000xf32>
    %slice3A_31 = vector.extract_strided_slice %get3A_8 {offsets = [0, 3], sizes = [16, 1], strides = [1, 1]} : vector<16x12xf32> to vector<16x1xf32>
    %ge3A_32 = vector.broadcast %slice3A_31 : vector<16x1xf32> to vector<16x5000xf32>
    %ge3A_33 = arith.cmpf oge, %transpose3A, %ge3A_32 : vector<16x5000xf32>
    %slice3A_34 = vector.extract_strided_slice %get3A_8 {offsets = [0, 4], sizes = [16, 1], strides = [1, 1]} : vector<16x12xf32> to vector<16x1xf32>
    %lt3A_35 = vector.broadcast %slice3A_34 : vector<16x1xf32> to vector<16x5000xf32>
    %lt3A_36 = arith.cmpf olt, %transpose3A, %lt3A_35 : vector<16x5000xf32>
    %and3A_37 = arith.andi %ge3A_33, %lt3A_36 : vector<16x5000xi1>
    %convert_element_type3A_38 = arith.extui %and3A_37 : vector<16x5000xi1> to vector<16x5000xi32>
    %convert_element_type3A_39 = arith.sitofp %convert_element_type3A_38 : vector<16x5000xi32> to vector<16x5000xf32>
    %slice3A_40 = vector.extract_strided_slice %get3A_8 {offsets = [0, 4], sizes = [16, 1], strides = [1, 1]} : vector<16x12xf32> to vector<16x1xf32>
    %ge3A_41 = vector.broadcast %slice3A_40 : vector<16x1xf32> to vector<16x5000xf32>
    %ge3A_42 = arith.cmpf oge, %transpose3A, %ge3A_41 : vector<16x5000xf32>
    %slice3A_43 = vector.extract_strided_slice %get3A_8 {offsets = [0, 5], sizes = [16, 1], strides = [1, 1]} : vector<16x12xf32> to vector<16x1xf32>
    %lt3A_44 = vector.broadcast %slice3A_43 : vector<16x1xf32> to vector<16x5000xf32>
    %lt3A_45 = arith.cmpf olt, %transpose3A, %lt3A_44 : vector<16x5000xf32>
    %and3A_46 = arith.andi %ge3A_42, %lt3A_45 : vector<16x5000xi1>
    %convert_element_type3A_47 = arith.extui %and3A_46 : vector<16x5000xi1> to vector<16x5000xi32>
    %convert_element_type3A_48 = arith.sitofp %convert_element_type3A_47 : vector<16x5000xi32> to vector<16x5000xf32>
    %slice3A_49 = vector.extract_strided_slice %get3A_8 {offsets = [0, 5], sizes = [16, 1], strides = [1, 1]} : vector<16x12xf32> to vector<16x1xf32>
    %ge3A_50 = vector.broadcast %slice3A_49 : vector<16x1xf32> to vector<16x5000xf32>
    %ge3A_51 = arith.cmpf oge, %transpose3A, %ge3A_50 : vector<16x5000xf32>
    %slice3A_52 = vector.extract_strided_slice %get3A_8 {offsets = [0, 6], sizes = [16, 1], strides = [1, 1]} : vector<16x12xf32> to vector<16x1xf32>
    %lt3A_53 = vector.broadcast %slice3A_52 : vector<16x1xf32> to vector<16x5000xf32>
    %lt3A_54 = arith.cmpf olt, %transpose3A, %lt3A_53 : vector<16x5000xf32>
    %and3A_55 = arith.andi %ge3A_51, %lt3A_54 : vector<16x5000xi1>
    %convert_element_type3A_56 = arith.extui %and3A_55 : vector<16x5000xi1> to vector<16x5000xi32>
    %convert_element_type3A_57 = arith.sitofp %convert_element_type3A_56 : vector<16x5000xi32> to vector<16x5000xf32>
    %slice3A_58 = vector.extract_strided_slice %get3A_8 {offsets = [0, 6], sizes = [16, 1], strides = [1, 1]} : vector<16x12xf32> to vector<16x1xf32>
    %ge3A_59 = vector.broadcast %slice3A_58 : vector<16x1xf32> to vector<16x5000xf32>
    %ge3A_60 = arith.cmpf oge, %transpose3A, %ge3A_59 : vector<16x5000xf32>
    %slice3A_61 = vector.extract_strided_slice %get3A_8 {offsets = [0, 7], sizes = [16, 1], strides = [1, 1]} : vector<16x12xf32> to vector<16x1xf32>
    %lt3A_62 = vector.broadcast %slice3A_61 : vector<16x1xf32> to vector<16x5000xf32>
    %lt3A_63 = arith.cmpf olt, %transpose3A, %lt3A_62 : vector<16x5000xf32>
    %and3A_64 = arith.andi %ge3A_60, %lt3A_63 : vector<16x5000xi1>
    %convert_element_type3A_65 = arith.extui %and3A_64 : vector<16x5000xi1> to vector<16x5000xi32>
    %convert_element_type3A_66 = arith.sitofp %convert_element_type3A_65 : vector<16x5000xi32> to vector<16x5000xf32>
    %slice3A_67 = vector.extract_strided_slice %get3A_8 {offsets = [0, 7], sizes = [16, 1], strides = [1, 1]} : vector<16x12xf32> to vector<16x1xf32>
    %ge3A_68 = vector.broadcast %slice3A_67 : vector<16x1xf32> to vector<16x5000xf32>
    %ge3A_69 = arith.cmpf oge, %transpose3A, %ge3A_68 : vector<16x5000xf32>
    %slice3A_70 = vector.extract_strided_slice %get3A_8 {offsets = [0, 8], sizes = [16, 1], strides = [1, 1]} : vector<16x12xf32> to vector<16x1xf32>
    %lt3A_71 = vector.broadcast %slice3A_70 : vector<16x1xf32> to vector<16x5000xf32>
    %lt3A_72 = arith.cmpf olt, %transpose3A, %lt3A_71 : vector<16x5000xf32>
    %and3A_73 = arith.andi %ge3A_69, %lt3A_72 : vector<16x5000xi1>
    %convert_element_type3A_74 = arith.extui %and3A_73 : vector<16x5000xi1> to vector<16x5000xi32>
    %convert_element_type3A_75 = arith.sitofp %convert_element_type3A_74 : vector<16x5000xi32> to vector<16x5000xf32>
    %slice3A_76 = vector.extract_strided_slice %get3A_8 {offsets = [0, 8], sizes = [16, 1], strides = [1, 1]} : vector<16x12xf32> to vector<16x1xf32>
    %ge3A_77 = vector.broadcast %slice3A_76 : vector<16x1xf32> to vector<16x5000xf32>
    %ge3A_78 = arith.cmpf oge, %transpose3A, %ge3A_77 : vector<16x5000xf32>
    %slice3A_79 = vector.extract_strided_slice %get3A_8 {offsets = [0, 9], sizes = [16, 1], strides = [1, 1]} : vector<16x12xf32> to vector<16x1xf32>
    %lt3A_80 = vector.broadcast %slice3A_79 : vector<16x1xf32> to vector<16x5000xf32>
    %lt3A_81 = arith.cmpf olt, %transpose3A, %lt3A_80 : vector<16x5000xf32>
    %and3A_82 = arith.andi %ge3A_78, %lt3A_81 : vector<16x5000xi1>
    %convert_element_type3A_83 = arith.extui %and3A_82 : vector<16x5000xi1> to vector<16x5000xi32>
    %convert_element_type3A_84 = arith.sitofp %convert_element_type3A_83 : vector<16x5000xi32> to vector<16x5000xf32>
    %slice3A_85 = vector.extract_strided_slice %get3A_8 {offsets = [0, 9], sizes = [16, 1], strides = [1, 1]} : vector<16x12xf32> to vector<16x1xf32>
    %ge3A_86 = vector.broadcast %slice3A_85 : vector<16x1xf32> to vector<16x5000xf32>
    %ge3A_87 = arith.cmpf oge, %transpose3A, %ge3A_86 : vector<16x5000xf32>
    %slice3A_88 = vector.extract_strided_slice %get3A_8 {offsets = [0, 10], sizes = [16, 1], strides = [1, 1]} : vector<16x12xf32> to vector<16x1xf32>
    %lt3A_89 = vector.broadcast %slice3A_88 : vector<16x1xf32> to vector<16x5000xf32>
    %lt3A_90 = arith.cmpf olt, %transpose3A, %lt3A_89 : vector<16x5000xf32>
    %and3A_91 = arith.andi %ge3A_87, %lt3A_90 : vector<16x5000xi1>
    %convert_element_type3A_92 = arith.extui %and3A_91 : vector<16x5000xi1> to vector<16x5000xi32>
    %convert_element_type3A_93 = arith.sitofp %convert_element_type3A_92 : vector<16x5000xi32> to vector<16x5000xf32>
    %slice3A_94 = vector.extract_strided_slice %get3A_8 {offsets = [0, 10], sizes = [16, 1], strides = [1, 1]} : vector<16x12xf32> to vector<16x1xf32>
    %ge3A_95 = vector.broadcast %slice3A_94 : vector<16x1xf32> to vector<16x5000xf32>
    %ge3A_96 = arith.cmpf oge, %transpose3A, %ge3A_95 : vector<16x5000xf32>
    %slice3A_97 = vector.extract_strided_slice %get3A_8 {offsets = [0, 11], sizes = [16, 1], strides = [1, 1]} : vector<16x12xf32> to vector<16x1xf32>
    %lt3A_98 = vector.broadcast %slice3A_97 : vector<16x1xf32> to vector<16x5000xf32>
    %lt3A_99 = arith.cmpf olt, %transpose3A, %lt3A_98 : vector<16x5000xf32>
    %and3A_100 = arith.andi %ge3A_96, %lt3A_99 : vector<16x5000xi1>
    %convert_element_type3A_101 = arith.extui %and3A_100 : vector<16x5000xi1> to vector<16x5000xi32>
    %convert_element_type3A_102 = arith.sitofp %convert_element_type3A_101 : vector<16x5000xi32> to vector<16x5000xf32>
    %slice3A_103 = vector.extract_strided_slice %get3A_8 {offsets = [0, 0], sizes = [16, 1], strides = [1, 1]} : vector<16x12xf32> to vector<16x1xf32>
    %sub3A = vector.broadcast %slice3A_103 : vector<16x1xf32> to vector<16x5000xf32>
    %sub3A_104 = arith.subf %transpose3A, %sub3A : vector<16x5000xf32>
    %slice3A_105 = vector.extract_strided_slice %get3A_8 {offsets = [0, 1], sizes = [16, 1], strides = [1, 1]} : vector<16x12xf32> to vector<16x1xf32>
    %slice3A_106 = vector.extract_strided_slice %get3A_8 {offsets = [0, 0], sizes = [16, 1], strides = [1, 1]} : vector<16x12xf32> to vector<16x1xf32>
    %sub3A_107 = arith.subf %slice3A_105, %slice3A_106 : vector<16x1xf32>
    %div3A = vector.broadcast %sub3A_107 : vector<16x1xf32> to vector<16x5000xf32>
    %div3A_108 = arith.divf %sub3A_104, %div3A : vector<16x5000xf32>
    %slice3A_109 = vector.extract_strided_slice %get3A_8 {offsets = [0, 2], sizes = [16, 1], strides = [1, 1]} : vector<16x12xf32> to vector<16x1xf32>
    %sub3A_110 = vector.broadcast %slice3A_109 : vector<16x1xf32> to vector<16x5000xf32>
    %sub3A_111 = arith.subf %sub3A_110, %transpose3A : vector<16x5000xf32>
    %slice3A_112 = vector.extract_strided_slice %get3A_8 {offsets = [0, 2], sizes = [16, 1], strides = [1, 1]} : vector<16x12xf32> to vector<16x1xf32>
    %slice3A_113 = vector.extract_strided_slice %get3A_8 {offsets = [0, 1], sizes = [16, 1], strides = [1, 1]} : vector<16x12xf32> to vector<16x1xf32>
    %sub3A_114 = arith.subf %slice3A_112, %slice3A_113 : vector<16x1xf32>
    %div3A_115 = vector.broadcast %sub3A_114 : vector<16x1xf32> to vector<16x5000xf32>
    %div3A_116 = arith.divf %sub3A_111, %div3A_115 : vector<16x5000xf32>
    %mul3A = arith.mulf %div3A_108, %convert_element_type3A_12 : vector<16x5000xf32>
    %mul3A_117 = arith.mulf %div3A_116, %convert_element_type3A_21 : vector<16x5000xf32>
    %add3A = arith.addf %mul3A, %mul3A_117 : vector<16x5000xf32>
    %slice3A_118 = vector.extract_strided_slice %get3A_8 {offsets = [0, 1], sizes = [16, 1], strides = [1, 1]} : vector<16x12xf32> to vector<16x1xf32>
    %sub3A_119 = vector.broadcast %slice3A_118 : vector<16x1xf32> to vector<16x5000xf32>
    %sub3A_120 = arith.subf %transpose3A, %sub3A_119 : vector<16x5000xf32>
    %slice3A_121 = vector.extract_strided_slice %get3A_8 {offsets = [0, 2], sizes = [16, 1], strides = [1, 1]} : vector<16x12xf32> to vector<16x1xf32>
    %slice3A_122 = vector.extract_strided_slice %get3A_8 {offsets = [0, 1], sizes = [16, 1], strides = [1, 1]} : vector<16x12xf32> to vector<16x1xf32>
    %sub3A_123 = arith.subf %slice3A_121, %slice3A_122 : vector<16x1xf32>
    %div3A_124 = vector.broadcast %sub3A_123 : vector<16x1xf32> to vector<16x5000xf32>
    %div3A_125 = arith.divf %sub3A_120, %div3A_124 : vector<16x5000xf32>
    %slice3A_126 = vector.extract_strided_slice %get3A_8 {offsets = [0, 3], sizes = [16, 1], strides = [1, 1]} : vector<16x12xf32> to vector<16x1xf32>
    %sub3A_127 = vector.broadcast %slice3A_126 : vector<16x1xf32> to vector<16x5000xf32>
    %sub3A_128 = arith.subf %sub3A_127, %transpose3A : vector<16x5000xf32>
    %slice3A_129 = vector.extract_strided_slice %get3A_8 {offsets = [0, 3], sizes = [16, 1], strides = [1, 1]} : vector<16x12xf32> to vector<16x1xf32>
    %slice3A_130 = vector.extract_strided_slice %get3A_8 {offsets = [0, 2], sizes = [16, 1], strides = [1, 1]} : vector<16x12xf32> to vector<16x1xf32>
    %sub3A_131 = arith.subf %slice3A_129, %slice3A_130 : vector<16x1xf32>
    %div3A_132 = vector.broadcast %sub3A_131 : vector<16x1xf32> to vector<16x5000xf32>
    %div3A_133 = arith.divf %sub3A_128, %div3A_132 : vector<16x5000xf32>
    %mul3A_134 = arith.mulf %div3A_125, %convert_element_type3A_21 : vector<16x5000xf32>
    %mul3A_135 = arith.mulf %div3A_133, %convert_element_type3A_30 : vector<16x5000xf32>
    %add3A_136 = arith.addf %mul3A_134, %mul3A_135 : vector<16x5000xf32>
    %slice3A_137 = vector.extract_strided_slice %get3A_8 {offsets = [0, 2], sizes = [16, 1], strides = [1, 1]} : vector<16x12xf32> to vector<16x1xf32>
    %sub3A_138 = vector.broadcast %slice3A_137 : vector<16x1xf32> to vector<16x5000xf32>
    %sub3A_139 = arith.subf %transpose3A, %sub3A_138 : vector<16x5000xf32>
    %slice3A_140 = vector.extract_strided_slice %get3A_8 {offsets = [0, 3], sizes = [16, 1], strides = [1, 1]} : vector<16x12xf32> to vector<16x1xf32>
    %slice3A_141 = vector.extract_strided_slice %get3A_8 {offsets = [0, 2], sizes = [16, 1], strides = [1, 1]} : vector<16x12xf32> to vector<16x1xf32>
    %sub3A_142 = arith.subf %slice3A_140, %slice3A_141 : vector<16x1xf32>
    %div3A_143 = vector.broadcast %sub3A_142 : vector<16x1xf32> to vector<16x5000xf32>
    %div3A_144 = arith.divf %sub3A_139, %div3A_143 : vector<16x5000xf32>
    %slice3A_145 = vector.extract_strided_slice %get3A_8 {offsets = [0, 4], sizes = [16, 1], strides = [1, 1]} : vector<16x12xf32> to vector<16x1xf32>
    %sub3A_146 = vector.broadcast %slice3A_145 : vector<16x1xf32> to vector<16x5000xf32>
    %sub3A_147 = arith.subf %sub3A_146, %transpose3A : vector<16x5000xf32>
    %slice3A_148 = vector.extract_strided_slice %get3A_8 {offsets = [0, 4], sizes = [16, 1], strides = [1, 1]} : vector<16x12xf32> to vector<16x1xf32>
    %slice3A_149 = vector.extract_strided_slice %get3A_8 {offsets = [0, 3], sizes = [16, 1], strides = [1, 1]} : vector<16x12xf32> to vector<16x1xf32>
    %sub3A_150 = arith.subf %slice3A_148, %slice3A_149 : vector<16x1xf32>
    %div3A_151 = vector.broadcast %sub3A_150 : vector<16x1xf32> to vector<16x5000xf32>
    %div3A_152 = arith.divf %sub3A_147, %div3A_151 : vector<16x5000xf32>
    %mul3A_153 = arith.mulf %div3A_144, %convert_element_type3A_30 : vector<16x5000xf32>
    %mul3A_154 = arith.mulf %div3A_152, %convert_element_type3A_39 : vector<16x5000xf32>
    %add3A_155 = arith.addf %mul3A_153, %mul3A_154 : vector<16x5000xf32>
    %slice3A_156 = vector.extract_strided_slice %get3A_8 {offsets = [0, 3], sizes = [16, 1], strides = [1, 1]} : vector<16x12xf32> to vector<16x1xf32>
    %sub3A_157 = vector.broadcast %slice3A_156 : vector<16x1xf32> to vector<16x5000xf32>
    %sub3A_158 = arith.subf %transpose3A, %sub3A_157 : vector<16x5000xf32>
    %slice3A_159 = vector.extract_strided_slice %get3A_8 {offsets = [0, 4], sizes = [16, 1], strides = [1, 1]} : vector<16x12xf32> to vector<16x1xf32>
    %slice3A_160 = vector.extract_strided_slice %get3A_8 {offsets = [0, 3], sizes = [16, 1], strides = [1, 1]} : vector<16x12xf32> to vector<16x1xf32>
    %sub3A_161 = arith.subf %slice3A_159, %slice3A_160 : vector<16x1xf32>
    %div3A_162 = vector.broadcast %sub3A_161 : vector<16x1xf32> to vector<16x5000xf32>
    %div3A_163 = arith.divf %sub3A_158, %div3A_162 : vector<16x5000xf32>
    %slice3A_164 = vector.extract_strided_slice %get3A_8 {offsets = [0, 5], sizes = [16, 1], strides = [1, 1]} : vector<16x12xf32> to vector<16x1xf32>
    %sub3A_165 = vector.broadcast %slice3A_164 : vector<16x1xf32> to vector<16x5000xf32>
    %sub3A_166 = arith.subf %sub3A_165, %transpose3A : vector<16x5000xf32>
    %slice3A_167 = vector.extract_strided_slice %get3A_8 {offsets = [0, 5], sizes = [16, 1], strides = [1, 1]} : vector<16x12xf32> to vector<16x1xf32>
    %slice3A_168 = vector.extract_strided_slice %get3A_8 {offsets = [0, 4], sizes = [16, 1], strides = [1, 1]} : vector<16x12xf32> to vector<16x1xf32>
    %sub3A_169 = arith.subf %slice3A_167, %slice3A_168 : vector<16x1xf32>
    %div3A_170 = vector.broadcast %sub3A_169 : vector<16x1xf32> to vector<16x5000xf32>
    %div3A_171 = arith.divf %sub3A_166, %div3A_170 : vector<16x5000xf32>
    %mul3A_172 = arith.mulf %div3A_163, %convert_element_type3A_39 : vector<16x5000xf32>
    %mul3A_173 = arith.mulf %div3A_171, %convert_element_type3A_48 : vector<16x5000xf32>
    %add3A_174 = arith.addf %mul3A_172, %mul3A_173 : vector<16x5000xf32>
    %slice3A_175 = vector.extract_strided_slice %get3A_8 {offsets = [0, 4], sizes = [16, 1], strides = [1, 1]} : vector<16x12xf32> to vector<16x1xf32>
    %sub3A_176 = vector.broadcast %slice3A_175 : vector<16x1xf32> to vector<16x5000xf32>
    %sub3A_177 = arith.subf %transpose3A, %sub3A_176 : vector<16x5000xf32>
    %slice3A_178 = vector.extract_strided_slice %get3A_8 {offsets = [0, 5], sizes = [16, 1], strides = [1, 1]} : vector<16x12xf32> to vector<16x1xf32>
    %slice3A_179 = vector.extract_strided_slice %get3A_8 {offsets = [0, 4], sizes = [16, 1], strides = [1, 1]} : vector<16x12xf32> to vector<16x1xf32>
    %sub3A_180 = arith.subf %slice3A_178, %slice3A_179 : vector<16x1xf32>
    %div3A_181 = vector.broadcast %sub3A_180 : vector<16x1xf32> to vector<16x5000xf32>
    %div3A_182 = arith.divf %sub3A_177, %div3A_181 : vector<16x5000xf32>
    %slice3A_183 = vector.extract_strided_slice %get3A_8 {offsets = [0, 6], sizes = [16, 1], strides = [1, 1]} : vector<16x12xf32> to vector<16x1xf32>
    %sub3A_184 = vector.broadcast %slice3A_183 : vector<16x1xf32> to vector<16x5000xf32>
    %sub3A_185 = arith.subf %sub3A_184, %transpose3A : vector<16x5000xf32>
    %slice3A_186 = vector.extract_strided_slice %get3A_8 {offsets = [0, 6], sizes = [16, 1], strides = [1, 1]} : vector<16x12xf32> to vector<16x1xf32>
    %slice3A_187 = vector.extract_strided_slice %get3A_8 {offsets = [0, 5], sizes = [16, 1], strides = [1, 1]} : vector<16x12xf32> to vector<16x1xf32>
    %sub3A_188 = arith.subf %slice3A_186, %slice3A_187 : vector<16x1xf32>
    %div3A_189 = vector.broadcast %sub3A_188 : vector<16x1xf32> to vector<16x5000xf32>
    %div3A_190 = arith.divf %sub3A_185, %div3A_189 : vector<16x5000xf32>
    %mul3A_191 = arith.mulf %div3A_182, %convert_element_type3A_48 : vector<16x5000xf32>
    %mul3A_192 = arith.mulf %div3A_190, %convert_element_type3A_57 : vector<16x5000xf32>
    %add3A_193 = arith.addf %mul3A_191, %mul3A_192 : vector<16x5000xf32>
    %slice3A_194 = vector.extract_strided_slice %get3A_8 {offsets = [0, 5], sizes = [16, 1], strides = [1, 1]} : vector<16x12xf32> to vector<16x1xf32>
    %sub3A_195 = vector.broadcast %slice3A_194 : vector<16x1xf32> to vector<16x5000xf32>
    %sub3A_196 = arith.subf %transpose3A, %sub3A_195 : vector<16x5000xf32>
    %slice3A_197 = vector.extract_strided_slice %get3A_8 {offsets = [0, 6], sizes = [16, 1], strides = [1, 1]} : vector<16x12xf32> to vector<16x1xf32>
    %slice3A_198 = vector.extract_strided_slice %get3A_8 {offsets = [0, 5], sizes = [16, 1], strides = [1, 1]} : vector<16x12xf32> to vector<16x1xf32>
    %sub3A_199 = arith.subf %slice3A_197, %slice3A_198 : vector<16x1xf32>
    %div3A_200 = vector.broadcast %sub3A_199 : vector<16x1xf32> to vector<16x5000xf32>
    %div3A_201 = arith.divf %sub3A_196, %div3A_200 : vector<16x5000xf32>
    %slice3A_202 = vector.extract_strided_slice %get3A_8 {offsets = [0, 7], sizes = [16, 1], strides = [1, 1]} : vector<16x12xf32> to vector<16x1xf32>
    %sub3A_203 = vector.broadcast %slice3A_202 : vector<16x1xf32> to vector<16x5000xf32>
    %sub3A_204 = arith.subf %sub3A_203, %transpose3A : vector<16x5000xf32>
    %slice3A_205 = vector.extract_strided_slice %get3A_8 {offsets = [0, 7], sizes = [16, 1], strides = [1, 1]} : vector<16x12xf32> to vector<16x1xf32>
    %slice3A_206 = vector.extract_strided_slice %get3A_8 {offsets = [0, 6], sizes = [16, 1], strides = [1, 1]} : vector<16x12xf32> to vector<16x1xf32>
    %sub3A_207 = arith.subf %slice3A_205, %slice3A_206 : vector<16x1xf32>
    %div3A_208 = vector.broadcast %sub3A_207 : vector<16x1xf32> to vector<16x5000xf32>
    %div3A_209 = arith.divf %sub3A_204, %div3A_208 : vector<16x5000xf32>
    %mul3A_210 = arith.mulf %div3A_201, %convert_element_type3A_57 : vector<16x5000xf32>
    %mul3A_211 = arith.mulf %div3A_209, %convert_element_type3A_66 : vector<16x5000xf32>
    %add3A_212 = arith.addf %mul3A_210, %mul3A_211 : vector<16x5000xf32>
    %slice3A_213 = vector.extract_strided_slice %get3A_8 {offsets = [0, 6], sizes = [16, 1], strides = [1, 1]} : vector<16x12xf32> to vector<16x1xf32>
    %sub3A_214 = vector.broadcast %slice3A_213 : vector<16x1xf32> to vector<16x5000xf32>
    %sub3A_215 = arith.subf %transpose3A, %sub3A_214 : vector<16x5000xf32>
    %slice3A_216 = vector.extract_strided_slice %get3A_8 {offsets = [0, 7], sizes = [16, 1], strides = [1, 1]} : vector<16x12xf32> to vector<16x1xf32>
    %slice3A_217 = vector.extract_strided_slice %get3A_8 {offsets = [0, 6], sizes = [16, 1], strides = [1, 1]} : vector<16x12xf32> to vector<16x1xf32>
    %sub3A_218 = arith.subf %slice3A_216, %slice3A_217 : vector<16x1xf32>
    %div3A_219 = vector.broadcast %sub3A_218 : vector<16x1xf32> to vector<16x5000xf32>
    %div3A_220 = arith.divf %sub3A_215, %div3A_219 : vector<16x5000xf32>
    %slice3A_221 = vector.extract_strided_slice %get3A_8 {offsets = [0, 8], sizes = [16, 1], strides = [1, 1]} : vector<16x12xf32> to vector<16x1xf32>
    %sub3A_222 = vector.broadcast %slice3A_221 : vector<16x1xf32> to vector<16x5000xf32>
    %sub3A_223 = arith.subf %sub3A_222, %transpose3A : vector<16x5000xf32>
    %slice3A_224 = vector.extract_strided_slice %get3A_8 {offsets = [0, 8], sizes = [16, 1], strides = [1, 1]} : vector<16x12xf32> to vector<16x1xf32>
    %slice3A_225 = vector.extract_strided_slice %get3A_8 {offsets = [0, 7], sizes = [16, 1], strides = [1, 1]} : vector<16x12xf32> to vector<16x1xf32>
    %sub3A_226 = arith.subf %slice3A_224, %slice3A_225 : vector<16x1xf32>
    %div3A_227 = vector.broadcast %sub3A_226 : vector<16x1xf32> to vector<16x5000xf32>
    %div3A_228 = arith.divf %sub3A_223, %div3A_227 : vector<16x5000xf32>
    %mul3A_229 = arith.mulf %div3A_220, %convert_element_type3A_66 : vector<16x5000xf32>
    %mul3A_230 = arith.mulf %div3A_228, %convert_element_type3A_75 : vector<16x5000xf32>
    %add3A_231 = arith.addf %mul3A_229, %mul3A_230 : vector<16x5000xf32>
    %slice3A_232 = vector.extract_strided_slice %get3A_8 {offsets = [0, 7], sizes = [16, 1], strides = [1, 1]} : vector<16x12xf32> to vector<16x1xf32>
    %sub3A_233 = vector.broadcast %slice3A_232 : vector<16x1xf32> to vector<16x5000xf32>
    %sub3A_234 = arith.subf %transpose3A, %sub3A_233 : vector<16x5000xf32>
    %slice3A_235 = vector.extract_strided_slice %get3A_8 {offsets = [0, 8], sizes = [16, 1], strides = [1, 1]} : vector<16x12xf32> to vector<16x1xf32>
    %slice3A_236 = vector.extract_strided_slice %get3A_8 {offsets = [0, 7], sizes = [16, 1], strides = [1, 1]} : vector<16x12xf32> to vector<16x1xf32>
    %sub3A_237 = arith.subf %slice3A_235, %slice3A_236 : vector<16x1xf32>
    %div3A_238 = vector.broadcast %sub3A_237 : vector<16x1xf32> to vector<16x5000xf32>
    %div3A_239 = arith.divf %sub3A_234, %div3A_238 : vector<16x5000xf32>
    %slice3A_240 = vector.extract_strided_slice %get3A_8 {offsets = [0, 9], sizes = [16, 1], strides = [1, 1]} : vector<16x12xf32> to vector<16x1xf32>
    %sub3A_241 = vector.broadcast %slice3A_240 : vector<16x1xf32> to vector<16x5000xf32>
    %sub3A_242 = arith.subf %sub3A_241, %transpose3A : vector<16x5000xf32>
    %slice3A_243 = vector.extract_strided_slice %get3A_8 {offsets = [0, 9], sizes = [16, 1], strides = [1, 1]} : vector<16x12xf32> to vector<16x1xf32>
    %slice3A_244 = vector.extract_strided_slice %get3A_8 {offsets = [0, 8], sizes = [16, 1], strides = [1, 1]} : vector<16x12xf32> to vector<16x1xf32>
    %sub3A_245 = arith.subf %slice3A_243, %slice3A_244 : vector<16x1xf32>
    %div3A_246 = vector.broadcast %sub3A_245 : vector<16x1xf32> to vector<16x5000xf32>
    %div3A_247 = arith.divf %sub3A_242, %div3A_246 : vector<16x5000xf32>
    %mul3A_248 = arith.mulf %div3A_239, %convert_element_type3A_75 : vector<16x5000xf32>
    %mul3A_249 = arith.mulf %div3A_247, %convert_element_type3A_84 : vector<16x5000xf32>
    %add3A_250 = arith.addf %mul3A_248, %mul3A_249 : vector<16x5000xf32>
    %slice3A_251 = vector.extract_strided_slice %get3A_8 {offsets = [0, 8], sizes = [16, 1], strides = [1, 1]} : vector<16x12xf32> to vector<16x1xf32>
    %sub3A_252 = vector.broadcast %slice3A_251 : vector<16x1xf32> to vector<16x5000xf32>
    %sub3A_253 = arith.subf %transpose3A, %sub3A_252 : vector<16x5000xf32>
    %slice3A_254 = vector.extract_strided_slice %get3A_8 {offsets = [0, 9], sizes = [16, 1], strides = [1, 1]} : vector<16x12xf32> to vector<16x1xf32>
    %slice3A_255 = vector.extract_strided_slice %get3A_8 {offsets = [0, 8], sizes = [16, 1], strides = [1, 1]} : vector<16x12xf32> to vector<16x1xf32>
    %sub3A_256 = arith.subf %slice3A_254, %slice3A_255 : vector<16x1xf32>
    %div3A_257 = vector.broadcast %sub3A_256 : vector<16x1xf32> to vector<16x5000xf32>
    %div3A_258 = arith.divf %sub3A_253, %div3A_257 : vector<16x5000xf32>
    %slice3A_259 = vector.extract_strided_slice %get3A_8 {offsets = [0, 10], sizes = [16, 1], strides = [1, 1]} : vector<16x12xf32> to vector<16x1xf32>
    %sub3A_260 = vector.broadcast %slice3A_259 : vector<16x1xf32> to vector<16x5000xf32>
    %sub3A_261 = arith.subf %sub3A_260, %transpose3A : vector<16x5000xf32>
    %slice3A_262 = vector.extract_strided_slice %get3A_8 {offsets = [0, 10], sizes = [16, 1], strides = [1, 1]} : vector<16x12xf32> to vector<16x1xf32>
    %slice3A_263 = vector.extract_strided_slice %get3A_8 {offsets = [0, 9], sizes = [16, 1], strides = [1, 1]} : vector<16x12xf32> to vector<16x1xf32>
    %sub3A_264 = arith.subf %slice3A_262, %slice3A_263 : vector<16x1xf32>
    %div3A_265 = vector.broadcast %sub3A_264 : vector<16x1xf32> to vector<16x5000xf32>
    %div3A_266 = arith.divf %sub3A_261, %div3A_265 : vector<16x5000xf32>
    %mul3A_267 = arith.mulf %div3A_258, %convert_element_type3A_84 : vector<16x5000xf32>
    %mul3A_268 = arith.mulf %div3A_266, %convert_element_type3A_93 : vector<16x5000xf32>
    %add3A_269 = arith.addf %mul3A_267, %mul3A_268 : vector<16x5000xf32>
    %slice3A_270 = vector.extract_strided_slice %get3A_8 {offsets = [0, 9], sizes = [16, 1], strides = [1, 1]} : vector<16x12xf32> to vector<16x1xf32>
    %sub3A_271 = vector.broadcast %slice3A_270 : vector<16x1xf32> to vector<16x5000xf32>
    %sub3A_272 = arith.subf %transpose3A, %sub3A_271 : vector<16x5000xf32>
    %slice3A_273 = vector.extract_strided_slice %get3A_8 {offsets = [0, 10], sizes = [16, 1], strides = [1, 1]} : vector<16x12xf32> to vector<16x1xf32>
    %slice3A_274 = vector.extract_strided_slice %get3A_8 {offsets = [0, 9], sizes = [16, 1], strides = [1, 1]} : vector<16x12xf32> to vector<16x1xf32>
    %sub3A_275 = arith.subf %slice3A_273, %slice3A_274 : vector<16x1xf32>
    %div3A_276 = vector.broadcast %sub3A_275 : vector<16x1xf32> to vector<16x5000xf32>
    %div3A_277 = arith.divf %sub3A_272, %div3A_276 : vector<16x5000xf32>
    %slice3A_278 = vector.extract_strided_slice %get3A_8 {offsets = [0, 11], sizes = [16, 1], strides = [1, 1]} : vector<16x12xf32> to vector<16x1xf32>
    %sub3A_279 = vector.broadcast %slice3A_278 : vector<16x1xf32> to vector<16x5000xf32>
    %sub3A_280 = arith.subf %sub3A_279, %transpose3A : vector<16x5000xf32>
    %slice3A_281 = vector.extract_strided_slice %get3A_8 {offsets = [0, 11], sizes = [16, 1], strides = [1, 1]} : vector<16x12xf32> to vector<16x1xf32>
    %slice3A_282 = vector.extract_strided_slice %get3A_8 {offsets = [0, 10], sizes = [16, 1], strides = [1, 1]} : vector<16x12xf32> to vector<16x1xf32>
    %sub3A_283 = arith.subf %slice3A_281, %slice3A_282 : vector<16x1xf32>
    %div3A_284 = vector.broadcast %sub3A_283 : vector<16x1xf32> to vector<16x5000xf32>
    %div3A_285 = arith.divf %sub3A_280, %div3A_284 : vector<16x5000xf32>
    %mul3A_286 = arith.mulf %div3A_277, %convert_element_type3A_93 : vector<16x5000xf32>
    %mul3A_287 = arith.mulf %div3A_285, %convert_element_type3A_102 : vector<16x5000xf32>
    %add3A_288 = arith.addf %mul3A_286, %mul3A_287 : vector<16x5000xf32>
    %slice3A_289 = vector.extract_strided_slice %get3A_8 {offsets = [0, 0], sizes = [16, 1], strides = [1, 1]} : vector<16x12xf32> to vector<16x1xf32>
    %sub3A_290 = vector.broadcast %slice3A_289 : vector<16x1xf32> to vector<16x5000xf32>
    %sub3A_291 = arith.subf %transpose3A, %sub3A_290 : vector<16x5000xf32>
    %slice3A_292 = vector.extract_strided_slice %get3A_8 {offsets = [0, 2], sizes = [16, 1], strides = [1, 1]} : vector<16x12xf32> to vector<16x1xf32>
    %slice3A_293 = vector.extract_strided_slice %get3A_8 {offsets = [0, 0], sizes = [16, 1], strides = [1, 1]} : vector<16x12xf32> to vector<16x1xf32>
    %sub3A_294 = arith.subf %slice3A_292, %slice3A_293 : vector<16x1xf32>
    %div3A_295 = vector.broadcast %sub3A_294 : vector<16x1xf32> to vector<16x5000xf32>
    %div3A_296 = arith.divf %sub3A_291, %div3A_295 : vector<16x5000xf32>
    %slice3A_297 = vector.extract_strided_slice %get3A_8 {offsets = [0, 3], sizes = [16, 1], strides = [1, 1]} : vector<16x12xf32> to vector<16x1xf32>
    %sub3A_298 = vector.broadcast %slice3A_297 : vector<16x1xf32> to vector<16x5000xf32>
    %sub3A_299 = arith.subf %sub3A_298, %transpose3A : vector<16x5000xf32>
    %slice3A_300 = vector.extract_strided_slice %get3A_8 {offsets = [0, 3], sizes = [16, 1], strides = [1, 1]} : vector<16x12xf32> to vector<16x1xf32>
    %slice3A_301 = vector.extract_strided_slice %get3A_8 {offsets = [0, 1], sizes = [16, 1], strides = [1, 1]} : vector<16x12xf32> to vector<16x1xf32>
    %sub3A_302 = arith.subf %slice3A_300, %slice3A_301 : vector<16x1xf32>
    %div3A_303 = vector.broadcast %sub3A_302 : vector<16x1xf32> to vector<16x5000xf32>
    %div3A_304 = arith.divf %sub3A_299, %div3A_303 : vector<16x5000xf32>
    %mul3A_305 = arith.mulf %div3A_296, %add3A : vector<16x5000xf32>
    %mul3A_306 = arith.mulf %div3A_304, %add3A_136 : vector<16x5000xf32>
    %add3A_307 = arith.addf %mul3A_305, %mul3A_306 : vector<16x5000xf32>
    %slice3A_308 = vector.extract_strided_slice %get3A_8 {offsets = [0, 1], sizes = [16, 1], strides = [1, 1]} : vector<16x12xf32> to vector<16x1xf32>
    %sub3A_309 = vector.broadcast %slice3A_308 : vector<16x1xf32> to vector<16x5000xf32>
    %sub3A_310 = arith.subf %transpose3A, %sub3A_309 : vector<16x5000xf32>
    %slice3A_311 = vector.extract_strided_slice %get3A_8 {offsets = [0, 3], sizes = [16, 1], strides = [1, 1]} : vector<16x12xf32> to vector<16x1xf32>
    %slice3A_312 = vector.extract_strided_slice %get3A_8 {offsets = [0, 1], sizes = [16, 1], strides = [1, 1]} : vector<16x12xf32> to vector<16x1xf32>
    %sub3A_313 = arith.subf %slice3A_311, %slice3A_312 : vector<16x1xf32>
    %div3A_314 = vector.broadcast %sub3A_313 : vector<16x1xf32> to vector<16x5000xf32>
    %div3A_315 = arith.divf %sub3A_310, %div3A_314 : vector<16x5000xf32>
    %slice3A_316 = vector.extract_strided_slice %get3A_8 {offsets = [0, 4], sizes = [16, 1], strides = [1, 1]} : vector<16x12xf32> to vector<16x1xf32>
    %sub3A_317 = vector.broadcast %slice3A_316 : vector<16x1xf32> to vector<16x5000xf32>
    %sub3A_318 = arith.subf %sub3A_317, %transpose3A : vector<16x5000xf32>
    %slice3A_319 = vector.extract_strided_slice %get3A_8 {offsets = [0, 4], sizes = [16, 1], strides = [1, 1]} : vector<16x12xf32> to vector<16x1xf32>
    %slice3A_320 = vector.extract_strided_slice %get3A_8 {offsets = [0, 2], sizes = [16, 1], strides = [1, 1]} : vector<16x12xf32> to vector<16x1xf32>
    %sub3A_321 = arith.subf %slice3A_319, %slice3A_320 : vector<16x1xf32>
    %div3A_322 = vector.broadcast %sub3A_321 : vector<16x1xf32> to vector<16x5000xf32>
    %div3A_323 = arith.divf %sub3A_318, %div3A_322 : vector<16x5000xf32>
    %mul3A_324 = arith.mulf %div3A_315, %add3A_136 : vector<16x5000xf32>
    %mul3A_325 = arith.mulf %div3A_323, %add3A_155 : vector<16x5000xf32>
    %add3A_326 = arith.addf %mul3A_324, %mul3A_325 : vector<16x5000xf32>
    %slice3A_327 = vector.extract_strided_slice %get3A_8 {offsets = [0, 2], sizes = [16, 1], strides = [1, 1]} : vector<16x12xf32> to vector<16x1xf32>
    %sub3A_328 = vector.broadcast %slice3A_327 : vector<16x1xf32> to vector<16x5000xf32>
    %sub3A_329 = arith.subf %transpose3A, %sub3A_328 : vector<16x5000xf32>
    %slice3A_330 = vector.extract_strided_slice %get3A_8 {offsets = [0, 4], sizes = [16, 1], strides = [1, 1]} : vector<16x12xf32> to vector<16x1xf32>
    %slice3A_331 = vector.extract_strided_slice %get3A_8 {offsets = [0, 2], sizes = [16, 1], strides = [1, 1]} : vector<16x12xf32> to vector<16x1xf32>
    %sub3A_332 = arith.subf %slice3A_330, %slice3A_331 : vector<16x1xf32>
    %div3A_333 = vector.broadcast %sub3A_332 : vector<16x1xf32> to vector<16x5000xf32>
    %div3A_334 = arith.divf %sub3A_329, %div3A_333 : vector<16x5000xf32>
    %slice3A_335 = vector.extract_strided_slice %get3A_8 {offsets = [0, 5], sizes = [16, 1], strides = [1, 1]} : vector<16x12xf32> to vector<16x1xf32>
    %sub3A_336 = vector.broadcast %slice3A_335 : vector<16x1xf32> to vector<16x5000xf32>
    %sub3A_337 = arith.subf %sub3A_336, %transpose3A : vector<16x5000xf32>
    %slice3A_338 = vector.extract_strided_slice %get3A_8 {offsets = [0, 5], sizes = [16, 1], strides = [1, 1]} : vector<16x12xf32> to vector<16x1xf32>
    %slice3A_339 = vector.extract_strided_slice %get3A_8 {offsets = [0, 3], sizes = [16, 1], strides = [1, 1]} : vector<16x12xf32> to vector<16x1xf32>
    %sub3A_340 = arith.subf %slice3A_338, %slice3A_339 : vector<16x1xf32>
    %div3A_341 = vector.broadcast %sub3A_340 : vector<16x1xf32> to vector<16x5000xf32>
    %div3A_342 = arith.divf %sub3A_337, %div3A_341 : vector<16x5000xf32>
    %mul3A_343 = arith.mulf %div3A_334, %add3A_155 : vector<16x5000xf32>
    %mul3A_344 = arith.mulf %div3A_342, %add3A_174 : vector<16x5000xf32>
    %add3A_345 = arith.addf %mul3A_343, %mul3A_344 : vector<16x5000xf32>
    %slice3A_346 = vector.extract_strided_slice %get3A_8 {offsets = [0, 3], sizes = [16, 1], strides = [1, 1]} : vector<16x12xf32> to vector<16x1xf32>
    %sub3A_347 = vector.broadcast %slice3A_346 : vector<16x1xf32> to vector<16x5000xf32>
    %sub3A_348 = arith.subf %transpose3A, %sub3A_347 : vector<16x5000xf32>
    %slice3A_349 = vector.extract_strided_slice %get3A_8 {offsets = [0, 5], sizes = [16, 1], strides = [1, 1]} : vector<16x12xf32> to vector<16x1xf32>
    %slice3A_350 = vector.extract_strided_slice %get3A_8 {offsets = [0, 3], sizes = [16, 1], strides = [1, 1]} : vector<16x12xf32> to vector<16x1xf32>
    %sub3A_351 = arith.subf %slice3A_349, %slice3A_350 : vector<16x1xf32>
    %div3A_352 = vector.broadcast %sub3A_351 : vector<16x1xf32> to vector<16x5000xf32>
    %div3A_353 = arith.divf %sub3A_348, %div3A_352 : vector<16x5000xf32>
    %slice3A_354 = vector.extract_strided_slice %get3A_8 {offsets = [0, 6], sizes = [16, 1], strides = [1, 1]} : vector<16x12xf32> to vector<16x1xf32>
    %sub3A_355 = vector.broadcast %slice3A_354 : vector<16x1xf32> to vector<16x5000xf32>
    %sub3A_356 = arith.subf %sub3A_355, %transpose3A : vector<16x5000xf32>
    %slice3A_357 = vector.extract_strided_slice %get3A_8 {offsets = [0, 6], sizes = [16, 1], strides = [1, 1]} : vector<16x12xf32> to vector<16x1xf32>
    %slice3A_358 = vector.extract_strided_slice %get3A_8 {offsets = [0, 4], sizes = [16, 1], strides = [1, 1]} : vector<16x12xf32> to vector<16x1xf32>
    %sub3A_359 = arith.subf %slice3A_357, %slice3A_358 : vector<16x1xf32>
    %div3A_360 = vector.broadcast %sub3A_359 : vector<16x1xf32> to vector<16x5000xf32>
    %div3A_361 = arith.divf %sub3A_356, %div3A_360 : vector<16x5000xf32>
    %mul3A_362 = arith.mulf %div3A_353, %add3A_174 : vector<16x5000xf32>
    %mul3A_363 = arith.mulf %div3A_361, %add3A_193 : vector<16x5000xf32>
    %add3A_364 = arith.addf %mul3A_362, %mul3A_363 : vector<16x5000xf32>
    %slice3A_365 = vector.extract_strided_slice %get3A_8 {offsets = [0, 4], sizes = [16, 1], strides = [1, 1]} : vector<16x12xf32> to vector<16x1xf32>
    %sub3A_366 = vector.broadcast %slice3A_365 : vector<16x1xf32> to vector<16x5000xf32>
    %sub3A_367 = arith.subf %transpose3A, %sub3A_366 : vector<16x5000xf32>
    %slice3A_368 = vector.extract_strided_slice %get3A_8 {offsets = [0, 6], sizes = [16, 1], strides = [1, 1]} : vector<16x12xf32> to vector<16x1xf32>
    %slice3A_369 = vector.extract_strided_slice %get3A_8 {offsets = [0, 4], sizes = [16, 1], strides = [1, 1]} : vector<16x12xf32> to vector<16x1xf32>
    %sub3A_370 = arith.subf %slice3A_368, %slice3A_369 : vector<16x1xf32>
    %div3A_371 = vector.broadcast %sub3A_370 : vector<16x1xf32> to vector<16x5000xf32>
    %div3A_372 = arith.divf %sub3A_367, %div3A_371 : vector<16x5000xf32>
    %slice3A_373 = vector.extract_strided_slice %get3A_8 {offsets = [0, 7], sizes = [16, 1], strides = [1, 1]} : vector<16x12xf32> to vector<16x1xf32>
    %sub3A_374 = vector.broadcast %slice3A_373 : vector<16x1xf32> to vector<16x5000xf32>
    %sub3A_375 = arith.subf %sub3A_374, %transpose3A : vector<16x5000xf32>
    %slice3A_376 = vector.extract_strided_slice %get3A_8 {offsets = [0, 7], sizes = [16, 1], strides = [1, 1]} : vector<16x12xf32> to vector<16x1xf32>
    %slice3A_377 = vector.extract_strided_slice %get3A_8 {offsets = [0, 5], sizes = [16, 1], strides = [1, 1]} : vector<16x12xf32> to vector<16x1xf32>
    %sub3A_378 = arith.subf %slice3A_376, %slice3A_377 : vector<16x1xf32>
    %div3A_379 = vector.broadcast %sub3A_378 : vector<16x1xf32> to vector<16x5000xf32>
    %div3A_380 = arith.divf %sub3A_375, %div3A_379 : vector<16x5000xf32>
    %mul3A_381 = arith.mulf %div3A_372, %add3A_193 : vector<16x5000xf32>
    %mul3A_382 = arith.mulf %div3A_380, %add3A_212 : vector<16x5000xf32>
    %add3A_383 = arith.addf %mul3A_381, %mul3A_382 : vector<16x5000xf32>
    %slice3A_384 = vector.extract_strided_slice %get3A_8 {offsets = [0, 5], sizes = [16, 1], strides = [1, 1]} : vector<16x12xf32> to vector<16x1xf32>
    %sub3A_385 = vector.broadcast %slice3A_384 : vector<16x1xf32> to vector<16x5000xf32>
    %sub3A_386 = arith.subf %transpose3A, %sub3A_385 : vector<16x5000xf32>
    %slice3A_387 = vector.extract_strided_slice %get3A_8 {offsets = [0, 7], sizes = [16, 1], strides = [1, 1]} : vector<16x12xf32> to vector<16x1xf32>
    %slice3A_388 = vector.extract_strided_slice %get3A_8 {offsets = [0, 5], sizes = [16, 1], strides = [1, 1]} : vector<16x12xf32> to vector<16x1xf32>
    %sub3A_389 = arith.subf %slice3A_387, %slice3A_388 : vector<16x1xf32>
    %div3A_390 = vector.broadcast %sub3A_389 : vector<16x1xf32> to vector<16x5000xf32>
    %div3A_391 = arith.divf %sub3A_386, %div3A_390 : vector<16x5000xf32>
    %slice3A_392 = vector.extract_strided_slice %get3A_8 {offsets = [0, 8], sizes = [16, 1], strides = [1, 1]} : vector<16x12xf32> to vector<16x1xf32>
    %sub3A_393 = vector.broadcast %slice3A_392 : vector<16x1xf32> to vector<16x5000xf32>
    %sub3A_394 = arith.subf %sub3A_393, %transpose3A : vector<16x5000xf32>
    %slice3A_395 = vector.extract_strided_slice %get3A_8 {offsets = [0, 8], sizes = [16, 1], strides = [1, 1]} : vector<16x12xf32> to vector<16x1xf32>
    %slice3A_396 = vector.extract_strided_slice %get3A_8 {offsets = [0, 6], sizes = [16, 1], strides = [1, 1]} : vector<16x12xf32> to vector<16x1xf32>
    %sub3A_397 = arith.subf %slice3A_395, %slice3A_396 : vector<16x1xf32>
    %div3A_398 = vector.broadcast %sub3A_397 : vector<16x1xf32> to vector<16x5000xf32>
    %div3A_399 = arith.divf %sub3A_394, %div3A_398 : vector<16x5000xf32>
    %mul3A_400 = arith.mulf %div3A_391, %add3A_212 : vector<16x5000xf32>
    %mul3A_401 = arith.mulf %div3A_399, %add3A_231 : vector<16x5000xf32>
    %add3A_402 = arith.addf %mul3A_400, %mul3A_401 : vector<16x5000xf32>
    %slice3A_403 = vector.extract_strided_slice %get3A_8 {offsets = [0, 6], sizes = [16, 1], strides = [1, 1]} : vector<16x12xf32> to vector<16x1xf32>
    %sub3A_404 = vector.broadcast %slice3A_403 : vector<16x1xf32> to vector<16x5000xf32>
    %sub3A_405 = arith.subf %transpose3A, %sub3A_404 : vector<16x5000xf32>
    %slice3A_406 = vector.extract_strided_slice %get3A_8 {offsets = [0, 8], sizes = [16, 1], strides = [1, 1]} : vector<16x12xf32> to vector<16x1xf32>
    %slice3A_407 = vector.extract_strided_slice %get3A_8 {offsets = [0, 6], sizes = [16, 1], strides = [1, 1]} : vector<16x12xf32> to vector<16x1xf32>
    %sub3A_408 = arith.subf %slice3A_406, %slice3A_407 : vector<16x1xf32>
    %div3A_409 = vector.broadcast %sub3A_408 : vector<16x1xf32> to vector<16x5000xf32>
    %div3A_410 = arith.divf %sub3A_405, %div3A_409 : vector<16x5000xf32>
    %slice3A_411 = vector.extract_strided_slice %get3A_8 {offsets = [0, 9], sizes = [16, 1], strides = [1, 1]} : vector<16x12xf32> to vector<16x1xf32>
    %sub3A_412 = vector.broadcast %slice3A_411 : vector<16x1xf32> to vector<16x5000xf32>
    %sub3A_413 = arith.subf %sub3A_412, %transpose3A : vector<16x5000xf32>
    %slice3A_414 = vector.extract_strided_slice %get3A_8 {offsets = [0, 9], sizes = [16, 1], strides = [1, 1]} : vector<16x12xf32> to vector<16x1xf32>
    %slice3A_415 = vector.extract_strided_slice %get3A_8 {offsets = [0, 7], sizes = [16, 1], strides = [1, 1]} : vector<16x12xf32> to vector<16x1xf32>
    %sub3A_416 = arith.subf %slice3A_414, %slice3A_415 : vector<16x1xf32>
    %div3A_417 = vector.broadcast %sub3A_416 : vector<16x1xf32> to vector<16x5000xf32>
    %div3A_418 = arith.divf %sub3A_413, %div3A_417 : vector<16x5000xf32>
    %mul3A_419 = arith.mulf %div3A_410, %add3A_231 : vector<16x5000xf32>
    %mul3A_420 = arith.mulf %div3A_418, %add3A_250 : vector<16x5000xf32>
    %add3A_421 = arith.addf %mul3A_419, %mul3A_420 : vector<16x5000xf32>
    %slice3A_422 = vector.extract_strided_slice %get3A_8 {offsets = [0, 7], sizes = [16, 1], strides = [1, 1]} : vector<16x12xf32> to vector<16x1xf32>
    %sub3A_423 = vector.broadcast %slice3A_422 : vector<16x1xf32> to vector<16x5000xf32>
    %sub3A_424 = arith.subf %transpose3A, %sub3A_423 : vector<16x5000xf32>
    %slice3A_425 = vector.extract_strided_slice %get3A_8 {offsets = [0, 9], sizes = [16, 1], strides = [1, 1]} : vector<16x12xf32> to vector<16x1xf32>
    %slice3A_426 = vector.extract_strided_slice %get3A_8 {offsets = [0, 7], sizes = [16, 1], strides = [1, 1]} : vector<16x12xf32> to vector<16x1xf32>
    %sub3A_427 = arith.subf %slice3A_425, %slice3A_426 : vector<16x1xf32>
    %div3A_428 = vector.broadcast %sub3A_427 : vector<16x1xf32> to vector<16x5000xf32>
    %div3A_429 = arith.divf %sub3A_424, %div3A_428 : vector<16x5000xf32>
    %slice3A_430 = vector.extract_strided_slice %get3A_8 {offsets = [0, 10], sizes = [16, 1], strides = [1, 1]} : vector<16x12xf32> to vector<16x1xf32>
    %sub3A_431 = vector.broadcast %slice3A_430 : vector<16x1xf32> to vector<16x5000xf32>
    %sub3A_432 = arith.subf %sub3A_431, %transpose3A : vector<16x5000xf32>
    %slice3A_433 = vector.extract_strided_slice %get3A_8 {offsets = [0, 10], sizes = [16, 1], strides = [1, 1]} : vector<16x12xf32> to vector<16x1xf32>
    %slice3A_434 = vector.extract_strided_slice %get3A_8 {offsets = [0, 8], sizes = [16, 1], strides = [1, 1]} : vector<16x12xf32> to vector<16x1xf32>
    %sub3A_435 = arith.subf %slice3A_433, %slice3A_434 : vector<16x1xf32>
    %div3A_436 = vector.broadcast %sub3A_435 : vector<16x1xf32> to vector<16x5000xf32>
    %div3A_437 = arith.divf %sub3A_432, %div3A_436 : vector<16x5000xf32>
    %mul3A_438 = arith.mulf %div3A_429, %add3A_250 : vector<16x5000xf32>
    %mul3A_439 = arith.mulf %div3A_437, %add3A_269 : vector<16x5000xf32>
    %add3A_440 = arith.addf %mul3A_438, %mul3A_439 : vector<16x5000xf32>
    %slice3A_441 = vector.extract_strided_slice %get3A_8 {offsets = [0, 8], sizes = [16, 1], strides = [1, 1]} : vector<16x12xf32> to vector<16x1xf32>
    %sub3A_442 = vector.broadcast %slice3A_441 : vector<16x1xf32> to vector<16x5000xf32>
    %sub3A_443 = arith.subf %transpose3A, %sub3A_442 : vector<16x5000xf32>
    %slice3A_444 = vector.extract_strided_slice %get3A_8 {offsets = [0, 10], sizes = [16, 1], strides = [1, 1]} : vector<16x12xf32> to vector<16x1xf32>
    %slice3A_445 = vector.extract_strided_slice %get3A_8 {offsets = [0, 8], sizes = [16, 1], strides = [1, 1]} : vector<16x12xf32> to vector<16x1xf32>
    %sub3A_446 = arith.subf %slice3A_444, %slice3A_445 : vector<16x1xf32>
    %div3A_447 = vector.broadcast %sub3A_446 : vector<16x1xf32> to vector<16x5000xf32>
    %div3A_448 = arith.divf %sub3A_443, %div3A_447 : vector<16x5000xf32>
    %slice3A_449 = vector.extract_strided_slice %get3A_8 {offsets = [0, 11], sizes = [16, 1], strides = [1, 1]} : vector<16x12xf32> to vector<16x1xf32>
    %sub3A_450 = vector.broadcast %slice3A_449 : vector<16x1xf32> to vector<16x5000xf32>
    %sub3A_451 = arith.subf %sub3A_450, %transpose3A : vector<16x5000xf32>
    %slice3A_452 = vector.extract_strided_slice %get3A_8 {offsets = [0, 11], sizes = [16, 1], strides = [1, 1]} : vector<16x12xf32> to vector<16x1xf32>
    %slice3A_453 = vector.extract_strided_slice %get3A_8 {offsets = [0, 9], sizes = [16, 1], strides = [1, 1]} : vector<16x12xf32> to vector<16x1xf32>
    %sub3A_454 = arith.subf %slice3A_452, %slice3A_453 : vector<16x1xf32>
    %div3A_455 = vector.broadcast %sub3A_454 : vector<16x1xf32> to vector<16x5000xf32>
    %div3A_456 = arith.divf %sub3A_451, %div3A_455 : vector<16x5000xf32>
    %mul3A_457 = arith.mulf %div3A_448, %add3A_269 : vector<16x5000xf32>
    %mul3A_458 = arith.mulf %div3A_456, %add3A_288 : vector<16x5000xf32>
    %add3A_459 = arith.addf %mul3A_457, %mul3A_458 : vector<16x5000xf32>
    %slice3A_460 = vector.extract_strided_slice %get3A_8 {offsets = [0, 0], sizes = [16, 1], strides = [1, 1]} : vector<16x12xf32> to vector<16x1xf32>
    %sub3A_461 = vector.broadcast %slice3A_460 : vector<16x1xf32> to vector<16x5000xf32>
    %sub3A_462 = arith.subf %transpose3A, %sub3A_461 : vector<16x5000xf32>
    %slice3A_463 = vector.extract_strided_slice %get3A_8 {offsets = [0, 3], sizes = [16, 1], strides = [1, 1]} : vector<16x12xf32> to vector<16x1xf32>
    %slice3A_464 = vector.extract_strided_slice %get3A_8 {offsets = [0, 0], sizes = [16, 1], strides = [1, 1]} : vector<16x12xf32> to vector<16x1xf32>
    %sub3A_465 = arith.subf %slice3A_463, %slice3A_464 : vector<16x1xf32>
    %div3A_466 = vector.broadcast %sub3A_465 : vector<16x1xf32> to vector<16x5000xf32>
    %div3A_467 = arith.divf %sub3A_462, %div3A_466 : vector<16x5000xf32>
    %slice3A_468 = vector.extract_strided_slice %get3A_8 {offsets = [0, 4], sizes = [16, 1], strides = [1, 1]} : vector<16x12xf32> to vector<16x1xf32>
    %sub3A_469 = vector.broadcast %slice3A_468 : vector<16x1xf32> to vector<16x5000xf32>
    %sub3A_470 = arith.subf %sub3A_469, %transpose3A : vector<16x5000xf32>
    %slice3A_471 = vector.extract_strided_slice %get3A_8 {offsets = [0, 4], sizes = [16, 1], strides = [1, 1]} : vector<16x12xf32> to vector<16x1xf32>
    %slice3A_472 = vector.extract_strided_slice %get3A_8 {offsets = [0, 1], sizes = [16, 1], strides = [1, 1]} : vector<16x12xf32> to vector<16x1xf32>
    %sub3A_473 = arith.subf %slice3A_471, %slice3A_472 : vector<16x1xf32>
    %div3A_474 = vector.broadcast %sub3A_473 : vector<16x1xf32> to vector<16x5000xf32>
    %div3A_475 = arith.divf %sub3A_470, %div3A_474 : vector<16x5000xf32>
    %mul3A_476 = arith.mulf %div3A_467, %add3A_307 : vector<16x5000xf32>
    %mul3A_477 = arith.mulf %div3A_475, %add3A_326 : vector<16x5000xf32>
    %add3A_478 = arith.addf %mul3A_476, %mul3A_477 : vector<16x5000xf32>
    %slice3A_479 = vector.extract_strided_slice %get3A_8 {offsets = [0, 1], sizes = [16, 1], strides = [1, 1]} : vector<16x12xf32> to vector<16x1xf32>
    %sub3A_480 = vector.broadcast %slice3A_479 : vector<16x1xf32> to vector<16x5000xf32>
    %sub3A_481 = arith.subf %transpose3A, %sub3A_480 : vector<16x5000xf32>
    %slice3A_482 = vector.extract_strided_slice %get3A_8 {offsets = [0, 4], sizes = [16, 1], strides = [1, 1]} : vector<16x12xf32> to vector<16x1xf32>
    %slice3A_483 = vector.extract_strided_slice %get3A_8 {offsets = [0, 1], sizes = [16, 1], strides = [1, 1]} : vector<16x12xf32> to vector<16x1xf32>
    %sub3A_484 = arith.subf %slice3A_482, %slice3A_483 : vector<16x1xf32>
    %div3A_485 = vector.broadcast %sub3A_484 : vector<16x1xf32> to vector<16x5000xf32>
    %div3A_486 = arith.divf %sub3A_481, %div3A_485 : vector<16x5000xf32>
    %slice3A_487 = vector.extract_strided_slice %get3A_8 {offsets = [0, 5], sizes = [16, 1], strides = [1, 1]} : vector<16x12xf32> to vector<16x1xf32>
    %sub3A_488 = vector.broadcast %slice3A_487 : vector<16x1xf32> to vector<16x5000xf32>
    %sub3A_489 = arith.subf %sub3A_488, %transpose3A : vector<16x5000xf32>
    %slice3A_490 = vector.extract_strided_slice %get3A_8 {offsets = [0, 5], sizes = [16, 1], strides = [1, 1]} : vector<16x12xf32> to vector<16x1xf32>
    %slice3A_491 = vector.extract_strided_slice %get3A_8 {offsets = [0, 2], sizes = [16, 1], strides = [1, 1]} : vector<16x12xf32> to vector<16x1xf32>
    %sub3A_492 = arith.subf %slice3A_490, %slice3A_491 : vector<16x1xf32>
    %div3A_493 = vector.broadcast %sub3A_492 : vector<16x1xf32> to vector<16x5000xf32>
    %div3A_494 = arith.divf %sub3A_489, %div3A_493 : vector<16x5000xf32>
    %mul3A_495 = arith.mulf %div3A_486, %add3A_326 : vector<16x5000xf32>
    %mul3A_496 = arith.mulf %div3A_494, %add3A_345 : vector<16x5000xf32>
    %add3A_497 = arith.addf %mul3A_495, %mul3A_496 : vector<16x5000xf32>
    %slice3A_498 = vector.extract_strided_slice %get3A_8 {offsets = [0, 2], sizes = [16, 1], strides = [1, 1]} : vector<16x12xf32> to vector<16x1xf32>
    %sub3A_499 = vector.broadcast %slice3A_498 : vector<16x1xf32> to vector<16x5000xf32>
    %sub3A_500 = arith.subf %transpose3A, %sub3A_499 : vector<16x5000xf32>
    %slice3A_501 = vector.extract_strided_slice %get3A_8 {offsets = [0, 5], sizes = [16, 1], strides = [1, 1]} : vector<16x12xf32> to vector<16x1xf32>
    %slice3A_502 = vector.extract_strided_slice %get3A_8 {offsets = [0, 2], sizes = [16, 1], strides = [1, 1]} : vector<16x12xf32> to vector<16x1xf32>
    %sub3A_503 = arith.subf %slice3A_501, %slice3A_502 : vector<16x1xf32>
    %div3A_504 = vector.broadcast %sub3A_503 : vector<16x1xf32> to vector<16x5000xf32>
    %div3A_505 = arith.divf %sub3A_500, %div3A_504 : vector<16x5000xf32>
    %slice3A_506 = vector.extract_strided_slice %get3A_8 {offsets = [0, 6], sizes = [16, 1], strides = [1, 1]} : vector<16x12xf32> to vector<16x1xf32>
    %sub3A_507 = vector.broadcast %slice3A_506 : vector<16x1xf32> to vector<16x5000xf32>
    %sub3A_508 = arith.subf %sub3A_507, %transpose3A : vector<16x5000xf32>
    %slice3A_509 = vector.extract_strided_slice %get3A_8 {offsets = [0, 6], sizes = [16, 1], strides = [1, 1]} : vector<16x12xf32> to vector<16x1xf32>
    %slice3A_510 = vector.extract_strided_slice %get3A_8 {offsets = [0, 3], sizes = [16, 1], strides = [1, 1]} : vector<16x12xf32> to vector<16x1xf32>
    %sub3A_511 = arith.subf %slice3A_509, %slice3A_510 : vector<16x1xf32>
    %div3A_512 = vector.broadcast %sub3A_511 : vector<16x1xf32> to vector<16x5000xf32>
    %div3A_513 = arith.divf %sub3A_508, %div3A_512 : vector<16x5000xf32>
    %mul3A_514 = arith.mulf %div3A_505, %add3A_345 : vector<16x5000xf32>
    %mul3A_515 = arith.mulf %div3A_513, %add3A_364 : vector<16x5000xf32>
    %add3A_516 = arith.addf %mul3A_514, %mul3A_515 : vector<16x5000xf32>
    %slice3A_517 = vector.extract_strided_slice %get3A_8 {offsets = [0, 3], sizes = [16, 1], strides = [1, 1]} : vector<16x12xf32> to vector<16x1xf32>
    %sub3A_518 = vector.broadcast %slice3A_517 : vector<16x1xf32> to vector<16x5000xf32>
    %sub3A_519 = arith.subf %transpose3A, %sub3A_518 : vector<16x5000xf32>
    %slice3A_520 = vector.extract_strided_slice %get3A_8 {offsets = [0, 6], sizes = [16, 1], strides = [1, 1]} : vector<16x12xf32> to vector<16x1xf32>
    %slice3A_521 = vector.extract_strided_slice %get3A_8 {offsets = [0, 3], sizes = [16, 1], strides = [1, 1]} : vector<16x12xf32> to vector<16x1xf32>
    %sub3A_522 = arith.subf %slice3A_520, %slice3A_521 : vector<16x1xf32>
    %div3A_523 = vector.broadcast %sub3A_522 : vector<16x1xf32> to vector<16x5000xf32>
    %div3A_524 = arith.divf %sub3A_519, %div3A_523 : vector<16x5000xf32>
    %slice3A_525 = vector.extract_strided_slice %get3A_8 {offsets = [0, 7], sizes = [16, 1], strides = [1, 1]} : vector<16x12xf32> to vector<16x1xf32>
    %sub3A_526 = vector.broadcast %slice3A_525 : vector<16x1xf32> to vector<16x5000xf32>
    %sub3A_527 = arith.subf %sub3A_526, %transpose3A : vector<16x5000xf32>
    %slice3A_528 = vector.extract_strided_slice %get3A_8 {offsets = [0, 7], sizes = [16, 1], strides = [1, 1]} : vector<16x12xf32> to vector<16x1xf32>
    %slice3A_529 = vector.extract_strided_slice %get3A_8 {offsets = [0, 4], sizes = [16, 1], strides = [1, 1]} : vector<16x12xf32> to vector<16x1xf32>
    %sub3A_530 = arith.subf %slice3A_528, %slice3A_529 : vector<16x1xf32>
    %div3A_531 = vector.broadcast %sub3A_530 : vector<16x1xf32> to vector<16x5000xf32>
    %div3A_532 = arith.divf %sub3A_527, %div3A_531 : vector<16x5000xf32>
    %mul3A_533 = arith.mulf %div3A_524, %add3A_364 : vector<16x5000xf32>
    %mul3A_534 = arith.mulf %div3A_532, %add3A_383 : vector<16x5000xf32>
    %add3A_535 = arith.addf %mul3A_533, %mul3A_534 : vector<16x5000xf32>
    %slice3A_536 = vector.extract_strided_slice %get3A_8 {offsets = [0, 4], sizes = [16, 1], strides = [1, 1]} : vector<16x12xf32> to vector<16x1xf32>
    %sub3A_537 = vector.broadcast %slice3A_536 : vector<16x1xf32> to vector<16x5000xf32>
    %sub3A_538 = arith.subf %transpose3A, %sub3A_537 : vector<16x5000xf32>
    %slice3A_539 = vector.extract_strided_slice %get3A_8 {offsets = [0, 7], sizes = [16, 1], strides = [1, 1]} : vector<16x12xf32> to vector<16x1xf32>
    %slice3A_540 = vector.extract_strided_slice %get3A_8 {offsets = [0, 4], sizes = [16, 1], strides = [1, 1]} : vector<16x12xf32> to vector<16x1xf32>
    %sub3A_541 = arith.subf %slice3A_539, %slice3A_540 : vector<16x1xf32>
    %div3A_542 = vector.broadcast %sub3A_541 : vector<16x1xf32> to vector<16x5000xf32>
    %div3A_543 = arith.divf %sub3A_538, %div3A_542 : vector<16x5000xf32>
    %slice3A_544 = vector.extract_strided_slice %get3A_8 {offsets = [0, 8], sizes = [16, 1], strides = [1, 1]} : vector<16x12xf32> to vector<16x1xf32>
    %sub3A_545 = vector.broadcast %slice3A_544 : vector<16x1xf32> to vector<16x5000xf32>
    %sub3A_546 = arith.subf %sub3A_545, %transpose3A : vector<16x5000xf32>
    %slice3A_547 = vector.extract_strided_slice %get3A_8 {offsets = [0, 8], sizes = [16, 1], strides = [1, 1]} : vector<16x12xf32> to vector<16x1xf32>
    %slice3A_548 = vector.extract_strided_slice %get3A_8 {offsets = [0, 5], sizes = [16, 1], strides = [1, 1]} : vector<16x12xf32> to vector<16x1xf32>
    %sub3A_549 = arith.subf %slice3A_547, %slice3A_548 : vector<16x1xf32>
    %div3A_550 = vector.broadcast %sub3A_549 : vector<16x1xf32> to vector<16x5000xf32>
    %div3A_551 = arith.divf %sub3A_546, %div3A_550 : vector<16x5000xf32>
    %mul3A_552 = arith.mulf %div3A_543, %add3A_383 : vector<16x5000xf32>
    %mul3A_553 = arith.mulf %div3A_551, %add3A_402 : vector<16x5000xf32>
    %add3A_554 = arith.addf %mul3A_552, %mul3A_553 : vector<16x5000xf32>
    %slice3A_555 = vector.extract_strided_slice %get3A_8 {offsets = [0, 5], sizes = [16, 1], strides = [1, 1]} : vector<16x12xf32> to vector<16x1xf32>
    %sub3A_556 = vector.broadcast %slice3A_555 : vector<16x1xf32> to vector<16x5000xf32>
    %sub3A_557 = arith.subf %transpose3A, %sub3A_556 : vector<16x5000xf32>
    %slice3A_558 = vector.extract_strided_slice %get3A_8 {offsets = [0, 8], sizes = [16, 1], strides = [1, 1]} : vector<16x12xf32> to vector<16x1xf32>
    %slice3A_559 = vector.extract_strided_slice %get3A_8 {offsets = [0, 5], sizes = [16, 1], strides = [1, 1]} : vector<16x12xf32> to vector<16x1xf32>
    %sub3A_560 = arith.subf %slice3A_558, %slice3A_559 : vector<16x1xf32>
    %div3A_561 = vector.broadcast %sub3A_560 : vector<16x1xf32> to vector<16x5000xf32>
    %div3A_562 = arith.divf %sub3A_557, %div3A_561 : vector<16x5000xf32>
    %slice3A_563 = vector.extract_strided_slice %get3A_8 {offsets = [0, 9], sizes = [16, 1], strides = [1, 1]} : vector<16x12xf32> to vector<16x1xf32>
    %sub3A_564 = vector.broadcast %slice3A_563 : vector<16x1xf32> to vector<16x5000xf32>
    %sub3A_565 = arith.subf %sub3A_564, %transpose3A : vector<16x5000xf32>
    %slice3A_566 = vector.extract_strided_slice %get3A_8 {offsets = [0, 9], sizes = [16, 1], strides = [1, 1]} : vector<16x12xf32> to vector<16x1xf32>
    %slice3A_567 = vector.extract_strided_slice %get3A_8 {offsets = [0, 6], sizes = [16, 1], strides = [1, 1]} : vector<16x12xf32> to vector<16x1xf32>
    %sub3A_568 = arith.subf %slice3A_566, %slice3A_567 : vector<16x1xf32>
    %div3A_569 = vector.broadcast %sub3A_568 : vector<16x1xf32> to vector<16x5000xf32>
    %div3A_570 = arith.divf %sub3A_565, %div3A_569 : vector<16x5000xf32>
    %mul3A_571 = arith.mulf %div3A_562, %add3A_402 : vector<16x5000xf32>
    %mul3A_572 = arith.mulf %div3A_570, %add3A_421 : vector<16x5000xf32>
    %add3A_573 = arith.addf %mul3A_571, %mul3A_572 : vector<16x5000xf32>
    %slice3A_574 = vector.extract_strided_slice %get3A_8 {offsets = [0, 6], sizes = [16, 1], strides = [1, 1]} : vector<16x12xf32> to vector<16x1xf32>
    %sub3A_575 = vector.broadcast %slice3A_574 : vector<16x1xf32> to vector<16x5000xf32>
    %sub3A_576 = arith.subf %transpose3A, %sub3A_575 : vector<16x5000xf32>
    %slice3A_577 = vector.extract_strided_slice %get3A_8 {offsets = [0, 9], sizes = [16, 1], strides = [1, 1]} : vector<16x12xf32> to vector<16x1xf32>
    %slice3A_578 = vector.extract_strided_slice %get3A_8 {offsets = [0, 6], sizes = [16, 1], strides = [1, 1]} : vector<16x12xf32> to vector<16x1xf32>
    %sub3A_579 = arith.subf %slice3A_577, %slice3A_578 : vector<16x1xf32>
    %div3A_580 = vector.broadcast %sub3A_579 : vector<16x1xf32> to vector<16x5000xf32>
    %div3A_581 = arith.divf %sub3A_576, %div3A_580 : vector<16x5000xf32>
    %slice3A_582 = vector.extract_strided_slice %get3A_8 {offsets = [0, 10], sizes = [16, 1], strides = [1, 1]} : vector<16x12xf32> to vector<16x1xf32>
    %sub3A_583 = vector.broadcast %slice3A_582 : vector<16x1xf32> to vector<16x5000xf32>
    %sub3A_584 = arith.subf %sub3A_583, %transpose3A : vector<16x5000xf32>
    %slice3A_585 = vector.extract_strided_slice %get3A_8 {offsets = [0, 10], sizes = [16, 1], strides = [1, 1]} : vector<16x12xf32> to vector<16x1xf32>
    %slice3A_586 = vector.extract_strided_slice %get3A_8 {offsets = [0, 7], sizes = [16, 1], strides = [1, 1]} : vector<16x12xf32> to vector<16x1xf32>
    %sub3A_587 = arith.subf %slice3A_585, %slice3A_586 : vector<16x1xf32>
    %div3A_588 = vector.broadcast %sub3A_587 : vector<16x1xf32> to vector<16x5000xf32>
    %div3A_589 = arith.divf %sub3A_584, %div3A_588 : vector<16x5000xf32>
    %mul3A_590 = arith.mulf %div3A_581, %add3A_421 : vector<16x5000xf32>
    %mul3A_591 = arith.mulf %div3A_589, %add3A_440 : vector<16x5000xf32>
    %add3A_592 = arith.addf %mul3A_590, %mul3A_591 : vector<16x5000xf32>
    %slice3A_593 = vector.extract_strided_slice %get3A_8 {offsets = [0, 7], sizes = [16, 1], strides = [1, 1]} : vector<16x12xf32> to vector<16x1xf32>
    %sub3A_594 = vector.broadcast %slice3A_593 : vector<16x1xf32> to vector<16x5000xf32>
    %sub3A_595 = arith.subf %transpose3A, %sub3A_594 : vector<16x5000xf32>
    %slice3A_596 = vector.extract_strided_slice %get3A_8 {offsets = [0, 10], sizes = [16, 1], strides = [1, 1]} : vector<16x12xf32> to vector<16x1xf32>
    %slice3A_597 = vector.extract_strided_slice %get3A_8 {offsets = [0, 7], sizes = [16, 1], strides = [1, 1]} : vector<16x12xf32> to vector<16x1xf32>
    %sub3A_598 = arith.subf %slice3A_596, %slice3A_597 : vector<16x1xf32>
    %div3A_599 = vector.broadcast %sub3A_598 : vector<16x1xf32> to vector<16x5000xf32>
    %div3A_600 = arith.divf %sub3A_595, %div3A_599 : vector<16x5000xf32>
    %slice3A_601 = vector.extract_strided_slice %get3A_8 {offsets = [0, 11], sizes = [16, 1], strides = [1, 1]} : vector<16x12xf32> to vector<16x1xf32>
    %sub3A_602 = vector.broadcast %slice3A_601 : vector<16x1xf32> to vector<16x5000xf32>
    %sub3A_603 = arith.subf %sub3A_602, %transpose3A : vector<16x5000xf32>
    %slice3A_604 = vector.extract_strided_slice %get3A_8 {offsets = [0, 11], sizes = [16, 1], strides = [1, 1]} : vector<16x12xf32> to vector<16x1xf32>
    %slice3A_605 = vector.extract_strided_slice %get3A_8 {offsets = [0, 8], sizes = [16, 1], strides = [1, 1]} : vector<16x12xf32> to vector<16x1xf32>
    %sub3A_606 = arith.subf %slice3A_604, %slice3A_605 : vector<16x1xf32>
    %div3A_607 = vector.broadcast %sub3A_606 : vector<16x1xf32> to vector<16x5000xf32>
    %div3A_608 = arith.divf %sub3A_603, %div3A_607 : vector<16x5000xf32>
    %mul3A_609 = arith.mulf %div3A_600, %add3A_440 : vector<16x5000xf32>
    %mul3A_610 = arith.mulf %div3A_608, %add3A_459 : vector<16x5000xf32>
    %add3A_611 = arith.addf %mul3A_609, %mul3A_610 : vector<16x5000xf32>
    %stack3A = vector.shape_cast %add3A_478 : vector<16x5000xf32> to vector<16x1x5000xf32>
    %stack3A_612 = vector.shape_cast %add3A_497 : vector<16x5000xf32> to vector<16x1x5000xf32>
    %stack3A_613 = vector.shape_cast %add3A_516 : vector<16x5000xf32> to vector<16x1x5000xf32>
    %stack3A_614 = vector.shape_cast %add3A_535 : vector<16x5000xf32> to vector<16x1x5000xf32>
    %stack3A_615 = vector.shape_cast %add3A_554 : vector<16x5000xf32> to vector<16x1x5000xf32>
    %stack3A_616 = vector.shape_cast %add3A_573 : vector<16x5000xf32> to vector<16x1x5000xf32>
    %stack3A_617 = vector.shape_cast %add3A_592 : vector<16x5000xf32> to vector<16x1x5000xf32>
    %stack3A_618 = vector.shape_cast %add3A_611 : vector<16x5000xf32> to vector<16x1x5000xf32>
    %stack3A_619 = tpu.concatenate %stack3A, %stack3A_612, %stack3A_613, %stack3A_614, %stack3A_615, %stack3A_616, %stack3A_617, %stack3A_618 in 1 : vector<16x1x5000xf32>, vector<16x1x5000xf32>, vector<16x1x5000xf32>, vector<16x1x5000xf32>, vector<16x1x5000xf32>, vector<16x1x5000xf32>, vector<16x1x5000xf32>, vector<16x1x5000xf32> -> vector<16x8x5000xf32>
    %reshape3A = vector.shape_cast %stack3A_619 : vector<16x8x5000xf32> to vector<128x5000xf32>
    %get3A_620 = arith.constant 0 : index
    %get3A_621 = arith.constant 0 : index
    %get3A_622 = arith.constant 0 : index
    %get3A_623 = vector.load %arg4[%get3A_620, %get3A_621, %get3A_622] : memref<1x128x16xf32, #tpu.memory_space<vmem>>, vector<1x128x16xf32>
    %get3A_624 = vector.shape_cast %get3A_623 : vector<1x128x16xf32> to vector<128x16xf32>
    %dot_general3A = arith.constant dense<0.000000e+00> : vector<5000x16xf32>
    %dot_general3A_625 = tpu.matmul %reshape3A, %get3A_624, %dot_general3A {dimension_numbers = #tpu.dot_dimension_numbers<[0], [0], [1], [1], [0, 1, 1, 1], [], []>, transpose_lhs_hint = false} : vector<128x5000xf32>, vector<128x16xf32>, vector<5000x16xf32> -> vector<5000x16xf32>
    %logistic3A = arith.negf %get3A_3 : vector<5000x16xf32>
    %logistic3A_626 = math.exp %logistic3A : vector<5000x16xf32>
    %logistic3A_627 = arith.constant 1.000000e+00 : f32
    %logistic3A_628 = vector.broadcast %logistic3A_627 : f32 to vector<5000x16xf32>
    %logistic3A_629 = arith.addf %logistic3A_628, %logistic3A_626 : vector<5000x16xf32>
    %logistic3A_630 = arith.divf %logistic3A_628, %logistic3A_629 : vector<5000x16xf32>
    %mul3A_631 = arith.mulf %get3A_3, %logistic3A_630 : vector<5000x16xf32>
    %get3A_632 = arith.constant 0 : index
    %get3A_633 = arith.constant 0 : index
    %get3A_634 = arith.constant 0 : index
    %get3A_635 = vector.load %arg5[%get3A_632, %get3A_633, %get3A_634] : memref<1x16x16xf32, #tpu.memory_space<vmem>>, vector<1x16x16xf32>
    %get3A_636 = vector.shape_cast %get3A_635 : vector<1x16x16xf32> to vector<16x16xf32>
    %dot_general3A_637 = arith.constant dense<0.000000e+00> : vector<5000x16xf32>
    %dot_general3A_638 = tpu.matmul %mul3A_631, %get3A_636, %dot_general3A_637 {dimension_numbers = #tpu.dot_dimension_numbers<[1], [1], [0], [0], [0, 0, 1, 0], [], []>, transpose_lhs_hint = false} : vector<5000x16xf32>, vector<16x16xf32>, vector<5000x16xf32> -> vector<5000x16xf32>
    %add3A_639 = arith.addf %dot_general3A_625, %dot_general3A_638 : vector<5000x16xf32>
    %swap3A = arith.constant 0 : index
    %swap3A_640 = arith.constant 0 : index
    %swap3A_641 = arith.constant 0 : index
    %swap3A_642 = vector.load %arg6[%swap3A, %swap3A_640, %swap3A_641] : memref<1x5000x16xf32, #tpu.memory_space<vmem>>, vector<1x5000x16xf32>
    %swap3A_643 = vector.shape_cast %swap3A_642 : vector<1x5000x16xf32> to vector<5000x16xf32>
    %swap3A_644 = vector.shape_cast %add3A_639 : vector<5000x16xf32> to vector<1x5000x16xf32>
    tpu.vector_store %arg6[%swap3A, %swap3A_640, %swap3A_641], %swap3A_644 {strides = array<i32>} : memref<1x5000x16xf32, #tpu.memory_space<vmem>>, vector<1x5000x16xf32>,
    return
  }
  func.func @transform_0(%arg0: i32, %arg1: i32) -> (i32, i32, i32) {
    %c0_i32 = arith.constant 0 : i32
    %c0_i32_0 = arith.constant 0 : i32
    return %arg0, %arg1, %c0_i32 : i32, i32, i32
  }
  func.func @transform_1(%arg0: i32, %arg1: i32) -> (i32, i32, i32) {
    %c0_i32 = arith.constant 0 : i32
    %c0_i32_0 = arith.constant 0 : i32
    %c0_i32_1 = arith.constant 0 : i32
    return %arg0, %c0_i32, %c0_i32_0 : i32, i32, i32
  }
  func.func @transform_2(%arg0: i32, %arg1: i32) -> (i32, i32, i32) {
    %c0_i32 = arith.constant 0 : i32
    %c0_i32_0 = arith.constant 0 : i32
    %c0_i32_1 = arith.constant 0 : i32
    return %arg0, %c0_i32, %c0_i32_0 : i32, i32, i32
  }
  func.func @transform_3(%arg0: i32, %arg1: i32) -> (i32, i32, i32) {
    %c0_i32 = arith.constant 0 : i32
    %c0_i32_0 = arith.constant 0 : i32
    %c0_i32_1 = arith.constant 0 : i32
    return %arg0, %c0_i32, %c0_i32_0 : i32, i32, i32
  }
  func.func @transform_4(%arg0: i32, %arg1: i32) -> (i32, i32, i32) {
    %c0_i32 = arith.constant 0 : i32
    %c0_i32_0 = arith.constant 0 : i32
    return %arg0, %arg1, %c0_i32 : i32, i32, i32
  }
}

</mosaic_0001>

<sc_bundles>
// kernel: gather_offload_async_start.1
scs
__scs_entry_jumppad:
0x0: {  	(pc) =	sbr.rel $0x88, $3  }
0x1: {  	(tag) =	ssettag $0x0;
	lr =	simm.s32 $0x1  }
0x2: {  	[smem:$0x3F9C] =	sst lr;
	_ =	strace $0xD0000000  }
0x3: {  	_ = 	snop  }
0x4: {  	_ = 	snop  }
0x5: {  	_ = 	snop  }
0x6: {  	_ = 	snop  }
0x7: {  	_ = 	snop  }
__scs_overlays_trampoline_lowered:
0x8: {  	[smem:$0x3FAB] =	sst s0  }
0x9: {  	[smem:$0x3FAC] =	sst s1  }
0xa: {  	[smem:$0x3FAD] =	sst s2  }
0xb: {  	[smem:$0x3FAE] =	sst s3  }
0xc: {  	[smem:$0x3FAF] =	sst s4  }
0xd: {  	[smem:$0x3FB0] =	sst s5  }
0xe: {  	[smem:$0x3FB1] =	sst s6  }
0xf: {  	[smem:$0x3FB2] =	sst s7  }
0x10: {  	[smem:$0x3FB3] =	sst s8  }
0x11: {  	[smem:$0x3FB4] =	sst s9;
	s0 =	simm.s32 @!p0 $0x0  }
0x12: {  	s1 =	sld [smem:$0x3F9A];
	s0 =	simm.s32 @p0 $0x1  }
0x13: {  	[smem:$0x3FB5] =	sst s0;
	s0 =	simm.s32 @!p1 $0x0  }
0x14: {  	s2 =	sld [smem:$0x3F99];
	s0 =	simm.s32 @p1 $0x1  }
0x15: {  	[smem:$0x3FB6] =	sst s0;
	s0 =	simm.s32 @!p2 $0x0  }
0x16: {  	s3 =	sld [smem:$0x3FDB];
	s0 =	simm.s32 @p2 $0x1  }
0x17: {  	s4 =	simm.s32 $0x1BF5;
	[smem:$0x3FB8] =	sst s0  }
0x18: {  	s0 =	sld [smem:$0x3F9B];
	_ =	swait.ge [sflag:s4], $0x0  }
0x19: {  	s7 =	sld [smem:$0x3F9C]  }
0x1a: {  	s8 =	sadd.s32 $0xFFFFE003, lr  }
0x1b: {  	s9 =	sadd.s32 $0xFFFFFEF7, lr;
	s5 =	simm.s32 $0xFFFFFFFF;
	p2 =	slt.u32 s8, $0xFFFFF086  }
0x1c: {  	p1 =	slt.u32 s9, $0xF7A;
	s5 =	simm.s32 @!p2 $0x0  }
0x1d: {  	s5 =	simm.s32 @p1 $0x1;
	p0 =	seq.s32 s7, s2  }
0x1e: {  	s7 =	smul.u32 @!p0 $0xF7A, s2;
	p2 =	seq.s32 @!p0 s5, $0x0  }
0x1f: {  	s9 =	smul.u32 $0xF7A, s1;
	s8 =	simm.s32 @!p0 $0x1BF5;
	p2 =	por !p2, p0  }
0x20: {  	[sflag:s8] =	ssyncset.s32 @!p0 $0xFFFFF086;
	s6 =	sadd.s32 @!p0 s3, s7;
	s7 =	simm.s32 @!p0 $0x108  }
0x21: {  	s3 =	sadd.s32 s3, s9;
	s6 =	sadd.s32 @!p0 $0x88, s6;
	s7 =	simm.s32 @p2 $0x1082  }
0x22: {  	[simem:s7], [sflag:s8] =	dma.local @!p0 [hbm:s6], $0xF7A  }
0x23: {  	s9 =	sor.u32 $0xD0000000, s2;
	s6 =	simm.s32 $0x108;
	_ =	swait.ge @!p0 [sflag:s8], $0x0  }
0x24: {  	s3 =	sadd.s32 $0x88, s3;
	s6 =	simm.s32 @!p1 $0x1082;
	[sflag:s4] =	ssyncset.s32 $0xFFFFF086  }
0x25: {  	[simem:s6], [sflag:s4] =	dma.local [hbm:s3], $0xF7A  }
0x26: {  	[smem:$0x3F9C] =	sst s1;
	(tag) =	ssettag s2;
	_ =	strace s9  }
0x27: {  	s1 =	sld [smem:$0x3FAC]  }
0x28: {  	s2 =	sld [smem:$0x3FAD]  }
0x29: {  	s4 =	sld [smem:$0x3FAF]  }
0x2a: {  	p0 =	seq.s32 s5, $0x0;
	s5 =	sld [smem:$0x3FB0]  }
0x2b: {  	s6 =	sld [smem:$0x3FB1]  }
0x2c: {  	s7 =	sld [smem:$0x3FB2]  }
0x2d: {  	s3 =	simm.s32 $0x108;
	s8 =	sld [smem:$0x3FB3]  }
0x2e: {  	s3 =	simm.s32 @!p0 $0x1082;
	s9 =	sld [smem:$0x3FB4]  }
0x2f: {  	lr =	sadd.s32 s0, s3;
	s0 =	sld [smem:$0x3FAB]  }
0x30: {  	s3 =	sld [smem:$0x3FAE]  }
0x31: {  	[smem:$0x3FB7] =	sst s10  }
0x32: {  	s10 =	sld [smem:$0x3FB5];
	_ =	sdelay $0x3  }
0x33: {  	p0 =	seq.s32 s10, $0x1;
	s10 =	sld [smem:$0x3FB7];
	_ =	sdelay $0x3  }
0x34: {  	[smem:$0x3FB7] =	sst s10  }
0x35: {  	s10 =	sld [smem:$0x3FB6];
	_ =	sdelay $0x3  }
0x36: {  	p1 =	seq.s32 s10, $0x1;
	s10 =	sld [smem:$0x3FB7];
	_ =	sdelay $0x3  }
0x37: {  	[smem:$0x3FB7] =	sst s10  }
0x38: {  	s10 =	sld [smem:$0x3FB8]  }
0x39: {  	_ = 	snop;
	(pc) =	sbr.ind lr, $3  }
0x3a: {  	_ = 	snop  }
0x3b: {  	_ = 	snop  }
0x3c: {  	p2 =	seq.s32 s10, $0x1;
	s10 =	sld [smem:$0x3FB7]  }
0x3d: {  	_ =	shalt  }
0x3e: {  	_ =	shalt  }
0x3f: {  	_ =	shalt  }
0x40: {  	_ =	shalt  }
0x41: {  	_ =	shalt  }
0x42: {  	_ =	shalt  }
0x43: {  	_ =	shalt  }
0x44: {  	_ =	shalt  }
0x45: {  	_ =	shalt  }
0x46: {  	_ =	shalt  }
0x47: {  	_ =	shalt  }
0x48: {  	_ =	shalt  }
0x49: {  	_ =	shalt  }
0x4a: {  	_ =	shalt  }
0x4b: {  	_ =	shalt  }
0x4c: {  	_ =	shalt  }
0x4d: {  	_ =	shalt  }
0x4e: {  	_ =	shalt  }
0x4f: {  	_ =	shalt  }
0x50: {  	_ =	shalt  }
0x51: {  	_ =	shalt  }
0x52: {  	_ =	shalt  }
0x53: {  	_ =	shalt  }
0x54: {  	_ =	shalt  }
0x55: {  	_ =	shalt  }
0x56: {  	_ =	shalt  }
0x57: {  	_ =	shalt  }
0x58: {  	_ =	shalt  }
0x59: {  	_ =	shalt  }
0x5a: {  	_ =	shalt  }
0x5b: {  	_ =	shalt  }
0x5c: {  	_ =	shalt  }
0x5d: {  	_ =	shalt  }
0x5e: {  	_ =	shalt  }
0x5f: {  	_ =	shalt  }
0x60: {  	_ =	shalt  }
0x61: {  	_ =	shalt  }
0x62: {  	_ =	shalt  }
0x63: {  	_ =	shalt  }
0x64: {  	_ =	shalt  }
0x65: {  	_ =	shalt  }
0x66: {  	_ =	shalt  }
0x67: {  	_ =	shalt  }
0x68: {  	_ =	shalt  }
0x69: {  	_ =	shalt  }
0x6a: {  	_ =	shalt  }
0x6b: {  	_ =	shalt  }
0x6c: {  	_ =	shalt  }
0x6d: {  	_ =	shalt  }
0x6e: {  	_ =	shalt  }
0x6f: {  	_ =	shalt  }
0x70: {  	_ =	shalt  }
0x71: {  	_ =	shalt  }
0x72: {  	_ =	shalt  }
0x73: {  	_ =	shalt  }
0x74: {  	_ =	shalt  }
0x75: {  	_ =	shalt  }
0x76: {  	_ =	shalt  }
0x77: {  	_ =	shalt  }
0x78: {  	_ =	shalt  }
0x79: {  	_ =	shalt  }
0x7a: {  	_ =	shalt  }
0x7b: {  	_ =	shalt  }
0x7c: {  	_ =	shalt  }
0x7d: {  	_ =	shalt  }
0x7e: {  	_ =	shalt  }
0x7f: {  	_ =	shalt  }
0x80: {  	_ =	shalt  }
0x81: {  	_ =	shalt  }
0x82: {  	_ =	shalt  }
0x83: {  	_ =	shalt  }
0x84: {  	_ =	shalt  }
0x85: {  	_ =	shalt  }
0x86: {  	_ =	shalt  }
0x87: {  	_ =	shalt  }
.Lfunc_end0:
.L_simem_size_0:
called_computation.3_lowered:
.L_overlay_start_0:
0x88: {  	s2 =	sld [smem:$0x3FD9]  }
0x89: {  	s3 =	sld [smem:$0x3FFE];
	_ =	sdelay $0x1  }
0x8a: {  	s1 =	srdreg.scid  }
0x8b: {  	s0 =	sand.u32 $0x1, s1  }
0x8c: {  	s16 =	sshll.u32 s0, $0xA;
	s2 =	sadd.s32 s3, s2  }
0x8d: {  	s2 =	sadd.s32 s2, s16  }
0x8e: {  	[smem:$0x3FC3] =	sst s2  }
0x8f: {  	_ = 	snop  }
0x90: {  	(tm) =	ssettm $0x1  }
0x91: {  	s17 =	sld [smem:$0x3FFB];
	_ =	sdelay $0x3  }
0x92: {  	_ =	strace s17  }
0x93: {  	s2 =	sld [smem:$0x3FFC];
	_ =	sdelay $0x3  }
0x94: {  	_ =	strace s2  }
0x95: {  	s2 =	sld [smem:$0x3FFD];
	_ =	sdelay $0x3  }
0x96: {  	_ =	strace s2  }
0x97: {  	_ =	strace $0x8FFFFFFF  }
0x98: {  	s18 =	sld [smem:$0x3FDB];
	_ =	sdelay $0x1  }
0x99: {  	s19 =	simm.s32 $_scs_section_size  }
0x9a: {  	s4 =	simm.s32 $_size__tile_overlayer_lowered;
	s5 =	simm.s32 $_tile_overlayer_lowered  }
0x9b: {  	s22 =	simm.s32 $0x1BFF;
	s21 =	sshll.u32 s5, $0x1;
	s2 =	sadd.s32 s19, s18  }
0x9c: {  	s6 =	simm.s32 $0x0;
	s20 =	sshll.u32 s4, $0x1;
	s4 =	sadd.s32 s21, s2  }
0x9d: {  	[timem:s6], [sflag:s22] =	dma.local [hbm:s4], s20  }
0x9e: {  	_ =	swait.ge [sflag:s22], s20  }
0x9f: {  	s3 =	ssub.s32 $0x0, s20;
	[sflag:s22] =	ssyncset.done $0x0  }
0xa0: {  	[sflag:s22] =	ssyncadd.s32 s3;
	_ =	sdelay $0x1  }
0xa1: {  	s23 =	simm.s32 $0x1B8B  }
0xa2: {  	_ =	swait.ge [sflag:s23], $0x1  }
0xa3: {  	[sflag:s23] =	ssyncset.done $0x0  }
0xa4: {  	s25 =	simm.s32 $0x1B8E;
	s24 =	sld [smem:$0x3FFE];
	[sflag:s23] =	ssyncadd.s32 $0xFFFFFFFF  }
0xa5: {  	s26 =	simm.s32 $execute0_lowered;
	[smem:$0x3FD2] =	sst s25  }
0xa6: {  	s4 =	sshll.u32 s26, $0x1;
	_ =	strace $0x8000004C;
	[dreg:$0x1] =	wrdreg $0xFFFFFFFF  }
0xa7: {  	s28 =	simm.s32 $_size_execute0_lowered;
	s2 =	sadd.s32 s2, s4;
	[dreg:$0x0] =	wrdreg $0x0  }
0xa8: {  	s4 =	sshll.u32 s28, $0x1;
	[dreg:$0x2] =	wrdreg s2  }
0xa9: {  	[dreg:$0x3] =	wrdreg s4  }
0xaa: {  	[dreg:$0x4] =	wrdreg $0xC0  }
0xab: {  	_ =	task [dreg:s6], $0x5FFFF  }
0xac: {  	[dreg:$0x1] =	wrdreg $0xFFFFFFFF  }
0xad: {  	[dreg:$0x0] =	wrdreg $0x60  }
0xae: {  	[dreg:$0x2] =	wrdreg s24  }
0xaf: {  	[dreg:$0x3] =	wrdreg $0x9  }
0xb0: {  	_ =	task.clear_ibuf [dreg:s6], $0x4FFFF;
	_ =	strace $0x9000004C  }
0xb1: {  	s29 =	simm.s32 $0x9;
	_ =	strace $0x8000004E  }
0xb2: {  	_ =	swait.ge [sflag:s29], $0x1  }
0xb3: {  	[sflag:s29] =	ssyncadd.s32 $0xFFFFFFFF  }
0xb4: {  	_ =	strace $0x9000004E  }
0xb5: {  	_ =	sfence  }
0xb6: {  	s30 =	sld [smem:$0x0];
	_ =	sdelay $0x2  }
0xb7: {  	s31 =	sshll.u32 s1, $0xD;
	s1 =	sshrl.u32 s1, $0x2  }
0xb8: {  	s3 =	sand.u32 $0x4000, s31;
	s1 =	sadd.s32 s1, s30  }
0xb9: {  	s0 =	sor.u32 s3, s0;
	s1 =	sshll.u32 s1, $0x11  }
0xba: {  	s0 =	sor.u32 s1, s0  }
0xbb: {  	s0 =	sadd.s32 $0x8F2B, s0  }
0xbc: {  	[sflag:s0] =	ssyncadd.remote.s32 $0x1  }
0xbd: {  	_ =	sfence.sel $0xFFFF  }
0xbe: {  	[dreg:$0x0] =	wrdreg $0xFFFFFFFF;
	(pc) =	sbr.abs _section_cstart, $3  }
0xbf: {  	[dreg:$0x1] =	wrdreg $0xFFFFFFFF  }
0xc0: {  	_ =	task.clear_ibuf [dreg:s6], $0x2FFFF;
	_ =	strace $0x9FFFFFFF  }
0xc1: {  	(tm) =	ssettm $0x7FFFFFFF  }
tec
execute0_lowered:
.L_overlay_start_1:
0x0: {  	(tag) =	ssettag $0x1  }
0x1: {  	s0 =	srdreg.scid  }
0x2: {  	s1 =	sshll.u32 s0, $0x4  }
0x3: {  	s0 =	stileid.u32;
	s1 =	sand.u32 $0x10, s1  }
0x4: {  	s1 =	sor.u32 s0, s1  }
0x5: {  	s2 =	smin.u32 s1, $0x4  }
0x6: {  	s2 =	sadd.s32 s1, s2  }
0x7: {  	p0 =	slt.u32 s1, $0x4;
	s1 =	simm.s32 $0xC0;
	s2 =	smul.u32 $0x60, s2  }
0x8: {  	s1 =	simm.s32 @!p0 $0x60  }
0x9: {  	s1 =	sadd.s32 s1, s2  }
0xa: {  	s3 =	smin.u32 s1, $0xD80  }
0xb: {  	s7 =	ssub.s32 s3, s2  }
0xc: {  	p0 =	sgt.s32 s7, $0x0  }
0xd: {  	s7 =	simm.s32 @!p0 $0x0  }
0xe: {  	s31 =	smul.u32 $0xAAAB, s7  }
0xf: {  	s9 =	rddreg [dreg:$0x0];
	s6 =	simm.s32 $0x1;
	s11 =	simm.s32 $0x3  }
0x10: {  	s13 =	simm.s32 $0x0;
	s12 =	simm.s32 $0x0;
	s8 =	sshrl.u32 s31, $0x16  }
0x11: {  	s4 =	sadd.s32 $0x43A00, s9;
	s5 =	sadd.s32 $0x33800, s9;
	s10 =	smul.u32 $0x60, s8  }
.Ltmp0:
0x12: {  	s9 =	sadd.s32 $0x51200, s9;
	s1 =	rddreg [dreg:$0x1];
	(pc) =	sbr.rel .LBB2_1-.Ltmp0, $4  }
0x13: {  	_ =	strace $0x8000004D;
	p0 =	sne.s32 s7, s10;
	s10 =	simm.s32 $0x1  }
0x14: {  	[sflag:s6] =	ssyncpa.u1 $0x0;
	s7 =	simm.s32 $0x2;
	s10 =	simm.s32 @!p0 $0x0  }
0x15: {  	[sflag:s7] =	ssyncpa.u1 $0x0;
	p0 =	por $0x0, $0x0;
	s8 =	sadd.s32 s8, s10  }
0x16: {  	vm0 =	vmmov $0xff;
	vm1 =	vcmask $0x3F20;
	[sflag:s11] =	ssyncpa.u1 $0x0;
	s11 =	smov.u32 s2;
	s10 =	sadd.s32 $0x1, s8  }
.LBB2_6:
0x17: {  	[hbm:s17] =	stream.linear.scatter [tilespmem:s14], [sflag:$0x3], $0x400, $0x38;
	[tilespmem:$0x60C0] =	vst v63  }
.LBB2_7:
0x18: {  	s13 =	sadd.s32 $0x60, s11  }
0x19: {  	s15 =	smov.u32 s2;
	p2 =	slt.s32 s13, s3  }
0x1a: {  	s15 =	smov.u32 @p2 s13;
	p2 =	sne.s32 s12, s10  }
.Ltmp1:
0x1b: {  	p1 =	slt.u32 s12, $0x2;
	(pc) =	sbr.rel @!p2 .LBB2_8-.Ltmp1, $4  }
0x1c: {  	s14 =	simm.s32 @!p1 $0x3  }
0x1d: {  	s16 =	sadd.s32 $0x1, s12;
	_ =	swait.ge @!p1 [sflag:s14], $0x3000  }
0x1e: {  	p0 =	por !p0, !p0;
	s13 =	smov.u32 s11;
	[sflag:s14] =	ssyncset.done @!p1 $0x0  }
0x1f: {  	s12 =	smov.u32 s16;
	s11 =	smov.u32 s15;
	[sflag:s14] =	ssyncadd.s32 @!p1 $0xFFFFD000  }
.LBB2_1:
0x20: {  	p1 =	sge.u32 s12, s8  }
0x21: {  	s14 =	sxor.u32 @!p1 $0xFFFFFFFF, s12  }
0x22: {  	s14 =	sand.u32 @!p1 $0x1, s14  }
0x23: {  	s14 =	smul.u32 @!p1 $0x180, s14  }
0x24: {  	s31 =	sadd.s32 $0xFFFFFFFF, s12;
	s15 =	sshrl.u32 @!p1 s11, $0x3  }
0x25: {  	s16 =	sand.u32 @!p1 $0x7, s11;
	s15 =	sadd.s32 @!p1 s5, s15;
	s14 =	sshrl.u32 @!p1 s14, $0x2  }
0x26: {  	[tilespmem:s14], [sflag:$0x2] =	stream.linear.gather @!p1 [hbm4b:s15+s16], $0x60, $0x38;
	[tilespmem:$0x60C0] =	vst v63  }
0x27: {  	p1 =	sge.u32 s31, s8  }
.Ltmp2:
0x28: {  	_ = 	snop;
	(pc) =	sbr.rel @p1 .LBB2_7-.Ltmp2, $1  }
0x29: {  	_ =	sdelay $0x3  }
0x2a: {  	s14 =	simm.s32 $0x1  }
0x2b: {  	s14 =	simm.s32 @!p0 $0x0  }
0x2c: {  	s15 =	smul.u32 $0x180, s14  }
0x2d: {  	_ =	swait.ge [sflag:s7], $0x60  }
0x2e: {  	[sflag:s7] =	ssyncset.done $0x0;
	s16 =	sshrl.u32 s15, $0x2  }
0x2f: {  	[sflag:s7] =	ssyncadd.s32 $0xFFFFFFA0;
	s15 =	sadd.s32 $0x0, s16  }
0x30: {  	v0 =	vld.msk [tilespmem:s15+$0x0 ss:$0x1], $0xffff;
	_ =	sdelay $0x4  }
0x31: {  	vm2 =	veq.s32 v0, $0x80000000  }
0x32: {  	v1 =	vshrl.u32 v0, $0x9;
	v2 =	vshll.u32 v0, $0xE;
	v0 =	vshll.u32 v0, $0x5  }
0x33: {  	v1 =	vand.u32 $0x7, v1;
	v2 =	vand.u32 $0x7C000, v2;
	v0 =	vand.u32 $0x3C00, v0  }
0x34: {  	v1 =	vsel vm2, $0xFFFFFFFF, v1;
	v0 =	vor.u32 v0, v2  }
0x35: {  	v0 =	vsel vm2, $0xFFFFBC00, v0;
	v2 =	vand.u32 $0xFFFFFC00, v1;
	v1 =	vshll.u32 v1, $0x7  }
0x36: {  	v0 =	vadd.s32 v2, v0;
	v1 =	vand.u32 $0x380, v1  }
0x37: {  	v0 =	vor.u32 v1, v0  }
0x38: {  	v0 =	vshrl.u32 v0, $0x3  }
0x39: {  	s14 =	smul.u32 $0xC000, s14;
	_ =	sdelay $0x1  }
0x3a: {  	s14 =	sshrl.u32 s14, $0x2  }
0x3b: {  	s14 =	sor.u32 $0xC0, s14  }
0x3c: {  	[tilespmem:s14], [sflag:$0x1] =	stream.indirect_vreg.gather [hbm:s4], $0x80, v0, vm0, $0x38;
	[tilespmem:$0x60C0] =	vst v63  }
0x3d: {  	s17 =	sadd.s32 $0x10, s16;
	s15 =	sadd.s32 $0x400, s14  }
0x3e: {  	[tilespmem:s15], [sflag:$0x1] =	stream.indirect_vreg.gather [hbm:s4], $0x80, v0, vm1, $0x38;
	[tilespmem:$0x60C0] =	vst v63  }
0x3f: {  	s18 =	simm.s32 $0x80;
	v0 =	vld.msk [tilespmem:s17+$0x0 ss:$0x1], $0xffff;
	s17 =	smov.u32 s14  }
.LBB2_3:
0x40: {  	p1 =	sne.s32 s18, $0x140;
	_ =	sdelay $0x4  }
0x41: {  	vm2 =	veq.s32 v0, $0x80000000  }
0x42: {  	v1 =	vshrl.u32 v0, $0x9;
	v2 =	vshll.u32 v0, $0xE;
	v0 =	vshll.u32 v0, $0x5  }
0x43: {  	v1 =	vand.u32 $0x7, v1;
	v2 =	vand.u32 $0x7C000, v2;
	v0 =	vand.u32 $0x3C00, v0  }
0x44: {  	v1 =	vsel vm2, $0xFFFFFFFF, v1;
	v0 =	vor.u32 v0, v2  }
0x45: {  	v0 =	vsel vm2, $0xFFFFBC00, v0;
	v2 =	vand.u32 $0xFFFFFC00, v1;
	v1 =	vshll.u32 v1, $0x7  }
0x46: {  	v0 =	vadd.s32 v2, v0;
	v1 =	vand.u32 $0x380, v1  }
0x47: {  	v0 =	vor.u32 v1, v0  }
0x48: {  	v0 =	vshrl.u32 v0, $0x3;
	_ =	sdelay $0x3  }
.Ltmp3:
0x49: {  	s19 =	sshra.s32 s18, $0x2;
	s17 =	sadd.s32 $0x800, s17;
	(pc) =	sbr.rel @p1 .LBB2_3-.Ltmp3, $4  }
0x4a: {  	[tilespmem:s17], [sflag:$0x1] =	stream.indirect_vreg.gather [hbm:s4], $0x80, v0, vm0, $0x38;
	[tilespmem:$0x60C0] =	vst v63  }
0x4b: {  	s19 =	sadd.s32 s19, s16;
	s20 =	sadd.s32 $0x400, s17  }
0x4c: {  	[tilespmem:s20], [sflag:$0x1] =	stream.indirect_vreg.gather [hbm:s4], $0x80, v0, vm1, $0x38;
	[tilespmem:$0x60C0] =	vst v63  }
0x4d: {  	s18 =	sadd.s32 $0x40, s18;
	v0 =	vld.msk [tilespmem:s19+$0x0 ss:$0x1], $0xffff  }
0x4e: {  	_ =	sdelay $0x3  }
0x4f: {  	vm2 =	veq.s32 v0, $0x80000000  }
0x50: {  	v1 =	vshrl.u32 v0, $0x9;
	v2 =	vshll.u32 v0, $0xE;
	v62 =	vshll.u32 v0, $0x5  }
0x51: {  	v1 =	vand.u32 $0x7, v1;
	v2 =	vand.u32 $0x7C000, v2;
	v0 =	vand.u32 $0x3C00, v62  }
0x52: {  	v1 =	vsel vm2, $0xFFFFFFFF, v1;
	v0 =	vor.u32 v0, v2  }
0x53: {  	v0 =	vsel vm2, $0xFFFFBC00, v0;
	v63 =	vand.u32 $0xFFFFFC00, v1;
	v1 =	vshll.u32 v1, $0x7  }
0x54: {  	v0 =	vadd.s32 v63, v0;
	v1 =	vand.u32 $0x380, v1  }
0x55: {  	v0 =	vor.u32 v1, v0  }
0x56: {  	v0 =	vshrl.u32 v0, $0x3;
	_ =	sdelay $0x3  }
0x57: {  	s16 =	sadd.s32 $0x800, s17  }
0x58: {  	[tilespmem:s16], [sflag:$0x1] =	stream.indirect_vreg.gather [hbm:s4], $0x80, v0, vm0, $0x38;
	[tilespmem:$0x60C0] =	vst v63  }
0x59: {  	s16 =	sadd.s32 $0x400, s16  }
0x5a: {  	[tilespmem:s16], [sflag:$0x1] =	stream.indirect_vreg.gather [hbm:s4], $0x80, v0, vm1, $0x38;
	[tilespmem:$0x60C0] =	vst v63  }
0x5b: {  	s13 =	sshll.u32 s13, $0x4;
	_ =	swait.ge [sflag:s6], $0x3000  }
0x5c: {  	s13 =	sadd.s32 s13, s9;
	[sflag:s6] =	ssyncset.done $0x0  }
0x5d: {  	s17 =	sadd.s32 $0x0, s13;
	s16 =	simm.s32 $0x80;
	[sflag:s6] =	ssyncadd.s32 $0xFFFFD000  }
.LBB2_5:
0x5e: {  	[hbm:s17] =	stream.linear.scatter [tilespmem:s14], [sflag:$0x3], $0x400, $0x38;
	[tilespmem:$0x60C0] =	vst v63  }
0x5f: {  	s17 =	smov.u32 s16;
	s14 =	smov.u32 s15;
	p1 =	sne.s32 s16, $0x580  }
.Ltmp4:
0x60: {  	s16 =	sadd.s32 $0x80, s16;
	(pc) =	sbr.rel @p1 .LBB2_5-.Ltmp4, $2  }
0x61: {  	_ =	sdelay $0x2  }
0x62: {  	s15 =	sadd.s32 $0x400, s15;
	s17 =	sadd.s32 s17, s13  }
.Ltmp5:
0x63: {  	_ = 	snop;
	(pc) =	sbr.rel .LBB2_6-.Ltmp5, $1  }
0x64: {  	_ =	sdelay $0x3  }
.LBB2_8:
0x65: {  	_ =	sfence.sel $0x180000  }
0x66: {  	s2 =	simm.s32 $0x2;
	[bflag:$0x0] =	sbarrier.arrive $0xFFFF  }
0x67: {  	s30 =	simm.s32 $0x3;
	[sflag:s2] =	ssyncpa.u1 $0x1  }
0x68: {  	s31 =	simm.s32 $0x1;
	[sflag:s30] =	ssyncpa.u1 $0x1  }
0x69: {  	[sflag:s31] =	ssyncpa.u1 $0x1  }
0x6a: {  	p0 =	sne.s32 s0, $0x0;
	_ =	strace $0x9000004D  }
0x6b: {  	s0 =	sadd.s32 @!p0 $0x100000, s1;
	[bflag:$0x2] =	sbarrier.arrive $0xFFFF  }
0x6c: {  	[sflag:s0] =	ssyncadd.tile.s32 @!p0 $0x1;
	_ =	shalt  }
.Lfunc_end2:
_tile_overlayer_lowered:
.L_overlay_start_2:
0x6d: {  	(tag) =	ssettag $0x2  }
0x6e: {  	s0 =	rddreg [dreg:$0x0];
	s2 =	stileid.u32  }
0x6f: {  	s1 =	rddreg [dreg:$0x1];
	p0 =	sne.s32 s2, $0x0  }
0x70: {  	s3 =	rddreg [dreg:$0x2];
	[bflag:$0x3] =	sbarrier.arrive $0xFFFF;
	s2 =	simm.s32 @!p0 $0x1C01  }
0x71: {  	[timem:s3], [sflag:s2] =	dma.local @!p0 [hbm:s0], s1  }
0x72: {  	s0 =	simm.s32 @!p0 $0x1  }
0x73: {  	_ =	swait.ge @!p0 [sflag:s0], s1  }
0x74: {  	s1 =	ssub.s32 @!p0 $0x0, s1;
	[sflag:s0] =	ssyncset.done @!p0 $0x0  }
0x75: {  	[sflag:s0] =	ssyncadd.s32 @!p0 s1  }
0x76: {  	[bflag:$0x3] =	sbarrier.arrive $0xFFFF  }
0x77: {  	_ =	shalt  }

// kernel: gather_offload_async_start
scs
__scs_entry_jumppad:
0x0: {  	(pc) =	sbr.rel $0x88, $3  }
0x1: {  	(tag) =	ssettag $0x0;
	lr =	simm.s32 $0x1  }
0x2: {  	[smem:$0x3F9C] =	sst lr;
	_ =	strace $0xD0000000  }
0x3: {  	_ = 	snop  }
0x4: {  	_ = 	snop  }
0x5: {  	_ = 	snop  }
0x6: {  	_ = 	snop  }
0x7: {  	_ = 	snop  }
__scs_overlays_trampoline_lowered:
0x8: {  	[smem:$0x3FAB] =	sst s0  }
0x9: {  	[smem:$0x3FAC] =	sst s1  }
0xa: {  	[smem:$0x3FAD] =	sst s2  }
0xb: {  	[smem:$0x3FAE] =	sst s3  }
0xc: {  	[smem:$0x3FAF] =	sst s4  }
0xd: {  	[smem:$0x3FB0] =	sst s5  }
0xe: {  	[smem:$0x3FB1] =	sst s6  }
0xf: {  	[smem:$0x3FB2] =	sst s7  }
0x10: {  	[smem:$0x3FB3] =	sst s8  }
0x11: {  	[smem:$0x3FB4] =	sst s9;
	s0 =	simm.s32 @!p0 $0x0  }
0x12: {  	s1 =	sld [smem:$0x3F9A];
	s0 =	simm.s32 @p0 $0x1  }
0x13: {  	[smem:$0x3FB5] =	sst s0;
	s0 =	simm.s32 @!p1 $0x0  }
0x14: {  	s2 =	sld [smem:$0x3F99];
	s0 =	simm.s32 @p1 $0x1  }
0x15: {  	[smem:$0x3FB6] =	sst s0;
	s0 =	simm.s32 @!p2 $0x0  }
0x16: {  	s3 =	sld [smem:$0x3FDB];
	s0 =	simm.s32 @p2 $0x1  }
0x17: {  	s4 =	simm.s32 $0x1BF5;
	[smem:$0x3FB8] =	sst s0  }
0x18: {  	s0 =	sld [smem:$0x3F9B];
	_ =	swait.ge [sflag:s4], $0x0  }
0x19: {  	s7 =	sld [smem:$0x3F9C]  }
0x1a: {  	s8 =	sadd.s32 $0xFFFFE003, lr  }
0x1b: {  	s9 =	sadd.s32 $0xFFFFFEF7, lr;
	s5 =	simm.s32 $0xFFFFFFFF;
	p2 =	slt.u32 s8, $0xFFFFF086  }
0x1c: {  	p1 =	slt.u32 s9, $0xF7A;
	s5 =	simm.s32 @!p2 $0x0  }
0x1d: {  	s5 =	simm.s32 @p1 $0x1;
	p0 =	seq.s32 s7, s2  }
0x1e: {  	s7 =	smul.u32 @!p0 $0xF7A, s2;
	p2 =	seq.s32 @!p0 s5, $0x0  }
0x1f: {  	s9 =	smul.u32 $0xF7A, s1;
	s8 =	simm.s32 @!p0 $0x1BF5;
	p2 =	por !p2, p0  }
0x20: {  	[sflag:s8] =	ssyncset.s32 @!p0 $0xFFFFF086;
	s6 =	sadd.s32 @!p0 s3, s7;
	s7 =	simm.s32 @!p0 $0x108  }
0x21: {  	s3 =	sadd.s32 s3, s9;
	s6 =	sadd.s32 @!p0 $0x88, s6;
	s7 =	simm.s32 @p2 $0x1082  }
0x22: {  	[simem:s7], [sflag:s8] =	dma.local @!p0 [hbm:s6], $0xF7A  }
0x23: {  	s9 =	sor.u32 $0xD0000000, s2;
	s6 =	simm.s32 $0x108;
	_ =	swait.ge @!p0 [sflag:s8], $0x0  }
0x24: {  	s3 =	sadd.s32 $0x88, s3;
	s6 =	simm.s32 @!p1 $0x1082;
	[sflag:s4] =	ssyncset.s32 $0xFFFFF086  }
0x25: {  	[simem:s6], [sflag:s4] =	dma.local [hbm:s3], $0xF7A  }
0x26: {  	[smem:$0x3F9C] =	sst s1;
	(tag) =	ssettag s2;
	_ =	strace s9  }
0x27: {  	s1 =	sld [smem:$0x3FAC]  }
0x28: {  	s2 =	sld [smem:$0x3FAD]  }
0x29: {  	s4 =	sld [smem:$0x3FAF]  }
0x2a: {  	p0 =	seq.s32 s5, $0x0;
	s5 =	sld [smem:$0x3FB0]  }
0x2b: {  	s6 =	sld [smem:$0x3FB1]  }
0x2c: {  	s7 =	sld [smem:$0x3FB2]  }
0x2d: {  	s3 =	simm.s32 $0x108;
	s8 =	sld [smem:$0x3FB3]  }
0x2e: {  	s3 =	simm.s32 @!p0 $0x1082;
	s9 =	sld [smem:$0x3FB4]  }
0x2f: {  	lr =	sadd.s32 s0, s3;
	s0 =	sld [smem:$0x3FAB]  }
0x30: {  	s3 =	sld [smem:$0x3FAE]  }
0x31: {  	[smem:$0x3FB7] =	sst s10  }
0x32: {  	s10 =	sld [smem:$0x3FB5];
	_ =	sdelay $0x3  }
0x33: {  	p0 =	seq.s32 s10, $0x1;
	s10 =	sld [smem:$0x3FB7];
	_ =	sdelay $0x3  }
0x34: {  	[smem:$0x3FB7] =	sst s10  }
0x35: {  	s10 =	sld [smem:$0x3FB6];
	_ =	sdelay $0x3  }
0x36: {  	p1 =	seq.s32 s10, $0x1;
	s10 =	sld [smem:$0x3FB7];
	_ =	sdelay $0x3  }
0x37: {  	[smem:$0x3FB7] =	sst s10  }
0x38: {  	s10 =	sld [smem:$0x3FB8]  }
0x39: {  	_ = 	snop;
	(pc) =	sbr.ind lr, $3  }
0x3a: {  	_ = 	snop  }
0x3b: {  	_ = 	snop  }
0x3c: {  	p2 =	seq.s32 s10, $0x1;
	s10 =	sld [smem:$0x3FB7]  }
0x3d: {  	_ =	shalt  }
0x3e: {  	_ =	shalt  }
0x3f: {  	_ =	shalt  }
0x40: {  	_ =	shalt  }
0x41: {  	_ =	shalt  }
0x42: {  	_ =	shalt  }
0x43: {  	_ =	shalt  }
0x44: {  	_ =	shalt  }
0x45: {  	_ =	shalt  }
0x46: {  	_ =	shalt  }
0x47: {  	_ =	shalt  }
0x48: {  	_ =	shalt  }
0x49: {  	_ =	shalt  }
0x4a: {  	_ =	shalt  }
0x4b: {  	_ =	shalt  }
0x4c: {  	_ =	shalt  }
0x4d: {  	_ =	shalt  }
0x4e: {  	_ =	shalt  }
0x4f: {  	_ =	shalt  }
0x50: {  	_ =	shalt  }
0x51: {  	_ =	shalt  }
0x52: {  	_ =	shalt  }
0x53: {  	_ =	shalt  }
0x54: {  	_ =	shalt  }
0x55: {  	_ =	shalt  }
0x56: {  	_ =	shalt  }
0x57: {  	_ =	shalt  }
0x58: {  	_ =	shalt  }
0x59: {  	_ =	shalt  }
0x5a: {  	_ =	shalt  }
0x5b: {  	_ =	shalt  }
0x5c: {  	_ =	shalt  }
0x5d: {  	_ =	shalt  }
0x5e: {  	_ =	shalt  }
0x5f: {  	_ =	shalt  }
0x60: {  	_ =	shalt  }
0x61: {  	_ =	shalt  }
0x62: {  	_ =	shalt  }
0x63: {  	_ =	shalt  }
0x64: {  	_ =	shalt  }
0x65: {  	_ =	shalt  }
0x66: {  	_ =	shalt  }
0x67: {  	_ =	shalt  }
0x68: {  	_ =	shalt  }
0x69: {  	_ =	shalt  }
0x6a: {  	_ =	shalt  }
0x6b: {  	_ =	shalt  }
0x6c: {  	_ =	shalt  }
0x6d: {  	_ =	shalt  }
0x6e: {  	_ =	shalt  }
0x6f: {  	_ =	shalt  }
0x70: {  	_ =	shalt  }
0x71: {  	_ =	shalt  }
0x72: {  	_ =	shalt  }
0x73: {  	_ =	shalt  }
0x74: {  	_ =	shalt  }
0x75: {  	_ =	shalt  }
0x76: {  	_ =	shalt  }
0x77: {  	_ =	shalt  }
0x78: {  	_ =	shalt  }
0x79: {  	_ =	shalt  }
0x7a: {  	_ =	shalt  }
0x7b: {  	_ =	shalt  }
0x7c: {  	_ =	shalt  }
0x7d: {  	_ =	shalt  }
0x7e: {  	_ =	shalt  }
0x7f: {  	_ =	shalt  }
0x80: {  	_ =	shalt  }
0x81: {  	_ =	shalt  }
0x82: {  	_ =	shalt  }
0x83: {  	_ =	shalt  }
0x84: {  	_ =	shalt  }
0x85: {  	_ =	shalt  }
0x86: {  	_ =	shalt  }
0x87: {  	_ =	shalt  }
.Lfunc_end0:
.L_simem_size_0:
called_computation.2_lowered:
.L_overlay_start_0:
0x88: {  	s2 =	sld [smem:$0x3FD9]  }
0x89: {  	s3 =	sld [smem:$0x3FFE];
	_ =	sdelay $0x1  }
0x8a: {  	s1 =	srdreg.scid  }
0x8b: {  	s0 =	sand.u32 $0x1, s1  }
0x8c: {  	s16 =	sshll.u32 s0, $0xA;
	s2 =	sadd.s32 s3, s2  }
0x8d: {  	s2 =	sadd.s32 s2, s16  }
0x8e: {  	[smem:$0x3FC3] =	sst s2  }
0x8f: {  	_ = 	snop  }
0x90: {  	(tm) =	ssettm $0x1  }
0x91: {  	s17 =	sld [smem:$0x3FFB];
	_ =	sdelay $0x3  }
0x92: {  	_ =	strace s17  }
0x93: {  	s2 =	sld [smem:$0x3FFC];
	_ =	sdelay $0x3  }
0x94: {  	_ =	strace s2  }
0x95: {  	s2 =	sld [smem:$0x3FFD];
	_ =	sdelay $0x3  }
0x96: {  	_ =	strace s2  }
0x97: {  	_ =	strace $0x8FFFFFFF  }
0x98: {  	s18 =	sld [smem:$0x3FDB];
	_ =	sdelay $0x1  }
0x99: {  	s19 =	simm.s32 $_scs_section_size  }
0x9a: {  	s4 =	simm.s32 $_size__tile_overlayer_lowered;
	s5 =	simm.s32 $_tile_overlayer_lowered  }
0x9b: {  	s22 =	simm.s32 $0x1BFF;
	s21 =	sshll.u32 s5, $0x1;
	s2 =	sadd.s32 s19, s18  }
0x9c: {  	s6 =	simm.s32 $0x0;
	s20 =	sshll.u32 s4, $0x1;
	s4 =	sadd.s32 s21, s2  }
0x9d: {  	[timem:s6], [sflag:s22] =	dma.local [hbm:s4], s20  }
0x9e: {  	_ =	swait.ge [sflag:s22], s20  }
0x9f: {  	s3 =	ssub.s32 $0x0, s20;
	[sflag:s22] =	ssyncset.done $0x0  }
0xa0: {  	[sflag:s22] =	ssyncadd.s32 s3;
	_ =	sdelay $0x1  }
0xa1: {  	s23 =	simm.s32 $0x1B8B  }
0xa2: {  	_ =	swait.ge [sflag:s23], $0x1  }
0xa3: {  	[sflag:s23] =	ssyncset.done $0x0  }
0xa4: {  	s25 =	simm.s32 $0x1B8E;
	s24 =	sld [smem:$0x3FFE];
	[sflag:s23] =	ssyncadd.s32 $0xFFFFFFFF  }
0xa5: {  	s26 =	simm.s32 $execute0_lowered;
	[smem:$0x3FD2] =	sst s25  }
0xa6: {  	s4 =	sshll.u32 s26, $0x1;
	_ =	strace $0x80000049;
	[dreg:$0x1] =	wrdreg $0xFFFFFFFF  }
0xa7: {  	s28 =	simm.s32 $_size_execute0_lowered;
	s2 =	sadd.s32 s2, s4;
	[dreg:$0x0] =	wrdreg $0x0  }
0xa8: {  	s4 =	sshll.u32 s28, $0x1;
	[dreg:$0x2] =	wrdreg s2  }
0xa9: {  	[dreg:$0x3] =	wrdreg s4  }
0xaa: {  	[dreg:$0x4] =	wrdreg $0xC0  }
0xab: {  	_ =	task [dreg:s6], $0x5FFFF  }
0xac: {  	[dreg:$0x1] =	wrdreg $0xFFFFFFFF  }
0xad: {  	[dreg:$0x0] =	wrdreg $0x60  }
0xae: {  	[dreg:$0x2] =	wrdreg s24  }
0xaf: {  	[dreg:$0x3] =	wrdreg $0x9  }
0xb0: {  	_ =	task.clear_ibuf [dreg:s6], $0x4FFFF;
	_ =	strace $0x90000049  }
0xb1: {  	s29 =	simm.s32 $0x9;
	_ =	strace $0x8000004B  }
0xb2: {  	_ =	swait.ge [sflag:s29], $0x1  }
0xb3: {  	[sflag:s29] =	ssyncadd.s32 $0xFFFFFFFF  }
0xb4: {  	_ =	strace $0x9000004B  }
0xb5: {  	_ =	sfence  }
0xb6: {  	s30 =	sld [smem:$0x0];
	_ =	sdelay $0x2  }
0xb7: {  	s31 =	sshll.u32 s1, $0xD;
	s1 =	sshrl.u32 s1, $0x2  }
0xb8: {  	s3 =	sand.u32 $0x4000, s31;
	s1 =	sadd.s32 s1, s30  }
0xb9: {  	s0 =	sor.u32 s3, s0;
	s1 =	sshll.u32 s1, $0x11  }
0xba: {  	s0 =	sor.u32 s1, s0  }
0xbb: {  	s0 =	sadd.s32 $0x8F2B, s0  }
0xbc: {  	[sflag:s0] =	ssyncadd.remote.s32 $0x1  }
0xbd: {  	_ =	sfence.sel $0xFFFF  }
0xbe: {  	[dreg:$0x0] =	wrdreg $0xFFFFFFFF;
	(pc) =	sbr.abs _section_cstart, $3  }
0xbf: {  	[dreg:$0x1] =	wrdreg $0xFFFFFFFF  }
0xc0: {  	_ =	task.clear_ibuf [dreg:s6], $0x2FFFF;
	_ =	strace $0x9FFFFFFF  }
0xc1: {  	(tm) =	ssettm $0x7FFFFFFF  }
tec
execute0_lowered:
.L_overlay_start_1:
0x0: {  	(tag) =	ssettag $0x1  }
0x1: {  	s8 =	rddreg [dreg:$0x0];
	s1 =	stileid.u32  }
0x2: {  	s2 =	srdreg.scid;
	s0 =	rddreg [dreg:$0x1]  }
0x3: {  	_ =	strace $0x8000004A;
	s5 =	simm.s32 $0x1;
	s9 =	simm.s32 $0x1  }
0x4: {  	s10 =	simm.s32 $0x3;
	s2 =	sand.u32 $0x1, s2;
	s3 =	sshll.u32 s1, $0x1  }
0x5: {  	s13 =	simm.s32 $0x0;
	s12 =	simm.s32 $0x0;
	s6 =	sor.u32 s3, s2  }
0x6: {  	[sflag:s5] =	ssyncpa.u1 $0x0;
	s2 =	sadd.s32 $0x34600, s8;
	s4 =	smul.u32 $0x60, s6  }
0x7: {  	s3 =	sadd.s32 $0x33800, s8;
	p0 =	slt.u32 s6, $0x5;
	s6 =	simm.s32 $0xC00  }
.Ltmp0:
0x8: {  	s6 =	simm.s32 @!p0 $0x0;
	s7 =	ssub.s32 $0xD80, s4;
	(pc) =	sbr.rel .LBB2_1-.Ltmp0, $4  }
0x9: {  	s9 =	simm.s32 @!p0 $0x0;
	p0 =	sne.s32 s7, s6;
	s7 =	simm.s32 $0x1  }
0xa: {  	s8 =	sadd.s32 $0x33A00, s8;
	s6 =	simm.s32 $0x2;
	s7 =	simm.s32 @!p0 $0x0  }
0xb: {  	s11 =	smov.u32 s4;
	[sflag:s6] =	ssyncpa.u1 $0x0;
	s7 =	sadd.s32 s9, s7  }
0xc: {  	vm0 =	vmmov $0xffff;
	[sflag:s10] =	ssyncpa.u1 $0x0;
	s10 =	simm.s32 $0x0;
	s9 =	sadd.s32 $0x1, s7  }
.LBB2_4:
0xd: {  	v3 =	vshrl.u32 v0, $0x9;
	v62 =	vshll.u32 v0, $0xB;
	v2 =	vand.u32 $0x780, v2  }
0xe: {  	v3 =	vand.u32 $0x7, v3;
	v0 =	vand.u32 $0xF800, v62;
	v2 =	vsel vm1, $0xFFFFFF80, v2  }
0xf: {  	v3 =	vsel vm1, $0xFFFFFFFF, v3;
	v0 =	vsel vm1, $0xFFFFF800, v0;
	v4 =	vand.u32 $0xFFFFFC00, v2  }
0x10: {  	v0 =	vadd.s32 v0, v4;
	v63 =	vand.u32 $0xFFFFFC00, v3  }
0x11: {  	v2 =	vand.u32 $0x380, v2;
	v0 =	vadd.s32 v63, v0  }
0x12: {  	v3 =	vand.u32 $0x7F, v3;
	v0 =	vor.u32 v2, v0  }
0x13: {  	v0 =	vor.u32 v3, v0;
	_ =	sdelay $0x1  }
0x14: {  	(ifvalue) =	ssetifvalue $0x7FFFFFFF;
	s15 =	sadd.s32 $0x10, s15  }
0x15: {  	[tilespmem:s15], [sflag:$0x1] =	stream.indirect_vreg.gather [hbm4b:s2+s10], $0x1, v1, vm0, $0x4038;
	[tilespmem:$0x180] =	vst v63  }
0x16: {  	(ifvalue) =	ssetifvalue $0x7FFFFFFF;
	s15 =	sadd.s32 $0x10, s15  }
0x17: {  	[tilespmem:s15], [sflag:$0x1] =	stream.indirect_vreg.gather [hbm4b:s2+s10], $0x1, v0, vm0, $0x4038;
	[tilespmem:$0x180] =	vst v63  }
0x18: {  	_ =	swait.ge [sflag:s5], $0x60  }
0x19: {  	s30 =	sshrl.u32 s13, $0x3;
	[sflag:s5] =	ssyncset.done $0x0  }
0x1a: {  	s31 =	sand.u32 $0x7, s13;
	s15 =	sadd.s32 s8, s30;
	[sflag:s5] =	ssyncadd.s32 $0xFFFFFFA0  }
0x1b: {  	[hbm4b:s15+s31] =	stream.linear.scatter [tilespmem:s14], [sflag:$0x3], $0x60, $0x38;
	[tilespmem:$0x180] =	vst v63  }
.LBB2_5:
0x1c: {  	s15 =	sadd.s32 $0xC00, s11  }
0x1d: {  	p1 =	sgt.s32 s15, $0xD7F  }
0x1e: {  	s15 =	smov.u32 @p1 s4;
	p1 =	sne.s32 s12, s9  }
.Ltmp1:
0x1f: {  	p0 =	slt.u32 s12, $0x2;
	(pc) =	sbr.rel @!p1 .LBB2_6-.Ltmp1, $4  }
0x20: {  	s14 =	simm.s32 @!p0 $0x3  }
0x21: {  	_ =	swait.ge @!p0 [sflag:s14], $0x60  }
0x22: {  	s16 =	sadd.s32 $0x1, s12;
	s13 =	smov.u32 s11;
	[sflag:s14] =	ssyncset.done @!p0 $0x0  }
0x23: {  	s12 =	smov.u32 s16;
	s11 =	smov.u32 s15;
	[sflag:s14] =	ssyncadd.s32 @!p0 $0xFFFFFFA0  }
.LBB2_1:
0x24: {  	p0 =	sge.u32 s12, s7  }
0x25: {  	s14 =	sxor.u32 @!p0 $0x1, s12  }
0x26: {  	s14 =	smul.u32 @!p0 $0x180, s14  }
0x27: {  	s31 =	sadd.s32 $0xFFFFFFFF, s12;
	s15 =	sshrl.u32 @!p0 s11, $0x3  }
0x28: {  	s16 =	sand.u32 @!p0 $0x7, s11;
	s15 =	sadd.s32 @!p0 s3, s15;
	s14 =	sshra.s32 @!p0 s14, $0x2  }
0x29: {  	[tilespmem:s14], [sflag:$0x2] =	stream.linear.gather @!p0 [hbm4b:s15+s16], $0x60, $0x38;
	[tilespmem:$0x180] =	vst v63  }
0x2a: {  	p0 =	sge.u32 s31, s7  }
.Ltmp2:
0x2b: {  	_ = 	snop;
	(pc) =	sbr.rel @p0 .LBB2_5-.Ltmp2, $1  }
0x2c: {  	_ =	sdelay $0x3  }
0x2d: {  	s14 =	sand.u32 $0x1, s12  }
0x2e: {  	_ =	swait.ge [sflag:s6], $0x60;
	p0 =	seq.s32 s14, $0x1;
	s14 =	simm.s32 $0x60  }
0x2f: {  	[sflag:s6] =	ssyncset.done $0x0;
	s14 =	simm.s32 @!p0 $0x0  }
0x30: {  	[sflag:s6] =	ssyncadd.s32 $0xFFFFFFA0;
	(ifvalue) =	ssetifvalue $0x7FFFFFFF;
	v0 =	vld.msk [tilespmem:s14+$0x0 ss:$0x1], $0xffff;
	_ =	sdelay $0x2  }
0x31: {  	s15 =	sadd.s32 $0x10, s14  }
0x32: {  	v3 =	vld.msk [tilespmem:s15+$0x0 ss:$0x1], $0xffff  }
0x33: {  	vm1 =	veq.s32 v0, $0x80000000;
	v1 =	vshll.u32 v0, $0x2  }
0x34: {  	v2 =	vshrl.u32 v0, $0x9;
	v0 =	vshll.u32 v0, $0xB;
	v1 =	vand.u32 $0x780, v1  }
0x35: {  	v2 =	vand.u32 $0x7, v2;
	v0 =	vand.u32 $0xF800, v0;
	v1 =	vsel vm1, $0xFFFFFF80, v1  }
0x36: {  	v2 =	vsel vm1, $0xFFFFFFFF, v2;
	v0 =	vsel vm1, $0xFFFFF800, v0;
	v4 =	vand.u32 $0xFFFFFC00, v1  }
0x37: {  	v62 =	vshrl.u32 v3, $0x9;
	v61 =	vand.u32 $0xFFFFFC00, v2;
	v0 =	vadd.s32 v0, v4  }
0x38: {  	vm1 =	veq.s32 v3, $0x80000000;
	v1 =	vand.u32 $0x380, v1;
	v0 =	vadd.s32 v61, v0  }
0x39: {  	v2 =	vand.u32 $0x7F, v2;
	v0 =	vor.u32 v1, v0;
	v1 =	vshll.u32 v3, $0x2  }
0x3a: {  	s15 =	sadd.s32 $0x10, s15;
	v4 =	vand.u32 $0x7, v62;
	v3 =	vshll.u32 v3, $0xB;
	v1 =	vand.u32 $0x780, v1  }
0x3b: {  	v2 =	vor.u32 v2, v0;
	v0 =	vld.msk [tilespmem:s15+$0x0 ss:$0x1], $0xffff;
	v3 =	vand.u32 $0xF800, v3;
	v1 =	vsel vm1, $0xFFFFFF80, v1  }
0x3c: {  	v4 =	vsel vm1, $0xFFFFFFFF, v4;
	v3 =	vsel vm1, $0xFFFFF800, v3;
	v5 =	vand.u32 $0xFFFFFC00, v1  }
0x3d: {  	v63 =	vand.u32 $0xFFFFFC00, v4;
	v3 =	vadd.s32 v3, v5  }
0x3e: {  	s16 =	simm.s32 $0x20;
	s14 =	sadd.s32 $0xC0, s14;
	v1 =	vand.u32 $0x380, v1;
	v3 =	vadd.s32 v63, v3  }
0x3f: {  	s17 =	sadd.s32 $0x10, s15;
	v4 =	vand.u32 $0x7F, v4;
	(ifvalue) =	ssetifvalue $0x7FFFFFFF;
	s15 =	smov.u32 s14;
	v1 =	vor.u32 v1, v3  }
0x40: {  	[tilespmem:s14], [sflag:$0x1] =	stream.indirect_vreg.gather [hbm4b:s2+s10], $0x1, v2, vm0, $0x4038;
	vm1 =	veq.s32 v0, $0x80000000;
	v2 =	vshll.u32 v0, $0x2;
	v1 =	vor.u32 v4, v1;
	[tilespmem:$0x180] =	vst v63  }
.LBB2_3:
0x41: {  	s16 =	sadd.s32 $0x10, s16;
	v3 =	vshrl.u32 v0, $0x9;
	v4 =	vshll.u32 v0, $0xB;
	v0 =	vld.msk [tilespmem:s17+$0x0 ss:$0x1], $0xffff;
	v2 =	vand.u32 $0x780, v2  }
0x42: {  	p0 =	slt.u32 s16, $0x50;
	v3 =	vand.u32 $0x7, v3;
	v4 =	vand.u32 $0xF800, v4;
	v2 =	vsel vm1, $0xFFFFFF80, v2  }
.Ltmp3:
0x43: {  	v3 =	vsel vm1, $0xFFFFFFFF, v3;
	v4 =	vsel vm1, $0xFFFFF800, v4;
	v5 =	vand.u32 $0xFFFFFC00, v2;
	(pc) =	sbr.rel @p0 .LBB2_3-.Ltmp3, $4  }
0x44: {  	s15 =	sadd.s32 $0x10, s15;
	v4 =	vadd.s32 v4, v5;
	v5 =	vand.u32 $0xFFFFFC00, v3;
	(ifvalue) =	ssetifvalue $0x7FFFFFFF  }
0x45: {  	v2 =	vand.u32 $0x380, v2;
	v4 =	vadd.s32 v5, v4;
	[tilespmem:s15], [sflag:$0x1] =	stream.indirect_vreg.gather [hbm4b:s2+s10], $0x1, v1, vm0, $0x4038;
	[tilespmem:$0x180] =	vst v63  }
0x46: {  	v1 =	vand.u32 $0x7F, v3;
	v3 =	vor.u32 v2, v4  }
0x47: {  	s17 =	sadd.s32 $0x10, s17;
	vm1 =	veq.s32 v0, $0x80000000;
	v2 =	vshll.u32 v0, $0x2;
	v1 =	vor.u32 v1, v3  }
.Ltmp4:
0x48: {  	_ = 	snop;
	(pc) =	sbr.rel .LBB2_4-.Ltmp4, $1  }
0x49: {  	_ =	sdelay $0x3  }
.LBB2_6:
0x4a: {  	_ =	sfence.sel $0x180000  }
0x4b: {  	s2 =	simm.s32 $0x2;
	[bflag:$0x0] =	sbarrier.arrive $0xFFFF  }
0x4c: {  	s30 =	simm.s32 $0x3;
	[sflag:s2] =	ssyncpa.u1 $0x1  }
0x4d: {  	s31 =	simm.s32 $0x1;
	[sflag:s30] =	ssyncpa.u1 $0x1  }
0x4e: {  	[sflag:s31] =	ssyncpa.u1 $0x1  }
0x4f: {  	p0 =	sne.s32 s1, $0x0;
	_ =	strace $0x9000004A  }
0x50: {  	s0 =	sadd.s32 @!p0 $0x100000, s0;
	[bflag:$0x2] =	sbarrier.arrive $0xFFFF  }
0x51: {  	[sflag:s0] =	ssyncadd.tile.s32 @!p0 $0x1;
	_ =	shalt  }
.Lfunc_end2:
_tile_overlayer_lowered:
.L_overlay_start_2:
0x52: {  	(tag) =	ssettag $0x2  }
0x53: {  	s0 =	rddreg [dreg:$0x0];
	s2 =	stileid.u32  }
0x54: {  	s1 =	rddreg [dreg:$0x1];
	p0 =	sne.s32 s2, $0x0  }
0x55: {  	s3 =	rddreg [dreg:$0x2];
	[bflag:$0x3] =	sbarrier.arrive $0xFFFF;
	s2 =	simm.s32 @!p0 $0x1C01  }
0x56: {  	[timem:s3], [sflag:s2] =	dma.local @!p0 [hbm:s0], s1  }
0x57: {  	s0 =	simm.s32 @!p0 $0x1  }
0x58: {  	_ =	swait.ge @!p0 [sflag:s0], s1  }
0x59: {  	s1 =	ssub.s32 @!p0 $0x0, s1;
	[sflag:s0] =	ssyncset.done @!p0 $0x0  }
0x5a: {  	[sflag:s0] =	ssyncadd.s32 @!p0 s1  }
0x5b: {  	[bflag:$0x3] =	sbarrier.arrive $0xFFFF  }
0x5c: {  	_ =	shalt  }

// kernel: scatter_offload_async_start
scs
__scs_entry_jumppad:
0x0: {  	(pc) =	sbr.rel $0x88, $3  }
0x1: {  	(tag) =	ssettag $0x0;
	lr =	simm.s32 $0x1  }
0x2: {  	[smem:$0x3F9C] =	sst lr;
	_ =	strace $0xD0000000  }
0x3: {  	_ = 	snop  }
0x4: {  	_ = 	snop  }
0x5: {  	_ = 	snop  }
0x6: {  	_ = 	snop  }
0x7: {  	_ = 	snop  }
__scs_overlays_trampoline_lowered:
0x8: {  	[smem:$0x3FAB] =	sst s0  }
0x9: {  	[smem:$0x3FAC] =	sst s1  }
0xa: {  	[smem:$0x3FAD] =	sst s2  }
0xb: {  	[smem:$0x3FAE] =	sst s3  }
0xc: {  	[smem:$0x3FAF] =	sst s4  }
0xd: {  	[smem:$0x3FB0] =	sst s5  }
0xe: {  	[smem:$0x3FB1] =	sst s6  }
0xf: {  	[smem:$0x3FB2] =	sst s7  }
0x10: {  	[smem:$0x3FB3] =	sst s8  }
0x11: {  	[smem:$0x3FB4] =	sst s9;
	s0 =	simm.s32 @!p0 $0x0  }
0x12: {  	s1 =	sld [smem:$0x3F9A];
	s0 =	simm.s32 @p0 $0x1  }
0x13: {  	[smem:$0x3FB5] =	sst s0;
	s0 =	simm.s32 @!p1 $0x0  }
0x14: {  	s2 =	sld [smem:$0x3F99];
	s0 =	simm.s32 @p1 $0x1  }
0x15: {  	[smem:$0x3FB6] =	sst s0;
	s0 =	simm.s32 @!p2 $0x0  }
0x16: {  	s3 =	sld [smem:$0x3FDB];
	s0 =	simm.s32 @p2 $0x1  }
0x17: {  	s4 =	simm.s32 $0x1BF5;
	[smem:$0x3FB8] =	sst s0  }
0x18: {  	s0 =	sld [smem:$0x3F9B];
	_ =	swait.ge [sflag:s4], $0x0  }
0x19: {  	s7 =	sld [smem:$0x3F9C]  }
0x1a: {  	s8 =	sadd.s32 $0xFFFFE003, lr  }
0x1b: {  	s9 =	sadd.s32 $0xFFFFFEF7, lr;
	s5 =	simm.s32 $0xFFFFFFFF;
	p2 =	slt.u32 s8, $0xFFFFF086  }
0x1c: {  	p1 =	slt.u32 s9, $0xF7A;
	s5 =	simm.s32 @!p2 $0x0  }
0x1d: {  	s5 =	simm.s32 @p1 $0x1;
	p0 =	seq.s32 s7, s2  }
0x1e: {  	s7 =	smul.u32 @!p0 $0xF7A, s2;
	p2 =	seq.s32 @!p0 s5, $0x0  }
0x1f: {  	s9 =	smul.u32 $0xF7A, s1;
	s8 =	simm.s32 @!p0 $0x1BF5;
	p2 =	por !p2, p0  }
0x20: {  	[sflag:s8] =	ssyncset.s32 @!p0 $0xFFFFF086;
	s6 =	sadd.s32 @!p0 s3, s7;
	s7 =	simm.s32 @!p0 $0x108  }
0x21: {  	s3 =	sadd.s32 s3, s9;
	s6 =	sadd.s32 @!p0 $0x88, s6;
	s7 =	simm.s32 @p2 $0x1082  }
0x22: {  	[simem:s7], [sflag:s8] =	dma.local @!p0 [hbm:s6], $0xF7A  }
0x23: {  	s9 =	sor.u32 $0xD0000000, s2;
	s6 =	simm.s32 $0x108;
	_ =	swait.ge @!p0 [sflag:s8], $0x0  }
0x24: {  	s3 =	sadd.s32 $0x88, s3;
	s6 =	simm.s32 @!p1 $0x1082;
	[sflag:s4] =	ssyncset.s32 $0xFFFFF086  }
0x25: {  	[simem:s6], [sflag:s4] =	dma.local [hbm:s3], $0xF7A  }
0x26: {  	[smem:$0x3F9C] =	sst s1;
	(tag) =	ssettag s2;
	_ =	strace s9  }
0x27: {  	s1 =	sld [smem:$0x3FAC]  }
0x28: {  	s2 =	sld [smem:$0x3FAD]  }
0x29: {  	s4 =	sld [smem:$0x3FAF]  }
0x2a: {  	p0 =	seq.s32 s5, $0x0;
	s5 =	sld [smem:$0x3FB0]  }
0x2b: {  	s6 =	sld [smem:$0x3FB1]  }
0x2c: {  	s7 =	sld [smem:$0x3FB2]  }
0x2d: {  	s3 =	simm.s32 $0x108;
	s8 =	sld [smem:$0x3FB3]  }
0x2e: {  	s3 =	simm.s32 @!p0 $0x1082;
	s9 =	sld [smem:$0x3FB4]  }
0x2f: {  	lr =	sadd.s32 s0, s3;
	s0 =	sld [smem:$0x3FAB]  }
0x30: {  	s3 =	sld [smem:$0x3FAE]  }
0x31: {  	[smem:$0x3FB7] =	sst s10  }
0x32: {  	s10 =	sld [smem:$0x3FB5];
	_ =	sdelay $0x3  }
0x33: {  	p0 =	seq.s32 s10, $0x1;
	s10 =	sld [smem:$0x3FB7];
	_ =	sdelay $0x3  }
0x34: {  	[smem:$0x3FB7] =	sst s10  }
0x35: {  	s10 =	sld [smem:$0x3FB6];
	_ =	sdelay $0x3  }
0x36: {  	p1 =	seq.s32 s10, $0x1;
	s10 =	sld [smem:$0x3FB7];
	_ =	sdelay $0x3  }
0x37: {  	[smem:$0x3FB7] =	sst s10  }
0x38: {  	s10 =	sld [smem:$0x3FB8]  }
0x39: {  	_ = 	snop;
	(pc) =	sbr.ind lr, $3  }
0x3a: {  	_ = 	snop  }
0x3b: {  	_ = 	snop  }
0x3c: {  	p2 =	seq.s32 s10, $0x1;
	s10 =	sld [smem:$0x3FB7]  }
0x3d: {  	_ =	shalt  }
0x3e: {  	_ =	shalt  }
0x3f: {  	_ =	shalt  }
0x40: {  	_ =	shalt  }
0x41: {  	_ =	shalt  }
0x42: {  	_ =	shalt  }
0x43: {  	_ =	shalt  }
0x44: {  	_ =	shalt  }
0x45: {  	_ =	shalt  }
0x46: {  	_ =	shalt  }
0x47: {  	_ =	shalt  }
0x48: {  	_ =	shalt  }
0x49: {  	_ =	shalt  }
0x4a: {  	_ =	shalt  }
0x4b: {  	_ =	shalt  }
0x4c: {  	_ =	shalt  }
0x4d: {  	_ =	shalt  }
0x4e: {  	_ =	shalt  }
0x4f: {  	_ =	shalt  }
0x50: {  	_ =	shalt  }
0x51: {  	_ =	shalt  }
0x52: {  	_ =	shalt  }
0x53: {  	_ =	shalt  }
0x54: {  	_ =	shalt  }
0x55: {  	_ =	shalt  }
0x56: {  	_ =	shalt  }
0x57: {  	_ =	shalt  }
0x58: {  	_ =	shalt  }
0x59: {  	_ =	shalt  }
0x5a: {  	_ =	shalt  }
0x5b: {  	_ =	shalt  }
0x5c: {  	_ =	shalt  }
0x5d: {  	_ =	shalt  }
0x5e: {  	_ =	shalt  }
0x5f: {  	_ =	shalt  }
0x60: {  	_ =	shalt  }
0x61: {  	_ =	shalt  }
0x62: {  	_ =	shalt  }
0x63: {  	_ =	shalt  }
0x64: {  	_ =	shalt  }
0x65: {  	_ =	shalt  }
0x66: {  	_ =	shalt  }
0x67: {  	_ =	shalt  }
0x68: {  	_ =	shalt  }
0x69: {  	_ =	shalt  }
0x6a: {  	_ =	shalt  }
0x6b: {  	_ =	shalt  }
0x6c: {  	_ =	shalt  }
0x6d: {  	_ =	shalt  }
0x6e: {  	_ =	shalt  }
0x6f: {  	_ =	shalt  }
0x70: {  	_ =	shalt  }
0x71: {  	_ =	shalt  }
0x72: {  	_ =	shalt  }
0x73: {  	_ =	shalt  }
0x74: {  	_ =	shalt  }
0x75: {  	_ =	shalt  }
0x76: {  	_ =	shalt  }
0x77: {  	_ =	shalt  }
0x78: {  	_ =	shalt  }
0x79: {  	_ =	shalt  }
0x7a: {  	_ =	shalt  }
0x7b: {  	_ =	shalt  }
0x7c: {  	_ =	shalt  }
0x7d: {  	_ =	shalt  }
0x7e: {  	_ =	shalt  }
0x7f: {  	_ =	shalt  }
0x80: {  	_ =	shalt  }
0x81: {  	_ =	shalt  }
0x82: {  	_ =	shalt  }
0x83: {  	_ =	shalt  }
0x84: {  	_ =	shalt  }
0x85: {  	_ =	shalt  }
0x86: {  	_ =	shalt  }
0x87: {  	_ =	shalt  }
.Lfunc_end0:
.L_simem_size_0:
called_computation_lowered:
.L_overlay_start_0:
0x88: {  	s0 =	sld [smem:$0x3FD9]  }
0x89: {  	s1 =	sld [smem:$0x3FFE];
	_ =	sdelay $0x3  }
0x8a: {  	s0 =	sadd.s32 s1, s0  }
0x8b: {  	[smem:$0x3FC3] =	sst s0  }
0x8c: {  	_ = 	snop  }
0x8d: {  	s0 =	sld [smem:$0x3FD0];
	(tm) =	ssettm $0x1  }
0x8e: {  	s16 =	sld [smem:$0x3FFB];
	_ =	sdelay $0x3  }
0x8f: {  	_ =	strace s16  }
0x90: {  	s1 =	sld [smem:$0x3FFC];
	_ =	sdelay $0x3  }
0x91: {  	_ =	strace s1  }
0x92: {  	s1 =	sld [smem:$0x3FFD];
	_ =	sdelay $0x3  }
0x93: {  	_ =	strace s1  }
0x94: {  	_ =	strace $0x8FFFFFFF  }
0x95: {  	s17 =	sld [smem:$0x3FDB];
	_ =	sdelay $0x1  }
0x96: {  	s2 =	simm.s32 $_scs_section_size  }
0x97: {  	s3 =	simm.s32 $_size__tile_overlayer_lowered;
	s4 =	simm.s32 $_tile_overlayer_lowered  }
0x98: {  	s20 =	simm.s32 $0x1BFF;
	s19 =	sshll.u32 s4, $0x1;
	s1 =	sadd.s32 s2, s17  }
0x99: {  	s5 =	simm.s32 $0x0;
	s18 =	sshll.u32 s3, $0x1;
	s3 =	sadd.s32 s19, s1  }
0x9a: {  	[timem:s5], [sflag:s20] =	dma.local [hbm:s3], s18  }
0x9b: {  	_ =	swait.ge [sflag:s20], s18  }
0x9c: {  	s2 =	ssub.s32 $0x0, s18;
	[sflag:s20] =	ssyncset.done $0x0  }
0x9d: {  	[sflag:s20] =	ssyncadd.s32 s2;
	_ =	sdelay $0x1  }
0x9e: {  	s21 =	simm.s32 $0x1B8B  }
0x9f: {  	_ =	swait.ge [sflag:s21], $0x1  }
0xa0: {  	[sflag:s21] =	ssyncset.done $0x0  }
0xa1: {  	s23 =	simm.s32 $0x1B8E;
	s22 =	sld [smem:$0x3FFE];
	[sflag:s21] =	ssyncadd.s32 $0xFFFFFFFF  }
0xa2: {  	s24 =	simm.s32 $execute0_lowered;
	[smem:$0x3FD2] =	sst s23  }
0xa3: {  	s3 =	sshll.u32 s24, $0x1;
	_ =	strace $0x8000004F;
	[dreg:$0x1] =	wrdreg $0xFFFFFFFF  }
0xa4: {  	s25 =	simm.s32 $_size_execute0_lowered;
	s1 =	sadd.s32 s1, s3;
	[dreg:$0x0] =	wrdreg $0x0  }
0xa5: {  	s3 =	sshll.u32 s25, $0x1;
	[dreg:$0x2] =	wrdreg s1  }
0xa6: {  	[dreg:$0x3] =	wrdreg s3  }
0xa7: {  	[dreg:$0x4] =	wrdreg $0xC0  }
0xa8: {  	_ =	task [dreg:s5], $0x5FFFF  }
0xa9: {  	[dreg:$0x1] =	wrdreg $0xFFFFFFFF  }
0xaa: {  	[dreg:$0x0] =	wrdreg $0x60  }
0xab: {  	[dreg:$0x2] =	wrdreg s22  }
0xac: {  	[dreg:$0x3] =	wrdreg s0  }
0xad: {  	[dreg:$0x4] =	wrdreg $0x9  }
0xae: {  	_ =	task.clear_ibuf [dreg:s5], $0x5FFFF;
	_ =	strace $0x9000004F  }
0xaf: {  	s26 =	simm.s32 $0x9;
	_ =	strace $0x80000051  }
0xb0: {  	_ =	swait.ge [sflag:s26], $0x1  }
0xb1: {  	[sflag:s26] =	ssyncadd.s32 $0xFFFFFFFF  }
0xb2: {  	_ =	strace $0x90000051  }
0xb3: {  	_ =	sfence  }
0xb4: {  	s28 =	sld [smem:$0x0];
	_ =	sdelay $0x1  }
0xb5: {  	s29 =	srdreg.scid  }
0xb6: {  	s30 =	sshll.u32 s29, $0xD;
	s31 =	sshrl.u32 s29, $0x2  }
0xb7: {  	s2 =	sand.u32 $0x4000, s30;
	s1 =	sand.u32 $0x1, s29;
	s0 =	sadd.s32 s31, s28  }
0xb8: {  	s1 =	sor.u32 s2, s1;
	s0 =	sshll.u32 s0, $0x11  }
0xb9: {  	s0 =	sor.u32 s0, s1  }
0xba: {  	s0 =	sadd.s32 $0x8F2B, s0  }
0xbb: {  	[sflag:s0] =	ssyncadd.remote.s32 $0x1  }
0xbc: {  	_ =	sfence.sel $0xFFFF  }
0xbd: {  	[dreg:$0x0] =	wrdreg $0xFFFFFFFF;
	(pc) =	sbr.abs _section_cstart, $3  }
0xbe: {  	[dreg:$0x1] =	wrdreg $0xFFFFFFFF  }
0xbf: {  	_ =	task.clear_ibuf [dreg:s5], $0x2FFFF;
	_ =	strace $0x9FFFFFFF  }
0xc0: {  	(tm) =	ssettm $0x7FFFFFFF  }
0xc1: {  	_ =	shalt  }
tec
execute0_lowered:
.L_overlay_start_1:
0x0: {  	(tag) =	ssettag $0x1  }
0x1: {  	s10 =	rddreg [dreg:$0x0];
	_ =	strace $0x80000050;
	s12 =	simm.s32 $0x1  }
0x2: {  	v0 =	vimm.s32 $0x0;
	[sflag:s12] =	ssyncpa.u1 $0x0  }
0x3: {  	[tilespmem:$0x28] =	vst v0  }
0x4: {  	[tilespmem:$0x38] =	vst v0  }
0x5: {  	[tilespmem:$0x48] =	vst v0  }
0x6: {  	[tilespmem:$0x58] =	vst v0  }
0x7: {  	[tilespmem:$0x68] =	vst v0  }
0x8: {  	[tilespmem:$0x78] =	vst v0  }
0x9: {  	[tilespmem:$0x88] =	vst v0  }
0xa: {  	[tilespmem:$0x98] =	vst v0  }
0xb: {  	[tilespmem:$0xA8] =	vst v0  }
0xc: {  	[tilespmem:$0xB8] =	vst v0  }
0xd: {  	[tilespmem:$0xC8] =	vst v0  }
0xe: {  	[tilespmem:$0xD8] =	vst v0  }
0xf: {  	[tilespmem:$0xE8] =	vst v0  }
0x10: {  	[tilespmem:$0xF8] =	vst v0  }
0x11: {  	[tilespmem:$0x108] =	vst v0  }
0x12: {  	[tilespmem:$0x118] =	vst v0  }
0x13: {  	[tilespmem:$0x128] =	vst v0  }
0x14: {  	[tilespmem:$0x138] =	vst v0  }
0x15: {  	[tilespmem:$0x148] =	vst v0  }
0x16: {  	[tilespmem:$0x158] =	vst v0  }
0x17: {  	[tilespmem:$0x168] =	vst v0  }
0x18: {  	[tilespmem:$0x178] =	vst v0  }
0x19: {  	[tilespmem:$0x188] =	vst v0  }
0x1a: {  	[tilespmem:$0x198] =	vst v0  }
0x1b: {  	[tilespmem:$0x1A8] =	vst v0  }
0x1c: {  	[tilespmem:$0x1B8] =	vst v0  }
0x1d: {  	[tilespmem:$0x1C8] =	vst v0  }
0x1e: {  	[tilespmem:$0x1D8] =	vst v0  }
0x1f: {  	[tilespmem:$0x1E8] =	vst v0  }
0x20: {  	[tilespmem:$0x1F8] =	vst v0  }
0x21: {  	[tilespmem:$0x208] =	vst v0  }
0x22: {  	[tilespmem:$0x218] =	vst v0  }
0x23: {  	[tilespmem:$0x228] =	vst v0  }
0x24: {  	[tilespmem:$0x238] =	vst v0  }
0x25: {  	[tilespmem:$0x248] =	vst v0  }
0x26: {  	[tilespmem:$0x258] =	vst v0  }
0x27: {  	[tilespmem:$0x268] =	vst v0  }
0x28: {  	[tilespmem:$0x278] =	vst v0  }
0x29: {  	[tilespmem:$0x288] =	vst v0  }
0x2a: {  	[tilespmem:$0x298] =	vst v0  }
0x2b: {  	[tilespmem:$0x2A8] =	vst v0  }
0x2c: {  	[tilespmem:$0x2B8] =	vst v0  }
0x2d: {  	[tilespmem:$0x2C8] =	vst v0  }
0x2e: {  	[tilespmem:$0x2D8] =	vst v0  }
0x2f: {  	[tilespmem:$0x2E8] =	vst v0  }
0x30: {  	[tilespmem:$0x2F8] =	vst v0  }
0x31: {  	[tilespmem:$0x308] =	vst v0  }
0x32: {  	[tilespmem:$0x318] =	vst v0  }
0x33: {  	[tilespmem:$0x328] =	vst v0  }
0x34: {  	[tilespmem:$0x338] =	vst v0  }
0x35: {  	[tilespmem:$0x348] =	vst v0  }
0x36: {  	[tilespmem:$0x358] =	vst v0  }
0x37: {  	[tilespmem:$0x368] =	vst v0  }
0x38: {  	[tilespmem:$0x378] =	vst v0  }
0x39: {  	[tilespmem:$0x388] =	vst v0  }
0x3a: {  	[tilespmem:$0x398] =	vst v0  }
0x3b: {  	[tilespmem:$0x3A8] =	vst v0  }
0x3c: {  	[tilespmem:$0x3B8] =	vst v0  }
0x3d: {  	[tilespmem:$0x3C8] =	vst v0  }
0x3e: {  	[tilespmem:$0x3D8] =	vst v0  }
0x3f: {  	[tilespmem:$0x3E8] =	vst v0  }
0x40: {  	[tilespmem:$0x3F8] =	vst v0  }
0x41: {  	[tilespmem:$0x408] =	vst v0  }
0x42: {  	[tilespmem:$0x418] =	vst v0  }
0x43: {  	[tilespmem:$0x428] =	vst v0  }
0x44: {  	[tilespmem:$0x438] =	vst v0  }
0x45: {  	[tilespmem:$0x448] =	vst v0  }
0x46: {  	[tilespmem:$0x458] =	vst v0  }
0x47: {  	[tilespmem:$0x468] =	vst v0  }
0x48: {  	[tilespmem:$0x478] =	vst v0  }
0x49: {  	[tilespmem:$0x488] =	vst v0  }
0x4a: {  	[tilespmem:$0x498] =	vst v0  }
0x4b: {  	[tilespmem:$0x4A8] =	vst v0  }
0x4c: {  	[tilespmem:$0x4B8] =	vst v0  }
0x4d: {  	[tilespmem:$0x4C8] =	vst v0  }
0x4e: {  	[tilespmem:$0x4D8] =	vst v0  }
0x4f: {  	[tilespmem:$0x4E8] =	vst v0  }
0x50: {  	[tilespmem:$0x4F8] =	vst v0  }
0x51: {  	[tilespmem:$0x508] =	vst v0  }
0x52: {  	[tilespmem:$0x518] =	vst v0  }
0x53: {  	[tilespmem:$0x528] =	vst v0  }
0x54: {  	[tilespmem:$0x538] =	vst v0  }
0x55: {  	[tilespmem:$0x548] =	vst v0  }
0x56: {  	[tilespmem:$0x558] =	vst v0  }
0x57: {  	[tilespmem:$0x568] =	vst v0  }
0x58: {  	[tilespmem:$0x578] =	vst v0  }
0x59: {  	[tilespmem:$0x588] =	vst v0  }
0x5a: {  	[tilespmem:$0x598] =	vst v0  }
0x5b: {  	[tilespmem:$0x5A8] =	vst v0  }
0x5c: {  	[tilespmem:$0x5B8] =	vst v0  }
0x5d: {  	[tilespmem:$0x5C8] =	vst v0  }
0x5e: {  	[tilespmem:$0x5D8] =	vst v0  }
0x5f: {  	[tilespmem:$0x5E8] =	vst v0  }
0x60: {  	[tilespmem:$0x5F8] =	vst v0  }
0x61: {  	[tilespmem:$0x608] =	vst v0  }
0x62: {  	[tilespmem:$0x618] =	vst v0  }
0x63: {  	[tilespmem:$0x628] =	vst v0  }
0x64: {  	[tilespmem:$0x638] =	vst v0  }
0x65: {  	[tilespmem:$0x648] =	vst v0  }
0x66: {  	[tilespmem:$0x658] =	vst v0  }
0x67: {  	[tilespmem:$0x668] =	vst v0  }
0x68: {  	[tilespmem:$0x678] =	vst v0  }
0x69: {  	[tilespmem:$0x688] =	vst v0  }
0x6a: {  	[tilespmem:$0x698] =	vst v0  }
0x6b: {  	[tilespmem:$0x6A8] =	vst v0  }
0x6c: {  	[tilespmem:$0x6B8] =	vst v0  }
0x6d: {  	[tilespmem:$0x6C8] =	vst v0  }
0x6e: {  	[tilespmem:$0x6D8] =	vst v0  }
0x6f: {  	[tilespmem:$0x6E8] =	vst v0  }
0x70: {  	[tilespmem:$0x6F8] =	vst v0  }
0x71: {  	[tilespmem:$0x708] =	vst v0  }
0x72: {  	[tilespmem:$0x718] =	vst v0  }
0x73: {  	[tilespmem:$0x728] =	vst v0  }
0x74: {  	[tilespmem:$0x738] =	vst v0  }
0x75: {  	[tilespmem:$0x748] =	vst v0  }
0x76: {  	[tilespmem:$0x758] =	vst v0  }
0x77: {  	[tilespmem:$0x768] =	vst v0  }
0x78: {  	[tilespmem:$0x778] =	vst v0  }
0x79: {  	[tilespmem:$0x788] =	vst v0  }
0x7a: {  	[tilespmem:$0x798] =	vst v0  }
0x7b: {  	[tilespmem:$0x7A8] =	vst v0  }
0x7c: {  	[tilespmem:$0x7B8] =	vst v0  }
0x7d: {  	[tilespmem:$0x7C8] =	vst v0  }
0x7e: {  	[tilespmem:$0x7D8] =	vst v0  }
0x7f: {  	[tilespmem:$0x7E8] =	vst v0  }
0x80: {  	[tilespmem:$0x7F8] =	vst v0  }
0x81: {  	[tilespmem:$0x808] =	vst v0  }
0x82: {  	[tilespmem:$0x818] =	vst v0  }
0x83: {  	[tilespmem:$0x828] =	vst v0  }
0x84: {  	[tilespmem:$0x838] =	vst v0  }
0x85: {  	[tilespmem:$0x848] =	vst v0  }
0x86: {  	[tilespmem:$0x858] =	vst v0  }
0x87: {  	[tilespmem:$0x868] =	vst v0  }
0x88: {  	[tilespmem:$0x878] =	vst v0  }
0x89: {  	[tilespmem:$0x888] =	vst v0  }
0x8a: {  	[tilespmem:$0x898] =	vst v0  }
0x8b: {  	[tilespmem:$0x8A8] =	vst v0  }
0x8c: {  	[tilespmem:$0x8B8] =	vst v0  }
0x8d: {  	[tilespmem:$0x8C8] =	vst v0  }
0x8e: {  	[tilespmem:$0x8D8] =	vst v0  }
0x8f: {  	[tilespmem:$0x8E8] =	vst v0  }
0x90: {  	[tilespmem:$0x8F8] =	vst v0  }
0x91: {  	[tilespmem:$0x908] =	vst v0  }
0x92: {  	[tilespmem:$0x918] =	vst v0  }
0x93: {  	[tilespmem:$0x928] =	vst v0  }
0x94: {  	[tilespmem:$0x938] =	vst v0  }
0x95: {  	[tilespmem:$0x948] =	vst v0  }
0x96: {  	[tilespmem:$0x958] =	vst v0  }
0x97: {  	[tilespmem:$0x968] =	vst v0  }
0x98: {  	[tilespmem:$0x978] =	vst v0  }
0x99: {  	[tilespmem:$0x988] =	vst v0  }
0x9a: {  	[tilespmem:$0x998] =	vst v0  }
0x9b: {  	[tilespmem:$0x9A8] =	vst v0  }
0x9c: {  	[tilespmem:$0x9B8] =	vst v0  }
0x9d: {  	[tilespmem:$0x9C8] =	vst v0  }
0x9e: {  	[tilespmem:$0x9D8] =	vst v0  }
0x9f: {  	[tilespmem:$0x9E8] =	vst v0  }
0xa0: {  	[tilespmem:$0x9F8] =	vst v0  }
0xa1: {  	[tilespmem:$0xA08] =	vst v0  }
0xa2: {  	[tilespmem:$0xA18] =	vst v0  }
0xa3: {  	[tilespmem:$0xA28] =	vst v0  }
0xa4: {  	[tilespmem:$0xA38] =	vst v0  }
0xa5: {  	[tilespmem:$0xA48] =	vst v0  }
0xa6: {  	[tilespmem:$0xA58] =	vst v0  }
0xa7: {  	[tilespmem:$0xA68] =	vst v0  }
0xa8: {  	[tilespmem:$0xA78] =	vst v0  }
0xa9: {  	[tilespmem:$0xA88] =	vst v0  }
0xaa: {  	[tilespmem:$0xA98] =	vst v0  }
0xab: {  	[tilespmem:$0xAA8] =	vst v0  }
0xac: {  	[tilespmem:$0xAB8] =	vst v0  }
0xad: {  	[tilespmem:$0xAC8] =	vst v0  }
0xae: {  	[tilespmem:$0xAD8] =	vst v0  }
0xaf: {  	[tilespmem:$0xAE8] =	vst v0  }
0xb0: {  	[tilespmem:$0xAF8] =	vst v0  }
0xb1: {  	[tilespmem:$0xB08] =	vst v0  }
0xb2: {  	[tilespmem:$0xB18] =	vst v0  }
0xb3: {  	[tilespmem:$0xB28] =	vst v0  }
0xb4: {  	[tilespmem:$0xB38] =	vst v0  }
0xb5: {  	[tilespmem:$0xB48] =	vst v0  }
0xb6: {  	[tilespmem:$0xB58] =	vst v0  }
0xb7: {  	[tilespmem:$0xB68] =	vst v0  }
0xb8: {  	[tilespmem:$0xB78] =	vst v0  }
0xb9: {  	[tilespmem:$0xB88] =	vst v0  }
0xba: {  	[tilespmem:$0xB98] =	vst v0  }
0xbb: {  	[tilespmem:$0xBA8] =	vst v0  }
0xbc: {  	[tilespmem:$0xBB8] =	vst v0  }
0xbd: {  	[tilespmem:$0xBC8] =	vst v0  }
0xbe: {  	[tilespmem:$0xBD8] =	vst v0  }
0xbf: {  	[tilespmem:$0xBE8] =	vst v0  }
0xc0: {  	[tilespmem:$0xBF8] =	vst v0  }
0xc1: {  	[tilespmem:$0xC08] =	vst v0  }
0xc2: {  	[tilespmem:$0xC18] =	vst v0  }
0xc3: {  	[tilespmem:$0xC28] =	vst v0  }
0xc4: {  	[tilespmem:$0xC38] =	vst v0  }
0xc5: {  	[tilespmem:$0xC48] =	vst v0  }
0xc6: {  	[tilespmem:$0xC58] =	vst v0  }
0xc7: {  	[tilespmem:$0xC68] =	vst v0  }
0xc8: {  	[tilespmem:$0xC78] =	vst v0  }
0xc9: {  	[tilespmem:$0xC88] =	vst v0  }
0xca: {  	[tilespmem:$0xC98] =	vst v0  }
0xcb: {  	[tilespmem:$0xCA8] =	vst v0  }
0xcc: {  	[tilespmem:$0xCB8] =	vst v0  }
0xcd: {  	[tilespmem:$0xCC8] =	vst v0  }
0xce: {  	[tilespmem:$0xCD8] =	vst v0  }
0xcf: {  	[tilespmem:$0xCE8] =	vst v0  }
0xd0: {  	[tilespmem:$0xCF8] =	vst v0  }
0xd1: {  	[tilespmem:$0xD08] =	vst v0  }
0xd2: {  	[tilespmem:$0xD18] =	vst v0  }
0xd3: {  	[tilespmem:$0xD28] =	vst v0  }
0xd4: {  	[tilespmem:$0xD38] =	vst v0  }
0xd5: {  	[tilespmem:$0xD48] =	vst v0  }
0xd6: {  	[tilespmem:$0xD58] =	vst v0  }
0xd7: {  	[tilespmem:$0xD68] =	vst v0  }
0xd8: {  	[tilespmem:$0xD78] =	vst v0  }
0xd9: {  	[tilespmem:$0xD88] =	vst v0  }
0xda: {  	[tilespmem:$0xD98] =	vst v0  }
0xdb: {  	[tilespmem:$0xDA8] =	vst v0  }
0xdc: {  	[tilespmem:$0xDB8] =	vst v0  }
0xdd: {  	[tilespmem:$0xDC8] =	vst v0  }
0xde: {  	[tilespmem:$0xDD8] =	vst v0  }
0xdf: {  	[tilespmem:$0xDE8] =	vst v0  }
0xe0: {  	[tilespmem:$0xDF8] =	vst v0  }
0xe1: {  	[tilespmem:$0xE08] =	vst v0  }
0xe2: {  	[tilespmem:$0xE18] =	vst v0  }
0xe3: {  	[tilespmem:$0xE28] =	vst v0  }
0xe4: {  	[tilespmem:$0xE38] =	vst v0  }
0xe5: {  	[tilespmem:$0xE48] =	vst v0  }
0xe6: {  	[tilespmem:$0xE58] =	vst v0  }
0xe7: {  	[tilespmem:$0xE68] =	vst v0  }
0xe8: {  	[tilespmem:$0xE78] =	vst v0  }
0xe9: {  	[tilespmem:$0xE88] =	vst v0  }
0xea: {  	[tilespmem:$0xE98] =	vst v0  }
0xeb: {  	[tilespmem:$0xEA8] =	vst v0  }
0xec: {  	[tilespmem:$0xEB8] =	vst v0  }
0xed: {  	[tilespmem:$0xEC8] =	vst v0  }
0xee: {  	[tilespmem:$0xED8] =	vst v0  }
0xef: {  	[tilespmem:$0xEE8] =	vst v0  }
0xf0: {  	[tilespmem:$0xEF8] =	vst v0  }
0xf1: {  	[tilespmem:$0xF08] =	vst v0  }
0xf2: {  	[tilespmem:$0xF18] =	vst v0  }
0xf3: {  	[tilespmem:$0xF28] =	vst v0  }
0xf4: {  	[tilespmem:$0xF38] =	vst v0  }
0xf5: {  	[tilespmem:$0xF48] =	vst v0  }
0xf6: {  	[tilespmem:$0xF58] =	vst v0  }
0xf7: {  	[tilespmem:$0xF68] =	vst v0  }
0xf8: {  	[tilespmem:$0xF78] =	vst v0  }
0xf9: {  	[tilespmem:$0xF88] =	vst v0  }
0xfa: {  	[tilespmem:$0xF98] =	vst v0  }
0xfb: {  	[tilespmem:$0xFA8] =	vst v0  }
0xfc: {  	[tilespmem:$0xFB8] =	vst v0  }
0xfd: {  	[tilespmem:$0xFC8] =	vst v0  }
0xfe: {  	[tilespmem:$0xFD8] =	vst v0  }
0xff: {  	[tilespmem:$0xFE8] =	vst v0  }
0x100: {  	[tilespmem:$0xFF8] =	vst v0  }
0x101: {  	[tilespmem:$0x1008] =	vst v0  }
0x102: {  	[tilespmem:$0x10D8] =	vst v0  }
0x103: {  	[tilespmem:$0x1B28] =	vst v0  }
0x104: {  	[tilespmem:$0x1B18] =	vst v0  }
0x105: {  	[tilespmem:$0x1B08] =	vst v0  }
0x106: {  	[tilespmem:$0x1AF8] =	vst v0  }
0x107: {  	[tilespmem:$0x1AE8] =	vst v0  }
0x108: {  	[tilespmem:$0x1AD8] =	vst v0  }
0x109: {  	[tilespmem:$0x1AC8] =	vst v0  }
0x10a: {  	[tilespmem:$0x1AB8] =	vst v0  }
0x10b: {  	[tilespmem:$0x1AA8] =	vst v0  }
0x10c: {  	[tilespmem:$0x1A98] =	vst v0  }
0x10d: {  	[tilespmem:$0x1A88] =	vst v0  }
0x10e: {  	[tilespmem:$0x1A78] =	vst v0  }
0x10f: {  	[tilespmem:$0x1A68] =	vst v0  }
0x110: {  	[tilespmem:$0x1A58] =	vst v0  }
0x111: {  	[tilespmem:$0x1A48] =	vst v0  }
0x112: {  	[tilespmem:$0x1A38] =	vst v0  }
0x113: {  	[tilespmem:$0x1A28] =	vst v0  }
0x114: {  	[tilespmem:$0x1A18] =	vst v0  }
0x115: {  	[tilespmem:$0x1A08] =	vst v0  }
0x116: {  	[tilespmem:$0x19F8] =	vst v0  }
0x117: {  	[tilespmem:$0x19E8] =	vst v0  }
0x118: {  	[tilespmem:$0x19D8] =	vst v0  }
0x119: {  	[tilespmem:$0x19C8] =	vst v0  }
0x11a: {  	[tilespmem:$0x19B8] =	vst v0  }
0x11b: {  	[tilespmem:$0x19A8] =	vst v0  }
0x11c: {  	[tilespmem:$0x1998] =	vst v0  }
0x11d: {  	[tilespmem:$0x1988] =	vst v0  }
0x11e: {  	[tilespmem:$0x1978] =	vst v0  }
0x11f: {  	[tilespmem:$0x1968] =	vst v0  }
0x120: {  	[tilespmem:$0x1958] =	vst v0  }
0x121: {  	[tilespmem:$0x1948] =	vst v0  }
0x122: {  	[tilespmem:$0x1938] =	vst v0  }
0x123: {  	[tilespmem:$0x1928] =	vst v0  }
0x124: {  	[tilespmem:$0x1918] =	vst v0  }
0x125: {  	[tilespmem:$0x1908] =	vst v0  }
0x126: {  	[tilespmem:$0x18F8] =	vst v0  }
0x127: {  	[tilespmem:$0x18E8] =	vst v0  }
0x128: {  	[tilespmem:$0x18D8] =	vst v0  }
0x129: {  	[tilespmem:$0x18C8] =	vst v0  }
0x12a: {  	[tilespmem:$0x18B8] =	vst v0  }
0x12b: {  	[tilespmem:$0x18A8] =	vst v0  }
0x12c: {  	[tilespmem:$0x1898] =	vst v0  }
0x12d: {  	[tilespmem:$0x1888] =	vst v0  }
0x12e: {  	[tilespmem:$0x1878] =	vst v0  }
0x12f: {  	[tilespmem:$0x1868] =	vst v0  }
0x130: {  	[tilespmem:$0x1858] =	vst v0  }
0x131: {  	[tilespmem:$0x1848] =	vst v0  }
0x132: {  	[tilespmem:$0x1838] =	vst v0  }
0x133: {  	[tilespmem:$0x1828] =	vst v0  }
0x134: {  	[tilespmem:$0x1818] =	vst v0  }
0x135: {  	[tilespmem:$0x1808] =	vst v0  }
0x136: {  	[tilespmem:$0x17F8] =	vst v0  }
0x137: {  	[tilespmem:$0x17E8] =	vst v0  }
0x138: {  	[tilespmem:$0x17D8] =	vst v0  }
0x139: {  	[tilespmem:$0x17C8] =	vst v0  }
0x13a: {  	[tilespmem:$0x17B8] =	vst v0  }
0x13b: {  	[tilespmem:$0x17A8] =	vst v0  }
0x13c: {  	[tilespmem:$0x1798] =	vst v0  }
0x13d: {  	[tilespmem:$0x1788] =	vst v0  }
0x13e: {  	[tilespmem:$0x1778] =	vst v0  }
0x13f: {  	[tilespmem:$0x1768] =	vst v0  }
0x140: {  	[tilespmem:$0x1758] =	vst v0  }
0x141: {  	[tilespmem:$0x1748] =	vst v0  }
0x142: {  	[tilespmem:$0x1738] =	vst v0  }
0x143: {  	[tilespmem:$0x1728] =	vst v0  }
0x144: {  	[tilespmem:$0x1718] =	vst v0  }
0x145: {  	[tilespmem:$0x1708] =	vst v0  }
0x146: {  	[tilespmem:$0x16F8] =	vst v0  }
0x147: {  	[tilespmem:$0x16E8] =	vst v0  }
0x148: {  	[tilespmem:$0x16D8] =	vst v0  }
0x149: {  	[tilespmem:$0x16C8] =	vst v0  }
0x14a: {  	[tilespmem:$0x16B8] =	vst v0  }
0x14b: {  	[tilespmem:$0x16A8] =	vst v0  }
0x14c: {  	[tilespmem:$0x1698] =	vst v0  }
0x14d: {  	[tilespmem:$0x1688] =	vst v0  }
0x14e: {  	[tilespmem:$0x1678] =	vst v0  }
0x14f: {  	[tilespmem:$0x1668] =	vst v0  }
0x150: {  	[tilespmem:$0x1658] =	vst v0  }
0x151: {  	[tilespmem:$0x1648] =	vst v0  }
0x152: {  	[tilespmem:$0x1638] =	vst v0  }
0x153: {  	[tilespmem:$0x1628] =	vst v0  }
0x154: {  	[tilespmem:$0x1618] =	vst v0  }
0x155: {  	[tilespmem:$0x1608] =	vst v0  }
0x156: {  	[tilespmem:$0x15F8] =	vst v0  }
0x157: {  	[tilespmem:$0x15E8] =	vst v0  }
0x158: {  	[tilespmem:$0x15D8] =	vst v0  }
0x159: {  	[tilespmem:$0x15C8] =	vst v0  }
0x15a: {  	[tilespmem:$0x15B8] =	vst v0  }
0x15b: {  	[tilespmem:$0x15A8] =	vst v0  }
0x15c: {  	[tilespmem:$0x1598] =	vst v0  }
0x15d: {  	[tilespmem:$0x1588] =	vst v0  }
0x15e: {  	[tilespmem:$0x1578] =	vst v0  }
0x15f: {  	[tilespmem:$0x1568] =	vst v0  }
0x160: {  	[tilespmem:$0x1558] =	vst v0  }
0x161: {  	[tilespmem:$0x1548] =	vst v0  }
0x162: {  	[tilespmem:$0x1538] =	vst v0  }
0x163: {  	[tilespmem:$0x1528] =	vst v0  }
0x164: {  	[tilespmem:$0x1518] =	vst v0  }
0x165: {  	[tilespmem:$0x1508] =	vst v0  }
0x166: {  	[tilespmem:$0x14F8] =	vst v0  }
0x167: {  	[tilespmem:$0x14E8] =	vst v0  }
0x168: {  	[tilespmem:$0x14D8] =	vst v0  }
0x169: {  	[tilespmem:$0x14C8] =	vst v0  }
0x16a: {  	[tilespmem:$0x14B8] =	vst v0  }
0x16b: {  	[tilespmem:$0x14A8] =	vst v0  }
0x16c: {  	[tilespmem:$0x1498] =	vst v0  }
0x16d: {  	[tilespmem:$0x1488] =	vst v0  }
0x16e: {  	[tilespmem:$0x1478] =	vst v0  }
0x16f: {  	[tilespmem:$0x1468] =	vst v0  }
0x170: {  	[tilespmem:$0x1458] =	vst v0  }
0x171: {  	[tilespmem:$0x1448] =	vst v0  }
0x172: {  	[tilespmem:$0x1438] =	vst v0  }
0x173: {  	[tilespmem:$0x1428] =	vst v0  }
0x174: {  	[tilespmem:$0x1418] =	vst v0  }
0x175: {  	[tilespmem:$0x1408] =	vst v0  }
0x176: {  	[tilespmem:$0x13F8] =	vst v0  }
0x177: {  	[tilespmem:$0x13E8] =	vst v0  }
0x178: {  	[tilespmem:$0x13D8] =	vst v0  }
0x179: {  	[tilespmem:$0x13C8] =	vst v0  }
0x17a: {  	[tilespmem:$0x13B8] =	vst v0  }
0x17b: {  	[tilespmem:$0x13A8] =	vst v0  }
0x17c: {  	[tilespmem:$0x1398] =	vst v0  }
0x17d: {  	[tilespmem:$0x1388] =	vst v0  }
0x17e: {  	[tilespmem:$0x1378] =	vst v0  }
0x17f: {  	[tilespmem:$0x1368] =	vst v0  }
0x180: {  	[tilespmem:$0x1358] =	vst v0  }
0x181: {  	[tilespmem:$0x1348] =	vst v0  }
0x182: {  	[tilespmem:$0x1338] =	vst v0  }
0x183: {  	[tilespmem:$0x1328] =	vst v0  }
0x184: {  	[tilespmem:$0x1318] =	vst v0  }
0x185: {  	[tilespmem:$0x1308] =	vst v0  }
0x186: {  	[tilespmem:$0x12F8] =	vst v0  }
0x187: {  	[tilespmem:$0x12E8] =	vst v0  }
0x188: {  	[tilespmem:$0x12D8] =	vst v0  }
0x189: {  	[tilespmem:$0x12C8] =	vst v0  }
0x18a: {  	[tilespmem:$0x12B8] =	vst v0  }
0x18b: {  	[tilespmem:$0x12A8] =	vst v0  }
0x18c: {  	[tilespmem:$0x1298] =	vst v0  }
0x18d: {  	[tilespmem:$0x1288] =	vst v0  }
0x18e: {  	[tilespmem:$0x1278] =	vst v0  }
0x18f: {  	[tilespmem:$0x1268] =	vst v0  }
0x190: {  	[tilespmem:$0x1258] =	vst v0  }
0x191: {  	[tilespmem:$0x1248] =	vst v0  }
0x192: {  	[tilespmem:$0x1238] =	vst v0  }
0x193: {  	[tilespmem:$0x1228] =	vst v0  }
0x194: {  	[tilespmem:$0x1218] =	vst v0  }
0x195: {  	[tilespmem:$0x1208] =	vst v0  }
0x196: {  	[tilespmem:$0x11F8] =	vst v0  }
0x197: {  	[tilespmem:$0x11E8] =	vst v0  }
0x198: {  	[tilespmem:$0x11D8] =	vst v0  }
0x199: {  	[tilespmem:$0x11C8] =	vst v0  }
0x19a: {  	[tilespmem:$0x11B8] =	vst v0  }
0x19b: {  	[tilespmem:$0x11A8] =	vst v0  }
0x19c: {  	[tilespmem:$0x1198] =	vst v0  }
0x19d: {  	[tilespmem:$0x1188] =	vst v0  }
0x19e: {  	[tilespmem:$0x1178] =	vst v0  }
0x19f: {  	[tilespmem:$0x1168] =	vst v0  }
0x1a0: {  	[tilespmem:$0x1158] =	vst v0  }
0x1a1: {  	[tilespmem:$0x1148] =	vst v0  }
0x1a2: {  	[tilespmem:$0x1138] =	vst v0  }
0x1a3: {  	[tilespmem:$0x1128] =	vst v0  }
0x1a4: {  	s4 =	stileid.u32;
	[tilespmem:$0x1118] =	vst v0  }
0x1a5: {  	s0 =	smul.u32 $0xC3, s4;
	[tilespmem:$0x1108] =	vst v0  }
0x1a6: {  	s1 =	smin.u32 s4, $0x5;
	[tilespmem:$0x10F8] =	vst v0  }
0x1a7: {  	[tilespmem:$0x10E8] =	vst v0;
	s0 =	sadd.s32 s1, s0  }
0x1a8: {  	p0 =	slt.u32 s4, $0x5;
	[tilespmem:$0x10B8] =	vst v0;
	s1 =	simm.s32 $0x14AC0;
	s13 =	smul.u32 $0x1B0, s0  }
0x1a9: {  	s1 =	simm.s32 @!p0 $0x14910;
	[tilespmem:$0x10C8] =	vst v0  }
0x1aa: {  	[tilespmem:$0x10A8] =	vst v0;
	s0 =	sadd.s32 s1, s13  }
0x1ab: {  	[tilespmem:$0x1038] =	vst v0;
	s17 =	smin.u32 s0, $0x149970  }
0x1ac: {  	[tilespmem:$0x1098] =	vst v0;
	s0 =	ssub.s32 s17, s13  }
0x1ad: {  	s2 =	simm.s32 $0x2;
	s5 =	simm.s32 $0x7;
	[tilespmem:$0x1088] =	vst v0;
	p0 =	sgt.s32 s0, $0x0  }
0x1ae: {  	s26 =	simm.s32 $0x8;
	s29 =	simm.s32 $0x9;
	[tilespmem:$0x1078] =	vst v0;
	s0 =	simm.s32 @!p0 $0x0  }
0x1af: {  	s14 =	simm.s32 $0x0;
	p4 =	por $0x1, $0x1;
	[tilespmem:$0x1068] =	vst v0;
	s25 =	smulhi.u32 $0x4BDA12F7, s0  }
0x1b0: {  	s15 =	simm.s32 $0x36C8;
	s16 =	simm.s32 $0xFFFFFFFF;
	p1 =	por $0x0, $0x0;
	[tilespmem:$0x1058] =	vst v0  }
0x1b1: {  	s21 =	simm.s32 $0x0;
	s18 =	simm.s32 $0x0;
	[tilespmem:$0x1048] =	vst v0;
	s1 =	sshrl.u32 s25, $0x7  }
0x1b2: {  	s20 =	simm.s32 $0x0;
	s7 =	sadd.s32 $0x1620200, s10;
	[tilespmem:$0x1028] =	vst v0;
	s3 =	smul.u32 $0x1B0, s1  }
0x1b3: {  	s28 =	sadd.s32 $0xA400, s10;
	s30 =	sshll.u32 s4, $0x5;
	[tilespmem:$0x1018] =	vst v0;
	[sflag:s2] =	ssyncpa.u1 $0x0  }
.Ltmp0:
0x1b4: {  	[dreg:$0x5] =	wrdreg s28;
	p0 =	sne.s32 s0, s3;
	(pc) =	sbr.rel .LBB2_1-.Ltmp0, $4  }
0x1b5: {  	v0 =	vimm.s32 $0xFFFFFFFF;
	s2 =	sadd.s32 $0x33800, s10;
	[dreg:$0x3] =	wrdreg s30;
	s12 =	simm.s32 @!p0 $0x0  }
0x1b6: {  	[tilespmem:$0x3648] =	vst v0;
	[sflag:s5] =	ssyncpa.u1 $0x0;
	[dreg:$0x4] =	wrdreg s17;
	s12 =	sadd.s32 s12, s1  }
0x1b7: {  	[sflag:s26] =	ssyncpa.u1 $0x0;
	s31 =	sadd.s32 $0x1, s12;
	[dreg:$0x6] =	wrdreg s12  }
0x1b8: {  	v0 =	vlaneseq.u32;
	[sflag:s29] =	ssyncpa.u1 $0x0;
	s19 =	smov.u32 s13;
	[dreg:$0x7] =	wrdreg s31  }
.LBB2_16:
0x1b9: {  	s0 =	simm.s32 $0x2  }
0x1ba: {  	_ =	swait.ge [sflag:s0], $0x0  }
0x1bb: {  	[sflag:s0] =	ssyncset.done $0x0;
	s0 =	simm.s32 $0x0  }
.LBB2_17:
0x1bc: {  	s1 =	simm.s32 $0xA  }
0x1bd: {  	_ =	swait.ge [sflag:s1], s0  }
0x1be: {  	s31 =	ssub.s32 $0x0, s0;
	v1 =	vmov s23;
	vm0 =	veq.s32 v0, $0x0;
	[sflag:s1] =	ssyncset.done $0x0  }
0x1bf: {  	vm15 =	veq.s32 v0, $0x2;
	v1 =	vsel vm0, s28, v1;
	[sflag:s1] =	ssyncadd.s32 s31  }
0x1c0: {  	v1 =	vsel vm15, s21, v1;
	[sflag:s1] =	ssyncpa.u1 $0x1  }
0x1c1: {  	[tilespmem:$0x3648] =	vst v1  }
.LBB2_18:
0x1c2: {  	s0 =	sadd.s32 $0x1B0, s19  }
0x1c3: {  	s1 =	smov.u32 s13;
	s3 =	rddreg [dreg:$0x7];
	p0 =	slt.s32 s0, s17  }
0x1c4: {  	s1 =	smov.u32 @p0 s0;
	p0 =	sne.s32 s20, s3  }
.Ltmp1:
0x1c5: {  	_ = 	snop;
	(pc) =	sbr.rel @!p0 .LBB2_19-.Ltmp1, $4  }
0x1c6: {  	_ = 	snop  }
0x1c7: {  	s21 =	smov.u32 s18;
	s31 =	sadd.s32 $0x1, s20;
	p4 =	por !p4, !p4  }
0x1c8: {  	s18 =	smov.u32 s19;
	s15 =	sadd.s32 $0x1B0, s15;
	s16 =	sadd.s32 $0x1, s16  }
0x1c9: {  	p1 =	por !p1, !p1;
	s20 =	smov.u32 s31;
	s19 =	smov.u32 s1  }
.LBB2_1:
0x1ca: {  	p2 =	sge.u32 s20, s12  }
0x1cb: {  	s0 =	smulhi.u32 @!p2 $0xAAAAAAAB, s20  }
0x1cc: {  	s1 =	smov.u32 s19;
	p3 =	sgt.s32 @!p2 s19, $0x1497C0  }
0x1cd: {  	s3 =	sshra.s32 @!p2 s19, $0x1F;
	p3 =	por !p3, p2;
	s0 =	sshrl.u32 @!p2 s0, $0x1  }
0x1ce: {  	s3 =	sand.u32 @!p2 s3, s19;
	s1 =	simm.s32 @p3 $0x1497C0;
	s0 =	smul.u32 @!p2 $0x3, s0  }
0x1cf: {  	s1 =	ssub.s32 @!p2 s1, s3  }
0x1d0: {  	s4 =	rddreg [dreg:$0x5];
	s1 =	sadd.s32 @!p2 $0xFFEB6840, s1;
	s0 =	ssub.s32 @!p2 s20, s0  }
0x1d1: {  	s3 =	sshll.u32 @!p2 s1, $0x2;
	p3 =	sgt.s32 @!p2 s1, $0x1AF;
	s0 =	smul.u32 @!p2 $0x6C0, s0  }
0x1d2: {  	s6 =	sand.u32 @!p2 $0x7, s19;
	s1 =	ssub.s32 @!p2 $0x6C0, s3;
	p3 =	por !p3, p2  }
0x1d3: {  	s3 =	sshrl.u32 @!p2 s19, $0x3;
	s1 =	sshrl.u32 @!p2 s1, $0x2;
	s0 =	sshrl.u32 @!p2 s0, $0x2  }
0x1d4: {  	s3 =	sadd.s32 @!p2 s4, s3;
	s1 =	simm.s32 @!p3 $0x0;
	s0 =	sadd.s32 @!p2 $0x3878, s0  }
0x1d5: {  	[tilespmem:s0], [sflag:$0x8] =	stream.linear.gather @!p2 [hbm4b:s3+s6], s1, $0x38;
	[tilespmem:$0x1F0E8] =	vst v63  }
0x1d6: {  	s0 =	sadd.s32 $0xFFFFFFFF, s20  }
0x1d7: {  	p2 =	sge.u32 s0, s12  }
.Ltmp2:
0x1d8: {  	_ = 	snop;
	(pc) =	sbr.rel @p2 .LBB2_5-.Ltmp2, $1  }
0x1d9: {  	_ =	sdelay $0x3  }
0x1da: {  	p2 =	sgt.s32 s18, $0x1497C0;
	s1 =	smov.u32 s18;
	s3 =	sshra.s32 s18, $0x1F  }
0x1db: {  	s1 =	simm.s32 @!p2 $0x1497C0;
	s3 =	sand.u32 s3, s18  }
0x1dc: {  	s1 =	ssub.s32 s1, s3  }
0x1dd: {  	s1 =	sadd.s32 $0xFFEB6840, s1  }
0x1de: {  	s6 =	sshll.u32 s1, $0x2  }
0x1df: {  	s6 =	ssub.s32 $0x6C0, s6  }
0x1e0: {  	s22 =	smulhi.u32 $0xAAAAAAAB, s16;
	p2 =	sgt.s32 s1, $0x1AF;
	s1 =	sshrl.u32 s6, $0x2  }
0x1e1: {  	s0 =	sand.u32 $0x1, s0;
	s4 =	simm.s32 $0x8;
	s1 =	simm.s32 @p2 $0x0  }
0x1e2: {  	s0 =	smul.u32 $0x6C0, s0;
	s3 =	sshrl.u32 s22, $0x1;
	_ =	swait.ge [sflag:s4], s1  }
0x1e3: {  	s3 =	smul.u32 $0xFFFFEBC0, s3;
	s23 =	ssub.s32 $0x0, s1;
	[sflag:s4] =	ssyncset.done $0x0  }
0x1e4: {  	s24 =	sshrl.u32 s18, $0x3;
	s26 =	sand.u32 $0x7, s18;
	[sflag:s4] =	ssyncadd.s32 s23  }
0x1e5: {  	s0 =	sshrl.u32 s0, $0x2;
	s3 =	sshra.s32 s3, $0x2;
	s4 =	rddreg [dreg:$0x1]  }
0x1e6: {  	s0 =	sadd.s32 $0x3D88, s0;
	s25 =	sadd.s32 s3, s15;
	s3 =	sadd.s32 s4, s24  }
0x1e7: {  	[tilespmem:s0], [sflag:$0x9] =	stream.linear.gather [hbm4b:s3+s26], s1, $0x38;
	[tilespmem:$0x1F0E8] =	vst v63  }
0x1e8: {  	v1 =	vld.msk [tilespmem:s25+$0x0], $0xffff;
	_ =	sdelay $0x4  }
0x1e9: {  	v1 =	vshll.u32 v1, $0x4  }
0x1ea: {  	(v2sf) =	vpush v1, $0x0  }
0x1eb: {  	(v2sf) =	vpush v1, $0x1  }
0x1ec: {  	(v2sf) =	vpush v1, $0x2;
	_ =	sdelay $0x2  }
0x1ed: {  	(v2sf) =	vpush v1, $0x3;
	_ =	sdelay $0x1  }
0x1ee: {  	(v2sf) =	vpush v1, $0x4  }
0x1ef: {  	s0 =	simm.s32 $0x1  }
0x1f0: {  	s0 =	simm.s32 @!p4 $0x0;
	(v2sf) =	vpush v1, $0x5  }
0x1f1: {  	s0 =	smul.u32 $0x36000, s0  }
0x1f2: {  	(v2sf) =	vpush v1, $0x6  }
0x1f3: {  	s0 =	sshrl.u32 s0, $0x2  }
0x1f4: {  	s12 =	smov.u32 s13;
	s22 =	sadd.s32 $0x4868, s0  }
0x1f5: {  	s30 =	sadd.s32 $0xFFFFF880, s22;
	s4 =	sadd.s32 $0xFFFFF900, s22;
	s5 =	sadd.s32 $0xFFFFF980, s22  }
0x1f6: {  	s10 =	sadd.s32 $0xFFFFFA00, s22;
	s11 =	sadd.s32 $0xFFFFFA80, s22;
	s28 =	spop (v2sf);
	(v2sf) =	vpush v1, $0x7  }
0x1f7: {  	s24 =	sadd.s32 $0xFFFFFB00, s22;
	s29 =	sand.u32 $0x1FFFFFF0, s28;
	s31 =	spop (v2sf)  }
0x1f8: {  	(v2sf) =	vpush v1, $0x8;
	s0 =	sadd.s32 s7, s29;
	s1 =	sand.u32 $0x1FFFFFF0, s31;
	s3 =	spop (v2sf)  }
0x1f9: {  	(v2sf) =	vpush v1, $0x9;
	[tilespmem:s30], [sflag:$0x7] =	stream.linear.gather [hbm4b:s0+s14], $0x10, $0x38;
	[tilespmem:$0x1F0E8] =	vst v63  }
0x1fa: {  	s26 =	sadd.s32 $0xFFFFFB80, s22;
	s31 =	sadd.s32 $0xFFFFFC00, s22;
	s0 =	sadd.s32 s7, s1  }
0x1fb: {  	s1 =	sand.u32 $0x1FFFFFF0, s3;
	s6 =	spop (v2sf);
	(v2sf) =	vpush v1, $0xA;
	s3 =	sadd.s32 $0xFFFFFC80, s22  }
0x1fc: {  	[tilespmem:s4], [sflag:$0x7] =	stream.linear.gather [hbm4b:s0+s14], $0x10, $0x38;
	[tilespmem:$0x1F0E8] =	vst v63  }
0x1fd: {  	s1 =	sadd.s32 s7, s1;
	s8 =	sand.u32 $0x1FFFFFF0, s6;
	s9 =	spop (v2sf);
	(v2sf) =	vpush v1, $0xB  }
0x1fe: {  	[tilespmem:s5], [sflag:$0x7] =	stream.linear.gather [hbm4b:s1+s14], $0x10, $0x38;
	[tilespmem:$0x1F0E8] =	vst v63  }
0x1ff: {  	s0 =	sadd.s32 s7, s8;
	s13 =	spop (v2sf);
	(v2sf) =	vpush v1, $0xC;
	s1 =	sand.u32 $0x1FFFFFF0, s9  }
0x200: {  	[tilespmem:s10], [sflag:$0x7] =	stream.linear.gather [hbm4b:s0+s14], $0x10, $0x38;
	[tilespmem:$0x1F0E8] =	vst v63  }
0x201: {  	s17 =	sand.u32 $0x1FFFFFF0, s13;
	s23 =	spop (v2sf);
	(v2sf) =	vpush v1, $0xD;
	s1 =	sadd.s32 s7, s1  }
0x202: {  	[tilespmem:s11], [sflag:$0x7] =	stream.linear.gather [hbm4b:s1+s14], $0x10, $0x38;
	[tilespmem:$0x1F0E8] =	vst v63  }
0x203: {  	s8 =	sadd.s32 $0xFFFFFD00, s22;
	s0 =	sadd.s32 s7, s17;
	s1 =	sand.u32 $0x1FFFFFF0, s23  }
0x204: {  	[tilespmem:s24], [sflag:$0x7] =	stream.linear.gather [hbm4b:s0+s14], $0x10, $0x38;
	[tilespmem:$0x1F0E8] =	vst v63  }
0x205: {  	s9 =	sadd.s32 $0xFFFFFD80, s22;
	s1 =	sadd.s32 s7, s1;
	s28 =	spop (v2sf);
	(v2sf) =	vpush v1, $0xE  }
0x206: {  	[tilespmem:s26], [sflag:$0x7] =	stream.linear.gather [hbm4b:s1+s14], $0x10, $0x38;
	[tilespmem:$0x1F0E8] =	vst v63  }
0x207: {  	s17 =	sadd.s32 $0xFFFFFE00, s22;
	s29 =	sand.u32 $0x1FFFFFF0, s28;
	s30 =	spop (v2sf);
	(v2sf) =	vpush v1, $0xF  }
0x208: {  	s0 =	sadd.s32 s7, s29;
	s1 =	sand.u32 $0x1FFFFFF0, s30;
	s4 =	spop (v2sf)  }
0x209: {  	[tilespmem:s31], [sflag:$0x7] =	stream.linear.gather [hbm4b:s0+s14], $0x10, $0x38;
	[tilespmem:$0x1F0E8] =	vst v63  }
0x20a: {  	s1 =	sadd.s32 s7, s1;
	s5 =	sand.u32 $0x1FFFFFF0, s4;
	s6 =	spop (v2sf)  }
0x20b: {  	[tilespmem:s3], [sflag:$0x7] =	stream.linear.gather [hbm4b:s1+s14], $0x10, $0x38;
	[tilespmem:$0x1F0E8] =	vst v63  }
0x20c: {  	s0 =	sadd.s32 s7, s5;
	s10 =	spop (v2sf);
	s1 =	sand.u32 $0x1FFFFFF0, s6  }
0x20d: {  	[tilespmem:s8], [sflag:$0x7] =	stream.linear.gather [hbm4b:s0+s14], $0x10, $0x38;
	[tilespmem:$0x1F0E8] =	vst v63  }
0x20e: {  	s11 =	sand.u32 $0x1FFFFFF0, s10;
	s13 =	spop (v2sf);
	s1 =	sadd.s32 s7, s1  }
0x20f: {  	[tilespmem:s9], [sflag:$0x7] =	stream.linear.gather [hbm4b:s1+s14], $0x10, $0x38;
	[tilespmem:$0x1F0E8] =	vst v63  }
0x210: {  	s24 =	spop (v2sf);
	s0 =	sadd.s32 s7, s11;
	s1 =	sand.u32 $0x1FFFFFF0, s13  }
0x211: {  	[tilespmem:s17], [sflag:$0x7] =	stream.linear.gather [hbm4b:s0+s14], $0x10, $0x38;
	[tilespmem:$0x1F0E8] =	vst v63  }
0x212: {  	s23 =	sadd.s32 $0xFFFFFE80, s22;
	s26 =	sand.u32 $0x1FFFFFF0, s24;
	s1 =	sadd.s32 s7, s1  }
0x213: {  	[tilespmem:s23], [sflag:$0x7] =	stream.linear.gather [hbm4b:s1+s14], $0x10, $0x38;
	[tilespmem:$0x1F0E8] =	vst v63  }
0x214: {  	s29 =	sadd.s32 $0xFFFFFF00, s22;
	s0 =	sadd.s32 s7, s26;
	s28 =	spop (v2sf)  }
0x215: {  	[tilespmem:s29], [sflag:$0x7] =	stream.linear.gather [hbm4b:s0+s14], $0x10, $0x38;
	[tilespmem:$0x1F0E8] =	vst v63  }
0x216: {  	s25 =	sadd.s32 $0x10, s25;
	s1 =	sand.u32 $0x1FFFFFF0, s28;
	s30 =	spop (v2sf)  }
0x217: {  	s31 =	sadd.s32 $0xFFFFFF80, s22;
	s1 =	sadd.s32 s7, s1;
	s0 =	sand.u32 $0x1FFFFFF0, s30  }
0x218: {  	[tilespmem:s31], [sflag:$0x7] =	stream.linear.gather [hbm4b:s1+s14], $0x10, $0x38;
	[tilespmem:$0x1F0E8] =	vst v63  }
0x219: {  	s24 =	sadd.s32 $0x800, s22;
	s23 =	simm.s32 $0x0;
	s0 =	sadd.s32 s7, s0  }
.LBB2_3:
0x21a: {  	[tilespmem:s22], [sflag:$0x7] =	stream.linear.gather [hbm4b:s0+s14], $0x10, $0x38;
	[tilespmem:$0x1F0E8] =	vst v63  }
0x21b: {  	s23 =	sadd.s32 $0x10, s23;
	s22 =	smov.u32 s24  }
0x21c: {  	p2 =	slt.u32 s23, $0x1A0;
	v1 =	vld.msk [tilespmem:s25+$0x0], $0xffff;
	_ =	sdelay $0x4  }
0x21d: {  	v1 =	vshll.u32 v1, $0x4  }
0x21e: {  	(v2sf) =	vpush v1, $0x0  }
0x21f: {  	(v2sf) =	vpush v1, $0x1  }
0x220: {  	(v2sf) =	vpush v1, $0x2;
	_ =	sdelay $0x1  }
0x221: {  	(v2sf) =	vpush v1, $0x3;
	_ =	sdelay $0x1  }
0x222: {  	(v2sf) =	vpush v1, $0x4;
	_ =	sdelay $0x1  }
0x223: {  	(v2sf) =	vpush v1, $0x5;
	_ =	sdelay $0x1  }
0x224: {  	(v2sf) =	vpush v1, $0x6  }
0x225: {  	s28 =	sadd.s32 $0xFFFFFE80, s24;
	s26 =	sadd.s32 $0xFFFFFF00, s24  }
0x226: {  	s31 =	sadd.s32 $0xFFFFFD00, s24;
	s30 =	sadd.s32 $0xFFFFFD80, s24;
	s29 =	sadd.s32 $0xFFFFFE00, s24;
	(v2sf) =	vpush v1, $0x7  }
0x227: {  	s1 =	sadd.s32 $0xFFFFFB80, s24;
	s3 =	sadd.s32 $0xFFFFFC00, s24;
	s0 =	sadd.s32 $0xFFFFFC80, s24  }
0x228: {  	s6 =	sadd.s32 $0xFFFFFA00, s24;
	s8 =	sadd.s32 $0xFFFFFA80, s24;
	s9 =	sadd.s32 $0xFFFFFB00, s24;
	(v2sf) =	vpush v1, $0x8  }
0x229: {  	s11 =	sadd.s32 $0xFFFFF900, s24;
	s10 =	sadd.s32 $0xFFFFF980, s24;
	s13 =	spop (v2sf)  }
0x22a: {  	s4 =	sadd.s32 $0xFFFFF880, s24;
	s13 =	sand.u32 $0x1FFFFFF0, s13;
	s17 =	spop (v2sf);
	(v2sf) =	vpush v1, $0x9  }
0x22b: {  	s13 =	sadd.s32 s7, s13;
	s17 =	sand.u32 $0x1FFFFFF0, s17;
	s5 =	spop (v2sf)  }
0x22c: {  	[tilespmem:s4], [sflag:$0x7] =	stream.linear.gather [hbm4b:s13+s14], $0x10, $0x38;
	(v2sf) =	vpush v1, $0xA;
	[tilespmem:$0x1F0E8] =	vst v63  }
0x22d: {  	s4 =	sadd.s32 s7, s17;
	s5 =	sand.u32 $0x1FFFFFF0, s5;
	s13 =	spop (v2sf)  }
0x22e: {  	[tilespmem:s11], [sflag:$0x7] =	stream.linear.gather [hbm4b:s4+s14], $0x10, $0x38;
	(v2sf) =	vpush v1, $0xB;
	[tilespmem:$0x1F0E8] =	vst v63  }
0x22f: {  	s4 =	sadd.s32 s7, s5;
	s5 =	sand.u32 $0x1FFFFFF0, s13;
	s11 =	spop (v2sf)  }
0x230: {  	[tilespmem:s10], [sflag:$0x7] =	stream.linear.gather [hbm4b:s4+s14], $0x10, $0x38;
	(v2sf) =	vpush v1, $0xC;
	[tilespmem:$0x1F0E8] =	vst v63  }
0x231: {  	s4 =	sadd.s32 s7, s5;
	s5 =	sand.u32 $0x1FFFFFF0, s11;
	s10 =	spop (v2sf)  }
0x232: {  	[tilespmem:s6], [sflag:$0x7] =	stream.linear.gather [hbm4b:s4+s14], $0x10, $0x38;
	(v2sf) =	vpush v1, $0xD;
	[tilespmem:$0x1F0E8] =	vst v63  }
0x233: {  	s4 =	sadd.s32 s7, s5;
	s5 =	sand.u32 $0x1FFFFFF0, s10;
	s6 =	spop (v2sf)  }
0x234: {  	[tilespmem:s8], [sflag:$0x7] =	stream.linear.gather [hbm4b:s4+s14], $0x10, $0x38;
	(v2sf) =	vpush v1, $0xE;
	[tilespmem:$0x1F0E8] =	vst v63  }
0x235: {  	s4 =	sadd.s32 s7, s5;
	s5 =	sand.u32 $0x1FFFFFF0, s6;
	s6 =	spop (v2sf)  }
0x236: {  	[tilespmem:s9], [sflag:$0x7] =	stream.linear.gather [hbm4b:s4+s14], $0x10, $0x38;
	(v2sf) =	vpush v1, $0xF;
	[tilespmem:$0x1F0E8] =	vst v63  }
0x237: {  	s4 =	sadd.s32 s7, s5;
	s5 =	sand.u32 $0x1FFFFFF0, s6;
	s6 =	spop (v2sf)  }
0x238: {  	[tilespmem:s1], [sflag:$0x7] =	stream.linear.gather [hbm4b:s4+s14], $0x10, $0x38;
	[tilespmem:$0x1F0E8] =	vst v63  }
0x239: {  	s1 =	sadd.s32 s7, s5;
	s4 =	sand.u32 $0x1FFFFFF0, s6;
	s5 =	spop (v2sf)  }
0x23a: {  	[tilespmem:s3], [sflag:$0x7] =	stream.linear.gather [hbm4b:s1+s14], $0x10, $0x38;
	[tilespmem:$0x1F0E8] =	vst v63  }
0x23b: {  	s1 =	sadd.s32 s7, s4;
	s3 =	sand.u32 $0x1FFFFFF0, s5;
	s4 =	spop (v2sf)  }
0x23c: {  	[tilespmem:s0], [sflag:$0x7] =	stream.linear.gather [hbm4b:s1+s14], $0x10, $0x38;
	[tilespmem:$0x1F0E8] =	vst v63  }
0x23d: {  	s0 =	sadd.s32 s7, s3;
	s1 =	sand.u32 $0x1FFFFFF0, s4;
	s3 =	spop (v2sf)  }
0x23e: {  	[tilespmem:s31], [sflag:$0x7] =	stream.linear.gather [hbm4b:s0+s14], $0x10, $0x38;
	[tilespmem:$0x1F0E8] =	vst v63  }
0x23f: {  	s0 =	sadd.s32 s7, s1;
	s1 =	sand.u32 $0x1FFFFFF0, s3;
	s3 =	spop (v2sf)  }
0x240: {  	[tilespmem:s30], [sflag:$0x7] =	stream.linear.gather [hbm4b:s0+s14], $0x10, $0x38;
	[tilespmem:$0x1F0E8] =	vst v63  }
0x241: {  	s0 =	sadd.s32 s7, s1;
	s1 =	sand.u32 $0x1FFFFFF0, s3;
	s3 =	spop (v2sf)  }
0x242: {  	[tilespmem:s29], [sflag:$0x7] =	stream.linear.gather [hbm4b:s0+s14], $0x10, $0x38;
	[tilespmem:$0x1F0E8] =	vst v63  }
0x243: {  	s0 =	sadd.s32 s7, s1;
	s1 =	sand.u32 $0x1FFFFFF0, s3;
	s3 =	spop (v2sf)  }
0x244: {  	[tilespmem:s28], [sflag:$0x7] =	stream.linear.gather [hbm4b:s0+s14], $0x10, $0x38;
	[tilespmem:$0x1F0E8] =	vst v63  }
0x245: {  	s0 =	sadd.s32 s7, s1  }
.Ltmp3:
0x246: {  	s1 =	sand.u32 $0x1FFFFFF0, s3;
	s3 =	spop (v2sf);
	(pc) =	sbr.rel @p2 .LBB2_3-.Ltmp3, $4  }
0x247: {  	[tilespmem:s26], [sflag:$0x7] =	stream.linear.gather [hbm4b:s0+s14], $0x10, $0x38;
	[tilespmem:$0x1F0E8] =	vst v63  }
0x248: {  	s0 =	sadd.s32 s7, s1;
	s1 =	sadd.s32 $0xFFFFFF80, s24;
	s3 =	sand.u32 $0x1FFFFFF0, s3  }
0x249: {  	[tilespmem:s1], [sflag:$0x7] =	stream.linear.gather [hbm4b:s0+s14], $0x10, $0x38;
	[tilespmem:$0x1F0E8] =	vst v63  }
0x24a: {  	s25 =	sadd.s32 $0x10, s25;
	s24 =	sadd.s32 $0x800, s24;
	s0 =	sadd.s32 s7, s3  }
0x24b: {  	[tilespmem:s22], [sflag:$0x7] =	stream.linear.gather [hbm4b:s0+s14], $0x10, $0x38;
	[tilespmem:$0x1F0E8] =	vst v63  }
0x24c: {  	s17 =	rddreg [dreg:$0x4]  }
0x24d: {  	s13 =	smov.u32 s12;
	s12 =	rddreg [dreg:$0x6]  }
.LBB2_5:
0x24e: {  	p2 =	slt.u32 s20, $0x2  }
.Ltmp4:
0x24f: {  	_ = 	snop;
	(pc) =	sbr.rel @p2 .LBB2_18-.Ltmp4, $1  }
0x250: {  	_ =	sdelay $0x3  }
0x251: {  	p2 =	sgt.s32 s21, $0x1497C0;
	s0 =	smov.u32 s21;
	s1 =	sshra.s32 s21, $0x1F  }
0x252: {  	s0 =	simm.s32 @!p2 $0x1497C0;
	s1 =	sand.u32 s1, s21  }
0x253: {  	s0 =	ssub.s32 s0, s1  }
0x254: {  	s0 =	sadd.s32 $0xFFEB6840, s0  }
0x255: {  	s3 =	simm.s32 $0x7;
	s30 =	sshll.u32 s0, $0x2  }
0x256: {  	_ =	swait.ge [sflag:s3], $0x1B00;
	s1 =	ssub.s32 $0x6C0, s30  }
0x257: {  	[sflag:s3] =	ssyncset.done $0x0;
	p2 =	sgt.s32 s0, $0x1AF;
	s0 =	sshrl.u32 s1, $0x2  }
0x258: {  	s31 =	simm.s32 $0x9;
	[sflag:s3] =	ssyncadd.s32 $0xFFFFE500;
	s0 =	simm.s32 @p2 $0x0  }
0x259: {  	_ =	swait.ge [sflag:s31], s0  }
0x25a: {  	s0 =	ssub.s32 $0x0, s0;
	[sflag:s31] =	ssyncset.done $0x0  }
0x25b: {  	[sflag:s31] =	ssyncadd.s32 s0  }
0x25c: {  	v1 =	vld [tilespmem:$0x3648];
	_ =	sdelay $0x4  }
0x25d: {  	(v2sf) =	vpush v1, $0x0  }
0x25e: {  	(v2sf) =	vpush v1, $0x1  }
0x25f: {  	(v2sf) =	vpush v1, $0x2;
	_ =	sdelay $0x3  }
0x260: {  	s1 =	sadd.s32 $0x1B0, s21  }
0x261: {  	s3 =	ssub.s32 $0x149970, s21;
	p2 =	slt.s32 s17, s1  }
0x262: {  	s1 =	smov.u32 @p2 s17;
	p2 =	sgt.s32 s3, $0x0  }
0x263: {  	s25 =	ssub.s32 s1, s21;
	s3 =	simm.s32 @!p2 $0x0  }
0x264: {  	p2 =	slt.s32 s3, s25  }
0x265: {  	s25 =	smov.u32 @p2 s3  }
0x266: {  	s0 =	simm.s32 $0x1;
	p2 =	slt.s32 s25, $0x1  }
.Ltmp5:
0x267: {  	s0 =	simm.s32 @!p1 $0x0;
	(pc) =	sbr.rel @p2 .LBB2_10-.Ltmp5, $4  }
0x268: {  	s4 =	smul.u32 $0x6C0, s0  }
0x269: {  	s1 =	spop (v2sf)  }
0x26a: {  	s4 =	sshrl.u32 s4, $0x2;
	s3 =	spop (v2sf)  }
0x26b: {  	s22 =	sadd.s32 $0x3D88, s4;
	s21 =	spop (v2sf)  }
0x26c: {  	s4 =	smin.u32 s25, $0x10  }
0x26d: {  	v1 =	vmov s4  }
0x26e: {  	p3 =	sgt.s32 s25, $0x10;
	vm1 =	vgt.u32 v1, v0  }
.Ltmp6:
0x26f: {  	_ = 	snop;
	(pc) =	sbr.rel @!p3 .LBB2_9-.Ltmp6, $2  }
0x270: {  	_ =	sdelay $0x2  }
0x271: {  	s24 =	simm.s32 $0x10;
	s26 =	sadd.s32 $0xFFFFFFF0, s25;
	s23 =	smov.u32 s22;
	vm0 =	vmmov vm1  }
.LBB2_8:
0x272: {  	s4 =	smin.u32 s26, $0x10;
	s24 =	sadd.s32 $0x10, s24;
	v1 =	vld.msk [tilespmem:s23+$0x0 ss:$0x1], vm1  }
0x273: {  	v2 =	vmov s4;
	p3 =	slt.s32 s24, s25  }
0x274: {  	vm1 =	vgt.u32 v2, v0  }
.Ltmp7:
0x275: {  	(pc) =	sbr.rel @p3 .LBB2_8-.Ltmp7, $3  }
0x276: {  	_ =	sdelay $0x1  }
0x277: {  	v1 =	vshll.u32 v1, $0x4  }
0x278: {  	s26 =	sadd.s32 $0xFFFFFFF0, s26;
	[tilespmem:s23+$0x0] =	vst.msk vm0, v1;
	s23 =	sadd.s32 $0x10, s23;
	vm0 =	vmmov vm1  }
.LBB2_9:
0x279: {  	_ =	sdelay $0x4  }
0x27a: {  	v1 =	vld.msk [tilespmem:s23+$0x0 ss:$0x1], vm1;
	_ =	sdelay $0x4  }
0x27b: {  	v1 =	vshll.u32 v1, $0x4  }
0x27c: {  	[tilespmem:s23+$0x0] =	vst.msk vm0, v1  }
.LBB2_10:
0x27d: {  	s4 =	sand.u32 $0x1, s20  }
0x27e: {  	s4 =	smul.u32 $0x1B0, s4  }
0x27f: {  	p3 =	sne.s32 s3, $0xFFFFFFFF  }
0x280: {  	v1 =	vld.msk @!p3 [tilespmem:s4+$0x3D88], $0x1;
	_ =	sdelay $0x4  }
0x281: {  	(v2sf) =	vpush @!p3 v1, $0x0;
	_ =	sdelay $0xc  }
.Ltmp8:
0x282: {  	_ = 	snop;
	(pc) =	sbr.rel @p2 .LBB2_16-.Ltmp8, $4  }
0x283: {  	_ = 	snop  }
0x284: {  	s28 =	spop @!p3 (v2sf)  }
0x285: {  	s31 =	simm.s32 $0xA;
	s21 =	simm.s32 @!p3 $0x0;
	s23 =	smov.u32 s28  }
0x286: {  	[sflag:s31] =	ssyncpa.u1 $0x0;
	s28 =	smov.u32 @p3 s1;
	s23 =	smov.u32 @p3 s3  }
0x287: {  	v1 =	vld.msk [tilespmem:s22+$0x0], $0x1;
	_ =	sdelay $0x4  }
0x288: {  	(v2sf) =	vpush v1, $0x0;
	_ =	sdelay $0xd  }
0x289: {  	s1 =	simm.s32 @!p4 $0x0  }
0x28a: {  	s0 =	smul.u32 $0x36000, s0;
	s1 =	simm.s32 @p4 $0x1;
	s3 =	spop (v2sf)  }
0x28b: {  	s29 =	ssub.s32 $0x0, s25;
	[smem:$0x7FD] =	sst s1;
	p2 =	seq.s32 s28, s3  }
0x28c: {  	s0 =	sshrl.u32 s0, $0x2;
	s1 =	smov.u32 s28;
	p3 =	sgt.s32 @!p2 s28, $0x0  }
0x28d: {  	s24 =	sadd.s32 $0x40E8, s0;
	s0 =	sadd.s32 $0x1, s29;
	p3 =	por !p3, p2  }
0x28e: {  	s1 =	simm.s32 @p3 $0x0;
	p3 =	seq.s32 s0, $0x0  }
.Ltmp9:
0x28f: {  	_ = 	snop;
	(pc) =	sbr.rel @p3 .LBB2_13-.Ltmp9, $4  }
0x290: {  	_ = 	snop  }
0x291: {  	s25 =	simm.s32 $0x0;
	s26 =	simm.s32 @!p2 $0x1;
	s1 =	smin.u32 @!p2 s1, $0x1869FE  }
0x292: {  	s30 =	simm.s32 @!p2 $0x1B38;
	s26 =	smov.u32 @p2 s25;
	s4 =	sand.u32 @!p2 $0x1FFFF8, s1  }
0x293: {  	s31 =	sand.u32 @!p2 $0x7, s1;
	s1 =	sadd.s32 $0x1, s22;
	s6 =	sadd.s32 @!p2 s2, s4  }
.LBB2_12:
0x294: {  	s4 =	smov.u32 s26  }
0x295: {  	[tilespmem:s30], [sflag:$0x2] =	stream.linear.gather @!p2 [hbm4b:s6+s31], $0x10, $0x38;
	[tilespmem:$0x1F0E8] =	vst v63  }
0x296: {  	s0 =	sadd.s32 $0x1, s0;
	s5 =	smov.u32 s3;
	v1 =	vld.msk [tilespmem:s1+$0x0], $0x1  }
0x297: {  	p3 =	seq.s32 s0, $0x0;
	_ =	sdelay $0x3  }
0x298: {  	(v2sf) =	vpush v1, $0x0;
	_ =	sdelay $0xe  }
0x299: {  	s3 =	spop (v2sf)  }
0x29a: {  	p2 =	seq.s32 s5, s3  }
0x29b: {  	p4 =	sgt.s32 @!p2 s5, $0x0;
	s6 =	sshll.u32 @!p2 s26, $0x6;
	s26 =	sadd.s32 @!p2 $0x1, s26  }
.Ltmp10:
0x29c: {  	p4 =	por !p4, p2;
	s6 =	sshra.s32 @!p2 s6, $0x2;
	(pc) =	sbr.rel @!p3 .LBB2_12-.Ltmp10, $4  }
0x29d: {  	s26 =	smov.u32 @p2 s4;
	s5 =	simm.s32 @p4 $0x0;
	s30 =	sadd.s32 @!p2 $0x1B38, s6  }
0x29e: {  	s4 =	smin.u32 @!p2 s5, $0x1869FE  }
0x29f: {  	s5 =	sand.u32 @!p2 $0x1FFFF8, s4;
	s31 =	sand.u32 @!p2 $0x7, s4  }
0x2a0: {  	s1 =	sadd.s32 $0x1, s1;
	s6 =	sadd.s32 @!p2 s2, s5  }
.LBB2_13:
0x2a1: {  	[tilespmem:s30], [sflag:$0x2] =	stream.linear.gather @!p2 [hbm4b:s6+s31], $0x10, $0x38;
	[tilespmem:$0x1F0E8] =	vst v63  }
0x2a2: {  	s0 =	sshll.u32 s26, $0x4  }
0x2a3: {  	s1 =	simm.s32 $0x2;
	s0 =	sand.u32 $0x3FFFFFF0, s0  }
0x2a4: {  	_ =	swait.ge [sflag:s1], s0  }
0x2a5: {  	s0 =	ssub.s32 $0x0, s0;
	[sflag:s1] =	ssyncset.done $0x0  }
0x2a6: {  	[sflag:s1] =	ssyncadd.s32 s0  }
0x2a7: {  	v1 =	vld.msk [tilespmem:s22+$0x0], $0x1;
	_ =	sdelay $0x4  }
0x2a8: {  	(v2sf) =	vpush v1, $0x0;
	_ =	sdelay $0xe  }
0x2a9: {  	s26 =	spop (v2sf)  }
0x2aa: {  	p2 =	sne.s32 s28, s26  }
0x2ab: {  	p4 =	sne.s32 @p2 s28, s23  }
0x2ac: {  	p3 =	por !p4, !p2  }
0x2ad: {  	s0 =	simm.s32 @!p3 $0x0  }
0x2ae: {  	v1 =	vld @!p3 [tilespmem:s0+$0x1B38]  }
0x2af: {  	p5 =	sgt.u32 @!p3 s28, $0x1869FE  }
0x2b0: {  	s1 =	sshll.u32 @!p3 s21, $0x6;
	p6 =	por @p2 p5, !p4  }
0x2b1: {  	s1 =	sshra.s32 @!p3 s1, $0x2;
	p0 =	por p6, !p2;
	p6 =	por p4, !p2  }
0x2b2: {  	s3 =	sadd.s32 @!p3 $0x28, s1;
	s4 =	sand.u32 @!p0 $0x1FFFF8, s28;
	s5 =	sshll.u32 @!p6 s21, $0x6  }
0x2b3: {  	s6 =	sand.u32 @!p0 $0x7, s28;
	[tilespmem:s1+$0x28] =	vst.add.f32.msk @!p3 $0xffff, v1;
	s1 =	sadd.s32 @!p0 s2, s4;
	s4 =	sshra.s32 @!p6 s5, $0x2  }
0x2b4: {  	[hbm4b:s1+s6] =	stream.linear.scatter @!p0 [tilespmem:s3], [sflag:$0xA], $0x10, $0x38;
	[tilespmem:$0x1F0E8] =	vst v63  }
0x2b5: {  	s0 =	rddreg [dreg:$0x3];
	s1 =	sadd.s32 @!p6 $0x28, s4;
	s3 =	simm.s32 @!p6 $0x1  }
0x2b6: {  	[spmem:s0] =	stream.linear.scatter @!p6 [tilespmem:s1], [sflag:$0x1], $0x10, $0x38;
	[tilespmem:$0x1F0E8] =	vst v63  }
0x2b7: {  	s0 =	sadd.s32 @p2 $0x1, s21;
	_ =	swait.ge @!p6 [sflag:s3], $0x10  }
0x2b8: {  	s1 =	sshrl.u32 @p2 s0, $0x4;
	[sflag:s3] =	ssyncset.done @!p6 $0x0  }
0x2b9: {  	s1 =	smulhi.u32 @p2 $0x97B425F, s1;
	[sflag:s3] =	ssyncadd.s32 @!p6 $0xFFFFFFF0  }
0x2ba: {  	s28 =	sadd.s32 $0x1, s29;
	v1 =	vld @p2 [tilespmem:s24+$0x0]  }
0x2bb: {  	p0 =	por @p2 !p5, !p4;
	p4 =	seq.s32 s28, $0x0;
	s1 =	smul.u32 @p2 $0x1B0, s1  }
.Ltmp11:
0x2bc: {  	p0 =	por !p0, !p2;
	s3 =	simm.s32 @!p3 $0x0;
	(pc) =	sbr.rel @p4 .LBB2_15-.Ltmp11, $4  }
0x2bd: {  	s29 =	simm.s32 $0x0;
	s3 =	simm.s32 @!p0 $0x40;
	s0 =	ssub.s32 @p2 s0, s1  }
0x2be: {  	s4 =	sshll.u32 @!p2 s21, $0x6;
	s3 =	sadd.s32 @!p3 $0x0, s3;
	s5 =	sshll.u32 @p2 s0, $0x4  }
0x2bf: {  	s30 =	sshra.s32 @!p2 s4, $0x2;
	s1 =	simm.s32 @p2 $0x1;
	s3 =	smov.u32 @p3 s25;
	[tilespmem:s5+$0x28] =	vst @p2 v1  }
0x2c0: {  	s21 =	smov.u32 @p2 s0;
	s29 =	smov.u32 @p2 s3;
	s25 =	smov.u32 @p2 s1;
	v1 =	vld @!p2 [tilespmem:s24+$0x0]  }
.LBB2_14:
0x2c1: {  	_ =	sdelay $0x3  }
0x2c2: {  	s22 =	sadd.s32 $0x1, s22;
	[tilespmem:s30+$0x28] =	vst.add.f32.msk @!p2 $0xffff, v1  }
0x2c3: {  	v1 =	vld.msk [tilespmem:s22+$0x0], $0x1;
	_ =	sdelay $0x4  }
0x2c4: {  	(v2sf) =	vpush v1, $0x0;
	_ =	sdelay $0xe  }
0x2c5: {  	s0 =	smov.u32 s26;
	s26 =	spop (v2sf)  }
0x2c6: {  	p2 =	sne.s32 s0, s26  }
0x2c7: {  	p5 =	sne.s32 @p2 s0, s23  }
0x2c8: {  	s4 =	sshll.u32 @!p2 s21, $0x6;
	p4 =	por !p5, !p2  }
0x2c9: {  	s30 =	sshra.s32 @!p2 s4, $0x2;
	s4 =	sshll.u32 @!p4 s25, $0x6  }
0x2ca: {  	s4 =	sshra.s32 @!p4 s4, $0x2  }
0x2cb: {  	p0 =	sgt.u32 @!p4 s0, $0x1869FE;
	v1 =	vld @!p4 [tilespmem:s4+$0x1B38]  }
0x2cc: {  	s6 =	sshll.u32 @!p4 s21, $0x6;
	p6 =	por @p2 p0, !p5;
	p0 =	por @p2 !p0, !p5  }
0x2cd: {  	s8 =	simm.s32 @!p4 $0x0;
	s6 =	sshra.s32 @!p4 s6, $0x2;
	p0 =	por !p0, !p2  }
0x2ce: {  	p5 =	por p5, !p2;
	s8 =	simm.s32 @!p0 $0x40;
	p0 =	por p6, !p2  }
0x2cf: {  	s4 =	sadd.s32 @!p4 $0x28, s6;
	s11 =	sshll.u32 @!p5 s21, $0x6;
	s10 =	sand.u32 @!p0 $0x1FFFF8, s0  }
0x2d0: {  	s0 =	sand.u32 @!p0 $0x7, s0;
	[tilespmem:s6+$0x28] =	vst.add.f32.msk @!p4 $0xffff, v1;
	s6 =	sadd.s32 @!p0 s2, s10;
	s10 =	sshra.s32 @!p5 s11, $0x2  }
0x2d1: {  	[hbm4b:s6+s0] =	stream.linear.scatter @!p0 [tilespmem:s4], [sflag:$0xA], $0x10, $0x38;
	[tilespmem:$0x1F0E8] =	vst v63  }
0x2d2: {  	s1 =	rddreg [dreg:$0x3];
	s0 =	sadd.s32 @!p5 $0x28, s10;
	s4 =	simm.s32 @!p5 $0x1  }
0x2d3: {  	[spmem:s1] =	stream.linear.scatter @!p5 [tilespmem:s0], [sflag:$0x1], $0x10, $0x38;
	[tilespmem:$0x1F0E8] =	vst v63  }
0x2d4: {  	s3 =	sadd.s32 @p2 $0x1, s21;
	_ =	swait.ge @!p5 [sflag:s4], $0x10  }
0x2d5: {  	s5 =	sshrl.u32 @p2 s3, $0x4;
	[sflag:s4] =	ssyncset.done @!p5 $0x0  }
0x2d6: {  	s24 =	sadd.s32 $0x80, s24;
	s5 =	smulhi.u32 @p2 $0x97B425F, s5;
	[sflag:s4] =	ssyncadd.s32 @!p5 $0xFFFFFFF0  }
0x2d7: {  	s28 =	sadd.s32 $0x1, s28;
	v1 =	vld @p2 [tilespmem:s24+$0x0]  }
0x2d8: {  	p3 =	seq.s32 s28, $0x0;
	s5 =	smul.u32 @p2 $0x1B0, s5  }
.Ltmp12:
0x2d9: {  	_ = 	snop;
	(pc) =	sbr.rel @!p3 .LBB2_14-.Ltmp12, $4  }
0x2da: {  	s3 =	ssub.s32 @p2 s3, s5  }
0x2db: {  	s8 =	sadd.s32 @!p4 s8, s29;
	s5 =	sshll.u32 @p2 s3, $0x4  }
0x2dc: {  	s9 =	sadd.s32 @p2 $0x1, s25;
	s8 =	smov.u32 @p4 s29;
	[tilespmem:s5+$0x28] =	vst @p2 v1  }
0x2dd: {  	s25 =	smov.u32 @p2 s9;
	s21 =	smov.u32 @p2 s3;
	s29 =	smov.u32 @p2 s8;
	v1 =	vld @!p2 [tilespmem:s24+$0x0]  }
.LBB2_15:
.Ltmp13:
0x2de: {  	_ = 	snop;
	(pc) =	sbr.rel .LBB2_17-.Ltmp13, $2  }
0x2df: {  	s1 =	sld [smem:$0x7FD];
	_ =	sdelay $0x2  }
0x2e0: {  	s0 =	sshrl.u32 s29, $0x2;
	s28 =	smov.u32 s26;
	p4 =	seq.s32 s1, $0x1;
	[tilespmem:s30+$0x28] =	vst.add.f32.msk @!p2 $0xffff, v1  }
.LBB2_19:
0x2e1: {  	_ =	sfence.sel $0x180000  }
0x2e2: {  	s0 =	simm.s32 $0x7;
	[bflag:$0x0] =	sbarrier.arrive $0xFFFF  }
0x2e3: {  	s25 =	simm.s32 $0x8;
	[sflag:s0] =	ssyncpa.u1 $0x1  }
0x2e4: {  	s26 =	simm.s32 $0x9;
	[sflag:s25] =	ssyncpa.u1 $0x1  }
0x2e5: {  	s28 =	simm.s32 $0x2;
	[sflag:s26] =	ssyncpa.u1 $0x1  }
0x2e6: {  	[sflag:s28] =	ssyncpa.u1 $0x1  }
0x2e7: {  	v0 =	vld [tilespmem:$0x3648];
	_ =	sdelay $0x4  }
0x2e8: {  	(v2sf) =	vpush v0, $0x0  }
0x2e9: {  	(v2sf) =	vpush v0, $0x1;
	_ =	sdelay $0x1  }
0x2ea: {  	(v2sf) =	vpush v0, $0x2;
	_ =	sdelay $0xb  }
0x2eb: {  	s0 =	spop (v2sf)  }
0x2ec: {  	s1 =	spop (v2sf)  }
0x2ed: {  	s3 =	smov.u32 s0;
	p0 =	sne.s32 s0, s1  }
0x2ee: {  	s4 =	spop (v2sf);
	s3 =	simm.s32 @!p0 $0xFFFFFFFF  }
0x2ef: {  	v2 =	vimm.s32 $0x1;
	v3 =	vlaneseq.u32;
	p0 =	seq.s32 s4, $0xFFFFFFFF;
	v1 =	vmov s3  }
0x2f0: {  	s7 =	stileid.u32;
	v0 =	vperm.xlane v0, v2;
	p1 =	sne.s32 @!p0 s0, s1;
	v1 =	vperm.xlane v1, v3  }
0x2f1: {  	vm0 =	vcmask $0x3F04;
	s6 =	simm.s32 $0x3648;
	s0 =	simm.s32 @!p0 $0x1;
	p1 =	por !p1, p0  }
0x2f2: {  	s3 =	sshll.u32 s7, $0x1;
	s1 =	sshll.u32 @!p0 s4, $0x6;
	s0 =	simm.s32 @p1 $0x0;
	v0 =	vsel vm0, v1, v0  }
0x2f3: {  	s5 =	sor.u32 $0x200, s3;
	s1 =	sshra.s32 @!p0 s1, $0x2;
	s0 =	sor.u32 @!p0 s0, s3;
	[tilespmem:$0x3648] =	vst v0  }
0x2f4: {  	[spmem:s5] =	stream.linear.scatter [tilespmem:s6], [sflag:$0x1], $0x2, $0x38;
	[tilespmem:$0x1F0E8] =	vst v63  }
0x2f5: {  	s1 =	sadd.s32 @!p0 $0x28, s1;
	s0 =	sshll.u32 @!p0 s0, $0x4  }
0x2f6: {  	[spmem:s0] =	stream.linear.scatter @!p0 [tilespmem:s1], [sflag:$0x1], $0x10, $0x38;
	[tilespmem:$0x1F0E8] =	vst v63  }
0x2f7: {  	s1 =	simm.s32 @!p0 $0x12  }
0x2f8: {  	s0 =	simm.s32 $0x1;
	s1 =	simm.s32 @p0 $0x2  }
0x2f9: {  	_ =	swait.ge [sflag:s0], s1  }
0x2fa: {  	s1 =	ssub.s32 $0x0, s1;
	[sflag:s0] =	ssyncset.done $0x0  }
0x2fb: {  	[sflag:s0] =	ssyncadd.s32 s1  }
0x2fc: {  	_ =	sfence.stream.spmem  }
0x2fd: {  	s29 =	simm.s32 $0x3;
	[bflag:$0x0] =	sbarrier.arrive $0xFFFF  }
0x2fe: {  	s30 =	simm.s32 $0x4;
	[sflag:s29] =	ssyncpa.u1 $0x1  }
0x2ff: {  	s31 =	simm.s32 $0x3C;
	[sflag:s30] =	ssyncpa.u1 $0x1  }
0x300: {  	p0 =	sne.s32 s7, $0x0;
	[sflag:s31] =	ssyncpa.u1 $0x1  }
0x301: {  	_ =	sfence @p0  }
0x302: {  	[sflag:s0] =	ssyncpa.u1 @p0 $0x1  }
0x303: {  	_ =	strace @p0 $0x90000050  }
0x304: {  	[bflag:$0x2] =	sbarrier.arrive @p0 $0xFFFF  }
0x305: {  	_ =	shalt @p0  }
.LBB2_20:
0x306: {  	_ =	sfence.stream.spmem;
	s0 =	simm.s32 $0x5  }
0x307: {  	s1 =	simm.s32 $0x200;
	s3 =	simm.s32 $0x3658;
	[sflag:s0] =	ssyncpa.u1 $0x0  }
0x308: {  	[tilespmem:s3], [sflag:$0x5] =	stream.linear.gather [spmem:s1], $0x20, $0x38;
	[tilespmem:$0x1F0E8] =	vst v63  }
0x309: {  	s30 =	simm.s32 $0x3678;
	s1 =	simm.s32 $0x0  }
0x30a: {  	[tilespmem:s30], [sflag:$0x5] =	stream.linear.gather [spmem:s1], $0x200, $0x38;
	[tilespmem:$0x1F0E8] =	vst v63  }
.Ltmp14:
0x30b: {  	_ = 	snop;
	(pc) =	sbr.rel .LBB2_21-.Ltmp14, $4  }
0x30c: {  	_ =	swait.ge [sflag:s0], $0x220  }
0x30d: {  	[sflag:s0] =	ssyncset.done $0x0  }
0x30e: {  	s31 =	simm.s32 $0x6;
	[sflag:s0] =	ssyncadd.s32 $0xFFFFFDE0  }
0x30f: {  	s3 =	simm.s32 $0x0;
	[sflag:s31] =	ssyncpa.u1 $0x0  }
.LBB2_26:
0x310: {  	p0 =	slt.u32 s0, $0x1869FF  }
0x311: {  	s4 =	sand.u32 @p0 $0x1FFFF8, s0  }
0x312: {  	s0 =	sand.u32 @p0 $0x7, s0;
	s5 =	simm.s32 @p0 $0x3638;
	s4 =	sadd.s32 @p0 s2, s4  }
0x313: {  	[tilespmem:s5], [sflag:$0x6] =	stream.linear.gather @p0 [hbm4b:s4+s0], $0x10, $0x38;
	[tilespmem:$0x1F0E8] =	vst v63  }
0x314: {  	s0 =	simm.s32 @p0 $0x6  }
0x315: {  	_ =	swait.ge @p0 [sflag:s0], $0x10  }
0x316: {  	[sflag:s0] =	ssyncset.done @p0 $0x0  }
0x317: {  	[sflag:s0] =	ssyncadd.s32 @p0 $0xFFFFFFF0  }
0x318: {  	v1 =	vld @p0 [tilespmem:$0x3638];
	_ =	sdelay $0x2  }
0x319: {  	s0 =	sshll.u32 @p0 s3, $0x6  }
0x31a: {  	s5 =	sshll.u32 @!p0 s3, $0x6;
	s4 =	sshrl.u32 @p0 s0, $0x2  }
0x31b: {  	s5 =	smov.u32 @p0 s0;
	[tilespmem:s4+$0x3678] =	vst.add.f32.msk @p0 $0xffff, v1  }
0x31c: {  	s0 =	sshrl.u32 s5, $0x2;
	[tilespmem:s1+$0x3658] =	vst.msk $0x1, v0  }
0x31d: {  	v0 =	vld [tilespmem:s0+$0x3678];
	_ =	sdelay $0x2  }
0x31e: {  	s31 =	sshll.u32 s1, $0x6  }
0x31f: {  	s0 =	sshra.s32 s31, $0x2  }
0x320: {  	s1 =	sadd.s32 $0x1, s1;
	[tilespmem:s0+$0x3678] =	vst v0  }
.LBB2_28:
0x321: {  	s3 =	sadd.s32 $0x1, s3  }
0x322: {  	p0 =	sne.s32 s3, $0x20  }
.Ltmp15:
0x323: {  	_ = 	snop;
	(pc) =	sbr.rel @!p0 .LBB2_29-.Ltmp15, $1  }
0x324: {  	_ =	sdelay $0x3  }
.LBB2_21:
0x325: {  	v0 =	vld.msk [tilespmem:s3+$0x3658], $0x1;
	_ =	sdelay $0x4  }
0x326: {  	(v2sf) =	vpush v0, $0x0;
	_ =	sdelay $0xe  }
0x327: {  	s0 =	spop (v2sf)  }
0x328: {  	p0 =	seq.s32 s0, $0xFFFFFFFF  }
.Ltmp16:
0x329: {  	_ = 	snop;
	(pc) =	sbr.rel @p0 .LBB2_28-.Ltmp16, $1  }
0x32a: {  	_ =	sdelay $0x3  }
0x32b: {  	p0 =	slt.s32 s1, $0x1  }
.Ltmp17:
0x32c: {  	_ = 	snop;
	(pc) =	sbr.rel @p0 .LBB2_26-.Ltmp17, $1  }
0x32d: {  	_ =	sdelay $0x3  }
0x32e: {  	s4 =	simm.s32 $0x3658;
	p0 =	por $0x0, $0x0  }
0x32f: {  	v1 =	vld.msk @!p0 [tilespmem:s4+$0x0], $0x1;
	_ =	sdelay $0x4  }
0x330: {  	(v2sf) =	vpush @!p0 v1, $0x0;
	_ =	sdelay $0xd  }
0x331: {  	p2 =	sne.s32 s1, $0x1  }
.Ltmp18:
0x332: {  	s5 =	spop @!p0 (v2sf);
	(pc) =	sbr.rel @!p2 .LBB2_25-.Ltmp18, $4  }
0x333: {  	p1 =	seq.s32 @!p0 s0, s5  }
0x334: {  	s5 =	simm.s32 $0x0;
	p1 =	por !p1, p0  }
0x335: {  	s7 =	simm.s32 $0xFFFFFFFF;
	s5 =	simm.s32 @p1 $0xFFFFFFFF  }
0x336: {  	s6 =	simm.s32 $0x1;
	s5 =	smov.u32 @p0 s7  }
.LBB2_24:
0x337: {  	s7 =	smov.u32 s5;
	p0 =	sne.s32 s5, $0xFFFFFFFF  }
0x338: {  	s4 =	sadd.s32 $0x1, s4;
	s5 =	smov.u32 s6;
	s6 =	sadd.s32 $0x1, s6  }
0x339: {  	p1 =	sne.s32 s1, s6;
	v1 =	vld.msk @!p0 [tilespmem:s4+$0x0], $0x1;
	_ =	sdelay $0x4  }
0x33a: {  	(v2sf) =	vpush @!p0 v1, $0x0;
	_ =	sdelay $0xe  }
.Ltmp19:
0x33b: {  	s8 =	spop @!p0 (v2sf);
	(pc) =	sbr.rel @p1 .LBB2_24-.Ltmp19, $4  }
0x33c: {  	p2 =	seq.s32 @!p0 s0, s8  }
0x33d: {  	p2 =	por !p2, p0  }
0x33e: {  	s5 =	simm.s32 @p2 $0xFFFFFFFF  }
0x33f: {  	s5 =	smov.u32 @p0 s7  }
.LBB2_25:
0x340: {  	p0 =	sne.s32 s5, $0xFFFFFFFF  }
.Ltmp20:
0x341: {  	_ = 	snop;
	(pc) =	sbr.rel @!p0 .LBB2_26-.Ltmp20, $1  }
0x342: {  	_ =	sdelay $0x3  }
0x343: {  	s0 =	sshll.u32 s3, $0x4  }
0x344: {  	s0 =	sand.u32 $0x3FFFFFF0, s0  }
0x345: {  	v0 =	vld [tilespmem:s0+$0x3678]  }
.Ltmp21:
0x346: {  	_ = 	snop;
	(pc) =	sbr.rel .LBB2_28-.Ltmp21, $4  }
0x347: {  	_ = 	snop  }
0x348: {  	s31 =	sshll.u32 s5, $0x6  }
0x349: {  	s0 =	sshra.s32 s31, $0x2  }
0x34a: {  	[tilespmem:s0+$0x3678] =	vst.add.f32.msk $0xffff, v0  }
.LBB2_29:
0x34b: {  	p0 =	slt.s32 s1, $0x1  }
.Ltmp22:
0x34c: {  	_ = 	snop;
	(pc) =	sbr.rel @p0 .LBB2_33-.Ltmp22, $3  }
0x34d: {  	_ =	sdelay $0x1  }
0x34e: {  	s0 =	simm.s32 $0x6  }
0x34f: {  	[sflag:s0] =	ssyncpa.u1 $0x1;
	s0 =	simm.s32 $0x0  }
0x350: {  	s3 =	simm.s32 $0x3658  }
0x351: {  	v0 =	vld.msk [tilespmem:s3+$0x0], $0x1;
	_ =	sdelay $0x4  }
0x352: {  	(v2sf) =	vpush v0, $0x0;
	_ =	sdelay $0xe  }
0x353: {  	s1 =	sadd.s32 $0xFFFFFFFF, s1;
	s4 =	spop (v2sf)  }
0x354: {  	p1 =	sne.s32 s1, $0x0;
	p0 =	sgt.u32 s4, $0x1869FE  }
.Ltmp23:
0x355: {  	s5 =	sand.u32 @!p0 $0x1FFFF8, s4;
	(pc) =	sbr.rel @!p1 .LBB2_32-.Ltmp23, $4  }
0x356: {  	s3 =	simm.s32 $0x3678;
	s4 =	sand.u32 @!p0 $0x7, s4;
	s5 =	sadd.s32 @!p0 s2, s5  }
0x357: {  	[hbm4b:s5+s4] =	stream.linear.scatter @!p0 [tilespmem:s3], [sflag:$0x5], $0x10, $0x38;
	[tilespmem:$0x1F0E8] =	vst v63  }
0x358: {  	s5 =	simm.s32 $0x0  }
0x359: {  	s4 =	simm.s32 $0x3659;
	s5 =	simm.s32 @!p0 $0x40  }
.LBB2_31:
0x35a: {  	v0 =	vld.msk [tilespmem:s4+$0x0], $0x1;
	s1 =	sadd.s32 $0xFFFFFFFF, s1;
	s0 =	sadd.s32 s0, s5  }
0x35b: {  	p0 =	sne.s32 s1, $0x0;
	_ =	sdelay $0x3  }
0x35c: {  	(v2sf) =	vpush v0, $0x0;
	_ =	sdelay $0xe  }
.Ltmp24:
0x35d: {  	s6 =	spop (v2sf);
	(pc) =	sbr.rel @p0 .LBB2_31-.Ltmp24, $4  }
0x35e: {  	s5 =	simm.s32 $0x0;
	p1 =	sgt.u32 s6, $0x1869FE  }
0x35f: {  	s3 =	sadd.s32 $0x10, s3;
	s5 =	simm.s32 @!p1 $0x40;
	s7 =	sand.u32 @!p1 $0x1FFFF8, s6  }
0x360: {  	s4 =	sadd.s32 $0x1, s4;
	s6 =	sand.u32 @!p1 $0x7, s6;
	s7 =	sadd.s32 @!p1 s2, s7  }
0x361: {  	[hbm4b:s7+s6] =	stream.linear.scatter @!p1 [tilespmem:s3], [sflag:$0x5], $0x10, $0x38;
	[tilespmem:$0x1F0E8] =	vst v63  }
.LBB2_32:
0x362: {  	s0 =	sadd.s32 s0, s5  }
0x363: {  	s0 =	sshrl.u32 s0, $0x2  }
.LBB2_33:
0x364: {  	s1 =	simm.s32 $0x5  }
0x365: {  	_ =	swait.ge [sflag:s1], s0  }
0x366: {  	s29 =	ssub.s32 $0x0, s0;
	[sflag:s1] =	ssyncset.done $0x0  }
0x367: {  	[sflag:s1] =	ssyncadd.s32 s29  }
0x368: {  	[sflag:s1] =	ssyncpa.u1 $0x1  }
0x369: {  	s30 =	simm.s32 $0x1;
	_ =	sfence  }
0x36a: {  	[sflag:s30] =	ssyncpa.u1 $0x1  }
0x36b: {  	_ =	strace $0x90000050  }
0x36c: {  	[bflag:$0x2] =	sbarrier.arrive $0xFFFF  }
0x36d: {  	s31 =	rddreg [dreg:$0x2]  }
0x36e: {  	s0 =	sadd.s32 $0x100000, s31  }
0x36f: {  	[sflag:s0] =	ssyncadd.tile.s32 $0x1;
	_ =	shalt  }
.Lfunc_end2:
_tile_overlayer_lowered:
.L_overlay_start_2:
0x370: {  	(tag) =	ssettag $0x2  }
0x371: {  	s0 =	rddreg [dreg:$0x0];
	s2 =	stileid.u32  }
0x372: {  	s1 =	rddreg [dreg:$0x1];
	p0 =	sne.s32 s2, $0x0  }
0x373: {  	s3 =	rddreg [dreg:$0x2];
	[bflag:$0x3] =	sbarrier.arrive $0xFFFF;
	s2 =	simm.s32 @!p0 $0x1C01  }
0x374: {  	[timem:s3], [sflag:s2] =	dma.local @!p0 [hbm:s0], s1  }
0x375: {  	s0 =	simm.s32 @!p0 $0x1  }
0x376: {  	_ =	swait.ge @!p0 [sflag:s0], s1  }
0x377: {  	s1 =	ssub.s32 @!p0 $0x0, s1;
	[sflag:s0] =	ssyncset.done @!p0 $0x0  }
0x378: {  	[sflag:s0] =	ssyncadd.s32 @!p0 s1  }
0x379: {  	[bflag:$0x3] =	sbarrier.arrive $0xFFFF  }
0x37a: {  	_ =	shalt  }

// kernel: sparse-core-data-format-call.cloned.1.call-start
scs
called_computation.1_lowered:
.L_overlay_start_0:
0x0: {  	s1 =	sld [smem:$0x3FD9]  }
0x1: {  	s2 =	sld [smem:$0x3FFE];
	_ =	sdelay $0x1  }
0x2: {  	s3 =	srdreg.scid  }
0x3: {  	s0 =	sand.u32 $0x1, s3  }
0x4: {  	s17 =	sshll.u32 s0, $0xA;
	s1 =	sadd.s32 s2, s1  }
0x5: {  	s1 =	sadd.s32 s1, s17  }
0x6: {  	[smem:$0x3FC3] =	sst s1  }
0x7: {  	_ = 	snop  }
0x8: {  	(tm) =	ssettm $0x1  }
0x9: {  	s18 =	sld [smem:$0x3FFB];
	_ =	sdelay $0x3  }
0xa: {  	_ =	strace s18  }
0xb: {  	s1 =	sld [smem:$0x3FFC];
	_ =	sdelay $0x3  }
0xc: {  	_ =	strace s1  }
0xd: {  	s1 =	sld [smem:$0x3FFD];
	_ =	sdelay $0x3  }
0xe: {  	_ =	strace s1  }
0xf: {  	_ =	strace $0x8FFFFFFF  }
0x10: {  	s19 =	sld [smem:$0x3FDB];
	_ =	sdelay $0x1  }
0x11: {  	s20 =	simm.s32 $_scs_section_size  }
0x12: {  	s4 =	simm.s32 $_size__tile_overlayer_lowered;
	s5 =	simm.s32 $_tile_overlayer_lowered  }
0x13: {  	s23 =	simm.s32 $0x1BFF;
	s22 =	sshll.u32 s5, $0x1;
	s1 =	sadd.s32 s20, s19  }
0x14: {  	s6 =	simm.s32 $0x0;
	s21 =	sshll.u32 s4, $0x1;
	s4 =	sadd.s32 s22, s1  }
0x15: {  	[timem:s6], [sflag:s23] =	dma.local [hbm:s4], s21  }
0x16: {  	_ =	swait.ge [sflag:s23], s21  }
0x17: {  	s2 =	ssub.s32 $0x0, s21;
	[sflag:s23] =	ssyncset.done $0x0  }
0x18: {  	[sflag:s23] =	ssyncadd.s32 s2;
	_ =	sdelay $0x1  }
0x19: {  	s24 =	simm.s32 $0x1B8B  }
0x1a: {  	_ =	swait.ge [sflag:s24], $0x1  }
0x1b: {  	[sflag:s24] =	ssyncset.done $0x0  }
0x1c: {  	s26 =	simm.s32 $0x1B8E;
	s25 =	sld [smem:$0x3FFE];
	[sflag:s24] =	ssyncadd.s32 $0xFFFFFFFF  }
0x1d: {  	s27 =	simm.s32 $execute0_lowered;
	[smem:$0x3FD2] =	sst s26  }
0x1e: {  	s4 =	sshll.u32 s27, $0x1;
	_ =	strace $0x80000046;
	[dreg:$0x1] =	wrdreg $0xFFFFFFFF  }
0x1f: {  	s28 =	simm.s32 $_size_execute0_lowered;
	s1 =	sadd.s32 s1, s4;
	[dreg:$0x0] =	wrdreg $0x0  }
0x20: {  	s4 =	sshll.u32 s28, $0x1;
	[dreg:$0x2] =	wrdreg s1  }
0x21: {  	[dreg:$0x3] =	wrdreg s4  }
0x22: {  	[dreg:$0x4] =	wrdreg $0xC0  }
0x23: {  	_ =	task [dreg:s6], $0x5FFFF  }
0x24: {  	[dreg:$0x1] =	wrdreg $0xFFFFFFFF  }
0x25: {  	[dreg:$0x0] =	wrdreg $0x60  }
0x26: {  	[dreg:$0x2] =	wrdreg s25  }
0x27: {  	[dreg:$0x3] =	wrdreg $0x9  }
0x28: {  	_ =	task.clear_ibuf [dreg:s6], $0x4FFFF;
	_ =	strace $0x90000046  }
0x29: {  	s29 =	simm.s32 $0x9;
	_ =	strace $0x80000048  }
0x2a: {  	_ =	swait.ge [sflag:s29], $0x1  }
0x2b: {  	[sflag:s29] =	ssyncadd.s32 $0xFFFFFFFF  }
0x2c: {  	_ =	strace $0x90000048  }
0x2d: {  	_ =	sfence  }
0x2e: {  	s30 =	sld [smem:$0x0];
	_ =	sdelay $0x2  }
0x2f: {  	s31 =	sshll.u32 s3, $0xD;
	s3 =	sshrl.u32 s3, $0x2  }
0x30: {  	s2 =	sand.u32 $0x4000, s31;
	s1 =	sadd.s32 s3, s30  }
0x31: {  	s0 =	sor.u32 s2, s0;
	s1 =	sshll.u32 s1, $0x11  }
0x32: {  	s0 =	sor.u32 s1, s0  }
0x33: {  	s0 =	sadd.s32 $0x8F2B, s0  }
0x34: {  	[sflag:s0] =	ssyncadd.remote.s32 $0x1  }
0x35: {  	_ =	sfence.sel $0xFFFF  }
0x36: {  	[dreg:$0x0] =	wrdreg $0xFFFFFFFF;
	(pc) =	sbr.abs _section_cstart, $3  }
0x37: {  	[dreg:$0x1] =	wrdreg $0xFFFFFFFF  }
0x38: {  	_ =	task.clear_ibuf [dreg:s6], $0x2FFFF;
	_ =	strace $0x9FFFFFFF  }
0x39: {  	(tm) =	ssettm $0x7FFFFFFF  }
tec
execute0_lowered:
.L_overlay_start_1:
0x0: {  	(tag) =	ssettag $0x1  }
0x1: {  	s0 =	srdreg.scid  }
0x2: {  	s5 =	rddreg [dreg:$0x0];
	s4 =	simm.s32 $0x1;
	s1 =	sshll.u32 s0, $0x4  }
0x3: {  	s31 =	simm.s32 $0x2;
	s0 =	stileid.u32;
	s1 =	sand.u32 $0x10, s1  }
0x4: {  	s13 =	simm.s32 $0x0;
	p0 =	por $0x0, $0x0;
	s1 =	sor.u32 s0, s1  }
0x5: {  	s8 =	simm.s32 $0x61C00;
	s12 =	simm.s32 $0x0;
	s2 =	sshll.u32 s1, $0x7  }
.Ltmp0:
0x6: {  	s10 =	simm.s32 $0x0;
	s3 =	ssub.s32 $0xC300, s2;
	(pc) =	sbr.rel .LBB1_1-.Ltmp0, $4  }
0x7: {  	s1 =	rddreg [dreg:$0x1];
	_ =	strace $0x80000047;
	s6 =	sshrl.u32 s3, $0xC  }
0x8: {  	s11 =	simm.s32 $0x0;
	[sflag:s4] =	ssyncpa.u1 $0x0;
	s7 =	smul.u32 $0x1B, s6  }
0x9: {  	s9 =	smov.u32 s2;
	s3 =	sadd.s32 $0x186A00, s5;
	s5 =	sadd.s32 $0x1620200, s5  }
0xa: {  	[sflag:s31] =	ssyncpa.u1 $0x0;
	s6 =	sadd.s32 $0x1B, s7;
	s7 =	sadd.s32 $0x1C, s7  }
.LBB1_5:
0xb: {  	s14 =	sadd.s32 $0x1000, s9  }
0xc: {  	s12 =	simm.s32 $0x1;
	p2 =	sgt.s32 s14, $0xC34F  }
0xd: {  	s12 =	simm.s32 @!p2 $0x0  }
0xe: {  	s16 =	sadd.s32 s12, s10  }
0xf: {  	s14 =	smov.u32 @p2 s2;
	p2 =	sgt.s32 s16, $0x1A  }
0x10: {  	s16 =	simm.s32 @p2 $0x0;
	p2 =	sne.s32 s11, s7  }
.Ltmp1:
0x11: {  	p1 =	slt.u32 s11, $0x2;
	(pc) =	sbr.rel @!p2 .LBB1_6-.Ltmp1, $4  }
0x12: {  	s15 =	simm.s32 @!p1 $0x2  }
0x13: {  	s13 =	smov.u32 s9;
	p0 =	por !p0, !p0;
	_ =	swait.ge @!p1 [sflag:s15], $0x800  }
0x14: {  	[sflag:s15] =	ssyncset.done @!p1 $0x0;
	s12 =	smov.u32 s10;
	s9 =	smov.u32 s14  }
0x15: {  	[sflag:s15] =	ssyncadd.s32 @!p1 $0xFFFFF800;
	s11 =	sadd.s32 $0x1, s11;
	s10 =	smov.u32 s16  }
.LBB1_1:
0x16: {  	p1 =	sge.u32 s11, s6  }
0x17: {  	s16 =	smov.u32 s10;
	s18 =	smov.u32 s9;
	p2 =	sgt.s32 @!p1 s10, $0x1A  }
0x18: {  	s14 =	sand.u32 @!p1 $0x1FFFFFF, s9;
	s17 =	sshra.s32 @!p1 s10, $0x1F;
	p2 =	por !p2, p1  }
0x19: {  	s19 =	sshra.s32 @!p1 s9, $0x1F;
	s16 =	simm.s32 @p2 $0x1A;
	p2 =	sgt.s32 @!p1 s9, $0xC2D0  }
0x1a: {  	s15 =	smulhi.u32 @!p1 $0x14F8B59, s14;
	s17 =	sand.u32 @!p1 s17, s10;
	p2 =	por !p2, p1  }
0x1b: {  	s16 =	ssub.s32 @!p1 s16, s17;
	s17 =	sand.u32 @!p1 s19, s9;
	s18 =	simm.s32 @p2 $0xC2D0  }
0x1c: {  	s16 =	sadd.s32 @!p1 $0xFFFFFFE6, s16;
	s17 =	ssub.s32 @!p1 s18, s17  }
0x1d: {  	s15 =	sshrl.u32 @!p1 s15, $0x8;
	p2 =	sgt.s32 @!p1 s16, $0x0;
	s18 =	sadd.s32 @!p1 $0xFFFF3D30, s17  }
0x1e: {  	s16 =	sshll.u32 @!p1 s16, $0x4;
	s17 =	ssub.s32 @!p1 $0xC350, s17;
	p3 =	sgt.s32 @!p1 s18, $0x7F  }
0x1f: {  	s16 =	ssub.s32 @!p1 $0x10, s16;
	p2 =	por !p2, p1;
	p3 =	por !p3, p1  }
0x20: {  	s15 =	smul.u32 @!p1 $0xC350, s15;
	s16 =	simm.s32 @!p2 $0x0;
	s17 =	simm.s32 @!p3 $0x0  }
0x21: {  	s18 =	sxor.u32 @!p1 $0xFFFFFFFF, s11;
	s16 =	smul.u32 @!p1 s17, s16  }
0x22: {  	s14 =	ssub.s32 @!p1 s14, s15;
	s17 =	sshll.u32 @!p1 s18, $0xB;
	s18 =	smul.u32 @!p1 $0xC3500, s10  }
0x23: {  	s14 =	sshll.u32 @!p1 s14, $0x4  }
0x24: {  	s17 =	sand.u32 @!p1 $0x800, s17;
	s15 =	sand.u32 @!p1 $0x3FFFFFF0, s16;
	s16 =	sadd.s32 @!p1 s3, s18  }
0x25: {  	s18 =	simm.s32 @!p1 $0x80;
	s14 =	sadd.s32 @!p1 s14, s16;
	s16 =	simm.s32 @!p1 $0x10  }
0x26: {  	[tilespmem:s17], [sflag:$0x1] =	stream.strided.gather @!p1 [hbm4b:s14+s16], s15, s18, s16, $0x38;
	[tilespmem:$0x2020] =	vst v63  }
0x27: {  	p1 =	seq.s32 s11, $0x0  }
0x28: {  	p2 =	sge.u32 @!p1 s11, s7  }
0x29: {  	p1 =	por p1, p2  }
.Ltmp2:
0x2a: {  	_ = 	snop;
	(pc) =	sbr.rel @p1 .LBB1_5-.Ltmp2, $1  }
0x2b: {  	_ =	sdelay $0x3  }
0x2c: {  	p1 =	sgt.s32 s12, $0x1A;
	s14 =	smov.u32 s12  }
0x2d: {  	s15 =	sshra.s32 s12, $0x1F;
	s16 =	smov.u32 s13;
	s17 =	sshra.s32 s13, $0x1F  }
0x2e: {  	s14 =	simm.s32 @!p1 $0x1A;
	s15 =	sand.u32 s15, s12;
	p1 =	sgt.s32 s13, $0xC2D0  }
0x2f: {  	s27 =	sand.u32 s17, s13;
	s14 =	ssub.s32 s14, s15;
	s16 =	simm.s32 @!p1 $0xC2D0  }
0x30: {  	s14 =	sadd.s32 $0xFFFFFFE6, s14;
	s15 =	ssub.s32 s16, s27  }
0x31: {  	p1 =	sgt.s32 s14, $0x0;
	s16 =	sadd.s32 $0xFFFF3D30, s15;
	s14 =	sshll.u32 s14, $0x4  }
0x32: {  	s15 =	ssub.s32 $0xC350, s15;
	p2 =	sgt.s32 s16, $0x7F;
	s14 =	ssub.s32 $0x10, s14  }
0x33: {  	s15 =	simm.s32 @p2 $0x0;
	s14 =	simm.s32 @p1 $0x0  }
0x34: {  	s14 =	smul.u32 s15, s14;
	_ =	sdelay $0x1  }
0x35: {  	s15 =	simm.s32 $0x1;
	s14 =	sand.u32 $0x3FFFFFF0, s14  }
0x36: {  	s15 =	simm.s32 @!p0 $0x0;
	_ =	swait.ge [sflag:s4], s14  }
0x37: {  	s28 =	sshll.u32 s15, $0xB;
	s14 =	ssub.s32 $0x0, s14;
	[sflag:s4] =	ssyncset.done $0x0  }
0x38: {  	s29 =	sor.u32 $0x40, s28;
	[sflag:s4] =	ssyncadd.s32 s14  }
0x39: {  	v1 =	vld [tilespmem:s29+$0x30]  }
0x3a: {  	s30 =	smul.u32 $0x2040, s15;
	v3 =	vld [tilespmem:s29+$0xFFFFFFD0]  }
0x3b: {  	v5 =	vld [tilespmem:s29+$0xFFFFFFE0]  }
0x3c: {  	s31 =	sand.u32 $0x1, s11;
	s14 =	sshrl.u32 s30, $0x2;
	v4 =	vld [tilespmem:s29+$0xFFFFFFF0]  }
0x3d: {  	s15 =	smul.u32 $0x2040, s31;
	s14 =	sor.u32 $0x1007, s14;
	v2 =	vld [tilespmem:s29+$0x0]  }
0x3e: {  	v0 =	vld [tilespmem:s29+$0x10];
	[tilespmem:s14+$0x0 ss:$0x81] =	vst.msk $0xffff, v1  }
0x3f: {  	s15 =	sshrl.u32 s15, $0x2;
	[tilespmem:s14+$0xFFFFFFFA ss:$0x81] =	vst.msk $0xffff, v3;
	v3 =	vld [tilespmem:s29+$0x20]  }
0x40: {  	s16 =	simm.s32 $0x0;
	s17 =	sadd.s32 $0x80, s29;
	s15 =	sor.u32 $0x1000, s15;
	v1 =	vld [tilespmem:s29+$0xFFFFFFC0];
	[tilespmem:s14+$0xFFFFFFFB ss:$0x81] =	vst.msk $0xffff, v5  }
.LBB1_3:
0x41: {  	v5 =	vld [tilespmem:s17+$0x30];
	s16 =	sadd.s32 $0x8, s16;
	[tilespmem:s14+$0xFFFFFFFC ss:$0x81] =	vst.msk $0xffff, v4  }
0x42: {  	v6 =	vld [tilespmem:s17+$0xFFFFFFD0];
	p1 =	slt.u32 s16, $0x78;
	[tilespmem:s14+$0xFFFFFFFD ss:$0x81] =	vst.msk $0xffff, v2  }
0x43: {  	v7 =	vld [tilespmem:s17+$0xFFFFFFE0];
	[tilespmem:s14+$0xFFFFFFFE ss:$0x81] =	vst.msk $0xffff, v0  }
.Ltmp3:
0x44: {  	v4 =	vld [tilespmem:s17+$0xFFFFFFF0];
	[tilespmem:s14+$0xFFFFFFFF ss:$0x81] =	vst.msk $0xffff, v3;
	(pc) =	sbr.rel @p1 .LBB1_3-.Ltmp3, $4  }
0x45: {  	v2 =	vld [tilespmem:s17+$0x0];
	[tilespmem:s14+$0xFFFFFFF9 ss:$0x81] =	vst.msk $0xffff, v1;
	s14 =	sadd.s32 $0x8, s14  }
0x46: {  	v0 =	vld [tilespmem:s17+$0x10];
	[tilespmem:s14+$0x0 ss:$0x81] =	vst.msk $0xffff, v5  }
0x47: {  	[tilespmem:s14+$0xFFFFFFFA ss:$0x81] =	vst.msk $0xffff, v6;
	v3 =	vld [tilespmem:s17+$0x20]  }
0x48: {  	v1 =	vld [tilespmem:s17+$0xFFFFFFC0];
	[tilespmem:s14+$0xFFFFFFFB ss:$0x81] =	vst.msk $0xffff, v7;
	s17 =	sadd.s32 $0x80, s17  }
0x49: {  	s16 =	sshll.u32 s13, $0x3  }
0x4a: {  	s29 =	sand.u32 $0x7F, s13;
	s16 =	sand.u32 $0xFFFFFC00, s16  }
0x4b: {  	s13 =	sor.u32 s29, s16;
	s16 =	smulhi.u32 $0xA79C7B17, s16  }
0x4c: {  	s17 =	smulhi.u32 $0xA79C7B17, s13;
	_ =	sdelay $0x1  }
0x4d: {  	s12 =	smul.u32 $0x18700, s12;
	s16 =	sshrl.u32 s16, $0xF;
	s17 =	sshrl.u32 s17, $0xF  }
0x4e: {  	s16 =	sand.u32 $0xF, s16;
	s17 =	smul.u32 $0xC380, s17  }
0x4f: {  	[tilespmem:s14+$0xFFFFFFFC ss:$0x81] =	vst.msk $0xffff, v4;
	s16 =	smul.u32 $0x1870, s16  }
.Ltmp4:
0x50: {  	[tilespmem:s14+$0xFFFFFFFD ss:$0x81] =	vst.msk $0xffff, v2;
	s13 =	ssub.s32 s13, s17;
	(pc) =	sbr.rel .LBB1_5-.Ltmp4, $4  }
0x51: {  	[tilespmem:s14+$0xFFFFFFFE ss:$0x81] =	vst.msk $0xffff, v0;
	s12 =	sadd.s32 s5, s12;
	s17 =	sand.u32 $0x7, s13  }
0x52: {  	[tilespmem:s14+$0xFFFFFFFF ss:$0x81] =	vst.msk $0xffff, v3;
	s12 =	sadd.s32 s16, s12;
	s13 =	sshrl.u32 s13, $0x3;
	s30 =	sshll.u32 s17, $0x12  }
0x53: {  	[tilespmem:s14+$0xFFFFFFF9 ss:$0x81] =	vst.msk $0xffff, v1;
	s12 =	sadd.s32 s13, s12;
	s31 =	sor.u32 $0x400, s30  }
0x54: {  	[hbm4b:s12+s31] =	stream.strided.scatter [tilespmem:s15], [sflag:$0x2], $0x800, s8, s31, $0x20;
	[tilespmem:$0x2020] =	vst v63  }
.LBB1_6:
0x55: {  	_ =	sfence.sel $0x180000  }
0x56: {  	s2 =	simm.s32 $0x1;
	[bflag:$0x0] =	sbarrier.arrive $0xFFFF  }
0x57: {  	s31 =	simm.s32 $0x2;
	[sflag:s2] =	ssyncpa.u1 $0x1  }
0x58: {  	[sflag:s31] =	ssyncpa.u1 $0x1  }
0x59: {  	p0 =	sne.s32 s0, $0x0;
	_ =	strace $0x90000047  }
0x5a: {  	s0 =	sadd.s32 @!p0 $0x100000, s1;
	[bflag:$0x2] =	sbarrier.arrive $0xFFFF  }
0x5b: {  	[sflag:s0] =	ssyncadd.tile.s32 @!p0 $0x1;
	_ =	shalt  }
.Lfunc_end1:
_tile_overlayer_lowered:
.L_overlay_start_2:
0x5c: {  	(tag) =	ssettag $0x2  }
0x5d: {  	s0 =	rddreg [dreg:$0x0];
	s2 =	stileid.u32  }
0x5e: {  	s1 =	rddreg [dreg:$0x1];
	p0 =	sne.s32 s2, $0x0  }
0x5f: {  	s3 =	rddreg [dreg:$0x2];
	[bflag:$0x3] =	sbarrier.arrive $0xFFFF;
	s2 =	simm.s32 @!p0 $0x1C01  }
0x60: {  	[timem:s3], [sflag:s2] =	dma.local @!p0 [hbm:s0], s1  }
0x61: {  	s0 =	simm.s32 @!p0 $0x1  }
0x62: {  	_ =	swait.ge @!p0 [sflag:s0], s1  }
0x63: {  	s1 =	ssub.s32 @!p0 $0x0, s1;
	[sflag:s0] =	ssyncset.done @!p0 $0x0  }
0x64: {  	[sflag:s0] =	ssyncadd.s32 @!p0 s1  }
0x65: {  	[bflag:$0x3] =	sbarrier.arrive $0xFFFF  }
0x66: {  	_ =	shalt  }

</sc_bundles>
